<compile_context>
chip_gen: v7x
topology: tpu7x:2x2x1
jax: 0.10.2.dev20260603
libtpu: 0.0.44.dev20260713+nightly
codegen_flags: <defaults>
</compile_context>

<pallas_src>
import functools

import jax
import jax.numpy as jnp
from jax import lax
from jax.experimental import pallas as pl
from jax.experimental.pallas import tpu as pltpu
from jax.experimental.pallas import tpu_sc as plsc

NC = 2
NS = 16
NW = NC * NS
LANES = 16
PADW = 129


@functools.partial(jax.jit, static_argnums=(3, 4, 5))
def _embed(xt, text_table, pos_table, b, s_len, d):
    bpw = b // NW
    n_dh = d // 8
    ngrp = d // LANES
    mesh = plsc.VectorSubcoreMesh(core_axis_name="c", subcore_axis_name="s")

    nbuf = 4

    def body(xt_hbm, text_hbm, pos_hbm, out_hbm,
             idx_all, rows0, rows1, rows2, rows3, pos_v, out0, out1,
             g0, g1, g2, g3, o0, o1):
        w = lax.axis_index("s") * NC + lax.axis_index("c")
        pltpu.sync_copy(xt_hbm.at[:, pl.ds(w * bpw, bpw)], idx_all)
        pltpu.sync_copy(pos_hbm, pos_v)
        lane = lax.iota(jnp.int32, LANES)
        drow = [lane + c * LANES for c in range(ngrp)]

        rows_v = (rows0, rows1, rows2, rows3)
        out_v = (out0, out1)
        gsem = (g0, g1, g2, g3)
        osem = (o0, o1)

        def stage_gather(s, bsel):
            pltpu.async_copy(text_hbm.at[idx_all.at[s]], rows_v[bsel],
                             gsem[bsel])

        def wait_gather(s, bsel):
            pltpu.make_async_copy(text_hbm.at[idx_all.at[s]], rows_v[bsel],
                                  gsem[bsel]).wait()

        def start_out(s, bsel):
            for t in range(n_dh):
                pltpu.async_copy(
                    out_v[bsel].at[pl.ds(t * 8, 8), pl.ds(0, bpw)],
                    out_hbm.at[s, t, w], osem[bsel])

        def wait_out(s, bsel):
            for t in range(n_dh):
                pltpu.make_async_copy(
                    out_v[bsel].at[pl.ds(t * 8, 8), pl.ds(0, bpw)],
                    out_hbm.at[s, t, w], osem[bsel]).wait()

        for s0 in range(nbuf - 1):
            stage_gather(s0, s0)

        @pl.loop(0, s_len // nbuf)
        def step(i):
            for b4 in range(nbuf):
                s = nbuf * i + b4
                ob = b4 % 2

                @pl.when(s + nbuf - 1 < s_len)
                def _():
                    stage_gather(s + nbuf - 1, (b4 + nbuf - 1) % nbuf)

                wait_gather(s, b4)

                @pl.when(s >= 2)
                def _():
                    wait_out(s - 2, ob)

                p = [pos_v[s, pl.ds(c * LANES, LANES)] for c in range(ngrp)]

                @plsc.parallel_loop(0, bpw, unroll=16)
                def bp_body(j):
                    col = jnp.full((LANES,), j, jnp.int32)
                    for c in range(ngrp):
                        val = rows_v[b4][j, pl.ds(c * LANES, LANES)] + p[c]
                        plsc.store_scatter(out_v[ob], [drow[c], col], val)

                start_out(s, ob)

        wait_out(s_len - 2, 0)
        wait_out(s_len - 1, 1)

    fn = pl.kernel(
        body,
        out_type=jax.ShapeDtypeStruct((s_len, n_dh, NW, 8, bpw), jnp.float32),
        mesh=mesh,
        scratch_types=[
            pltpu.VMEM((s_len, bpw), jnp.int32),
            pltpu.VMEM((bpw, d), jnp.float32),
            pltpu.VMEM((bpw, d), jnp.float32),
            pltpu.VMEM((bpw, d), jnp.float32),
            pltpu.VMEM((bpw, d), jnp.float32),
            pltpu.VMEM((s_len, d), jnp.float32),
            pltpu.VMEM((d, PADW), jnp.float32),
            pltpu.VMEM((d, PADW), jnp.float32),
            pltpu.SemaphoreType.DMA,
            pltpu.SemaphoreType.DMA,
            pltpu.SemaphoreType.DMA,
            pltpu.SemaphoreType.DMA,
            pltpu.SemaphoreType.DMA,
            pltpu.SemaphoreType.DMA,
        ],
        compiler_params=pltpu.CompilerParams(
            use_tc_tiling_on_sc=False, needs_layout_passes=False),
    )
    buf = fn(xt, text_table, pos_table)
    out = buf.transpose(2, 4, 0, 1, 3)
    return out.reshape(b, s_len, d)


def kernel(x, text_table, pos_table):
    b, s = x.shape
    _, d = text_table.shape
    xt = x.T.astype(jnp.int32)
    return _embed(xt, text_table, pos_table, b, s, d)

# --- scband reference (transcript-rebuilt; emitter-appended) ---
"""Pipeline reference for scband-token-and-position-embedding-37074157699286 (READ-ONLY COPY).

The authoritative reference and input builder live on the scoring server;
editing this copy changes nothing except your own understanding.
"""

import jax, jax.numpy as jnp
import numpy as np

VOCAB_SIZE = 1000000
EMBED_DIM = 64
MAX_LENGTH = 200
BATCH = 4096
SEQ_LEN = 200


def setup_inputs(seed: int = 0) -> dict:
    key = jax.random.key(seed)
    k_x, k_text, k_pos = jax.random.split(key, 3)
    x = jax.random.randint(k_x, (BATCH, SEQ_LEN), 0, VOCAB_SIZE, dtype=jnp.int64 if jax.config.jax_enable_x64 else jnp.int32)
    text_table = jax.random.normal(k_text, (VOCAB_SIZE, EMBED_DIM), dtype=jnp.float32)
    pos_table = jax.random.normal(k_pos, (MAX_LENGTH, EMBED_DIM), dtype=jnp.float32)
    return {"x": x, "text_table": text_table, "pos_table": pos_table}


def reference(x, text_table, pos_table):
    N, seq_len = x.shape
    positions = jnp.broadcast_to(jnp.arange(seq_len), (N, seq_len))
    output_1 = jnp.take(text_table, x, axis=0)
    output_2 = jnp.take(pos_table, positions, axis=0)
    return output_1 + output_2

if __name__ == "__main__":
    import jax
    _d = setup_inputs()
    print(jax.jit(kernel)(*tuple(_d.values())))

</pallas_src>

<mosaic_0001>
#map = affine_map<(d0, d1) -> (0, 0)>
#map1 = affine_map<(d0, d1) -> (0, 0, 0, 0, 0)>
module attributes {stable_mosaic.version = 14 : i64} {
  func.func @body(%arg0: i32, %arg1: i32, %arg2: memref<200x4096xi32, #tpu.memory_space<hbm>>, %arg3: memref<1000000x64xf32, #tpu.memory_space<hbm>>, %arg4: memref<200x64xf32, #tpu.memory_space<hbm>>, %arg5: memref<200x8x32x8x128xf32, #tpu.memory_space<hbm>>, %arg6: memref<200x128xi32, #tpu.memory_space<vmem>>, %arg7: memref<128x64xf32, #tpu.memory_space<vmem>>, %arg8: memref<128x64xf32, #tpu.memory_space<vmem>>, %arg9: memref<128x64xf32, #tpu.memory_space<vmem>>, %arg10: memref<128x64xf32, #tpu.memory_space<vmem>>, %arg11: memref<200x64xf32, #tpu.memory_space<vmem>>, %arg12: memref<64x129xf32, #tpu.memory_space<vmem>>, %arg13: memref<64x129xf32, #tpu.memory_space<vmem>>, %arg14: memref<!tpu.dma_semaphore, #tpu.memory_space<semaphore_mem>>, %arg15: memref<!tpu.dma_semaphore, #tpu.memory_space<semaphore_mem>>, %arg16: memref<!tpu.dma_semaphore, #tpu.memory_space<semaphore_mem>>, %arg17: memref<!tpu.dma_semaphore, #tpu.memory_space<semaphore_mem>>, %arg18: memref<!tpu.dma_semaphore, #tpu.memory_space<semaphore_mem>>, %arg19: memref<!tpu.dma_semaphore, #tpu.memory_space<semaphore_mem>>) attributes {dimension_semantics = [#tpu.dimension_semantics<core_parallel>, #tpu.dimension_semantics<subcore_parallel>], iteration_bounds = array<i64: 2, 16>, scalar_prefetch = 0 : i64, scratch_operands = 14 : i64, tpu.core_type = #tpu.core_type<sc_vector_subcore>, window_params = [{transform_indices = #map}, {transform_indices = #map}, {transform_indices = #map}, {transform_indices = #map1}]} {
    %mul3A = arith.constant 2 : i32
    %mul3A_0 = arith.muli %arg1, %mul3A : i32
    %add3A = arith.addi %mul3A_0, %arg0 : i32
    %mul3A_1 = arith.constant 128 : i32
    %mul3A_2 = arith.muli %add3A, %mul3A_1 : i32
    "tpu.region"() ({
      %run_scoped3A = tpu.sem_alloc : memref<!tpu.dma_semaphore, #tpu.memory_space<semaphore_mem>>
      %dma_start3A_294 = arith.constant 0 : i32
      %dma_start3A_295 = tpu.memref_slice %arg2[%dma_start3A_294, %mul3A_2] : memref<200x4096xi32, #tpu.memory_space<hbm>> -> memref<200x128xi32, #tpu.memory_space<hbm>>
      %dma_start3A_296 = arith.constant 0 : i32
      %dma_start3A_297 = tpu.memref_slice %arg2[%dma_start3A_296, %mul3A_2] : memref<200x4096xi32, #tpu.memory_space<hbm>> -> memref<200x128xi32, #tpu.memory_space<hbm>>
      tpu.enqueue_dma source(%dma_start3A_297 : memref<200x128xi32, #tpu.memory_space<hbm>>) target(%arg6 : memref<200x128xi32, #tpu.memory_space<vmem>>) target_semaphore(%run_scoped3A : memref<!tpu.dma_semaphore, #tpu.memory_space<semaphore_mem>>)
      %dma_wait3A_298 = arith.constant 0 : i32
      %dma_wait3A_299 = tpu.memref_slice %arg2[%dma_wait3A_298, %mul3A_2] : memref<200x4096xi32, #tpu.memory_space<hbm>> -> memref<200x128xi32, #tpu.memory_space<hbm>>
      %dma_wait3A_300 = arith.constant 0 : i32
      %dma_wait3A_301 = tpu.memref_slice %arg2[%dma_wait3A_300, %mul3A_2] : memref<200x4096xi32, #tpu.memory_space<hbm>> -> memref<200x128xi32, #tpu.memory_space<hbm>>
      tpu.wait_dma2 semaphore(%run_scoped3A : memref<!tpu.dma_semaphore, #tpu.memory_space<semaphore_mem>>) src(%dma_wait3A_301 : memref<200x128xi32, #tpu.memory_space<hbm>>) dst(%arg6 : memref<200x128xi32, #tpu.memory_space<vmem>>)
      tpu.yield
    }) : () -> ()
    "tpu.region"() ({
      %run_scoped3A = tpu.sem_alloc : memref<!tpu.dma_semaphore, #tpu.memory_space<semaphore_mem>>
      tpu.enqueue_dma source(%arg4 : memref<200x64xf32, #tpu.memory_space<hbm>>) target(%arg11 : memref<200x64xf32, #tpu.memory_space<vmem>>) target_semaphore(%run_scoped3A : memref<!tpu.dma_semaphore, #tpu.memory_space<semaphore_mem>>)
      tpu.wait_dma2 semaphore(%run_scoped3A : memref<!tpu.dma_semaphore, #tpu.memory_space<semaphore_mem>>) src(%arg4 : memref<200x64xf32, #tpu.memory_space<hbm>>) dst(%arg11 : memref<200x64xf32, #tpu.memory_space<vmem>>)
      tpu.yield
    }) : () -> ()
    %iota3A = tpu.iota {dimensions = array<i32: 0>} : vector<16xi32>
    %add3A_3 = arith.constant 0 : i32
    %add3A_4 = vector.broadcast %add3A_3 : i32 to vector<16xi32>
    %add3A_5 = arith.addi %iota3A, %add3A_4 : vector<16xi32>
    %add3A_6 = arith.constant 16 : i32
    %add3A_7 = vector.broadcast %add3A_6 : i32 to vector<16xi32>
    %add3A_8 = arith.addi %iota3A, %add3A_7 : vector<16xi32>
    %add3A_9 = arith.constant 32 : i32
    %add3A_10 = vector.broadcast %add3A_9 : i32 to vector<16xi32>
    %add3A_11 = arith.addi %iota3A, %add3A_10 : vector<16xi32>
    %add3A_12 = arith.constant 48 : i32
    %add3A_13 = vector.broadcast %add3A_12 : i32 to vector<16xi32>
    %add3A_14 = arith.addi %iota3A, %add3A_13 : vector<16xi32>
    %dma_start3A = arith.constant 0 : i32
    %dma_start3A_15 = arith.constant 0 : i32
    %dma_start3A_16 = tpu.memref_slice %arg6[%dma_start3A, %dma_start3A_15] : memref<200x128xi32, #tpu.memory_space<vmem>> -> memref<1x128xi32, #tpu.memory_space<vmem>>
    %dma_start3A_17 = tpu.memref_squeeze %dma_start3A_16 : memref<1x128xi32, #tpu.memory_space<vmem>> -> memref<128xi32, #tpu.memory_space<vmem>>
    %dma_start3A_18 = arith.constant 0 : i32
    %dma_start3A_19 = arith.constant 0 : i32
    %dma_start3A_20 = tpu.memref_slice %arg3[%dma_start3A_18, %dma_start3A_19] : memref<1000000x64xf32, #tpu.memory_space<hbm>> -> memref<1000000x64xf32, #tpu.memory_space<hbm>>
    tpu.enqueue_indirect_dma source(%dma_start3A_20 : memref<1000000x64xf32, #tpu.memory_space<hbm>>) target(%arg7 : memref<128x64xf32, #tpu.memory_space<vmem>>) offsets(%dma_start3A_17 : memref<128xi32, #tpu.memory_space<vmem>>) semaphore(%arg14 : memref<!tpu.dma_semaphore, #tpu.memory_space<semaphore_mem>>)
    %dma_start3A_21 = arith.constant 1 : i32
    %dma_start3A_22 = arith.constant 0 : i32
    %dma_start3A_23 = tpu.memref_slice %arg6[%dma_start3A_21, %dma_start3A_22] : memref<200x128xi32, #tpu.memory_space<vmem>> -> memref<1x128xi32, #tpu.memory_space<vmem>>
    %dma_start3A_24 = tpu.memref_squeeze %dma_start3A_23 : memref<1x128xi32, #tpu.memory_space<vmem>> -> memref<128xi32, #tpu.memory_space<vmem>>
    %dma_start3A_25 = arith.constant 0 : i32
    %dma_start3A_26 = arith.constant 0 : i32
    %dma_start3A_27 = tpu.memref_slice %arg3[%dma_start3A_25, %dma_start3A_26] : memref<1000000x64xf32, #tpu.memory_space<hbm>> -> memref<1000000x64xf32, #tpu.memory_space<hbm>>
    tpu.enqueue_indirect_dma source(%dma_start3A_27 : memref<1000000x64xf32, #tpu.memory_space<hbm>>) target(%arg8 : memref<128x64xf32, #tpu.memory_space<vmem>>) offsets(%dma_start3A_24 : memref<128xi32, #tpu.memory_space<vmem>>) semaphore(%arg15 : memref<!tpu.dma_semaphore, #tpu.memory_space<semaphore_mem>>)
    %dma_start3A_28 = arith.constant 2 : i32
    %dma_start3A_29 = arith.constant 0 : i32
    %dma_start3A_30 = tpu.memref_slice %arg6[%dma_start3A_28, %dma_start3A_29] : memref<200x128xi32, #tpu.memory_space<vmem>> -> memref<1x128xi32, #tpu.memory_space<vmem>>
    %dma_start3A_31 = tpu.memref_squeeze %dma_start3A_30 : memref<1x128xi32, #tpu.memory_space<vmem>> -> memref<128xi32, #tpu.memory_space<vmem>>
    %dma_start3A_32 = arith.constant 0 : i32
    %dma_start3A_33 = arith.constant 0 : i32
    %dma_start3A_34 = tpu.memref_slice %arg3[%dma_start3A_32, %dma_start3A_33] : memref<1000000x64xf32, #tpu.memory_space<hbm>> -> memref<1000000x64xf32, #tpu.memory_space<hbm>>
    tpu.enqueue_indirect_dma source(%dma_start3A_34 : memref<1000000x64xf32, #tpu.memory_space<hbm>>) target(%arg9 : memref<128x64xf32, #tpu.memory_space<vmem>>) offsets(%dma_start3A_31 : memref<128xi32, #tpu.memory_space<vmem>>) semaphore(%arg16 : memref<!tpu.dma_semaphore, #tpu.memory_space<semaphore_mem>>)
    %scan3A = arith.constant 0 : i32
    %scan3A_35 = arith.constant 50 : i32
    %scan3A_36 = arith.addi %scan3A, %scan3A_35 : i32
    %scan3A_37 = arith.constant 1 : i32
    scf.for %scan3A_294 = %scan3A to %scan3A_36 step %scan3A_37  : i32 {
      %mul3A_295 = arith.constant 1 : i32
      %mul3A_296 = arith.muli %scan3A_294, %mul3A_295 : i32
      %add3A_297 = arith.constant 0 : i32
      %add3A_298 = arith.addi %add3A_297, %mul3A_296 : i32
      %mul3A_299 = arith.constant 4 : i32
      %mul3A_300 = arith.muli %mul3A_299, %add3A_298 : i32
      %add3A_301 = arith.constant 0 : i32
      %add3A_302 = arith.addi %mul3A_300, %add3A_301 : i32
      %add3A_303 = arith.constant 4 : i32
      %add3A_304 = arith.addi %add3A_302, %add3A_303 : i32
      %sub3A = arith.constant 1 : i32
      %sub3A_305 = arith.subi %add3A_304, %sub3A : i32
      %lt3A = arith.constant 200 : i32
      %lt3A_306 = arith.cmpi slt, %sub3A_305, %lt3A : i32
      %convert_element_type3A = arith.extui %lt3A_306 : i1 to i32
      %cond3A = arith.constant 0 : i32
      %cond3A_307 = arith.cmpi ne, %convert_element_type3A, %cond3A : i32
      scf.if %cond3A_307 {
        %add3A_928 = arith.constant 4 : i32
        %add3A_929 = arith.addi %add3A_302, %add3A_928 : i32
        %sub3A_930 = arith.constant 1 : i32
        %sub3A_931 = arith.subi %add3A_929, %sub3A_930 : i32
        %dma_start3A_932 = arith.constant 0 : i32
        %dma_start3A_933 = tpu.memref_slice %arg6[%sub3A_931, %dma_start3A_932] : memref<200x128xi32, #tpu.memory_space<vmem>> -> memref<1x128xi32, #tpu.memory_space<vmem>>
        %dma_start3A_934 = tpu.memref_squeeze %dma_start3A_933 : memref<1x128xi32, #tpu.memory_space<vmem>> -> memref<128xi32, #tpu.memory_space<vmem>>
        %dma_start3A_935 = arith.constant 0 : i32
        %dma_start3A_936 = arith.constant 0 : i32
        %dma_start3A_937 = tpu.memref_slice %arg3[%dma_start3A_935, %dma_start3A_936] : memref<1000000x64xf32, #tpu.memory_space<hbm>> -> memref<1000000x64xf32, #tpu.memory_space<hbm>>
        tpu.enqueue_indirect_dma source(%dma_start3A_937 : memref<1000000x64xf32, #tpu.memory_space<hbm>>) target(%arg10 : memref<128x64xf32, #tpu.memory_space<vmem>>) offsets(%dma_start3A_934 : memref<128xi32, #tpu.memory_space<vmem>>) semaphore(%arg17 : memref<!tpu.dma_semaphore, #tpu.memory_space<semaphore_mem>>)
      } else {
      }
      %dma_wait3A_308 = arith.constant 0 : i32
      %dma_wait3A_309 = tpu.memref_slice %arg6[%add3A_302, %dma_wait3A_308] : memref<200x128xi32, #tpu.memory_space<vmem>> -> memref<1x128xi32, #tpu.memory_space<vmem>>
      %dma_wait3A_310 = tpu.memref_squeeze %dma_wait3A_309 : memref<1x128xi32, #tpu.memory_space<vmem>> -> memref<128xi32, #tpu.memory_space<vmem>>
      %dma_wait3A_311 = arith.constant 0 : i32
      %dma_wait3A_312 = arith.constant 0 : i32
      %dma_wait3A_313 = tpu.memref_slice %arg3[%dma_wait3A_311, %dma_wait3A_312] : memref<1000000x64xf32, #tpu.memory_space<hbm>> -> memref<1000000x64xf32, #tpu.memory_space<hbm>>
      tpu.wait_indirect_dma semaphore(%arg14 : memref<!tpu.dma_semaphore, #tpu.memory_space<semaphore_mem>>) src(%dma_wait3A_313 : memref<1000000x64xf32, #tpu.memory_space<hbm>>) dst(%arg7 : memref<128x64xf32, #tpu.memory_space<vmem>>)
      %ge3A = arith.constant 2 : i32
      %ge3A_314 = arith.cmpi sge, %add3A_302, %ge3A : i32
      %convert_element_type3A_315 = arith.extui %ge3A_314 : i1 to i32
      %cond3A_316 = arith.constant 0 : i32
      %cond3A_317 = arith.cmpi ne, %convert_element_type3A_315, %cond3A_316 : i32
      scf.if %cond3A_317 {
        %sub3A_928 = arith.constant 2 : i32
        %sub3A_929 = arith.subi %add3A_302, %sub3A_928 : i32
        %dma_wait3A_930 = arith.constant 0 : i32
        %dma_wait3A_931 = arith.constant 0 : i32
        %dma_wait3A_932 = arith.constant 0 : i32
        %dma_wait3A_933 = tpu.memref_slice %arg12[%dma_wait3A_931, %dma_wait3A_932] : memref<64x129xf32, #tpu.memory_space<vmem>> -> memref<8x128xf32, #tpu.memory_space<vmem>>
        %dma_wait3A_934 = arith.constant 0 : i32
        %dma_wait3A_935 = arith.constant 0 : i32
        %dma_wait3A_936 = tpu.memref_slice %arg5[%sub3A_929, %dma_wait3A_930, %add3A, %dma_wait3A_934, %dma_wait3A_935] : memref<200x8x32x8x128xf32, #tpu.memory_space<hbm>> -> memref<1x1x1x8x128xf32, #tpu.memory_space<hbm>>
        %dma_wait3A_937 = tpu.memref_squeeze %dma_wait3A_936 : memref<1x1x1x8x128xf32, #tpu.memory_space<hbm>> -> memref<8x128xf32, #tpu.memory_space<hbm>>
        %dma_wait3A_938 = arith.constant 0 : i32
        %dma_wait3A_939 = arith.constant 0 : i32
        %dma_wait3A_940 = tpu.memref_slice %arg5[%sub3A_929, %dma_wait3A_930, %add3A, %dma_wait3A_938, %dma_wait3A_939] : memref<200x8x32x8x128xf32, #tpu.memory_space<hbm>> -> memref<1x1x1x8x128xf32, #tpu.memory_space<hbm>>
        %dma_wait3A_941 = tpu.memref_squeeze %dma_wait3A_940 : memref<1x1x1x8x128xf32, #tpu.memory_space<hbm>> -> memref<8x128xf32, #tpu.memory_space<hbm>>
        %dma_wait3A_942 = arith.constant 0 : i32
        %dma_wait3A_943 = arith.constant 0 : i32
        %dma_wait3A_944 = tpu.memref_slice %arg12[%dma_wait3A_942, %dma_wait3A_943] : memref<64x129xf32, #tpu.memory_space<vmem>> -> memref<8x128xf32, #tpu.memory_space<vmem>>
        tpu.wait_dma2 semaphore(%arg18 : memref<!tpu.dma_semaphore, #tpu.memory_space<semaphore_mem>>) src(%dma_wait3A_944 : memref<8x128xf32, #tpu.memory_space<vmem>>) dst(%dma_wait3A_941 : memref<8x128xf32, #tpu.memory_space<hbm>>)
        %dma_wait3A_945 = arith.constant 1 : i32
        %dma_wait3A_946 = arith.constant 8 : i32
        %dma_wait3A_947 = arith.constant 0 : i32
        %dma_wait3A_948 = tpu.memref_slice %arg12[%dma_wait3A_946, %dma_wait3A_947] : memref<64x129xf32, #tpu.memory_space<vmem>> -> memref<8x128xf32, #tpu.memory_space<vmem>>
        %dma_wait3A_949 = arith.constant 0 : i32
        %dma_wait3A_950 = arith.constant 0 : i32
        %dma_wait3A_951 = tpu.memref_slice %arg5[%sub3A_929, %dma_wait3A_945, %add3A, %dma_wait3A_949, %dma_wait3A_950] : memref<200x8x32x8x128xf32, #tpu.memory_space<hbm>> -> memref<1x1x1x8x128xf32, #tpu.memory_space<hbm>>
        %dma_wait3A_952 = tpu.memref_squeeze %dma_wait3A_951 : memref<1x1x1x8x128xf32, #tpu.memory_space<hbm>> -> memref<8x128xf32, #tpu.memory_space<hbm>>
        %dma_wait3A_953 = arith.constant 0 : i32
        %dma_wait3A_954 = arith.constant 0 : i32
        %dma_wait3A_955 = tpu.memref_slice %arg5[%sub3A_929, %dma_wait3A_945, %add3A, %dma_wait3A_953, %dma_wait3A_954] : memref<200x8x32x8x128xf32, #tpu.memory_space<hbm>> -> memref<1x1x1x8x128xf32, #tpu.memory_space<hbm>>
        %dma_wait3A_956 = tpu.memref_squeeze %dma_wait3A_955 : memref<1x1x1x8x128xf32, #tpu.memory_space<hbm>> -> memref<8x128xf32, #tpu.memory_space<hbm>>
        %dma_wait3A_957 = arith.constant 8 : i32
        %dma_wait3A_958 = arith.constant 0 : i32
        %dma_wait3A_959 = tpu.memref_slice %arg12[%dma_wait3A_957, %dma_wait3A_958] : memref<64x129xf32, #tpu.memory_space<vmem>> -> memref<8x128xf32, #tpu.memory_space<vmem>>
        tpu.wait_dma2 semaphore(%arg18 : memref<!tpu.dma_semaphore, #tpu.memory_space<semaphore_mem>>) src(%dma_wait3A_959 : memref<8x128xf32, #tpu.memory_space<vmem>>) dst(%dma_wait3A_956 : memref<8x128xf32, #tpu.memory_space<hbm>>)
        %dma_wait3A_960 = arith.constant 2 : i32
        %dma_wait3A_961 = arith.constant 16 : i32
        %dma_wait3A_962 = arith.constant 0 : i32
        %dma_wait3A_963 = tpu.memref_slice %arg12[%dma_wait3A_961, %dma_wait3A_962] : memref<64x129xf32, #tpu.memory_space<vmem>> -> memref<8x128xf32, #tpu.memory_space<vmem>>
        %dma_wait3A_964 = arith.constant 0 : i32
        %dma_wait3A_965 = arith.constant 0 : i32
        %dma_wait3A_966 = tpu.memref_slice %arg5[%sub3A_929, %dma_wait3A_960, %add3A, %dma_wait3A_964, %dma_wait3A_965] : memref<200x8x32x8x128xf32, #tpu.memory_space<hbm>> -> memref<1x1x1x8x128xf32, #tpu.memory_space<hbm>>
        %dma_wait3A_967 = tpu.memref_squeeze %dma_wait3A_966 : memref<1x1x1x8x128xf32, #tpu.memory_space<hbm>> -> memref<8x128xf32, #tpu.memory_space<hbm>>
        %dma_wait3A_968 = arith.constant 0 : i32
        %dma_wait3A_969 = arith.constant 0 : i32
        %dma_wait3A_970 = tpu.memref_slice %arg5[%sub3A_929, %dma_wait3A_960, %add3A, %dma_wait3A_968, %dma_wait3A_969] : memref<200x8x32x8x128xf32, #tpu.memory_space<hbm>> -> memref<1x1x1x8x128xf32, #tpu.memory_space<hbm>>
        %dma_wait3A_971 = tpu.memref_squeeze %dma_wait3A_970 : memref<1x1x1x8x128xf32, #tpu.memory_space<hbm>> -> memref<8x128xf32, #tpu.memory_space<hbm>>
        %dma_wait3A_972 = arith.constant 16 : i32
        %dma_wait3A_973 = arith.constant 0 : i32
        %dma_wait3A_974 = tpu.memref_slice %arg12[%dma_wait3A_972, %dma_wait3A_973] : memref<64x129xf32, #tpu.memory_space<vmem>> -> memref<8x128xf32, #tpu.memory_space<vmem>>
        tpu.wait_dma2 semaphore(%arg18 : memref<!tpu.dma_semaphore, #tpu.memory_space<semaphore_mem>>) src(%dma_wait3A_974 : memref<8x128xf32, #tpu.memory_space<vmem>>) dst(%dma_wait3A_971 : memref<8x128xf32, #tpu.memory_space<hbm>>)
        %dma_wait3A_975 = arith.constant 3 : i32
        %dma_wait3A_976 = arith.constant 24 : i32
        %dma_wait3A_977 = arith.constant 0 : i32
        %dma_wait3A_978 = tpu.memref_slice %arg12[%dma_wait3A_976, %dma_wait3A_977] : memref<64x129xf32, #tpu.memory_space<vmem>> -> memref<8x128xf32, #tpu.memory_space<vmem>>
        %dma_wait3A_979 = arith.constant 0 : i32
        %dma_wait3A_980 = arith.constant 0 : i32
        %dma_wait3A_981 = tpu.memref_slice %arg5[%sub3A_929, %dma_wait3A_975, %add3A, %dma_wait3A_979, %dma_wait3A_980] : memref<200x8x32x8x128xf32, #tpu.memory_space<hbm>> -> memref<1x1x1x8x128xf32, #tpu.memory_space<hbm>>
        %dma_wait3A_982 = tpu.memref_squeeze %dma_wait3A_981 : memref<1x1x1x8x128xf32, #tpu.memory_space<hbm>> -> memref<8x128xf32, #tpu.memory_space<hbm>>
        %dma_wait3A_983 = arith.constant 0 : i32
        %dma_wait3A_984 = arith.constant 0 : i32
        %dma_wait3A_985 = tpu.memref_slice %arg5[%sub3A_929, %dma_wait3A_975, %add3A, %dma_wait3A_983, %dma_wait3A_984] : memref<200x8x32x8x128xf32, #tpu.memory_space<hbm>> -> memref<1x1x1x8x128xf32, #tpu.memory_space<hbm>>
        %dma_wait3A_986 = tpu.memref_squeeze %dma_wait3A_985 : memref<1x1x1x8x128xf32, #tpu.memory_space<hbm>> -> memref<8x128xf32, #tpu.memory_space<hbm>>
        %dma_wait3A_987 = arith.constant 24 : i32
        %dma_wait3A_988 = arith.constant 0 : i32
        %dma_wait3A_989 = tpu.memref_slice %arg12[%dma_wait3A_987, %dma_wait3A_988] : memref<64x129xf32, #tpu.memory_space<vmem>> -> memref<8x128xf32, #tpu.memory_space<vmem>>
        tpu.wait_dma2 semaphore(%arg18 : memref<!tpu.dma_semaphore, #tpu.memory_space<semaphore_mem>>) src(%dma_wait3A_989 : memref<8x128xf32, #tpu.memory_space<vmem>>) dst(%dma_wait3A_986 : memref<8x128xf32, #tpu.memory_space<hbm>>)
        %dma_wait3A_990 = arith.constant 4 : i32
        %dma_wait3A_991 = arith.constant 32 : i32
        %dma_wait3A_992 = arith.constant 0 : i32
        %dma_wait3A_993 = tpu.memref_slice %arg12[%dma_wait3A_991, %dma_wait3A_992] : memref<64x129xf32, #tpu.memory_space<vmem>> -> memref<8x128xf32, #tpu.memory_space<vmem>>
        %dma_wait3A_994 = arith.constant 0 : i32
        %dma_wait3A_995 = arith.constant 0 : i32
        %dma_wait3A_996 = tpu.memref_slice %arg5[%sub3A_929, %dma_wait3A_990, %add3A, %dma_wait3A_994, %dma_wait3A_995] : memref<200x8x32x8x128xf32, #tpu.memory_space<hbm>> -> memref<1x1x1x8x128xf32, #tpu.memory_space<hbm>>
        %dma_wait3A_997 = tpu.memref_squeeze %dma_wait3A_996 : memref<1x1x1x8x128xf32, #tpu.memory_space<hbm>> -> memref<8x128xf32, #tpu.memory_space<hbm>>
        %dma_wait3A_998 = arith.constant 0 : i32
        %dma_wait3A_999 = arith.constant 0 : i32
        %dma_wait3A_1000 = tpu.memref_slice %arg5[%sub3A_929, %dma_wait3A_990, %add3A, %dma_wait3A_998, %dma_wait3A_999] : memref<200x8x32x8x128xf32, #tpu.memory_space<hbm>> -> memref<1x1x1x8x128xf32, #tpu.memory_space<hbm>>
        %dma_wait3A_1001 = tpu.memref_squeeze %dma_wait3A_1000 : memref<1x1x1x8x128xf32, #tpu.memory_space<hbm>> -> memref<8x128xf32, #tpu.memory_space<hbm>>
        %dma_wait3A_1002 = arith.constant 32 : i32
        %dma_wait3A_1003 = arith.constant 0 : i32
        %dma_wait3A_1004 = tpu.memref_slice %arg12[%dma_wait3A_1002, %dma_wait3A_1003] : memref<64x129xf32, #tpu.memory_space<vmem>> -> memref<8x128xf32, #tpu.memory_space<vmem>>
        tpu.wait_dma2 semaphore(%arg18 : memref<!tpu.dma_semaphore, #tpu.memory_space<semaphore_mem>>) src(%dma_wait3A_1004 : memref<8x128xf32, #tpu.memory_space<vmem>>) dst(%dma_wait3A_1001 : memref<8x128xf32, #tpu.memory_space<hbm>>)
        %dma_wait3A_1005 = arith.constant 5 : i32
        %dma_wait3A_1006 = arith.constant 40 : i32
        %dma_wait3A_1007 = arith.constant 0 : i32
        %dma_wait3A_1008 = tpu.memref_slice %arg12[%dma_wait3A_1006, %dma_wait3A_1007] : memref<64x129xf32, #tpu.memory_space<vmem>> -> memref<8x128xf32, #tpu.memory_space<vmem>>
        %dma_wait3A_1009 = arith.constant 0 : i32
        %dma_wait3A_1010 = arith.constant 0 : i32
        %dma_wait3A_1011 = tpu.memref_slice %arg5[%sub3A_929, %dma_wait3A_1005, %add3A, %dma_wait3A_1009, %dma_wait3A_1010] : memref<200x8x32x8x128xf32, #tpu.memory_space<hbm>> -> memref<1x1x1x8x128xf32, #tpu.memory_space<hbm>>
        %dma_wait3A_1012 = tpu.memref_squeeze %dma_wait3A_1011 : memref<1x1x1x8x128xf32, #tpu.memory_space<hbm>> -> memref<8x128xf32, #tpu.memory_space<hbm>>
        %dma_wait3A_1013 = arith.constant 0 : i32
        %dma_wait3A_1014 = arith.constant 0 : i32
        %dma_wait3A_1015 = tpu.memref_slice %arg5[%sub3A_929, %dma_wait3A_1005, %add3A, %dma_wait3A_1013, %dma_wait3A_1014] : memref<200x8x32x8x128xf32, #tpu.memory_space<hbm>> -> memref<1x1x1x8x128xf32, #tpu.memory_space<hbm>>
        %dma_wait3A_1016 = tpu.memref_squeeze %dma_wait3A_1015 : memref<1x1x1x8x128xf32, #tpu.memory_space<hbm>> -> memref<8x128xf32, #tpu.memory_space<hbm>>
        %dma_wait3A_1017 = arith.constant 40 : i32
        %dma_wait3A_1018 = arith.constant 0 : i32
        %dma_wait3A_1019 = tpu.memref_slice %arg12[%dma_wait3A_1017, %dma_wait3A_1018] : memref<64x129xf32, #tpu.memory_space<vmem>> -> memref<8x128xf32, #tpu.memory_space<vmem>>
        tpu.wait_dma2 semaphore(%arg18 : memref<!tpu.dma_semaphore, #tpu.memory_space<semaphore_mem>>) src(%dma_wait3A_1019 : memref<8x128xf32, #tpu.memory_space<vmem>>) dst(%dma_wait3A_1016 : memref<8x128xf32, #tpu.memory_space<hbm>>)
        %dma_wait3A_1020 = arith.constant 6 : i32
        %dma_wait3A_1021 = arith.constant 48 : i32
        %dma_wait3A_1022 = arith.constant 0 : i32
        %dma_wait3A_1023 = tpu.memref_slice %arg12[%dma_wait3A_1021, %dma_wait3A_1022] : memref<64x129xf32, #tpu.memory_space<vmem>> -> memref<8x128xf32, #tpu.memory_space<vmem>>
        %dma_wait3A_1024 = arith.constant 0 : i32
        %dma_wait3A_1025 = arith.constant 0 : i32
        %dma_wait3A_1026 = tpu.memref_slice %arg5[%sub3A_929, %dma_wait3A_1020, %add3A, %dma_wait3A_1024, %dma_wait3A_1025] : memref<200x8x32x8x128xf32, #tpu.memory_space<hbm>> -> memref<1x1x1x8x128xf32, #tpu.memory_space<hbm>>
        %dma_wait3A_1027 = tpu.memref_squeeze %dma_wait3A_1026 : memref<1x1x1x8x128xf32, #tpu.memory_space<hbm>> -> memref<8x128xf32, #tpu.memory_space<hbm>>
        %dma_wait3A_1028 = arith.constant 0 : i32
        %dma_wait3A_1029 = arith.constant 0 : i32
        %dma_wait3A_1030 = tpu.memref_slice %arg5[%sub3A_929, %dma_wait3A_1020, %add3A, %dma_wait3A_1028, %dma_wait3A_1029] : memref<200x8x32x8x128xf32, #tpu.memory_space<hbm>> -> memref<1x1x1x8x128xf32, #tpu.memory_space<hbm>>
        %dma_wait3A_1031 = tpu.memref_squeeze %dma_wait3A_1030 : memref<1x1x1x8x128xf32, #tpu.memory_space<hbm>> -> memref<8x128xf32, #tpu.memory_space<hbm>>
        %dma_wait3A_1032 = arith.constant 48 : i32
        %dma_wait3A_1033 = arith.constant 0 : i32
        %dma_wait3A_1034 = tpu.memref_slice %arg12[%dma_wait3A_1032, %dma_wait3A_1033] : memref<64x129xf32, #tpu.memory_space<vmem>> -> memref<8x128xf32, #tpu.memory_space<vmem>>
        tpu.wait_dma2 semaphore(%arg18 : memref<!tpu.dma_semaphore, #tpu.memory_space<semaphore_mem>>) src(%dma_wait3A_1034 : memref<8x128xf32, #tpu.memory_space<vmem>>) dst(%dma_wait3A_1031 : memref<8x128xf32, #tpu.memory_space<hbm>>)
        %dma_wait3A_1035 = arith.constant 7 : i32
        %dma_wait3A_1036 = arith.constant 56 : i32
        %dma_wait3A_1037 = arith.constant 0 : i32
        %dma_wait3A_1038 = tpu.memref_slice %arg12[%dma_wait3A_1036, %dma_wait3A_1037] : memref<64x129xf32, #tpu.memory_space<vmem>> -> memref<8x128xf32, #tpu.memory_space<vmem>>
        %dma_wait3A_1039 = arith.constant 0 : i32
        %dma_wait3A_1040 = arith.constant 0 : i32
        %dma_wait3A_1041 = tpu.memref_slice %arg5[%sub3A_929, %dma_wait3A_1035, %add3A, %dma_wait3A_1039, %dma_wait3A_1040] : memref<200x8x32x8x128xf32, #tpu.memory_space<hbm>> -> memref<1x1x1x8x128xf32, #tpu.memory_space<hbm>>
        %dma_wait3A_1042 = tpu.memref_squeeze %dma_wait3A_1041 : memref<1x1x1x8x128xf32, #tpu.memory_space<hbm>> -> memref<8x128xf32, #tpu.memory_space<hbm>>
        %dma_wait3A_1043 = arith.constant 0 : i32
        %dma_wait3A_1044 = arith.constant 0 : i32
        %dma_wait3A_1045 = tpu.memref_slice %arg5[%sub3A_929, %dma_wait3A_1035, %add3A, %dma_wait3A_1043, %dma_wait3A_1044] : memref<200x8x32x8x128xf32, #tpu.memory_space<hbm>> -> memref<1x1x1x8x128xf32, #tpu.memory_space<hbm>>
        %dma_wait3A_1046 = tpu.memref_squeeze %dma_wait3A_1045 : memref<1x1x1x8x128xf32, #tpu.memory_space<hbm>> -> memref<8x128xf32, #tpu.memory_space<hbm>>
        %dma_wait3A_1047 = arith.constant 56 : i32
        %dma_wait3A_1048 = arith.constant 0 : i32
        %dma_wait3A_1049 = tpu.memref_slice %arg12[%dma_wait3A_1047, %dma_wait3A_1048] : memref<64x129xf32, #tpu.memory_space<vmem>> -> memref<8x128xf32, #tpu.memory_space<vmem>>
        tpu.wait_dma2 semaphore(%arg18 : memref<!tpu.dma_semaphore, #tpu.memory_space<semaphore_mem>>) src(%dma_wait3A_1049 : memref<8x128xf32, #tpu.memory_space<vmem>>) dst(%dma_wait3A_1046 : memref<8x128xf32, #tpu.memory_space<hbm>>)
      } else {
      }
      %get3A = arith.index_cast %add3A_302 : i32 to index
      %get3A_318 = arith.constant 0 : index
      %get3A_319 = tpu.vector_load %arg11[%get3A, %get3A_318] {strides = array<i32>} : memref<200x64xf32, #tpu.memory_space<vmem>>, vector<16xf32>,
      %get3A_320 = arith.index_cast %add3A_302 : i32 to index
      %get3A_321 = arith.constant 16 : index
      %get3A_322 = tpu.vector_load %arg11[%get3A_320, %get3A_321] {strides = array<i32>} : memref<200x64xf32, #tpu.memory_space<vmem>>, vector<16xf32>,
      %get3A_323 = arith.index_cast %add3A_302 : i32 to index
      %get3A_324 = arith.constant 32 : index
      %get3A_325 = tpu.vector_load %arg11[%get3A_323, %get3A_324] {strides = array<i32>} : memref<200x64xf32, #tpu.memory_space<vmem>>, vector<16xf32>,
      %get3A_326 = arith.index_cast %add3A_302 : i32 to index
      %get3A_327 = arith.constant 48 : index
      %get3A_328 = tpu.vector_load %arg11[%get3A_326, %get3A_327] {strides = array<i32>} : memref<200x64xf32, #tpu.memory_space<vmem>>, vector<16xf32>,
      %parallel_loop3A = arith.constant 0 : i32
      %parallel_loop3A_329 = arith.constant 128 : i32
      %parallel_loop3A_330 = arith.constant 1 : i32
      scf.for %parallel_loop3A_928 = %parallel_loop3A to %parallel_loop3A_329 step %parallel_loop3A_330  : i32 {
        %parallel_loop3A_929 = vector.broadcast %parallel_loop3A_928 : i32 to vector<16xi32>
        %parallel_loop3A_930 = arith.index_cast %parallel_loop3A_928 : i32 to index
        %parallel_loop3A_931 = arith.constant 0 : index
        %parallel_loop3A_932 = tpu.vector_load %arg7[%parallel_loop3A_930, %parallel_loop3A_931] {strides = array<i32>} : memref<128x64xf32, #tpu.memory_space<vmem>>, vector<16xf32>,
        %parallel_loop3A_933 = arith.addf %parallel_loop3A_932, %get3A_319 : vector<16xf32>
        tpu.vector_store_idx %arg12[%add3A_5, %parallel_loop3A_929], %parallel_loop3A_933 : memref<64x129xf32, #tpu.memory_space<vmem>>[vector<16xi32>, vector<16xi32>], vector<16xf32>,
        %parallel_loop3A_934 = arith.index_cast %parallel_loop3A_928 : i32 to index
        %parallel_loop3A_935 = arith.constant 16 : index
        %parallel_loop3A_936 = tpu.vector_load %arg7[%parallel_loop3A_934, %parallel_loop3A_935] {strides = array<i32>} : memref<128x64xf32, #tpu.memory_space<vmem>>, vector<16xf32>,
        %parallel_loop3A_937 = arith.addf %parallel_loop3A_936, %get3A_322 : vector<16xf32>
        tpu.vector_store_idx %arg12[%add3A_8, %parallel_loop3A_929], %parallel_loop3A_937 : memref<64x129xf32, #tpu.memory_space<vmem>>[vector<16xi32>, vector<16xi32>], vector<16xf32>,
        %parallel_loop3A_938 = arith.index_cast %parallel_loop3A_928 : i32 to index
        %parallel_loop3A_939 = arith.constant 32 : index
        %parallel_loop3A_940 = tpu.vector_load %arg7[%parallel_loop3A_938, %parallel_loop3A_939] {strides = array<i32>} : memref<128x64xf32, #tpu.memory_space<vmem>>, vector<16xf32>,
        %parallel_loop3A_941 = arith.addf %parallel_loop3A_940, %get3A_325 : vector<16xf32>
        tpu.vector_store_idx %arg12[%add3A_11, %parallel_loop3A_929], %parallel_loop3A_941 : memref<64x129xf32, #tpu.memory_space<vmem>>[vector<16xi32>, vector<16xi32>], vector<16xf32>,
        %parallel_loop3A_942 = arith.index_cast %parallel_loop3A_928 : i32 to index
        %parallel_loop3A_943 = arith.constant 48 : index
        %parallel_loop3A_944 = tpu.vector_load %arg7[%parallel_loop3A_942, %parallel_loop3A_943] {strides = array<i32>} : memref<128x64xf32, #tpu.memory_space<vmem>>, vector<16xf32>,
        %parallel_loop3A_945 = arith.addf %parallel_loop3A_944, %get3A_328 : vector<16xf32>
        tpu.vector_store_idx %arg12[%add3A_14, %parallel_loop3A_929], %parallel_loop3A_945 : memref<64x129xf32, #tpu.memory_space<vmem>>[vector<16xi32>, vector<16xi32>], vector<16xf32>,
      } {sc.loop_unroll_factor = 16 : i64, sc.parallel_access}
      %dma_start3A_331 = arith.constant 0 : i32
      %dma_start3A_332 = arith.constant 0 : i32
      %dma_start3A_333 = arith.constant 0 : i32
      %dma_start3A_334 = tpu.memref_slice %arg12[%dma_start3A_332, %dma_start3A_333] : memref<64x129xf32, #tpu.memory_space<vmem>> -> memref<8x128xf32, #tpu.memory_space<vmem>>
      %dma_start3A_335 = arith.constant 0 : i32
      %dma_start3A_336 = arith.constant 0 : i32
      %dma_start3A_337 = tpu.memref_slice %arg5[%add3A_302, %dma_start3A_331, %add3A, %dma_start3A_335, %dma_start3A_336] : memref<200x8x32x8x128xf32, #tpu.memory_space<hbm>> -> memref<1x1x1x8x128xf32, #tpu.memory_space<hbm>>
      %dma_start3A_338 = tpu.memref_squeeze %dma_start3A_337 : memref<1x1x1x8x128xf32, #tpu.memory_space<hbm>> -> memref<8x128xf32, #tpu.memory_space<hbm>>
      %dma_start3A_339 = arith.constant 0 : i32
      %dma_start3A_340 = arith.constant 0 : i32
      %dma_start3A_341 = tpu.memref_slice %arg5[%add3A_302, %dma_start3A_331, %add3A, %dma_start3A_339, %dma_start3A_340] : memref<200x8x32x8x128xf32, #tpu.memory_space<hbm>> -> memref<1x1x1x8x128xf32, #tpu.memory_space<hbm>>
      %dma_start3A_342 = tpu.memref_squeeze %dma_start3A_341 : memref<1x1x1x8x128xf32, #tpu.memory_space<hbm>> -> memref<8x128xf32, #tpu.memory_space<hbm>>
      %dma_start3A_343 = arith.constant 0 : i32
      %dma_start3A_344 = arith.constant 0 : i32
      %dma_start3A_345 = tpu.memref_slice %arg12[%dma_start3A_343, %dma_start3A_344] : memref<64x129xf32, #tpu.memory_space<vmem>> -> memref<8x128xf32, #tpu.memory_space<vmem>>
      tpu.enqueue_dma source(%dma_start3A_345 : memref<8x128xf32, #tpu.memory_space<vmem>>) target(%dma_start3A_342 : memref<8x128xf32, #tpu.memory_space<hbm>>) target_semaphore(%arg18 : memref<!tpu.dma_semaphore, #tpu.memory_space<semaphore_mem>>)
      %dma_start3A_346 = arith.constant 1 : i32
      %dma_start3A_347 = arith.constant 8 : i32
      %dma_start3A_348 = arith.constant 0 : i32
      %dma_start3A_349 = tpu.memref_slice %arg12[%dma_start3A_347, %dma_start3A_348] : memref<64x129xf32, #tpu.memory_space<vmem>> -> memref<8x128xf32, #tpu.memory_space<vmem>>
      %dma_start3A_350 = arith.constant 0 : i32
      %dma_start3A_351 = arith.constant 0 : i32
      %dma_start3A_352 = tpu.memref_slice %arg5[%add3A_302, %dma_start3A_346, %add3A, %dma_start3A_350, %dma_start3A_351] : memref<200x8x32x8x128xf32, #tpu.memory_space<hbm>> -> memref<1x1x1x8x128xf32, #tpu.memory_space<hbm>>
      %dma_start3A_353 = tpu.memref_squeeze %dma_start3A_352 : memref<1x1x1x8x128xf32, #tpu.memory_space<hbm>> -> memref<8x128xf32, #tpu.memory_space<hbm>>
      %dma_start3A_354 = arith.constant 0 : i32
      %dma_start3A_355 = arith.constant 0 : i32
      %dma_start3A_356 = tpu.memref_slice %arg5[%add3A_302, %dma_start3A_346, %add3A, %dma_start3A_354, %dma_start3A_355] : memref<200x8x32x8x128xf32, #tpu.memory_space<hbm>> -> memref<1x1x1x8x128xf32, #tpu.memory_space<hbm>>
      %dma_start3A_357 = tpu.memref_squeeze %dma_start3A_356 : memref<1x1x1x8x128xf32, #tpu.memory_space<hbm>> -> memref<8x128xf32, #tpu.memory_space<hbm>>
      %dma_start3A_358 = arith.constant 8 : i32
      %dma_start3A_359 = arith.constant 0 : i32
      %dma_start3A_360 = tpu.memref_slice %arg12[%dma_start3A_358, %dma_start3A_359] : memref<64x129xf32, #tpu.memory_space<vmem>> -> memref<8x128xf32, #tpu.memory_space<vmem>>
      tpu.enqueue_dma source(%dma_start3A_360 : memref<8x128xf32, #tpu.memory_space<vmem>>) target(%dma_start3A_357 : memref<8x128xf32, #tpu.memory_space<hbm>>) target_semaphore(%arg18 : memref<!tpu.dma_semaphore, #tpu.memory_space<semaphore_mem>>)
      %dma_start3A_361 = arith.constant 2 : i32
      %dma_start3A_362 = arith.constant 16 : i32
      %dma_start3A_363 = arith.constant 0 : i32
      %dma_start3A_364 = tpu.memref_slice %arg12[%dma_start3A_362, %dma_start3A_363] : memref<64x129xf32, #tpu.memory_space<vmem>> -> memref<8x128xf32, #tpu.memory_space<vmem>>
      %dma_start3A_365 = arith.constant 0 : i32
      %dma_start3A_366 = arith.constant 0 : i32
      %dma_start3A_367 = tpu.memref_slice %arg5[%add3A_302, %dma_start3A_361, %add3A, %dma_start3A_365, %dma_start3A_366] : memref<200x8x32x8x128xf32, #tpu.memory_space<hbm>> -> memref<1x1x1x8x128xf32, #tpu.memory_space<hbm>>
      %dma_start3A_368 = tpu.memref_squeeze %dma_start3A_367 : memref<1x1x1x8x128xf32, #tpu.memory_space<hbm>> -> memref<8x128xf32, #tpu.memory_space<hbm>>
      %dma_start3A_369 = arith.constant 0 : i32
      %dma_start3A_370 = arith.constant 0 : i32
      %dma_start3A_371 = tpu.memref_slice %arg5[%add3A_302, %dma_start3A_361, %add3A, %dma_start3A_369, %dma_start3A_370] : memref<200x8x32x8x128xf32, #tpu.memory_space<hbm>> -> memref<1x1x1x8x128xf32, #tpu.memory_space<hbm>>
      %dma_start3A_372 = tpu.memref_squeeze %dma_start3A_371 : memref<1x1x1x8x128xf32, #tpu.memory_space<hbm>> -> memref<8x128xf32, #tpu.memory_space<hbm>>
      %dma_start3A_373 = arith.constant 16 : i32
      %dma_start3A_374 = arith.constant 0 : i32
      %dma_start3A_375 = tpu.memref_slice %arg12[%dma_start3A_373, %dma_start3A_374] : memref<64x129xf32, #tpu.memory_space<vmem>> -> memref<8x128xf32, #tpu.memory_space<vmem>>
      tpu.enqueue_dma source(%dma_start3A_375 : memref<8x128xf32, #tpu.memory_space<vmem>>) target(%dma_start3A_372 : memref<8x128xf32, #tpu.memory_space<hbm>>) target_semaphore(%arg18 : memref<!tpu.dma_semaphore, #tpu.memory_space<semaphore_mem>>)
      %dma_start3A_376 = arith.constant 3 : i32
      %dma_start3A_377 = arith.constant 24 : i32
      %dma_start3A_378 = arith.constant 0 : i32
      %dma_start3A_379 = tpu.memref_slice %arg12[%dma_start3A_377, %dma_start3A_378] : memref<64x129xf32, #tpu.memory_space<vmem>> -> memref<8x128xf32, #tpu.memory_space<vmem>>
      %dma_start3A_380 = arith.constant 0 : i32
      %dma_start3A_381 = arith.constant 0 : i32
      %dma_start3A_382 = tpu.memref_slice %arg5[%add3A_302, %dma_start3A_376, %add3A, %dma_start3A_380, %dma_start3A_381] : memref<200x8x32x8x128xf32, #tpu.memory_space<hbm>> -> memref<1x1x1x8x128xf32, #tpu.memory_space<hbm>>
      %dma_start3A_383 = tpu.memref_squeeze %dma_start3A_382 : memref<1x1x1x8x128xf32, #tpu.memory_space<hbm>> -> memref<8x128xf32, #tpu.memory_space<hbm>>
      %dma_start3A_384 = arith.constant 0 : i32
      %dma_start3A_385 = arith.constant 0 : i32
      %dma_start3A_386 = tpu.memref_slice %arg5[%add3A_302, %dma_start3A_376, %add3A, %dma_start3A_384, %dma_start3A_385] : memref<200x8x32x8x128xf32, #tpu.memory_space<hbm>> -> memref<1x1x1x8x128xf32, #tpu.memory_space<hbm>>
      %dma_start3A_387 = tpu.memref_squeeze %dma_start3A_386 : memref<1x1x1x8x128xf32, #tpu.memory_space<hbm>> -> memref<8x128xf32, #tpu.memory_space<hbm>>
      %dma_start3A_388 = arith.constant 24 : i32
      %dma_start3A_389 = arith.constant 0 : i32
      %dma_start3A_390 = tpu.memref_slice %arg12[%dma_start3A_388, %dma_start3A_389] : memref<64x129xf32, #tpu.memory_space<vmem>> -> memref<8x128xf32, #tpu.memory_space<vmem>>
      tpu.enqueue_dma source(%dma_start3A_390 : memref<8x128xf32, #tpu.memory_space<vmem>>) target(%dma_start3A_387 : memref<8x128xf32, #tpu.memory_space<hbm>>) target_semaphore(%arg18 : memref<!tpu.dma_semaphore, #tpu.memory_space<semaphore_mem>>)
      %dma_start3A_391 = arith.constant 4 : i32
      %dma_start3A_392 = arith.constant 32 : i32
      %dma_start3A_393 = arith.constant 0 : i32
      %dma_start3A_394 = tpu.memref_slice %arg12[%dma_start3A_392, %dma_start3A_393] : memref<64x129xf32, #tpu.memory_space<vmem>> -> memref<8x128xf32, #tpu.memory_space<vmem>>
      %dma_start3A_395 = arith.constant 0 : i32
      %dma_start3A_396 = arith.constant 0 : i32
      %dma_start3A_397 = tpu.memref_slice %arg5[%add3A_302, %dma_start3A_391, %add3A, %dma_start3A_395, %dma_start3A_396] : memref<200x8x32x8x128xf32, #tpu.memory_space<hbm>> -> memref<1x1x1x8x128xf32, #tpu.memory_space<hbm>>
      %dma_start3A_398 = tpu.memref_squeeze %dma_start3A_397 : memref<1x1x1x8x128xf32, #tpu.memory_space<hbm>> -> memref<8x128xf32, #tpu.memory_space<hbm>>
      %dma_start3A_399 = arith.constant 0 : i32
      %dma_start3A_400 = arith.constant 0 : i32
      %dma_start3A_401 = tpu.memref_slice %arg5[%add3A_302, %dma_start3A_391, %add3A, %dma_start3A_399, %dma_start3A_400] : memref<200x8x32x8x128xf32, #tpu.memory_space<hbm>> -> memref<1x1x1x8x128xf32, #tpu.memory_space<hbm>>
      %dma_start3A_402 = tpu.memref_squeeze %dma_start3A_401 : memref<1x1x1x8x128xf32, #tpu.memory_space<hbm>> -> memref<8x128xf32, #tpu.memory_space<hbm>>
      %dma_start3A_403 = arith.constant 32 : i32
      %dma_start3A_404 = arith.constant 0 : i32
      %dma_start3A_405 = tpu.memref_slice %arg12[%dma_start3A_403, %dma_start3A_404] : memref<64x129xf32, #tpu.memory_space<vmem>> -> memref<8x128xf32, #tpu.memory_space<vmem>>
      tpu.enqueue_dma source(%dma_start3A_405 : memref<8x128xf32, #tpu.memory_space<vmem>>) target(%dma_start3A_402 : memref<8x128xf32, #tpu.memory_space<hbm>>) target_semaphore(%arg18 : memref<!tpu.dma_semaphore, #tpu.memory_space<semaphore_mem>>)
      %dma_start3A_406 = arith.constant 5 : i32
      %dma_start3A_407 = arith.constant 40 : i32
      %dma_start3A_408 = arith.constant 0 : i32
      %dma_start3A_409 = tpu.memref_slice %arg12[%dma_start3A_407, %dma_start3A_408] : memref<64x129xf32, #tpu.memory_space<vmem>> -> memref<8x128xf32, #tpu.memory_space<vmem>>
      %dma_start3A_410 = arith.constant 0 : i32
      %dma_start3A_411 = arith.constant 0 : i32
      %dma_start3A_412 = tpu.memref_slice %arg5[%add3A_302, %dma_start3A_406, %add3A, %dma_start3A_410, %dma_start3A_411] : memref<200x8x32x8x128xf32, #tpu.memory_space<hbm>> -> memref<1x1x1x8x128xf32, #tpu.memory_space<hbm>>
      %dma_start3A_413 = tpu.memref_squeeze %dma_start3A_412 : memref<1x1x1x8x128xf32, #tpu.memory_space<hbm>> -> memref<8x128xf32, #tpu.memory_space<hbm>>
      %dma_start3A_414 = arith.constant 0 : i32
      %dma_start3A_415 = arith.constant 0 : i32
      %dma_start3A_416 = tpu.memref_slice %arg5[%add3A_302, %dma_start3A_406, %add3A, %dma_start3A_414, %dma_start3A_415] : memref<200x8x32x8x128xf32, #tpu.memory_space<hbm>> -> memref<1x1x1x8x128xf32, #tpu.memory_space<hbm>>
      %dma_start3A_417 = tpu.memref_squeeze %dma_start3A_416 : memref<1x1x1x8x128xf32, #tpu.memory_space<hbm>> -> memref<8x128xf32, #tpu.memory_space<hbm>>
      %dma_start3A_418 = arith.constant 40 : i32
      %dma_start3A_419 = arith.constant 0 : i32
      %dma_start3A_420 = tpu.memref_slice %arg12[%dma_start3A_418, %dma_start3A_419] : memref<64x129xf32, #tpu.memory_space<vmem>> -> memref<8x128xf32, #tpu.memory_space<vmem>>
      tpu.enqueue_dma source(%dma_start3A_420 : memref<8x128xf32, #tpu.memory_space<vmem>>) target(%dma_start3A_417 : memref<8x128xf32, #tpu.memory_space<hbm>>) target_semaphore(%arg18 : memref<!tpu.dma_semaphore, #tpu.memory_space<semaphore_mem>>)
      %dma_start3A_421 = arith.constant 6 : i32
      %dma_start3A_422 = arith.constant 48 : i32
      %dma_start3A_423 = arith.constant 0 : i32
      %dma_start3A_424 = tpu.memref_slice %arg12[%dma_start3A_422, %dma_start3A_423] : memref<64x129xf32, #tpu.memory_space<vmem>> -> memref<8x128xf32, #tpu.memory_space<vmem>>
      %dma_start3A_425 = arith.constant 0 : i32
      %dma_start3A_426 = arith.constant 0 : i32
      %dma_start3A_427 = tpu.memref_slice %arg5[%add3A_302, %dma_start3A_421, %add3A, %dma_start3A_425, %dma_start3A_426] : memref<200x8x32x8x128xf32, #tpu.memory_space<hbm>> -> memref<1x1x1x8x128xf32, #tpu.memory_space<hbm>>
      %dma_start3A_428 = tpu.memref_squeeze %dma_start3A_427 : memref<1x1x1x8x128xf32, #tpu.memory_space<hbm>> -> memref<8x128xf32, #tpu.memory_space<hbm>>
      %dma_start3A_429 = arith.constant 0 : i32
      %dma_start3A_430 = arith.constant 0 : i32
      %dma_start3A_431 = tpu.memref_slice %arg5[%add3A_302, %dma_start3A_421, %add3A, %dma_start3A_429, %dma_start3A_430] : memref<200x8x32x8x128xf32, #tpu.memory_space<hbm>> -> memref<1x1x1x8x128xf32, #tpu.memory_space<hbm>>
      %dma_start3A_432 = tpu.memref_squeeze %dma_start3A_431 : memref<1x1x1x8x128xf32, #tpu.memory_space<hbm>> -> memref<8x128xf32, #tpu.memory_space<hbm>>
      %dma_start3A_433 = arith.constant 48 : i32
      %dma_start3A_434 = arith.constant 0 : i32
      %dma_start3A_435 = tpu.memref_slice %arg12[%dma_start3A_433, %dma_start3A_434] : memref<64x129xf32, #tpu.memory_space<vmem>> -> memref<8x128xf32, #tpu.memory_space<vmem>>
      tpu.enqueue_dma source(%dma_start3A_435 : memref<8x128xf32, #tpu.memory_space<vmem>>) target(%dma_start3A_432 : memref<8x128xf32, #tpu.memory_space<hbm>>) target_semaphore(%arg18 : memref<!tpu.dma_semaphore, #tpu.memory_space<semaphore_mem>>)
      %dma_start3A_436 = arith.constant 7 : i32
      %dma_start3A_437 = arith.constant 56 : i32
      %dma_start3A_438 = arith.constant 0 : i32
      %dma_start3A_439 = tpu.memref_slice %arg12[%dma_start3A_437, %dma_start3A_438] : memref<64x129xf32, #tpu.memory_space<vmem>> -> memref<8x128xf32, #tpu.memory_space<vmem>>
      %dma_start3A_440 = arith.constant 0 : i32
      %dma_start3A_441 = arith.constant 0 : i32
      %dma_start3A_442 = tpu.memref_slice %arg5[%add3A_302, %dma_start3A_436, %add3A, %dma_start3A_440, %dma_start3A_441] : memref<200x8x32x8x128xf32, #tpu.memory_space<hbm>> -> memref<1x1x1x8x128xf32, #tpu.memory_space<hbm>>
      %dma_start3A_443 = tpu.memref_squeeze %dma_start3A_442 : memref<1x1x1x8x128xf32, #tpu.memory_space<hbm>> -> memref<8x128xf32, #tpu.memory_space<hbm>>
      %dma_start3A_444 = arith.constant 0 : i32
      %dma_start3A_445 = arith.constant 0 : i32
      %dma_start3A_446 = tpu.memref_slice %arg5[%add3A_302, %dma_start3A_436, %add3A, %dma_start3A_444, %dma_start3A_445] : memref<200x8x32x8x128xf32, #tpu.memory_space<hbm>> -> memref<1x1x1x8x128xf32, #tpu.memory_space<hbm>>
      %dma_start3A_447 = tpu.memref_squeeze %dma_start3A_446 : memref<1x1x1x8x128xf32, #tpu.memory_space<hbm>> -> memref<8x128xf32, #tpu.memory_space<hbm>>
      %dma_start3A_448 = arith.constant 56 : i32
      %dma_start3A_449 = arith.constant 0 : i32
      %dma_start3A_450 = tpu.memref_slice %arg12[%dma_start3A_448, %dma_start3A_449] : memref<64x129xf32, #tpu.memory_space<vmem>> -> memref<8x128xf32, #tpu.memory_space<vmem>>
      tpu.enqueue_dma source(%dma_start3A_450 : memref<8x128xf32, #tpu.memory_space<vmem>>) target(%dma_start3A_447 : memref<8x128xf32, #tpu.memory_space<hbm>>) target_semaphore(%arg18 : memref<!tpu.dma_semaphore, #tpu.memory_space<semaphore_mem>>)
      %mul3A_451 = arith.constant 4 : i32
      %mul3A_452 = arith.muli %mul3A_451, %add3A_298 : i32
      %add3A_453 = arith.constant 1 : i32
      %add3A_454 = arith.addi %mul3A_452, %add3A_453 : i32
      %add3A_455 = arith.constant 4 : i32
      %add3A_456 = arith.addi %add3A_454, %add3A_455 : i32
      %sub3A_457 = arith.constant 1 : i32
      %sub3A_458 = arith.subi %add3A_456, %sub3A_457 : i32
      %lt3A_459 = arith.constant 200 : i32
      %lt3A_460 = arith.cmpi slt, %sub3A_458, %lt3A_459 : i32
      %convert_element_type3A_461 = arith.extui %lt3A_460 : i1 to i32
      %cond3A_462 = arith.constant 0 : i32
      %cond3A_463 = arith.cmpi ne, %convert_element_type3A_461, %cond3A_462 : i32
      scf.if %cond3A_463 {
        %add3A_928 = arith.constant 4 : i32
        %add3A_929 = arith.addi %add3A_454, %add3A_928 : i32
        %sub3A_930 = arith.constant 1 : i32
        %sub3A_931 = arith.subi %add3A_929, %sub3A_930 : i32
        %dma_start3A_932 = arith.constant 0 : i32
        %dma_start3A_933 = tpu.memref_slice %arg6[%sub3A_931, %dma_start3A_932] : memref<200x128xi32, #tpu.memory_space<vmem>> -> memref<1x128xi32, #tpu.memory_space<vmem>>
        %dma_start3A_934 = tpu.memref_squeeze %dma_start3A_933 : memref<1x128xi32, #tpu.memory_space<vmem>> -> memref<128xi32, #tpu.memory_space<vmem>>
        %dma_start3A_935 = arith.constant 0 : i32
        %dma_start3A_936 = arith.constant 0 : i32
        %dma_start3A_937 = tpu.memref_slice %arg3[%dma_start3A_935, %dma_start3A_936] : memref<1000000x64xf32, #tpu.memory_space<hbm>> -> memref<1000000x64xf32, #tpu.memory_space<hbm>>
        tpu.enqueue_indirect_dma source(%dma_start3A_937 : memref<1000000x64xf32, #tpu.memory_space<hbm>>) target(%arg7 : memref<128x64xf32, #tpu.memory_space<vmem>>) offsets(%dma_start3A_934 : memref<128xi32, #tpu.memory_space<vmem>>) semaphore(%arg14 : memref<!tpu.dma_semaphore, #tpu.memory_space<semaphore_mem>>)
      } else {
      }
      %dma_wait3A_464 = arith.constant 0 : i32
      %dma_wait3A_465 = tpu.memref_slice %arg6[%add3A_454, %dma_wait3A_464] : memref<200x128xi32, #tpu.memory_space<vmem>> -> memref<1x128xi32, #tpu.memory_space<vmem>>
      %dma_wait3A_466 = tpu.memref_squeeze %dma_wait3A_465 : memref<1x128xi32, #tpu.memory_space<vmem>> -> memref<128xi32, #tpu.memory_space<vmem>>
      %dma_wait3A_467 = arith.constant 0 : i32
      %dma_wait3A_468 = arith.constant 0 : i32
      %dma_wait3A_469 = tpu.memref_slice %arg3[%dma_wait3A_467, %dma_wait3A_468] : memref<1000000x64xf32, #tpu.memory_space<hbm>> -> memref<1000000x64xf32, #tpu.memory_space<hbm>>
      tpu.wait_indirect_dma semaphore(%arg15 : memref<!tpu.dma_semaphore, #tpu.memory_space<semaphore_mem>>) src(%dma_wait3A_469 : memref<1000000x64xf32, #tpu.memory_space<hbm>>) dst(%arg8 : memref<128x64xf32, #tpu.memory_space<vmem>>)
      %ge3A_470 = arith.constant 2 : i32
      %ge3A_471 = arith.cmpi sge, %add3A_454, %ge3A_470 : i32
      %convert_element_type3A_472 = arith.extui %ge3A_471 : i1 to i32
      %cond3A_473 = arith.constant 0 : i32
      %cond3A_474 = arith.cmpi ne, %convert_element_type3A_472, %cond3A_473 : i32
      scf.if %cond3A_474 {
        %sub3A_928 = arith.constant 2 : i32
        %sub3A_929 = arith.subi %add3A_454, %sub3A_928 : i32
        %dma_wait3A_930 = arith.constant 0 : i32
        %dma_wait3A_931 = arith.constant 0 : i32
        %dma_wait3A_932 = arith.constant 0 : i32
        %dma_wait3A_933 = tpu.memref_slice %arg13[%dma_wait3A_931, %dma_wait3A_932] : memref<64x129xf32, #tpu.memory_space<vmem>> -> memref<8x128xf32, #tpu.memory_space<vmem>>
        %dma_wait3A_934 = arith.constant 0 : i32
        %dma_wait3A_935 = arith.constant 0 : i32
        %dma_wait3A_936 = tpu.memref_slice %arg5[%sub3A_929, %dma_wait3A_930, %add3A, %dma_wait3A_934, %dma_wait3A_935] : memref<200x8x32x8x128xf32, #tpu.memory_space<hbm>> -> memref<1x1x1x8x128xf32, #tpu.memory_space<hbm>>
        %dma_wait3A_937 = tpu.memref_squeeze %dma_wait3A_936 : memref<1x1x1x8x128xf32, #tpu.memory_space<hbm>> -> memref<8x128xf32, #tpu.memory_space<hbm>>
        %dma_wait3A_938 = arith.constant 0 : i32
        %dma_wait3A_939 = arith.constant 0 : i32
        %dma_wait3A_940 = tpu.memref_slice %arg5[%sub3A_929, %dma_wait3A_930, %add3A, %dma_wait3A_938, %dma_wait3A_939] : memref<200x8x32x8x128xf32, #tpu.memory_space<hbm>> -> memref<1x1x1x8x128xf32, #tpu.memory_space<hbm>>
        %dma_wait3A_941 = tpu.memref_squeeze %dma_wait3A_940 : memref<1x1x1x8x128xf32, #tpu.memory_space<hbm>> -> memref<8x128xf32, #tpu.memory_space<hbm>>
        %dma_wait3A_942 = arith.constant 0 : i32
        %dma_wait3A_943 = arith.constant 0 : i32
        %dma_wait3A_944 = tpu.memref_slice %arg13[%dma_wait3A_942, %dma_wait3A_943] : memref<64x129xf32, #tpu.memory_space<vmem>> -> memref<8x128xf32, #tpu.memory_space<vmem>>
        tpu.wait_dma2 semaphore(%arg19 : memref<!tpu.dma_semaphore, #tpu.memory_space<semaphore_mem>>) src(%dma_wait3A_944 : memref<8x128xf32, #tpu.memory_space<vmem>>) dst(%dma_wait3A_941 : memref<8x128xf32, #tpu.memory_space<hbm>>)
        %dma_wait3A_945 = arith.constant 1 : i32
        %dma_wait3A_946 = arith.constant 8 : i32
        %dma_wait3A_947 = arith.constant 0 : i32
        %dma_wait3A_948 = tpu.memref_slice %arg13[%dma_wait3A_946, %dma_wait3A_947] : memref<64x129xf32, #tpu.memory_space<vmem>> -> memref<8x128xf32, #tpu.memory_space<vmem>>
        %dma_wait3A_949 = arith.constant 0 : i32
        %dma_wait3A_950 = arith.constant 0 : i32
        %dma_wait3A_951 = tpu.memref_slice %arg5[%sub3A_929, %dma_wait3A_945, %add3A, %dma_wait3A_949, %dma_wait3A_950] : memref<200x8x32x8x128xf32, #tpu.memory_space<hbm>> -> memref<1x1x1x8x128xf32, #tpu.memory_space<hbm>>
        %dma_wait3A_952 = tpu.memref_squeeze %dma_wait3A_951 : memref<1x1x1x8x128xf32, #tpu.memory_space<hbm>> -> memref<8x128xf32, #tpu.memory_space<hbm>>
        %dma_wait3A_953 = arith.constant 0 : i32
        %dma_wait3A_954 = arith.constant 0 : i32
        %dma_wait3A_955 = tpu.memref_slice %arg5[%sub3A_929, %dma_wait3A_945, %add3A, %dma_wait3A_953, %dma_wait3A_954] : memref<200x8x32x8x128xf32, #tpu.memory_space<hbm>> -> memref<1x1x1x8x128xf32, #tpu.memory_space<hbm>>
        %dma_wait3A_956 = tpu.memref_squeeze %dma_wait3A_955 : memref<1x1x1x8x128xf32, #tpu.memory_space<hbm>> -> memref<8x128xf32, #tpu.memory_space<hbm>>
        %dma_wait3A_957 = arith.constant 8 : i32
        %dma_wait3A_958 = arith.constant 0 : i32
        %dma_wait3A_959 = tpu.memref_slice %arg13[%dma_wait3A_957, %dma_wait3A_958] : memref<64x129xf32, #tpu.memory_space<vmem>> -> memref<8x128xf32, #tpu.memory_space<vmem>>
        tpu.wait_dma2 semaphore(%arg19 : memref<!tpu.dma_semaphore, #tpu.memory_space<semaphore_mem>>) src(%dma_wait3A_959 : memref<8x128xf32, #tpu.memory_space<vmem>>) dst(%dma_wait3A_956 : memref<8x128xf32, #tpu.memory_space<hbm>>)
        %dma_wait3A_960 = arith.constant 2 : i32
        %dma_wait3A_961 = arith.constant 16 : i32
        %dma_wait3A_962 = arith.constant 0 : i32
        %dma_wait3A_963 = tpu.memref_slice %arg13[%dma_wait3A_961, %dma_wait3A_962] : memref<64x129xf32, #tpu.memory_space<vmem>> -> memref<8x128xf32, #tpu.memory_space<vmem>>
        %dma_wait3A_964 = arith.constant 0 : i32
        %dma_wait3A_965 = arith.constant 0 : i32
        %dma_wait3A_966 = tpu.memref_slice %arg5[%sub3A_929, %dma_wait3A_960, %add3A, %dma_wait3A_964, %dma_wait3A_965] : memref<200x8x32x8x128xf32, #tpu.memory_space<hbm>> -> memref<1x1x1x8x128xf32, #tpu.memory_space<hbm>>
        %dma_wait3A_967 = tpu.memref_squeeze %dma_wait3A_966 : memref<1x1x1x8x128xf32, #tpu.memory_space<hbm>> -> memref<8x128xf32, #tpu.memory_space<hbm>>
        %dma_wait3A_968 = arith.constant 0 : i32
        %dma_wait3A_969 = arith.constant 0 : i32
        %dma_wait3A_970 = tpu.memref_slice %arg5[%sub3A_929, %dma_wait3A_960, %add3A, %dma_wait3A_968, %dma_wait3A_969] : memref<200x8x32x8x128xf32, #tpu.memory_space<hbm>> -> memref<1x1x1x8x128xf32, #tpu.memory_space<hbm>>
        %dma_wait3A_971 = tpu.memref_squeeze %dma_wait3A_970 : memref<1x1x1x8x128xf32, #tpu.memory_space<hbm>> -> memref<8x128xf32, #tpu.memory_space<hbm>>
        %dma_wait3A_972 = arith.constant 16 : i32
        %dma_wait3A_973 = arith.constant 0 : i32
        %dma_wait3A_974 = tpu.memref_slice %arg13[%dma_wait3A_972, %dma_wait3A_973] : memref<64x129xf32, #tpu.memory_space<vmem>> -> memref<8x128xf32, #tpu.memory_space<vmem>>
        tpu.wait_dma2 semaphore(%arg19 : memref<!tpu.dma_semaphore, #tpu.memory_space<semaphore_mem>>) src(%dma_wait3A_974 : memref<8x128xf32, #tpu.memory_space<vmem>>) dst(%dma_wait3A_971 : memref<8x128xf32, #tpu.memory_space<hbm>>)
        %dma_wait3A_975 = arith.constant 3 : i32
        %dma_wait3A_976 = arith.constant 24 : i32
        %dma_wait3A_977 = arith.constant 0 : i32
        %dma_wait3A_978 = tpu.memref_slice %arg13[%dma_wait3A_976, %dma_wait3A_977] : memref<64x129xf32, #tpu.memory_space<vmem>> -> memref<8x128xf32, #tpu.memory_space<vmem>>
        %dma_wait3A_979 = arith.constant 0 : i32
        %dma_wait3A_980 = arith.constant 0 : i32
        %dma_wait3A_981 = tpu.memref_slice %arg5[%sub3A_929, %dma_wait3A_975, %add3A, %dma_wait3A_979, %dma_wait3A_980] : memref<200x8x32x8x128xf32, #tpu.memory_space<hbm>> -> memref<1x1x1x8x128xf32, #tpu.memory_space<hbm>>
        %dma_wait3A_982 = tpu.memref_squeeze %dma_wait3A_981 : memref<1x1x1x8x128xf32, #tpu.memory_space<hbm>> -> memref<8x128xf32, #tpu.memory_space<hbm>>
        %dma_wait3A_983 = arith.constant 0 : i32
        %dma_wait3A_984 = arith.constant 0 : i32
        %dma_wait3A_985 = tpu.memref_slice %arg5[%sub3A_929, %dma_wait3A_975, %add3A, %dma_wait3A_983, %dma_wait3A_984] : memref<200x8x32x8x128xf32, #tpu.memory_space<hbm>> -> memref<1x1x1x8x128xf32, #tpu.memory_space<hbm>>
        %dma_wait3A_986 = tpu.memref_squeeze %dma_wait3A_985 : memref<1x1x1x8x128xf32, #tpu.memory_space<hbm>> -> memref<8x128xf32, #tpu.memory_space<hbm>>
        %dma_wait3A_987 = arith.constant 24 : i32
        %dma_wait3A_988 = arith.constant 0 : i32
        %dma_wait3A_989 = tpu.memref_slice %arg13[%dma_wait3A_987, %dma_wait3A_988] : memref<64x129xf32, #tpu.memory_space<vmem>> -> memref<8x128xf32, #tpu.memory_space<vmem>>
        tpu.wait_dma2 semaphore(%arg19 : memref<!tpu.dma_semaphore, #tpu.memory_space<semaphore_mem>>) src(%dma_wait3A_989 : memref<8x128xf32, #tpu.memory_space<vmem>>) dst(%dma_wait3A_986 : memref<8x128xf32, #tpu.memory_space<hbm>>)
        %dma_wait3A_990 = arith.constant 4 : i32
        %dma_wait3A_991 = arith.constant 32 : i32
        %dma_wait3A_992 = arith.constant 0 : i32
        %dma_wait3A_993 = tpu.memref_slice %arg13[%dma_wait3A_991, %dma_wait3A_992] : memref<64x129xf32, #tpu.memory_space<vmem>> -> memref<8x128xf32, #tpu.memory_space<vmem>>
        %dma_wait3A_994 = arith.constant 0 : i32
        %dma_wait3A_995 = arith.constant 0 : i32
        %dma_wait3A_996 = tpu.memref_slice %arg5[%sub3A_929, %dma_wait3A_990, %add3A, %dma_wait3A_994, %dma_wait3A_995] : memref<200x8x32x8x128xf32, #tpu.memory_space<hbm>> -> memref<1x1x1x8x128xf32, #tpu.memory_space<hbm>>
        %dma_wait3A_997 = tpu.memref_squeeze %dma_wait3A_996 : memref<1x1x1x8x128xf32, #tpu.memory_space<hbm>> -> memref<8x128xf32, #tpu.memory_space<hbm>>
        %dma_wait3A_998 = arith.constant 0 : i32
        %dma_wait3A_999 = arith.constant 0 : i32
        %dma_wait3A_1000 = tpu.memref_slice %arg5[%sub3A_929, %dma_wait3A_990, %add3A, %dma_wait3A_998, %dma_wait3A_999] : memref<200x8x32x8x128xf32, #tpu.memory_space<hbm>> -> memref<1x1x1x8x128xf32, #tpu.memory_space<hbm>>
        %dma_wait3A_1001 = tpu.memref_squeeze %dma_wait3A_1000 : memref<1x1x1x8x128xf32, #tpu.memory_space<hbm>> -> memref<8x128xf32, #tpu.memory_space<hbm>>
        %dma_wait3A_1002 = arith.constant 32 : i32
        %dma_wait3A_1003 = arith.constant 0 : i32
        %dma_wait3A_1004 = tpu.memref_slice %arg13[%dma_wait3A_1002, %dma_wait3A_1003] : memref<64x129xf32, #tpu.memory_space<vmem>> -> memref<8x128xf32, #tpu.memory_space<vmem>>
        tpu.wait_dma2 semaphore(%arg19 : memref<!tpu.dma_semaphore, #tpu.memory_space<semaphore_mem>>) src(%dma_wait3A_1004 : memref<8x128xf32, #tpu.memory_space<vmem>>) dst(%dma_wait3A_1001 : memref<8x128xf32, #tpu.memory_space<hbm>>)
        %dma_wait3A_1005 = arith.constant 5 : i32
        %dma_wait3A_1006 = arith.constant 40 : i32
        %dma_wait3A_1007 = arith.constant 0 : i32
        %dma_wait3A_1008 = tpu.memref_slice %arg13[%dma_wait3A_1006, %dma_wait3A_1007] : memref<64x129xf32, #tpu.memory_space<vmem>> -> memref<8x128xf32, #tpu.memory_space<vmem>>
        %dma_wait3A_1009 = arith.constant 0 : i32
        %dma_wait3A_1010 = arith.constant 0 : i32
        %dma_wait3A_1011 = tpu.memref_slice %arg5[%sub3A_929, %dma_wait3A_1005, %add3A, %dma_wait3A_1009, %dma_wait3A_1010] : memref<200x8x32x8x128xf32, #tpu.memory_space<hbm>> -> memref<1x1x1x8x128xf32, #tpu.memory_space<hbm>>
        %dma_wait3A_1012 = tpu.memref_squeeze %dma_wait3A_1011 : memref<1x1x1x8x128xf32, #tpu.memory_space<hbm>> -> memref<8x128xf32, #tpu.memory_space<hbm>>
        %dma_wait3A_1013 = arith.constant 0 : i32
        %dma_wait3A_1014 = arith.constant 0 : i32
        %dma_wait3A_1015 = tpu.memref_slice %arg5[%sub3A_929, %dma_wait3A_1005, %add3A, %dma_wait3A_1013, %dma_wait3A_1014] : memref<200x8x32x8x128xf32, #tpu.memory_space<hbm>> -> memref<1x1x1x8x128xf32, #tpu.memory_space<hbm>>
        %dma_wait3A_1016 = tpu.memref_squeeze %dma_wait3A_1015 : memref<1x1x1x8x128xf32, #tpu.memory_space<hbm>> -> memref<8x128xf32, #tpu.memory_space<hbm>>
        %dma_wait3A_1017 = arith.constant 40 : i32
        %dma_wait3A_1018 = arith.constant 0 : i32
        %dma_wait3A_1019 = tpu.memref_slice %arg13[%dma_wait3A_1017, %dma_wait3A_1018] : memref<64x129xf32, #tpu.memory_space<vmem>> -> memref<8x128xf32, #tpu.memory_space<vmem>>
        tpu.wait_dma2 semaphore(%arg19 : memref<!tpu.dma_semaphore, #tpu.memory_space<semaphore_mem>>) src(%dma_wait3A_1019 : memref<8x128xf32, #tpu.memory_space<vmem>>) dst(%dma_wait3A_1016 : memref<8x128xf32, #tpu.memory_space<hbm>>)
        %dma_wait3A_1020 = arith.constant 6 : i32
        %dma_wait3A_1021 = arith.constant 48 : i32
        %dma_wait3A_1022 = arith.constant 0 : i32
        %dma_wait3A_1023 = tpu.memref_slice %arg13[%dma_wait3A_1021, %dma_wait3A_1022] : memref<64x129xf32, #tpu.memory_space<vmem>> -> memref<8x128xf32, #tpu.memory_space<vmem>>
        %dma_wait3A_1024 = arith.constant 0 : i32
        %dma_wait3A_1025 = arith.constant 0 : i32
        %dma_wait3A_1026 = tpu.memref_slice %arg5[%sub3A_929, %dma_wait3A_1020, %add3A, %dma_wait3A_1024, %dma_wait3A_1025] : memref<200x8x32x8x128xf32, #tpu.memory_space<hbm>> -> memref<1x1x1x8x128xf32, #tpu.memory_space<hbm>>
        %dma_wait3A_1027 = tpu.memref_squeeze %dma_wait3A_1026 : memref<1x1x1x8x128xf32, #tpu.memory_space<hbm>> -> memref<8x128xf32, #tpu.memory_space<hbm>>
        %dma_wait3A_1028 = arith.constant 0 : i32
        %dma_wait3A_1029 = arith.constant 0 : i32
        %dma_wait3A_1030 = tpu.memref_slice %arg5[%sub3A_929, %dma_wait3A_1020, %add3A, %dma_wait3A_1028, %dma_wait3A_1029] : memref<200x8x32x8x128xf32, #tpu.memory_space<hbm>> -> memref<1x1x1x8x128xf32, #tpu.memory_space<hbm>>
        %dma_wait3A_1031 = tpu.memref_squeeze %dma_wait3A_1030 : memref<1x1x1x8x128xf32, #tpu.memory_space<hbm>> -> memref<8x128xf32, #tpu.memory_space<hbm>>
        %dma_wait3A_1032 = arith.constant 48 : i32
        %dma_wait3A_1033 = arith.constant 0 : i32
        %dma_wait3A_1034 = tpu.memref_slice %arg13[%dma_wait3A_1032, %dma_wait3A_1033] : memref<64x129xf32, #tpu.memory_space<vmem>> -> memref<8x128xf32, #tpu.memory_space<vmem>>
        tpu.wait_dma2 semaphore(%arg19 : memref<!tpu.dma_semaphore, #tpu.memory_space<semaphore_mem>>) src(%dma_wait3A_1034 : memref<8x128xf32, #tpu.memory_space<vmem>>) dst(%dma_wait3A_1031 : memref<8x128xf32, #tpu.memory_space<hbm>>)
        %dma_wait3A_1035 = arith.constant 7 : i32
        %dma_wait3A_1036 = arith.constant 56 : i32
        %dma_wait3A_1037 = arith.constant 0 : i32
        %dma_wait3A_1038 = tpu.memref_slice %arg13[%dma_wait3A_1036, %dma_wait3A_1037] : memref<64x129xf32, #tpu.memory_space<vmem>> -> memref<8x128xf32, #tpu.memory_space<vmem>>
        %dma_wait3A_1039 = arith.constant 0 : i32
        %dma_wait3A_1040 = arith.constant 0 : i32
        %dma_wait3A_1041 = tpu.memref_slice %arg5[%sub3A_929, %dma_wait3A_1035, %add3A, %dma_wait3A_1039, %dma_wait3A_1040] : memref<200x8x32x8x128xf32, #tpu.memory_space<hbm>> -> memref<1x1x1x8x128xf32, #tpu.memory_space<hbm>>
        %dma_wait3A_1042 = tpu.memref_squeeze %dma_wait3A_1041 : memref<1x1x1x8x128xf32, #tpu.memory_space<hbm>> -> memref<8x128xf32, #tpu.memory_space<hbm>>
        %dma_wait3A_1043 = arith.constant 0 : i32
        %dma_wait3A_1044 = arith.constant 0 : i32
        %dma_wait3A_1045 = tpu.memref_slice %arg5[%sub3A_929, %dma_wait3A_1035, %add3A, %dma_wait3A_1043, %dma_wait3A_1044] : memref<200x8x32x8x128xf32, #tpu.memory_space<hbm>> -> memref<1x1x1x8x128xf32, #tpu.memory_space<hbm>>
        %dma_wait3A_1046 = tpu.memref_squeeze %dma_wait3A_1045 : memref<1x1x1x8x128xf32, #tpu.memory_space<hbm>> -> memref<8x128xf32, #tpu.memory_space<hbm>>
        %dma_wait3A_1047 = arith.constant 56 : i32
        %dma_wait3A_1048 = arith.constant 0 : i32
        %dma_wait3A_1049 = tpu.memref_slice %arg13[%dma_wait3A_1047, %dma_wait3A_1048] : memref<64x129xf32, #tpu.memory_space<vmem>> -> memref<8x128xf32, #tpu.memory_space<vmem>>
        tpu.wait_dma2 semaphore(%arg19 : memref<!tpu.dma_semaphore, #tpu.memory_space<semaphore_mem>>) src(%dma_wait3A_1049 : memref<8x128xf32, #tpu.memory_space<vmem>>) dst(%dma_wait3A_1046 : memref<8x128xf32, #tpu.memory_space<hbm>>)
      } else {
      }
      %get3A_475 = arith.index_cast %add3A_454 : i32 to index
      %get3A_476 = arith.constant 0 : index
      %get3A_477 = tpu.vector_load %arg11[%get3A_475, %get3A_476] {strides = array<i32>} : memref<200x64xf32, #tpu.memory_space<vmem>>, vector<16xf32>,
      %get3A_478 = arith.index_cast %add3A_454 : i32 to index
      %get3A_479 = arith.constant 16 : index
      %get3A_480 = tpu.vector_load %arg11[%get3A_478, %get3A_479] {strides = array<i32>} : memref<200x64xf32, #tpu.memory_space<vmem>>, vector<16xf32>,
      %get3A_481 = arith.index_cast %add3A_454 : i32 to index
      %get3A_482 = arith.constant 32 : index
      %get3A_483 = tpu.vector_load %arg11[%get3A_481, %get3A_482] {strides = array<i32>} : memref<200x64xf32, #tpu.memory_space<vmem>>, vector<16xf32>,
      %get3A_484 = arith.index_cast %add3A_454 : i32 to index
      %get3A_485 = arith.constant 48 : index
      %get3A_486 = tpu.vector_load %arg11[%get3A_484, %get3A_485] {strides = array<i32>} : memref<200x64xf32, #tpu.memory_space<vmem>>, vector<16xf32>,
      %parallel_loop3A_487 = arith.constant 0 : i32
      %parallel_loop3A_488 = arith.constant 128 : i32
      %parallel_loop3A_489 = arith.constant 1 : i32
      scf.for %parallel_loop3A_928 = %parallel_loop3A_487 to %parallel_loop3A_488 step %parallel_loop3A_489  : i32 {
        %parallel_loop3A_929 = vector.broadcast %parallel_loop3A_928 : i32 to vector<16xi32>
        %parallel_loop3A_930 = arith.index_cast %parallel_loop3A_928 : i32 to index
        %parallel_loop3A_931 = arith.constant 0 : index
        %parallel_loop3A_932 = tpu.vector_load %arg8[%parallel_loop3A_930, %parallel_loop3A_931] {strides = array<i32>} : memref<128x64xf32, #tpu.memory_space<vmem>>, vector<16xf32>,
        %parallel_loop3A_933 = arith.addf %parallel_loop3A_932, %get3A_477 : vector<16xf32>
        tpu.vector_store_idx %arg13[%add3A_5, %parallel_loop3A_929], %parallel_loop3A_933 : memref<64x129xf32, #tpu.memory_space<vmem>>[vector<16xi32>, vector<16xi32>], vector<16xf32>,
        %parallel_loop3A_934 = arith.index_cast %parallel_loop3A_928 : i32 to index
        %parallel_loop3A_935 = arith.constant 16 : index
        %parallel_loop3A_936 = tpu.vector_load %arg8[%parallel_loop3A_934, %parallel_loop3A_935] {strides = array<i32>} : memref<128x64xf32, #tpu.memory_space<vmem>>, vector<16xf32>,
        %parallel_loop3A_937 = arith.addf %parallel_loop3A_936, %get3A_480 : vector<16xf32>
        tpu.vector_store_idx %arg13[%add3A_8, %parallel_loop3A_929], %parallel_loop3A_937 : memref<64x129xf32, #tpu.memory_space<vmem>>[vector<16xi32>, vector<16xi32>], vector<16xf32>,
        %parallel_loop3A_938 = arith.index_cast %parallel_loop3A_928 : i32 to index
        %parallel_loop3A_939 = arith.constant 32 : index
        %parallel_loop3A_940 = tpu.vector_load %arg8[%parallel_loop3A_938, %parallel_loop3A_939] {strides = array<i32>} : memref<128x64xf32, #tpu.memory_space<vmem>>, vector<16xf32>,
        %parallel_loop3A_941 = arith.addf %parallel_loop3A_940, %get3A_483 : vector<16xf32>
        tpu.vector_store_idx %arg13[%add3A_11, %parallel_loop3A_929], %parallel_loop3A_941 : memref<64x129xf32, #tpu.memory_space<vmem>>[vector<16xi32>, vector<16xi32>], vector<16xf32>,
        %parallel_loop3A_942 = arith.index_cast %parallel_loop3A_928 : i32 to index
        %parallel_loop3A_943 = arith.constant 48 : index
        %parallel_loop3A_944 = tpu.vector_load %arg8[%parallel_loop3A_942, %parallel_loop3A_943] {strides = array<i32>} : memref<128x64xf32, #tpu.memory_space<vmem>>, vector<16xf32>,
        %parallel_loop3A_945 = arith.addf %parallel_loop3A_944, %get3A_486 : vector<16xf32>
        tpu.vector_store_idx %arg13[%add3A_14, %parallel_loop3A_929], %parallel_loop3A_945 : memref<64x129xf32, #tpu.memory_space<vmem>>[vector<16xi32>, vector<16xi32>], vector<16xf32>,
      } {sc.loop_unroll_factor = 16 : i64, sc.parallel_access}
      %dma_start3A_490 = arith.constant 0 : i32
      %dma_start3A_491 = arith.constant 0 : i32
      %dma_start3A_492 = arith.constant 0 : i32
      %dma_start3A_493 = tpu.memref_slice %arg13[%dma_start3A_491, %dma_start3A_492] : memref<64x129xf32, #tpu.memory_space<vmem>> -> memref<8x128xf32, #tpu.memory_space<vmem>>
      %dma_start3A_494 = arith.constant 0 : i32
      %dma_start3A_495 = arith.constant 0 : i32
      %dma_start3A_496 = tpu.memref_slice %arg5[%add3A_454, %dma_start3A_490, %add3A, %dma_start3A_494, %dma_start3A_495] : memref<200x8x32x8x128xf32, #tpu.memory_space<hbm>> -> memref<1x1x1x8x128xf32, #tpu.memory_space<hbm>>
      %dma_start3A_497 = tpu.memref_squeeze %dma_start3A_496 : memref<1x1x1x8x128xf32, #tpu.memory_space<hbm>> -> memref<8x128xf32, #tpu.memory_space<hbm>>
      %dma_start3A_498 = arith.constant 0 : i32
      %dma_start3A_499 = arith.constant 0 : i32
      %dma_start3A_500 = tpu.memref_slice %arg5[%add3A_454, %dma_start3A_490, %add3A, %dma_start3A_498, %dma_start3A_499] : memref<200x8x32x8x128xf32, #tpu.memory_space<hbm>> -> memref<1x1x1x8x128xf32, #tpu.memory_space<hbm>>
      %dma_start3A_501 = tpu.memref_squeeze %dma_start3A_500 : memref<1x1x1x8x128xf32, #tpu.memory_space<hbm>> -> memref<8x128xf32, #tpu.memory_space<hbm>>
      %dma_start3A_502 = arith.constant 0 : i32
      %dma_start3A_503 = arith.constant 0 : i32
      %dma_start3A_504 = tpu.memref_slice %arg13[%dma_start3A_502, %dma_start3A_503] : memref<64x129xf32, #tpu.memory_space<vmem>> -> memref<8x128xf32, #tpu.memory_space<vmem>>
      tpu.enqueue_dma source(%dma_start3A_504 : memref<8x128xf32, #tpu.memory_space<vmem>>) target(%dma_start3A_501 : memref<8x128xf32, #tpu.memory_space<hbm>>) target_semaphore(%arg19 : memref<!tpu.dma_semaphore, #tpu.memory_space<semaphore_mem>>)
      %dma_start3A_505 = arith.constant 1 : i32
      %dma_start3A_506 = arith.constant 8 : i32
      %dma_start3A_507 = arith.constant 0 : i32
      %dma_start3A_508 = tpu.memref_slice %arg13[%dma_start3A_506, %dma_start3A_507] : memref<64x129xf32, #tpu.memory_space<vmem>> -> memref<8x128xf32, #tpu.memory_space<vmem>>
      %dma_start3A_509 = arith.constant 0 : i32
      %dma_start3A_510 = arith.constant 0 : i32
      %dma_start3A_511 = tpu.memref_slice %arg5[%add3A_454, %dma_start3A_505, %add3A, %dma_start3A_509, %dma_start3A_510] : memref<200x8x32x8x128xf32, #tpu.memory_space<hbm>> -> memref<1x1x1x8x128xf32, #tpu.memory_space<hbm>>
      %dma_start3A_512 = tpu.memref_squeeze %dma_start3A_511 : memref<1x1x1x8x128xf32, #tpu.memory_space<hbm>> -> memref<8x128xf32, #tpu.memory_space<hbm>>
      %dma_start3A_513 = arith.constant 0 : i32
      %dma_start3A_514 = arith.constant 0 : i32
      %dma_start3A_515 = tpu.memref_slice %arg5[%add3A_454, %dma_start3A_505, %add3A, %dma_start3A_513, %dma_start3A_514] : memref<200x8x32x8x128xf32, #tpu.memory_space<hbm>> -> memref<1x1x1x8x128xf32, #tpu.memory_space<hbm>>
      %dma_start3A_516 = tpu.memref_squeeze %dma_start3A_515 : memref<1x1x1x8x128xf32, #tpu.memory_space<hbm>> -> memref<8x128xf32, #tpu.memory_space<hbm>>
      %dma_start3A_517 = arith.constant 8 : i32
      %dma_start3A_518 = arith.constant 0 : i32
      %dma_start3A_519 = tpu.memref_slice %arg13[%dma_start3A_517, %dma_start3A_518] : memref<64x129xf32, #tpu.memory_space<vmem>> -> memref<8x128xf32, #tpu.memory_space<vmem>>
      tpu.enqueue_dma source(%dma_start3A_519 : memref<8x128xf32, #tpu.memory_space<vmem>>) target(%dma_start3A_516 : memref<8x128xf32, #tpu.memory_space<hbm>>) target_semaphore(%arg19 : memref<!tpu.dma_semaphore, #tpu.memory_space<semaphore_mem>>)
      %dma_start3A_520 = arith.constant 2 : i32
      %dma_start3A_521 = arith.constant 16 : i32
      %dma_start3A_522 = arith.constant 0 : i32
      %dma_start3A_523 = tpu.memref_slice %arg13[%dma_start3A_521, %dma_start3A_522] : memref<64x129xf32, #tpu.memory_space<vmem>> -> memref<8x128xf32, #tpu.memory_space<vmem>>
      %dma_start3A_524 = arith.constant 0 : i32
      %dma_start3A_525 = arith.constant 0 : i32
      %dma_start3A_526 = tpu.memref_slice %arg5[%add3A_454, %dma_start3A_520, %add3A, %dma_start3A_524, %dma_start3A_525] : memref<200x8x32x8x128xf32, #tpu.memory_space<hbm>> -> memref<1x1x1x8x128xf32, #tpu.memory_space<hbm>>
      %dma_start3A_527 = tpu.memref_squeeze %dma_start3A_526 : memref<1x1x1x8x128xf32, #tpu.memory_space<hbm>> -> memref<8x128xf32, #tpu.memory_space<hbm>>
      %dma_start3A_528 = arith.constant 0 : i32
      %dma_start3A_529 = arith.constant 0 : i32
      %dma_start3A_530 = tpu.memref_slice %arg5[%add3A_454, %dma_start3A_520, %add3A, %dma_start3A_528, %dma_start3A_529] : memref<200x8x32x8x128xf32, #tpu.memory_space<hbm>> -> memref<1x1x1x8x128xf32, #tpu.memory_space<hbm>>
      %dma_start3A_531 = tpu.memref_squeeze %dma_start3A_530 : memref<1x1x1x8x128xf32, #tpu.memory_space<hbm>> -> memref<8x128xf32, #tpu.memory_space<hbm>>
      %dma_start3A_532 = arith.constant 16 : i32
      %dma_start3A_533 = arith.constant 0 : i32
      %dma_start3A_534 = tpu.memref_slice %arg13[%dma_start3A_532, %dma_start3A_533] : memref<64x129xf32, #tpu.memory_space<vmem>> -> memref<8x128xf32, #tpu.memory_space<vmem>>
      tpu.enqueue_dma source(%dma_start3A_534 : memref<8x128xf32, #tpu.memory_space<vmem>>) target(%dma_start3A_531 : memref<8x128xf32, #tpu.memory_space<hbm>>) target_semaphore(%arg19 : memref<!tpu.dma_semaphore, #tpu.memory_space<semaphore_mem>>)
      %dma_start3A_535 = arith.constant 3 : i32
      %dma_start3A_536 = arith.constant 24 : i32
      %dma_start3A_537 = arith.constant 0 : i32
      %dma_start3A_538 = tpu.memref_slice %arg13[%dma_start3A_536, %dma_start3A_537] : memref<64x129xf32, #tpu.memory_space<vmem>> -> memref<8x128xf32, #tpu.memory_space<vmem>>
      %dma_start3A_539 = arith.constant 0 : i32
      %dma_start3A_540 = arith.constant 0 : i32
      %dma_start3A_541 = tpu.memref_slice %arg5[%add3A_454, %dma_start3A_535, %add3A, %dma_start3A_539, %dma_start3A_540] : memref<200x8x32x8x128xf32, #tpu.memory_space<hbm>> -> memref<1x1x1x8x128xf32, #tpu.memory_space<hbm>>
      %dma_start3A_542 = tpu.memref_squeeze %dma_start3A_541 : memref<1x1x1x8x128xf32, #tpu.memory_space<hbm>> -> memref<8x128xf32, #tpu.memory_space<hbm>>
      %dma_start3A_543 = arith.constant 0 : i32
      %dma_start3A_544 = arith.constant 0 : i32
      %dma_start3A_545 = tpu.memref_slice %arg5[%add3A_454, %dma_start3A_535, %add3A, %dma_start3A_543, %dma_start3A_544] : memref<200x8x32x8x128xf32, #tpu.memory_space<hbm>> -> memref<1x1x1x8x128xf32, #tpu.memory_space<hbm>>
      %dma_start3A_546 = tpu.memref_squeeze %dma_start3A_545 : memref<1x1x1x8x128xf32, #tpu.memory_space<hbm>> -> memref<8x128xf32, #tpu.memory_space<hbm>>
      %dma_start3A_547 = arith.constant 24 : i32
      %dma_start3A_548 = arith.constant 0 : i32
      %dma_start3A_549 = tpu.memref_slice %arg13[%dma_start3A_547, %dma_start3A_548] : memref<64x129xf32, #tpu.memory_space<vmem>> -> memref<8x128xf32, #tpu.memory_space<vmem>>
      tpu.enqueue_dma source(%dma_start3A_549 : memref<8x128xf32, #tpu.memory_space<vmem>>) target(%dma_start3A_546 : memref<8x128xf32, #tpu.memory_space<hbm>>) target_semaphore(%arg19 : memref<!tpu.dma_semaphore, #tpu.memory_space<semaphore_mem>>)
      %dma_start3A_550 = arith.constant 4 : i32
      %dma_start3A_551 = arith.constant 32 : i32
      %dma_start3A_552 = arith.constant 0 : i32
      %dma_start3A_553 = tpu.memref_slice %arg13[%dma_start3A_551, %dma_start3A_552] : memref<64x129xf32, #tpu.memory_space<vmem>> -> memref<8x128xf32, #tpu.memory_space<vmem>>
      %dma_start3A_554 = arith.constant 0 : i32
      %dma_start3A_555 = arith.constant 0 : i32
      %dma_start3A_556 = tpu.memref_slice %arg5[%add3A_454, %dma_start3A_550, %add3A, %dma_start3A_554, %dma_start3A_555] : memref<200x8x32x8x128xf32, #tpu.memory_space<hbm>> -> memref<1x1x1x8x128xf32, #tpu.memory_space<hbm>>
      %dma_start3A_557 = tpu.memref_squeeze %dma_start3A_556 : memref<1x1x1x8x128xf32, #tpu.memory_space<hbm>> -> memref<8x128xf32, #tpu.memory_space<hbm>>
      %dma_start3A_558 = arith.constant 0 : i32
      %dma_start3A_559 = arith.constant 0 : i32
      %dma_start3A_560 = tpu.memref_slice %arg5[%add3A_454, %dma_start3A_550, %add3A, %dma_start3A_558, %dma_start3A_559] : memref<200x8x32x8x128xf32, #tpu.memory_space<hbm>> -> memref<1x1x1x8x128xf32, #tpu.memory_space<hbm>>
      %dma_start3A_561 = tpu.memref_squeeze %dma_start3A_560 : memref<1x1x1x8x128xf32, #tpu.memory_space<hbm>> -> memref<8x128xf32, #tpu.memory_space<hbm>>
      %dma_start3A_562 = arith.constant 32 : i32
      %dma_start3A_563 = arith.constant 0 : i32
      %dma_start3A_564 = tpu.memref_slice %arg13[%dma_start3A_562, %dma_start3A_563] : memref<64x129xf32, #tpu.memory_space<vmem>> -> memref<8x128xf32, #tpu.memory_space<vmem>>
      tpu.enqueue_dma source(%dma_start3A_564 : memref<8x128xf32, #tpu.memory_space<vmem>>) target(%dma_start3A_561 : memref<8x128xf32, #tpu.memory_space<hbm>>) target_semaphore(%arg19 : memref<!tpu.dma_semaphore, #tpu.memory_space<semaphore_mem>>)
      %dma_start3A_565 = arith.constant 5 : i32
      %dma_start3A_566 = arith.constant 40 : i32
      %dma_start3A_567 = arith.constant 0 : i32
      %dma_start3A_568 = tpu.memref_slice %arg13[%dma_start3A_566, %dma_start3A_567] : memref<64x129xf32, #tpu.memory_space<vmem>> -> memref<8x128xf32, #tpu.memory_space<vmem>>
      %dma_start3A_569 = arith.constant 0 : i32
      %dma_start3A_570 = arith.constant 0 : i32
      %dma_start3A_571 = tpu.memref_slice %arg5[%add3A_454, %dma_start3A_565, %add3A, %dma_start3A_569, %dma_start3A_570] : memref<200x8x32x8x128xf32, #tpu.memory_space<hbm>> -> memref<1x1x1x8x128xf32, #tpu.memory_space<hbm>>
      %dma_start3A_572 = tpu.memref_squeeze %dma_start3A_571 : memref<1x1x1x8x128xf32, #tpu.memory_space<hbm>> -> memref<8x128xf32, #tpu.memory_space<hbm>>
      %dma_start3A_573 = arith.constant 0 : i32
      %dma_start3A_574 = arith.constant 0 : i32
      %dma_start3A_575 = tpu.memref_slice %arg5[%add3A_454, %dma_start3A_565, %add3A, %dma_start3A_573, %dma_start3A_574] : memref<200x8x32x8x128xf32, #tpu.memory_space<hbm>> -> memref<1x1x1x8x128xf32, #tpu.memory_space<hbm>>
      %dma_start3A_576 = tpu.memref_squeeze %dma_start3A_575 : memref<1x1x1x8x128xf32, #tpu.memory_space<hbm>> -> memref<8x128xf32, #tpu.memory_space<hbm>>
      %dma_start3A_577 = arith.constant 40 : i32
      %dma_start3A_578 = arith.constant 0 : i32
      %dma_start3A_579 = tpu.memref_slice %arg13[%dma_start3A_577, %dma_start3A_578] : memref<64x129xf32, #tpu.memory_space<vmem>> -> memref<8x128xf32, #tpu.memory_space<vmem>>
      tpu.enqueue_dma source(%dma_start3A_579 : memref<8x128xf32, #tpu.memory_space<vmem>>) target(%dma_start3A_576 : memref<8x128xf32, #tpu.memory_space<hbm>>) target_semaphore(%arg19 : memref<!tpu.dma_semaphore, #tpu.memory_space<semaphore_mem>>)
      %dma_start3A_580 = arith.constant 6 : i32
      %dma_start3A_581 = arith.constant 48 : i32
      %dma_start3A_582 = arith.constant 0 : i32
      %dma_start3A_583 = tpu.memref_slice %arg13[%dma_start3A_581, %dma_start3A_582] : memref<64x129xf32, #tpu.memory_space<vmem>> -> memref<8x128xf32, #tpu.memory_space<vmem>>
      %dma_start3A_584 = arith.constant 0 : i32
      %dma_start3A_585 = arith.constant 0 : i32
      %dma_start3A_586 = tpu.memref_slice %arg5[%add3A_454, %dma_start3A_580, %add3A, %dma_start3A_584, %dma_start3A_585] : memref<200x8x32x8x128xf32, #tpu.memory_space<hbm>> -> memref<1x1x1x8x128xf32, #tpu.memory_space<hbm>>
      %dma_start3A_587 = tpu.memref_squeeze %dma_start3A_586 : memref<1x1x1x8x128xf32, #tpu.memory_space<hbm>> -> memref<8x128xf32, #tpu.memory_space<hbm>>
      %dma_start3A_588 = arith.constant 0 : i32
      %dma_start3A_589 = arith.constant 0 : i32
      %dma_start3A_590 = tpu.memref_slice %arg5[%add3A_454, %dma_start3A_580, %add3A, %dma_start3A_588, %dma_start3A_589] : memref<200x8x32x8x128xf32, #tpu.memory_space<hbm>> -> memref<1x1x1x8x128xf32, #tpu.memory_space<hbm>>
      %dma_start3A_591 = tpu.memref_squeeze %dma_start3A_590 : memref<1x1x1x8x128xf32, #tpu.memory_space<hbm>> -> memref<8x128xf32, #tpu.memory_space<hbm>>
      %dma_start3A_592 = arith.constant 48 : i32
      %dma_start3A_593 = arith.constant 0 : i32
      %dma_start3A_594 = tpu.memref_slice %arg13[%dma_start3A_592, %dma_start3A_593] : memref<64x129xf32, #tpu.memory_space<vmem>> -> memref<8x128xf32, #tpu.memory_space<vmem>>
      tpu.enqueue_dma source(%dma_start3A_594 : memref<8x128xf32, #tpu.memory_space<vmem>>) target(%dma_start3A_591 : memref<8x128xf32, #tpu.memory_space<hbm>>) target_semaphore(%arg19 : memref<!tpu.dma_semaphore, #tpu.memory_space<semaphore_mem>>)
      %dma_start3A_595 = arith.constant 7 : i32
      %dma_start3A_596 = arith.constant 56 : i32
      %dma_start3A_597 = arith.constant 0 : i32
      %dma_start3A_598 = tpu.memref_slice %arg13[%dma_start3A_596, %dma_start3A_597] : memref<64x129xf32, #tpu.memory_space<vmem>> -> memref<8x128xf32, #tpu.memory_space<vmem>>
      %dma_start3A_599 = arith.constant 0 : i32
      %dma_start3A_600 = arith.constant 0 : i32
      %dma_start3A_601 = tpu.memref_slice %arg5[%add3A_454, %dma_start3A_595, %add3A, %dma_start3A_599, %dma_start3A_600] : memref<200x8x32x8x128xf32, #tpu.memory_space<hbm>> -> memref<1x1x1x8x128xf32, #tpu.memory_space<hbm>>
      %dma_start3A_602 = tpu.memref_squeeze %dma_start3A_601 : memref<1x1x1x8x128xf32, #tpu.memory_space<hbm>> -> memref<8x128xf32, #tpu.memory_space<hbm>>
      %dma_start3A_603 = arith.constant 0 : i32
      %dma_start3A_604 = arith.constant 0 : i32
      %dma_start3A_605 = tpu.memref_slice %arg5[%add3A_454, %dma_start3A_595, %add3A, %dma_start3A_603, %dma_start3A_604] : memref<200x8x32x8x128xf32, #tpu.memory_space<hbm>> -> memref<1x1x1x8x128xf32, #tpu.memory_space<hbm>>
      %dma_start3A_606 = tpu.memref_squeeze %dma_start3A_605 : memref<1x1x1x8x128xf32, #tpu.memory_space<hbm>> -> memref<8x128xf32, #tpu.memory_space<hbm>>
      %dma_start3A_607 = arith.constant 56 : i32
      %dma_start3A_608 = arith.constant 0 : i32
      %dma_start3A_609 = tpu.memref_slice %arg13[%dma_start3A_607, %dma_start3A_608] : memref<64x129xf32, #tpu.memory_space<vmem>> -> memref<8x128xf32, #tpu.memory_space<vmem>>
      tpu.enqueue_dma source(%dma_start3A_609 : memref<8x128xf32, #tpu.memory_space<vmem>>) target(%dma_start3A_606 : memref<8x128xf32, #tpu.memory_space<hbm>>) target_semaphore(%arg19 : memref<!tpu.dma_semaphore, #tpu.memory_space<semaphore_mem>>)
      %mul3A_610 = arith.constant 4 : i32
      %mul3A_611 = arith.muli %mul3A_610, %add3A_298 : i32
      %add3A_612 = arith.constant 2 : i32
      %add3A_613 = arith.addi %mul3A_611, %add3A_612 : i32
      %add3A_614 = arith.constant 4 : i32
      %add3A_615 = arith.addi %add3A_613, %add3A_614 : i32
      %sub3A_616 = arith.constant 1 : i32
      %sub3A_617 = arith.subi %add3A_615, %sub3A_616 : i32
      %lt3A_618 = arith.constant 200 : i32
      %lt3A_619 = arith.cmpi slt, %sub3A_617, %lt3A_618 : i32
      %convert_element_type3A_620 = arith.extui %lt3A_619 : i1 to i32
      %cond3A_621 = arith.constant 0 : i32
      %cond3A_622 = arith.cmpi ne, %convert_element_type3A_620, %cond3A_621 : i32
      scf.if %cond3A_622 {
        %add3A_928 = arith.constant 4 : i32
        %add3A_929 = arith.addi %add3A_613, %add3A_928 : i32
        %sub3A_930 = arith.constant 1 : i32
        %sub3A_931 = arith.subi %add3A_929, %sub3A_930 : i32
        %dma_start3A_932 = arith.constant 0 : i32
        %dma_start3A_933 = tpu.memref_slice %arg6[%sub3A_931, %dma_start3A_932] : memref<200x128xi32, #tpu.memory_space<vmem>> -> memref<1x128xi32, #tpu.memory_space<vmem>>
        %dma_start3A_934 = tpu.memref_squeeze %dma_start3A_933 : memref<1x128xi32, #tpu.memory_space<vmem>> -> memref<128xi32, #tpu.memory_space<vmem>>
        %dma_start3A_935 = arith.constant 0 : i32
        %dma_start3A_936 = arith.constant 0 : i32
        %dma_start3A_937 = tpu.memref_slice %arg3[%dma_start3A_935, %dma_start3A_936] : memref<1000000x64xf32, #tpu.memory_space<hbm>> -> memref<1000000x64xf32, #tpu.memory_space<hbm>>
        tpu.enqueue_indirect_dma source(%dma_start3A_937 : memref<1000000x64xf32, #tpu.memory_space<hbm>>) target(%arg8 : memref<128x64xf32, #tpu.memory_space<vmem>>) offsets(%dma_start3A_934 : memref<128xi32, #tpu.memory_space<vmem>>) semaphore(%arg15 : memref<!tpu.dma_semaphore, #tpu.memory_space<semaphore_mem>>)
      } else {
      }
      %dma_wait3A_623 = arith.constant 0 : i32
      %dma_wait3A_624 = tpu.memref_slice %arg6[%add3A_613, %dma_wait3A_623] : memref<200x128xi32, #tpu.memory_space<vmem>> -> memref<1x128xi32, #tpu.memory_space<vmem>>
      %dma_wait3A_625 = tpu.memref_squeeze %dma_wait3A_624 : memref<1x128xi32, #tpu.memory_space<vmem>> -> memref<128xi32, #tpu.memory_space<vmem>>
      %dma_wait3A_626 = arith.constant 0 : i32
      %dma_wait3A_627 = arith.constant 0 : i32
      %dma_wait3A_628 = tpu.memref_slice %arg3[%dma_wait3A_626, %dma_wait3A_627] : memref<1000000x64xf32, #tpu.memory_space<hbm>> -> memref<1000000x64xf32, #tpu.memory_space<hbm>>
      tpu.wait_indirect_dma semaphore(%arg16 : memref<!tpu.dma_semaphore, #tpu.memory_space<semaphore_mem>>) src(%dma_wait3A_628 : memref<1000000x64xf32, #tpu.memory_space<hbm>>) dst(%arg9 : memref<128x64xf32, #tpu.memory_space<vmem>>)
      %ge3A_629 = arith.constant 2 : i32
      %ge3A_630 = arith.cmpi sge, %add3A_613, %ge3A_629 : i32
      %convert_element_type3A_631 = arith.extui %ge3A_630 : i1 to i32
      %cond3A_632 = arith.constant 0 : i32
      %cond3A_633 = arith.cmpi ne, %convert_element_type3A_631, %cond3A_632 : i32
      scf.if %cond3A_633 {
        %sub3A_928 = arith.constant 2 : i32
        %sub3A_929 = arith.subi %add3A_613, %sub3A_928 : i32
        %dma_wait3A_930 = arith.constant 0 : i32
        %dma_wait3A_931 = arith.constant 0 : i32
        %dma_wait3A_932 = arith.constant 0 : i32
        %dma_wait3A_933 = tpu.memref_slice %arg12[%dma_wait3A_931, %dma_wait3A_932] : memref<64x129xf32, #tpu.memory_space<vmem>> -> memref<8x128xf32, #tpu.memory_space<vmem>>
        %dma_wait3A_934 = arith.constant 0 : i32
        %dma_wait3A_935 = arith.constant 0 : i32
        %dma_wait3A_936 = tpu.memref_slice %arg5[%sub3A_929, %dma_wait3A_930, %add3A, %dma_wait3A_934, %dma_wait3A_935] : memref<200x8x32x8x128xf32, #tpu.memory_space<hbm>> -> memref<1x1x1x8x128xf32, #tpu.memory_space<hbm>>
        %dma_wait3A_937 = tpu.memref_squeeze %dma_wait3A_936 : memref<1x1x1x8x128xf32, #tpu.memory_space<hbm>> -> memref<8x128xf32, #tpu.memory_space<hbm>>
        %dma_wait3A_938 = arith.constant 0 : i32
        %dma_wait3A_939 = arith.constant 0 : i32
        %dma_wait3A_940 = tpu.memref_slice %arg5[%sub3A_929, %dma_wait3A_930, %add3A, %dma_wait3A_938, %dma_wait3A_939] : memref<200x8x32x8x128xf32, #tpu.memory_space<hbm>> -> memref<1x1x1x8x128xf32, #tpu.memory_space<hbm>>
        %dma_wait3A_941 = tpu.memref_squeeze %dma_wait3A_940 : memref<1x1x1x8x128xf32, #tpu.memory_space<hbm>> -> memref<8x128xf32, #tpu.memory_space<hbm>>
        %dma_wait3A_942 = arith.constant 0 : i32
        %dma_wait3A_943 = arith.constant 0 : i32
        %dma_wait3A_944 = tpu.memref_slice %arg12[%dma_wait3A_942, %dma_wait3A_943] : memref<64x129xf32, #tpu.memory_space<vmem>> -> memref<8x128xf32, #tpu.memory_space<vmem>>
        tpu.wait_dma2 semaphore(%arg18 : memref<!tpu.dma_semaphore, #tpu.memory_space<semaphore_mem>>) src(%dma_wait3A_944 : memref<8x128xf32, #tpu.memory_space<vmem>>) dst(%dma_wait3A_941 : memref<8x128xf32, #tpu.memory_space<hbm>>)
        %dma_wait3A_945 = arith.constant 1 : i32
        %dma_wait3A_946 = arith.constant 8 : i32
        %dma_wait3A_947 = arith.constant 0 : i32
        %dma_wait3A_948 = tpu.memref_slice %arg12[%dma_wait3A_946, %dma_wait3A_947] : memref<64x129xf32, #tpu.memory_space<vmem>> -> memref<8x128xf32, #tpu.memory_space<vmem>>
        %dma_wait3A_949 = arith.constant 0 : i32
        %dma_wait3A_950 = arith.constant 0 : i32
        %dma_wait3A_951 = tpu.memref_slice %arg5[%sub3A_929, %dma_wait3A_945, %add3A, %dma_wait3A_949, %dma_wait3A_950] : memref<200x8x32x8x128xf32, #tpu.memory_space<hbm>> -> memref<1x1x1x8x128xf32, #tpu.memory_space<hbm>>
        %dma_wait3A_952 = tpu.memref_squeeze %dma_wait3A_951 : memref<1x1x1x8x128xf32, #tpu.memory_space<hbm>> -> memref<8x128xf32, #tpu.memory_space<hbm>>
        %dma_wait3A_953 = arith.constant 0 : i32
        %dma_wait3A_954 = arith.constant 0 : i32
        %dma_wait3A_955 = tpu.memref_slice %arg5[%sub3A_929, %dma_wait3A_945, %add3A, %dma_wait3A_953, %dma_wait3A_954] : memref<200x8x32x8x128xf32, #tpu.memory_space<hbm>> -> memref<1x1x1x8x128xf32, #tpu.memory_space<hbm>>
        %dma_wait3A_956 = tpu.memref_squeeze %dma_wait3A_955 : memref<1x1x1x8x128xf32, #tpu.memory_space<hbm>> -> memref<8x128xf32, #tpu.memory_space<hbm>>
        %dma_wait3A_957 = arith.constant 8 : i32
        %dma_wait3A_958 = arith.constant 0 : i32
        %dma_wait3A_959 = tpu.memref_slice %arg12[%dma_wait3A_957, %dma_wait3A_958] : memref<64x129xf32, #tpu.memory_space<vmem>> -> memref<8x128xf32, #tpu.memory_space<vmem>>
        tpu.wait_dma2 semaphore(%arg18 : memref<!tpu.dma_semaphore, #tpu.memory_space<semaphore_mem>>) src(%dma_wait3A_959 : memref<8x128xf32, #tpu.memory_space<vmem>>) dst(%dma_wait3A_956 : memref<8x128xf32, #tpu.memory_space<hbm>>)
        %dma_wait3A_960 = arith.constant 2 : i32
        %dma_wait3A_961 = arith.constant 16 : i32
        %dma_wait3A_962 = arith.constant 0 : i32
        %dma_wait3A_963 = tpu.memref_slice %arg12[%dma_wait3A_961, %dma_wait3A_962] : memref<64x129xf32, #tpu.memory_space<vmem>> -> memref<8x128xf32, #tpu.memory_space<vmem>>
        %dma_wait3A_964 = arith.constant 0 : i32
        %dma_wait3A_965 = arith.constant 0 : i32
        %dma_wait3A_966 = tpu.memref_slice %arg5[%sub3A_929, %dma_wait3A_960, %add3A, %dma_wait3A_964, %dma_wait3A_965] : memref<200x8x32x8x128xf32, #tpu.memory_space<hbm>> -> memref<1x1x1x8x128xf32, #tpu.memory_space<hbm>>
        %dma_wait3A_967 = tpu.memref_squeeze %dma_wait3A_966 : memref<1x1x1x8x128xf32, #tpu.memory_space<hbm>> -> memref<8x128xf32, #tpu.memory_space<hbm>>
        %dma_wait3A_968 = arith.constant 0 : i32
        %dma_wait3A_969 = arith.constant 0 : i32
        %dma_wait3A_970 = tpu.memref_slice %arg5[%sub3A_929, %dma_wait3A_960, %add3A, %dma_wait3A_968, %dma_wait3A_969] : memref<200x8x32x8x128xf32, #tpu.memory_space<hbm>> -> memref<1x1x1x8x128xf32, #tpu.memory_space<hbm>>
        %dma_wait3A_971 = tpu.memref_squeeze %dma_wait3A_970 : memref<1x1x1x8x128xf32, #tpu.memory_space<hbm>> -> memref<8x128xf32, #tpu.memory_space<hbm>>
        %dma_wait3A_972 = arith.constant 16 : i32
        %dma_wait3A_973 = arith.constant 0 : i32
        %dma_wait3A_974 = tpu.memref_slice %arg12[%dma_wait3A_972, %dma_wait3A_973] : memref<64x129xf32, #tpu.memory_space<vmem>> -> memref<8x128xf32, #tpu.memory_space<vmem>>
        tpu.wait_dma2 semaphore(%arg18 : memref<!tpu.dma_semaphore, #tpu.memory_space<semaphore_mem>>) src(%dma_wait3A_974 : memref<8x128xf32, #tpu.memory_space<vmem>>) dst(%dma_wait3A_971 : memref<8x128xf32, #tpu.memory_space<hbm>>)
        %dma_wait3A_975 = arith.constant 3 : i32
        %dma_wait3A_976 = arith.constant 24 : i32
        %dma_wait3A_977 = arith.constant 0 : i32
        %dma_wait3A_978 = tpu.memref_slice %arg12[%dma_wait3A_976, %dma_wait3A_977] : memref<64x129xf32, #tpu.memory_space<vmem>> -> memref<8x128xf32, #tpu.memory_space<vmem>>
        %dma_wait3A_979 = arith.constant 0 : i32
        %dma_wait3A_980 = arith.constant 0 : i32
        %dma_wait3A_981 = tpu.memref_slice %arg5[%sub3A_929, %dma_wait3A_975, %add3A, %dma_wait3A_979, %dma_wait3A_980] : memref<200x8x32x8x128xf32, #tpu.memory_space<hbm>> -> memref<1x1x1x8x128xf32, #tpu.memory_space<hbm>>
        %dma_wait3A_982 = tpu.memref_squeeze %dma_wait3A_981 : memref<1x1x1x8x128xf32, #tpu.memory_space<hbm>> -> memref<8x128xf32, #tpu.memory_space<hbm>>
        %dma_wait3A_983 = arith.constant 0 : i32
        %dma_wait3A_984 = arith.constant 0 : i32
        %dma_wait3A_985 = tpu.memref_slice %arg5[%sub3A_929, %dma_wait3A_975, %add3A, %dma_wait3A_983, %dma_wait3A_984] : memref<200x8x32x8x128xf32, #tpu.memory_space<hbm>> -> memref<1x1x1x8x128xf32, #tpu.memory_space<hbm>>
        %dma_wait3A_986 = tpu.memref_squeeze %dma_wait3A_985 : memref<1x1x1x8x128xf32, #tpu.memory_space<hbm>> -> memref<8x128xf32, #tpu.memory_space<hbm>>
        %dma_wait3A_987 = arith.constant 24 : i32
        %dma_wait3A_988 = arith.constant 0 : i32
        %dma_wait3A_989 = tpu.memref_slice %arg12[%dma_wait3A_987, %dma_wait3A_988] : memref<64x129xf32, #tpu.memory_space<vmem>> -> memref<8x128xf32, #tpu.memory_space<vmem>>
        tpu.wait_dma2 semaphore(%arg18 : memref<!tpu.dma_semaphore, #tpu.memory_space<semaphore_mem>>) src(%dma_wait3A_989 : memref<8x128xf32, #tpu.memory_space<vmem>>) dst(%dma_wait3A_986 : memref<8x128xf32, #tpu.memory_space<hbm>>)
        %dma_wait3A_990 = arith.constant 4 : i32
        %dma_wait3A_991 = arith.constant 32 : i32
        %dma_wait3A_992 = arith.constant 0 : i32
        %dma_wait3A_993 = tpu.memref_slice %arg12[%dma_wait3A_991, %dma_wait3A_992] : memref<64x129xf32, #tpu.memory_space<vmem>> -> memref<8x128xf32, #tpu.memory_space<vmem>>
        %dma_wait3A_994 = arith.constant 0 : i32
        %dma_wait3A_995 = arith.constant 0 : i32
        %dma_wait3A_996 = tpu.memref_slice %arg5[%sub3A_929, %dma_wait3A_990, %add3A, %dma_wait3A_994, %dma_wait3A_995] : memref<200x8x32x8x128xf32, #tpu.memory_space<hbm>> -> memref<1x1x1x8x128xf32, #tpu.memory_space<hbm>>
        %dma_wait3A_997 = tpu.memref_squeeze %dma_wait3A_996 : memref<1x1x1x8x128xf32, #tpu.memory_space<hbm>> -> memref<8x128xf32, #tpu.memory_space<hbm>>
        %dma_wait3A_998 = arith.constant 0 : i32
        %dma_wait3A_999 = arith.constant 0 : i32
        %dma_wait3A_1000 = tpu.memref_slice %arg5[%sub3A_929, %dma_wait3A_990, %add3A, %dma_wait3A_998, %dma_wait3A_999] : memref<200x8x32x8x128xf32, #tpu.memory_space<hbm>> -> memref<1x1x1x8x128xf32, #tpu.memory_space<hbm>>
        %dma_wait3A_1001 = tpu.memref_squeeze %dma_wait3A_1000 : memref<1x1x1x8x128xf32, #tpu.memory_space<hbm>> -> memref<8x128xf32, #tpu.memory_space<hbm>>
        %dma_wait3A_1002 = arith.constant 32 : i32
        %dma_wait3A_1003 = arith.constant 0 : i32
        %dma_wait3A_1004 = tpu.memref_slice %arg12[%dma_wait3A_1002, %dma_wait3A_1003] : memref<64x129xf32, #tpu.memory_space<vmem>> -> memref<8x128xf32, #tpu.memory_space<vmem>>
        tpu.wait_dma2 semaphore(%arg18 : memref<!tpu.dma_semaphore, #tpu.memory_space<semaphore_mem>>) src(%dma_wait3A_1004 : memref<8x128xf32, #tpu.memory_space<vmem>>) dst(%dma_wait3A_1001 : memref<8x128xf32, #tpu.memory_space<hbm>>)
        %dma_wait3A_1005 = arith.constant 5 : i32
        %dma_wait3A_1006 = arith.constant 40 : i32
        %dma_wait3A_1007 = arith.constant 0 : i32
        %dma_wait3A_1008 = tpu.memref_slice %arg12[%dma_wait3A_1006, %dma_wait3A_1007] : memref<64x129xf32, #tpu.memory_space<vmem>> -> memref<8x128xf32, #tpu.memory_space<vmem>>
        %dma_wait3A_1009 = arith.constant 0 : i32
        %dma_wait3A_1010 = arith.constant 0 : i32
        %dma_wait3A_1011 = tpu.memref_slice %arg5[%sub3A_929, %dma_wait3A_1005, %add3A, %dma_wait3A_1009, %dma_wait3A_1010] : memref<200x8x32x8x128xf32, #tpu.memory_space<hbm>> -> memref<1x1x1x8x128xf32, #tpu.memory_space<hbm>>
        %dma_wait3A_1012 = tpu.memref_squeeze %dma_wait3A_1011 : memref<1x1x1x8x128xf32, #tpu.memory_space<hbm>> -> memref<8x128xf32, #tpu.memory_space<hbm>>
        %dma_wait3A_1013 = arith.constant 0 : i32
        %dma_wait3A_1014 = arith.constant 0 : i32
        %dma_wait3A_1015 = tpu.memref_slice %arg5[%sub3A_929, %dma_wait3A_1005, %add3A, %dma_wait3A_1013, %dma_wait3A_1014] : memref<200x8x32x8x128xf32, #tpu.memory_space<hbm>> -> memref<1x1x1x8x128xf32, #tpu.memory_space<hbm>>
        %dma_wait3A_1016 = tpu.memref_squeeze %dma_wait3A_1015 : memref<1x1x1x8x128xf32, #tpu.memory_space<hbm>> -> memref<8x128xf32, #tpu.memory_space<hbm>>
        %dma_wait3A_1017 = arith.constant 40 : i32
        %dma_wait3A_1018 = arith.constant 0 : i32
        %dma_wait3A_1019 = tpu.memref_slice %arg12[%dma_wait3A_1017, %dma_wait3A_1018] : memref<64x129xf32, #tpu.memory_space<vmem>> -> memref<8x128xf32, #tpu.memory_space<vmem>>
        tpu.wait_dma2 semaphore(%arg18 : memref<!tpu.dma_semaphore, #tpu.memory_space<semaphore_mem>>) src(%dma_wait3A_1019 : memref<8x128xf32, #tpu.memory_space<vmem>>) dst(%dma_wait3A_1016 : memref<8x128xf32, #tpu.memory_space<hbm>>)
        %dma_wait3A_1020 = arith.constant 6 : i32
        %dma_wait3A_1021 = arith.constant 48 : i32
        %dma_wait3A_1022 = arith.constant 0 : i32
        %dma_wait3A_1023 = tpu.memref_slice %arg12[%dma_wait3A_1021, %dma_wait3A_1022] : memref<64x129xf32, #tpu.memory_space<vmem>> -> memref<8x128xf32, #tpu.memory_space<vmem>>
        %dma_wait3A_1024 = arith.constant 0 : i32
        %dma_wait3A_1025 = arith.constant 0 : i32
        %dma_wait3A_1026 = tpu.memref_slice %arg5[%sub3A_929, %dma_wait3A_1020, %add3A, %dma_wait3A_1024, %dma_wait3A_1025] : memref<200x8x32x8x128xf32, #tpu.memory_space<hbm>> -> memref<1x1x1x8x128xf32, #tpu.memory_space<hbm>>
        %dma_wait3A_1027 = tpu.memref_squeeze %dma_wait3A_1026 : memref<1x1x1x8x128xf32, #tpu.memory_space<hbm>> -> memref<8x128xf32, #tpu.memory_space<hbm>>
        %dma_wait3A_1028 = arith.constant 0 : i32
        %dma_wait3A_1029 = arith.constant 0 : i32
        %dma_wait3A_1030 = tpu.memref_slice %arg5[%sub3A_929, %dma_wait3A_1020, %add3A, %dma_wait3A_1028, %dma_wait3A_1029] : memref<200x8x32x8x128xf32, #tpu.memory_space<hbm>> -> memref<1x1x1x8x128xf32, #tpu.memory_space<hbm>>
        %dma_wait3A_1031 = tpu.memref_squeeze %dma_wait3A_1030 : memref<1x1x1x8x128xf32, #tpu.memory_space<hbm>> -> memref<8x128xf32, #tpu.memory_space<hbm>>
        %dma_wait3A_1032 = arith.constant 48 : i32
        %dma_wait3A_1033 = arith.constant 0 : i32
        %dma_wait3A_1034 = tpu.memref_slice %arg12[%dma_wait3A_1032, %dma_wait3A_1033] : memref<64x129xf32, #tpu.memory_space<vmem>> -> memref<8x128xf32, #tpu.memory_space<vmem>>
        tpu.wait_dma2 semaphore(%arg18 : memref<!tpu.dma_semaphore, #tpu.memory_space<semaphore_mem>>) src(%dma_wait3A_1034 : memref<8x128xf32, #tpu.memory_space<vmem>>) dst(%dma_wait3A_1031 : memref<8x128xf32, #tpu.memory_space<hbm>>)
        %dma_wait3A_1035 = arith.constant 7 : i32
        %dma_wait3A_1036 = arith.constant 56 : i32
        %dma_wait3A_1037 = arith.constant 0 : i32
        %dma_wait3A_1038 = tpu.memref_slice %arg12[%dma_wait3A_1036, %dma_wait3A_1037] : memref<64x129xf32, #tpu.memory_space<vmem>> -> memref<8x128xf32, #tpu.memory_space<vmem>>
        %dma_wait3A_1039 = arith.constant 0 : i32
        %dma_wait3A_1040 = arith.constant 0 : i32
        %dma_wait3A_1041 = tpu.memref_slice %arg5[%sub3A_929, %dma_wait3A_1035, %add3A, %dma_wait3A_1039, %dma_wait3A_1040] : memref<200x8x32x8x128xf32, #tpu.memory_space<hbm>> -> memref<1x1x1x8x128xf32, #tpu.memory_space<hbm>>
        %dma_wait3A_1042 = tpu.memref_squeeze %dma_wait3A_1041 : memref<1x1x1x8x128xf32, #tpu.memory_space<hbm>> -> memref<8x128xf32, #tpu.memory_space<hbm>>
        %dma_wait3A_1043 = arith.constant 0 : i32
        %dma_wait3A_1044 = arith.constant 0 : i32
        %dma_wait3A_1045 = tpu.memref_slice %arg5[%sub3A_929, %dma_wait3A_1035, %add3A, %dma_wait3A_1043, %dma_wait3A_1044] : memref<200x8x32x8x128xf32, #tpu.memory_space<hbm>> -> memref<1x1x1x8x128xf32, #tpu.memory_space<hbm>>
        %dma_wait3A_1046 = tpu.memref_squeeze %dma_wait3A_1045 : memref<1x1x1x8x128xf32, #tpu.memory_space<hbm>> -> memref<8x128xf32, #tpu.memory_space<hbm>>
        %dma_wait3A_1047 = arith.constant 56 : i32
        %dma_wait3A_1048 = arith.constant 0 : i32
        %dma_wait3A_1049 = tpu.memref_slice %arg12[%dma_wait3A_1047, %dma_wait3A_1048] : memref<64x129xf32, #tpu.memory_space<vmem>> -> memref<8x128xf32, #tpu.memory_space<vmem>>
        tpu.wait_dma2 semaphore(%arg18 : memref<!tpu.dma_semaphore, #tpu.memory_space<semaphore_mem>>) src(%dma_wait3A_1049 : memref<8x128xf32, #tpu.memory_space<vmem>>) dst(%dma_wait3A_1046 : memref<8x128xf32, #tpu.memory_space<hbm>>)
      } else {
      }
      %get3A_634 = arith.index_cast %add3A_613 : i32 to index
      %get3A_635 = arith.constant 0 : index
      %get3A_636 = tpu.vector_load %arg11[%get3A_634, %get3A_635] {strides = array<i32>} : memref<200x64xf32, #tpu.memory_space<vmem>>, vector<16xf32>,
      %get3A_637 = arith.index_cast %add3A_613 : i32 to index
      %get3A_638 = arith.constant 16 : index
      %get3A_639 = tpu.vector_load %arg11[%get3A_637, %get3A_638] {strides = array<i32>} : memref<200x64xf32, #tpu.memory_space<vmem>>, vector<16xf32>,
      %get3A_640 = arith.index_cast %add3A_613 : i32 to index
      %get3A_641 = arith.constant 32 : index
      %get3A_642 = tpu.vector_load %arg11[%get3A_640, %get3A_641] {strides = array<i32>} : memref<200x64xf32, #tpu.memory_space<vmem>>, vector<16xf32>,
      %get3A_643 = arith.index_cast %add3A_613 : i32 to index
      %get3A_644 = arith.constant 48 : index
      %get3A_645 = tpu.vector_load %arg11[%get3A_643, %get3A_644] {strides = array<i32>} : memref<200x64xf32, #tpu.memory_space<vmem>>, vector<16xf32>,
      %parallel_loop3A_646 = arith.constant 0 : i32
      %parallel_loop3A_647 = arith.constant 128 : i32
      %parallel_loop3A_648 = arith.constant 1 : i32
      scf.for %parallel_loop3A_928 = %parallel_loop3A_646 to %parallel_loop3A_647 step %parallel_loop3A_648  : i32 {
        %parallel_loop3A_929 = vector.broadcast %parallel_loop3A_928 : i32 to vector<16xi32>
        %parallel_loop3A_930 = arith.index_cast %parallel_loop3A_928 : i32 to index
        %parallel_loop3A_931 = arith.constant 0 : index
        %parallel_loop3A_932 = tpu.vector_load %arg9[%parallel_loop3A_930, %parallel_loop3A_931] {strides = array<i32>} : memref<128x64xf32, #tpu.memory_space<vmem>>, vector<16xf32>,
        %parallel_loop3A_933 = arith.addf %parallel_loop3A_932, %get3A_636 : vector<16xf32>
        tpu.vector_store_idx %arg12[%add3A_5, %parallel_loop3A_929], %parallel_loop3A_933 : memref<64x129xf32, #tpu.memory_space<vmem>>[vector<16xi32>, vector<16xi32>], vector<16xf32>,
        %parallel_loop3A_934 = arith.index_cast %parallel_loop3A_928 : i32 to index
        %parallel_loop3A_935 = arith.constant 16 : index
        %parallel_loop3A_936 = tpu.vector_load %arg9[%parallel_loop3A_934, %parallel_loop3A_935] {strides = array<i32>} : memref<128x64xf32, #tpu.memory_space<vmem>>, vector<16xf32>,
        %parallel_loop3A_937 = arith.addf %parallel_loop3A_936, %get3A_639 : vector<16xf32>
        tpu.vector_store_idx %arg12[%add3A_8, %parallel_loop3A_929], %parallel_loop3A_937 : memref<64x129xf32, #tpu.memory_space<vmem>>[vector<16xi32>, vector<16xi32>], vector<16xf32>,
        %parallel_loop3A_938 = arith.index_cast %parallel_loop3A_928 : i32 to index
        %parallel_loop3A_939 = arith.constant 32 : index
        %parallel_loop3A_940 = tpu.vector_load %arg9[%parallel_loop3A_938, %parallel_loop3A_939] {strides = array<i32>} : memref<128x64xf32, #tpu.memory_space<vmem>>, vector<16xf32>,
        %parallel_loop3A_941 = arith.addf %parallel_loop3A_940, %get3A_642 : vector<16xf32>
        tpu.vector_store_idx %arg12[%add3A_11, %parallel_loop3A_929], %parallel_loop3A_941 : memref<64x129xf32, #tpu.memory_space<vmem>>[vector<16xi32>, vector<16xi32>], vector<16xf32>,
        %parallel_loop3A_942 = arith.index_cast %parallel_loop3A_928 : i32 to index
        %parallel_loop3A_943 = arith.constant 48 : index
        %parallel_loop3A_944 = tpu.vector_load %arg9[%parallel_loop3A_942, %parallel_loop3A_943] {strides = array<i32>} : memref<128x64xf32, #tpu.memory_space<vmem>>, vector<16xf32>,
        %parallel_loop3A_945 = arith.addf %parallel_loop3A_944, %get3A_645 : vector<16xf32>
        tpu.vector_store_idx %arg12[%add3A_14, %parallel_loop3A_929], %parallel_loop3A_945 : memref<64x129xf32, #tpu.memory_space<vmem>>[vector<16xi32>, vector<16xi32>], vector<16xf32>,
      } {sc.loop_unroll_factor = 16 : i64, sc.parallel_access}
      %dma_start3A_649 = arith.constant 0 : i32
      %dma_start3A_650 = arith.constant 0 : i32
      %dma_start3A_651 = arith.constant 0 : i32
      %dma_start3A_652 = tpu.memref_slice %arg12[%dma_start3A_650, %dma_start3A_651] : memref<64x129xf32, #tpu.memory_space<vmem>> -> memref<8x128xf32, #tpu.memory_space<vmem>>
      %dma_start3A_653 = arith.constant 0 : i32
      %dma_start3A_654 = arith.constant 0 : i32
      %dma_start3A_655 = tpu.memref_slice %arg5[%add3A_613, %dma_start3A_649, %add3A, %dma_start3A_653, %dma_start3A_654] : memref<200x8x32x8x128xf32, #tpu.memory_space<hbm>> -> memref<1x1x1x8x128xf32, #tpu.memory_space<hbm>>
      %dma_start3A_656 = tpu.memref_squeeze %dma_start3A_655 : memref<1x1x1x8x128xf32, #tpu.memory_space<hbm>> -> memref<8x128xf32, #tpu.memory_space<hbm>>
      %dma_start3A_657 = arith.constant 0 : i32
      %dma_start3A_658 = arith.constant 0 : i32
      %dma_start3A_659 = tpu.memref_slice %arg5[%add3A_613, %dma_start3A_649, %add3A, %dma_start3A_657, %dma_start3A_658] : memref<200x8x32x8x128xf32, #tpu.memory_space<hbm>> -> memref<1x1x1x8x128xf32, #tpu.memory_space<hbm>>
      %dma_start3A_660 = tpu.memref_squeeze %dma_start3A_659 : memref<1x1x1x8x128xf32, #tpu.memory_space<hbm>> -> memref<8x128xf32, #tpu.memory_space<hbm>>
      %dma_start3A_661 = arith.constant 0 : i32
      %dma_start3A_662 = arith.constant 0 : i32
      %dma_start3A_663 = tpu.memref_slice %arg12[%dma_start3A_661, %dma_start3A_662] : memref<64x129xf32, #tpu.memory_space<vmem>> -> memref<8x128xf32, #tpu.memory_space<vmem>>
      tpu.enqueue_dma source(%dma_start3A_663 : memref<8x128xf32, #tpu.memory_space<vmem>>) target(%dma_start3A_660 : memref<8x128xf32, #tpu.memory_space<hbm>>) target_semaphore(%arg18 : memref<!tpu.dma_semaphore, #tpu.memory_space<semaphore_mem>>)
      %dma_start3A_664 = arith.constant 1 : i32
      %dma_start3A_665 = arith.constant 8 : i32
      %dma_start3A_666 = arith.constant 0 : i32
      %dma_start3A_667 = tpu.memref_slice %arg12[%dma_start3A_665, %dma_start3A_666] : memref<64x129xf32, #tpu.memory_space<vmem>> -> memref<8x128xf32, #tpu.memory_space<vmem>>
      %dma_start3A_668 = arith.constant 0 : i32
      %dma_start3A_669 = arith.constant 0 : i32
      %dma_start3A_670 = tpu.memref_slice %arg5[%add3A_613, %dma_start3A_664, %add3A, %dma_start3A_668, %dma_start3A_669] : memref<200x8x32x8x128xf32, #tpu.memory_space<hbm>> -> memref<1x1x1x8x128xf32, #tpu.memory_space<hbm>>
      %dma_start3A_671 = tpu.memref_squeeze %dma_start3A_670 : memref<1x1x1x8x128xf32, #tpu.memory_space<hbm>> -> memref<8x128xf32, #tpu.memory_space<hbm>>
      %dma_start3A_672 = arith.constant 0 : i32
      %dma_start3A_673 = arith.constant 0 : i32
      %dma_start3A_674 = tpu.memref_slice %arg5[%add3A_613, %dma_start3A_664, %add3A, %dma_start3A_672, %dma_start3A_673] : memref<200x8x32x8x128xf32, #tpu.memory_space<hbm>> -> memref<1x1x1x8x128xf32, #tpu.memory_space<hbm>>
      %dma_start3A_675 = tpu.memref_squeeze %dma_start3A_674 : memref<1x1x1x8x128xf32, #tpu.memory_space<hbm>> -> memref<8x128xf32, #tpu.memory_space<hbm>>
      %dma_start3A_676 = arith.constant 8 : i32
      %dma_start3A_677 = arith.constant 0 : i32
      %dma_start3A_678 = tpu.memref_slice %arg12[%dma_start3A_676, %dma_start3A_677] : memref<64x129xf32, #tpu.memory_space<vmem>> -> memref<8x128xf32, #tpu.memory_space<vmem>>
      tpu.enqueue_dma source(%dma_start3A_678 : memref<8x128xf32, #tpu.memory_space<vmem>>) target(%dma_start3A_675 : memref<8x128xf32, #tpu.memory_space<hbm>>) target_semaphore(%arg18 : memref<!tpu.dma_semaphore, #tpu.memory_space<semaphore_mem>>)
      %dma_start3A_679 = arith.constant 2 : i32
      %dma_start3A_680 = arith.constant 16 : i32
      %dma_start3A_681 = arith.constant 0 : i32
      %dma_start3A_682 = tpu.memref_slice %arg12[%dma_start3A_680, %dma_start3A_681] : memref<64x129xf32, #tpu.memory_space<vmem>> -> memref<8x128xf32, #tpu.memory_space<vmem>>
      %dma_start3A_683 = arith.constant 0 : i32
      %dma_start3A_684 = arith.constant 0 : i32
      %dma_start3A_685 = tpu.memref_slice %arg5[%add3A_613, %dma_start3A_679, %add3A, %dma_start3A_683, %dma_start3A_684] : memref<200x8x32x8x128xf32, #tpu.memory_space<hbm>> -> memref<1x1x1x8x128xf32, #tpu.memory_space<hbm>>
      %dma_start3A_686 = tpu.memref_squeeze %dma_start3A_685 : memref<1x1x1x8x128xf32, #tpu.memory_space<hbm>> -> memref<8x128xf32, #tpu.memory_space<hbm>>
      %dma_start3A_687 = arith.constant 0 : i32
      %dma_start3A_688 = arith.constant 0 : i32
      %dma_start3A_689 = tpu.memref_slice %arg5[%add3A_613, %dma_start3A_679, %add3A, %dma_start3A_687, %dma_start3A_688] : memref<200x8x32x8x128xf32, #tpu.memory_space<hbm>> -> memref<1x1x1x8x128xf32, #tpu.memory_space<hbm>>
      %dma_start3A_690 = tpu.memref_squeeze %dma_start3A_689 : memref<1x1x1x8x128xf32, #tpu.memory_space<hbm>> -> memref<8x128xf32, #tpu.memory_space<hbm>>
      %dma_start3A_691 = arith.constant 16 : i32
      %dma_start3A_692 = arith.constant 0 : i32
      %dma_start3A_693 = tpu.memref_slice %arg12[%dma_start3A_691, %dma_start3A_692] : memref<64x129xf32, #tpu.memory_space<vmem>> -> memref<8x128xf32, #tpu.memory_space<vmem>>
      tpu.enqueue_dma source(%dma_start3A_693 : memref<8x128xf32, #tpu.memory_space<vmem>>) target(%dma_start3A_690 : memref<8x128xf32, #tpu.memory_space<hbm>>) target_semaphore(%arg18 : memref<!tpu.dma_semaphore, #tpu.memory_space<semaphore_mem>>)
      %dma_start3A_694 = arith.constant 3 : i32
      %dma_start3A_695 = arith.constant 24 : i32
      %dma_start3A_696 = arith.constant 0 : i32
      %dma_start3A_697 = tpu.memref_slice %arg12[%dma_start3A_695, %dma_start3A_696] : memref<64x129xf32, #tpu.memory_space<vmem>> -> memref<8x128xf32, #tpu.memory_space<vmem>>
      %dma_start3A_698 = arith.constant 0 : i32
      %dma_start3A_699 = arith.constant 0 : i32
      %dma_start3A_700 = tpu.memref_slice %arg5[%add3A_613, %dma_start3A_694, %add3A, %dma_start3A_698, %dma_start3A_699] : memref<200x8x32x8x128xf32, #tpu.memory_space<hbm>> -> memref<1x1x1x8x128xf32, #tpu.memory_space<hbm>>
      %dma_start3A_701 = tpu.memref_squeeze %dma_start3A_700 : memref<1x1x1x8x128xf32, #tpu.memory_space<hbm>> -> memref<8x128xf32, #tpu.memory_space<hbm>>
      %dma_start3A_702 = arith.constant 0 : i32
      %dma_start3A_703 = arith.constant 0 : i32
      %dma_start3A_704 = tpu.memref_slice %arg5[%add3A_613, %dma_start3A_694, %add3A, %dma_start3A_702, %dma_start3A_703] : memref<200x8x32x8x128xf32, #tpu.memory_space<hbm>> -> memref<1x1x1x8x128xf32, #tpu.memory_space<hbm>>
      %dma_start3A_705 = tpu.memref_squeeze %dma_start3A_704 : memref<1x1x1x8x128xf32, #tpu.memory_space<hbm>> -> memref<8x128xf32, #tpu.memory_space<hbm>>
      %dma_start3A_706 = arith.constant 24 : i32
      %dma_start3A_707 = arith.constant 0 : i32
      %dma_start3A_708 = tpu.memref_slice %arg12[%dma_start3A_706, %dma_start3A_707] : memref<64x129xf32, #tpu.memory_space<vmem>> -> memref<8x128xf32, #tpu.memory_space<vmem>>
      tpu.enqueue_dma source(%dma_start3A_708 : memref<8x128xf32, #tpu.memory_space<vmem>>) target(%dma_start3A_705 : memref<8x128xf32, #tpu.memory_space<hbm>>) target_semaphore(%arg18 : memref<!tpu.dma_semaphore, #tpu.memory_space<semaphore_mem>>)
      %dma_start3A_709 = arith.constant 4 : i32
      %dma_start3A_710 = arith.constant 32 : i32
      %dma_start3A_711 = arith.constant 0 : i32
      %dma_start3A_712 = tpu.memref_slice %arg12[%dma_start3A_710, %dma_start3A_711] : memref<64x129xf32, #tpu.memory_space<vmem>> -> memref<8x128xf32, #tpu.memory_space<vmem>>
      %dma_start3A_713 = arith.constant 0 : i32
      %dma_start3A_714 = arith.constant 0 : i32
      %dma_start3A_715 = tpu.memref_slice %arg5[%add3A_613, %dma_start3A_709, %add3A, %dma_start3A_713, %dma_start3A_714] : memref<200x8x32x8x128xf32, #tpu.memory_space<hbm>> -> memref<1x1x1x8x128xf32, #tpu.memory_space<hbm>>
      %dma_start3A_716 = tpu.memref_squeeze %dma_start3A_715 : memref<1x1x1x8x128xf32, #tpu.memory_space<hbm>> -> memref<8x128xf32, #tpu.memory_space<hbm>>
      %dma_start3A_717 = arith.constant 0 : i32
      %dma_start3A_718 = arith.constant 0 : i32
      %dma_start3A_719 = tpu.memref_slice %arg5[%add3A_613, %dma_start3A_709, %add3A, %dma_start3A_717, %dma_start3A_718] : memref<200x8x32x8x128xf32, #tpu.memory_space<hbm>> -> memref<1x1x1x8x128xf32, #tpu.memory_space<hbm>>
      %dma_start3A_720 = tpu.memref_squeeze %dma_start3A_719 : memref<1x1x1x8x128xf32, #tpu.memory_space<hbm>> -> memref<8x128xf32, #tpu.memory_space<hbm>>
      %dma_start3A_721 = arith.constant 32 : i32
      %dma_start3A_722 = arith.constant 0 : i32
      %dma_start3A_723 = tpu.memref_slice %arg12[%dma_start3A_721, %dma_start3A_722] : memref<64x129xf32, #tpu.memory_space<vmem>> -> memref<8x128xf32, #tpu.memory_space<vmem>>
      tpu.enqueue_dma source(%dma_start3A_723 : memref<8x128xf32, #tpu.memory_space<vmem>>) target(%dma_start3A_720 : memref<8x128xf32, #tpu.memory_space<hbm>>) target_semaphore(%arg18 : memref<!tpu.dma_semaphore, #tpu.memory_space<semaphore_mem>>)
      %dma_start3A_724 = arith.constant 5 : i32
      %dma_start3A_725 = arith.constant 40 : i32
      %dma_start3A_726 = arith.constant 0 : i32
      %dma_start3A_727 = tpu.memref_slice %arg12[%dma_start3A_725, %dma_start3A_726] : memref<64x129xf32, #tpu.memory_space<vmem>> -> memref<8x128xf32, #tpu.memory_space<vmem>>
      %dma_start3A_728 = arith.constant 0 : i32
      %dma_start3A_729 = arith.constant 0 : i32
      %dma_start3A_730 = tpu.memref_slice %arg5[%add3A_613, %dma_start3A_724, %add3A, %dma_start3A_728, %dma_start3A_729] : memref<200x8x32x8x128xf32, #tpu.memory_space<hbm>> -> memref<1x1x1x8x128xf32, #tpu.memory_space<hbm>>
      %dma_start3A_731 = tpu.memref_squeeze %dma_start3A_730 : memref<1x1x1x8x128xf32, #tpu.memory_space<hbm>> -> memref<8x128xf32, #tpu.memory_space<hbm>>
      %dma_start3A_732 = arith.constant 0 : i32
      %dma_start3A_733 = arith.constant 0 : i32
      %dma_start3A_734 = tpu.memref_slice %arg5[%add3A_613, %dma_start3A_724, %add3A, %dma_start3A_732, %dma_start3A_733] : memref<200x8x32x8x128xf32, #tpu.memory_space<hbm>> -> memref<1x1x1x8x128xf32, #tpu.memory_space<hbm>>
      %dma_start3A_735 = tpu.memref_squeeze %dma_start3A_734 : memref<1x1x1x8x128xf32, #tpu.memory_space<hbm>> -> memref<8x128xf32, #tpu.memory_space<hbm>>
      %dma_start3A_736 = arith.constant 40 : i32
      %dma_start3A_737 = arith.constant 0 : i32
      %dma_start3A_738 = tpu.memref_slice %arg12[%dma_start3A_736, %dma_start3A_737] : memref<64x129xf32, #tpu.memory_space<vmem>> -> memref<8x128xf32, #tpu.memory_space<vmem>>
      tpu.enqueue_dma source(%dma_start3A_738 : memref<8x128xf32, #tpu.memory_space<vmem>>) target(%dma_start3A_735 : memref<8x128xf32, #tpu.memory_space<hbm>>) target_semaphore(%arg18 : memref<!tpu.dma_semaphore, #tpu.memory_space<semaphore_mem>>)
      %dma_start3A_739 = arith.constant 6 : i32
      %dma_start3A_740 = arith.constant 48 : i32
      %dma_start3A_741 = arith.constant 0 : i32
      %dma_start3A_742 = tpu.memref_slice %arg12[%dma_start3A_740, %dma_start3A_741] : memref<64x129xf32, #tpu.memory_space<vmem>> -> memref<8x128xf32, #tpu.memory_space<vmem>>
      %dma_start3A_743 = arith.constant 0 : i32
      %dma_start3A_744 = arith.constant 0 : i32
      %dma_start3A_745 = tpu.memref_slice %arg5[%add3A_613, %dma_start3A_739, %add3A, %dma_start3A_743, %dma_start3A_744] : memref<200x8x32x8x128xf32, #tpu.memory_space<hbm>> -> memref<1x1x1x8x128xf32, #tpu.memory_space<hbm>>
      %dma_start3A_746 = tpu.memref_squeeze %dma_start3A_745 : memref<1x1x1x8x128xf32, #tpu.memory_space<hbm>> -> memref<8x128xf32, #tpu.memory_space<hbm>>
      %dma_start3A_747 = arith.constant 0 : i32
      %dma_start3A_748 = arith.constant 0 : i32
      %dma_start3A_749 = tpu.memref_slice %arg5[%add3A_613, %dma_start3A_739, %add3A, %dma_start3A_747, %dma_start3A_748] : memref<200x8x32x8x128xf32, #tpu.memory_space<hbm>> -> memref<1x1x1x8x128xf32, #tpu.memory_space<hbm>>
      %dma_start3A_750 = tpu.memref_squeeze %dma_start3A_749 : memref<1x1x1x8x128xf32, #tpu.memory_space<hbm>> -> memref<8x128xf32, #tpu.memory_space<hbm>>
      %dma_start3A_751 = arith.constant 48 : i32
      %dma_start3A_752 = arith.constant 0 : i32
      %dma_start3A_753 = tpu.memref_slice %arg12[%dma_start3A_751, %dma_start3A_752] : memref<64x129xf32, #tpu.memory_space<vmem>> -> memref<8x128xf32, #tpu.memory_space<vmem>>
      tpu.enqueue_dma source(%dma_start3A_753 : memref<8x128xf32, #tpu.memory_space<vmem>>) target(%dma_start3A_750 : memref<8x128xf32, #tpu.memory_space<hbm>>) target_semaphore(%arg18 : memref<!tpu.dma_semaphore, #tpu.memory_space<semaphore_mem>>)
      %dma_start3A_754 = arith.constant 7 : i32
      %dma_start3A_755 = arith.constant 56 : i32
      %dma_start3A_756 = arith.constant 0 : i32
      %dma_start3A_757 = tpu.memref_slice %arg12[%dma_start3A_755, %dma_start3A_756] : memref<64x129xf32, #tpu.memory_space<vmem>> -> memref<8x128xf32, #tpu.memory_space<vmem>>
      %dma_start3A_758 = arith.constant 0 : i32
      %dma_start3A_759 = arith.constant 0 : i32
      %dma_start3A_760 = tpu.memref_slice %arg5[%add3A_613, %dma_start3A_754, %add3A, %dma_start3A_758, %dma_start3A_759] : memref<200x8x32x8x128xf32, #tpu.memory_space<hbm>> -> memref<1x1x1x8x128xf32, #tpu.memory_space<hbm>>
      %dma_start3A_761 = tpu.memref_squeeze %dma_start3A_760 : memref<1x1x1x8x128xf32, #tpu.memory_space<hbm>> -> memref<8x128xf32, #tpu.memory_space<hbm>>
      %dma_start3A_762 = arith.constant 0 : i32
      %dma_start3A_763 = arith.constant 0 : i32
      %dma_start3A_764 = tpu.memref_slice %arg5[%add3A_613, %dma_start3A_754, %add3A, %dma_start3A_762, %dma_start3A_763] : memref<200x8x32x8x128xf32, #tpu.memory_space<hbm>> -> memref<1x1x1x8x128xf32, #tpu.memory_space<hbm>>
      %dma_start3A_765 = tpu.memref_squeeze %dma_start3A_764 : memref<1x1x1x8x128xf32, #tpu.memory_space<hbm>> -> memref<8x128xf32, #tpu.memory_space<hbm>>
      %dma_start3A_766 = arith.constant 56 : i32
      %dma_start3A_767 = arith.constant 0 : i32
      %dma_start3A_768 = tpu.memref_slice %arg12[%dma_start3A_766, %dma_start3A_767] : memref<64x129xf32, #tpu.memory_space<vmem>> -> memref<8x128xf32, #tpu.memory_space<vmem>>
      tpu.enqueue_dma source(%dma_start3A_768 : memref<8x128xf32, #tpu.memory_space<vmem>>) target(%dma_start3A_765 : memref<8x128xf32, #tpu.memory_space<hbm>>) target_semaphore(%arg18 : memref<!tpu.dma_semaphore, #tpu.memory_space<semaphore_mem>>)
      %mul3A_769 = arith.constant 4 : i32
      %mul3A_770 = arith.muli %mul3A_769, %add3A_298 : i32
      %add3A_771 = arith.constant 3 : i32
      %add3A_772 = arith.addi %mul3A_770, %add3A_771 : i32
      %add3A_773 = arith.constant 4 : i32
      %add3A_774 = arith.addi %add3A_772, %add3A_773 : i32
      %sub3A_775 = arith.constant 1 : i32
      %sub3A_776 = arith.subi %add3A_774, %sub3A_775 : i32
      %lt3A_777 = arith.constant 200 : i32
      %lt3A_778 = arith.cmpi slt, %sub3A_776, %lt3A_777 : i32
      %convert_element_type3A_779 = arith.extui %lt3A_778 : i1 to i32
      %cond3A_780 = arith.constant 0 : i32
      %cond3A_781 = arith.cmpi ne, %convert_element_type3A_779, %cond3A_780 : i32
      scf.if %cond3A_781 {
        %add3A_928 = arith.constant 4 : i32
        %add3A_929 = arith.addi %add3A_772, %add3A_928 : i32
        %sub3A_930 = arith.constant 1 : i32
        %sub3A_931 = arith.subi %add3A_929, %sub3A_930 : i32
        %dma_start3A_932 = arith.constant 0 : i32
        %dma_start3A_933 = tpu.memref_slice %arg6[%sub3A_931, %dma_start3A_932] : memref<200x128xi32, #tpu.memory_space<vmem>> -> memref<1x128xi32, #tpu.memory_space<vmem>>
        %dma_start3A_934 = tpu.memref_squeeze %dma_start3A_933 : memref<1x128xi32, #tpu.memory_space<vmem>> -> memref<128xi32, #tpu.memory_space<vmem>>
        %dma_start3A_935 = arith.constant 0 : i32
        %dma_start3A_936 = arith.constant 0 : i32
        %dma_start3A_937 = tpu.memref_slice %arg3[%dma_start3A_935, %dma_start3A_936] : memref<1000000x64xf32, #tpu.memory_space<hbm>> -> memref<1000000x64xf32, #tpu.memory_space<hbm>>
        tpu.enqueue_indirect_dma source(%dma_start3A_937 : memref<1000000x64xf32, #tpu.memory_space<hbm>>) target(%arg9 : memref<128x64xf32, #tpu.memory_space<vmem>>) offsets(%dma_start3A_934 : memref<128xi32, #tpu.memory_space<vmem>>) semaphore(%arg16 : memref<!tpu.dma_semaphore, #tpu.memory_space<semaphore_mem>>)
      } else {
      }
      %dma_wait3A_782 = arith.constant 0 : i32
      %dma_wait3A_783 = tpu.memref_slice %arg6[%add3A_772, %dma_wait3A_782] : memref<200x128xi32, #tpu.memory_space<vmem>> -> memref<1x128xi32, #tpu.memory_space<vmem>>
      %dma_wait3A_784 = tpu.memref_squeeze %dma_wait3A_783 : memref<1x128xi32, #tpu.memory_space<vmem>> -> memref<128xi32, #tpu.memory_space<vmem>>
      %dma_wait3A_785 = arith.constant 0 : i32
      %dma_wait3A_786 = arith.constant 0 : i32
      %dma_wait3A_787 = tpu.memref_slice %arg3[%dma_wait3A_785, %dma_wait3A_786] : memref<1000000x64xf32, #tpu.memory_space<hbm>> -> memref<1000000x64xf32, #tpu.memory_space<hbm>>
      tpu.wait_indirect_dma semaphore(%arg17 : memref<!tpu.dma_semaphore, #tpu.memory_space<semaphore_mem>>) src(%dma_wait3A_787 : memref<1000000x64xf32, #tpu.memory_space<hbm>>) dst(%arg10 : memref<128x64xf32, #tpu.memory_space<vmem>>)
      %ge3A_788 = arith.constant 2 : i32
      %ge3A_789 = arith.cmpi sge, %add3A_772, %ge3A_788 : i32
      %convert_element_type3A_790 = arith.extui %ge3A_789 : i1 to i32
      %cond3A_791 = arith.constant 0 : i32
      %cond3A_792 = arith.cmpi ne, %convert_element_type3A_790, %cond3A_791 : i32
      scf.if %cond3A_792 {
        %sub3A_928 = arith.constant 2 : i32
        %sub3A_929 = arith.subi %add3A_772, %sub3A_928 : i32
        %dma_wait3A_930 = arith.constant 0 : i32
        %dma_wait3A_931 = arith.constant 0 : i32
        %dma_wait3A_932 = arith.constant 0 : i32
        %dma_wait3A_933 = tpu.memref_slice %arg13[%dma_wait3A_931, %dma_wait3A_932] : memref<64x129xf32, #tpu.memory_space<vmem>> -> memref<8x128xf32, #tpu.memory_space<vmem>>
        %dma_wait3A_934 = arith.constant 0 : i32
        %dma_wait3A_935 = arith.constant 0 : i32
        %dma_wait3A_936 = tpu.memref_slice %arg5[%sub3A_929, %dma_wait3A_930, %add3A, %dma_wait3A_934, %dma_wait3A_935] : memref<200x8x32x8x128xf32, #tpu.memory_space<hbm>> -> memref<1x1x1x8x128xf32, #tpu.memory_space<hbm>>
        %dma_wait3A_937 = tpu.memref_squeeze %dma_wait3A_936 : memref<1x1x1x8x128xf32, #tpu.memory_space<hbm>> -> memref<8x128xf32, #tpu.memory_space<hbm>>
        %dma_wait3A_938 = arith.constant 0 : i32
        %dma_wait3A_939 = arith.constant 0 : i32
        %dma_wait3A_940 = tpu.memref_slice %arg5[%sub3A_929, %dma_wait3A_930, %add3A, %dma_wait3A_938, %dma_wait3A_939] : memref<200x8x32x8x128xf32, #tpu.memory_space<hbm>> -> memref<1x1x1x8x128xf32, #tpu.memory_space<hbm>>
        %dma_wait3A_941 = tpu.memref_squeeze %dma_wait3A_940 : memref<1x1x1x8x128xf32, #tpu.memory_space<hbm>> -> memref<8x128xf32, #tpu.memory_space<hbm>>
        %dma_wait3A_942 = arith.constant 0 : i32
        %dma_wait3A_943 = arith.constant 0 : i32
        %dma_wait3A_944 = tpu.memref_slice %arg13[%dma_wait3A_942, %dma_wait3A_943] : memref<64x129xf32, #tpu.memory_space<vmem>> -> memref<8x128xf32, #tpu.memory_space<vmem>>
        tpu.wait_dma2 semaphore(%arg19 : memref<!tpu.dma_semaphore, #tpu.memory_space<semaphore_mem>>) src(%dma_wait3A_944 : memref<8x128xf32, #tpu.memory_space<vmem>>) dst(%dma_wait3A_941 : memref<8x128xf32, #tpu.memory_space<hbm>>)
        %dma_wait3A_945 = arith.constant 1 : i32
        %dma_wait3A_946 = arith.constant 8 : i32
        %dma_wait3A_947 = arith.constant 0 : i32
        %dma_wait3A_948 = tpu.memref_slice %arg13[%dma_wait3A_946, %dma_wait3A_947] : memref<64x129xf32, #tpu.memory_space<vmem>> -> memref<8x128xf32, #tpu.memory_space<vmem>>
        %dma_wait3A_949 = arith.constant 0 : i32
        %dma_wait3A_950 = arith.constant 0 : i32
        %dma_wait3A_951 = tpu.memref_slice %arg5[%sub3A_929, %dma_wait3A_945, %add3A, %dma_wait3A_949, %dma_wait3A_950] : memref<200x8x32x8x128xf32, #tpu.memory_space<hbm>> -> memref<1x1x1x8x128xf32, #tpu.memory_space<hbm>>
        %dma_wait3A_952 = tpu.memref_squeeze %dma_wait3A_951 : memref<1x1x1x8x128xf32, #tpu.memory_space<hbm>> -> memref<8x128xf32, #tpu.memory_space<hbm>>
        %dma_wait3A_953 = arith.constant 0 : i32
        %dma_wait3A_954 = arith.constant 0 : i32
        %dma_wait3A_955 = tpu.memref_slice %arg5[%sub3A_929, %dma_wait3A_945, %add3A, %dma_wait3A_953, %dma_wait3A_954] : memref<200x8x32x8x128xf32, #tpu.memory_space<hbm>> -> memref<1x1x1x8x128xf32, #tpu.memory_space<hbm>>
        %dma_wait3A_956 = tpu.memref_squeeze %dma_wait3A_955 : memref<1x1x1x8x128xf32, #tpu.memory_space<hbm>> -> memref<8x128xf32, #tpu.memory_space<hbm>>
        %dma_wait3A_957 = arith.constant 8 : i32
        %dma_wait3A_958 = arith.constant 0 : i32
        %dma_wait3A_959 = tpu.memref_slice %arg13[%dma_wait3A_957, %dma_wait3A_958] : memref<64x129xf32, #tpu.memory_space<vmem>> -> memref<8x128xf32, #tpu.memory_space<vmem>>
        tpu.wait_dma2 semaphore(%arg19 : memref<!tpu.dma_semaphore, #tpu.memory_space<semaphore_mem>>) src(%dma_wait3A_959 : memref<8x128xf32, #tpu.memory_space<vmem>>) dst(%dma_wait3A_956 : memref<8x128xf32, #tpu.memory_space<hbm>>)
        %dma_wait3A_960 = arith.constant 2 : i32
        %dma_wait3A_961 = arith.constant 16 : i32
        %dma_wait3A_962 = arith.constant 0 : i32
        %dma_wait3A_963 = tpu.memref_slice %arg13[%dma_wait3A_961, %dma_wait3A_962] : memref<64x129xf32, #tpu.memory_space<vmem>> -> memref<8x128xf32, #tpu.memory_space<vmem>>
        %dma_wait3A_964 = arith.constant 0 : i32
        %dma_wait3A_965 = arith.constant 0 : i32
        %dma_wait3A_966 = tpu.memref_slice %arg5[%sub3A_929, %dma_wait3A_960, %add3A, %dma_wait3A_964, %dma_wait3A_965] : memref<200x8x32x8x128xf32, #tpu.memory_space<hbm>> -> memref<1x1x1x8x128xf32, #tpu.memory_space<hbm>>
        %dma_wait3A_967 = tpu.memref_squeeze %dma_wait3A_966 : memref<1x1x1x8x128xf32, #tpu.memory_space<hbm>> -> memref<8x128xf32, #tpu.memory_space<hbm>>
        %dma_wait3A_968 = arith.constant 0 : i32
        %dma_wait3A_969 = arith.constant 0 : i32
        %dma_wait3A_970 = tpu.memref_slice %arg5[%sub3A_929, %dma_wait3A_960, %add3A, %dma_wait3A_968, %dma_wait3A_969] : memref<200x8x32x8x128xf32, #tpu.memory_space<hbm>> -> memref<1x1x1x8x128xf32, #tpu.memory_space<hbm>>
        %dma_wait3A_971 = tpu.memref_squeeze %dma_wait3A_970 : memref<1x1x1x8x128xf32, #tpu.memory_space<hbm>> -> memref<8x128xf32, #tpu.memory_space<hbm>>
        %dma_wait3A_972 = arith.constant 16 : i32
        %dma_wait3A_973 = arith.constant 0 : i32
        %dma_wait3A_974 = tpu.memref_slice %arg13[%dma_wait3A_972, %dma_wait3A_973] : memref<64x129xf32, #tpu.memory_space<vmem>> -> memref<8x128xf32, #tpu.memory_space<vmem>>
        tpu.wait_dma2 semaphore(%arg19 : memref<!tpu.dma_semaphore, #tpu.memory_space<semaphore_mem>>) src(%dma_wait3A_974 : memref<8x128xf32, #tpu.memory_space<vmem>>) dst(%dma_wait3A_971 : memref<8x128xf32, #tpu.memory_space<hbm>>)
        %dma_wait3A_975 = arith.constant 3 : i32
        %dma_wait3A_976 = arith.constant 24 : i32
        %dma_wait3A_977 = arith.constant 0 : i32
        %dma_wait3A_978 = tpu.memref_slice %arg13[%dma_wait3A_976, %dma_wait3A_977] : memref<64x129xf32, #tpu.memory_space<vmem>> -> memref<8x128xf32, #tpu.memory_space<vmem>>
        %dma_wait3A_979 = arith.constant 0 : i32
        %dma_wait3A_980 = arith.constant 0 : i32
        %dma_wait3A_981 = tpu.memref_slice %arg5[%sub3A_929, %dma_wait3A_975, %add3A, %dma_wait3A_979, %dma_wait3A_980] : memref<200x8x32x8x128xf32, #tpu.memory_space<hbm>> -> memref<1x1x1x8x128xf32, #tpu.memory_space<hbm>>
        %dma_wait3A_982 = tpu.memref_squeeze %dma_wait3A_981 : memref<1x1x1x8x128xf32, #tpu.memory_space<hbm>> -> memref<8x128xf32, #tpu.memory_space<hbm>>
        %dma_wait3A_983 = arith.constant 0 : i32
        %dma_wait3A_984 = arith.constant 0 : i32
        %dma_wait3A_985 = tpu.memref_slice %arg5[%sub3A_929, %dma_wait3A_975, %add3A, %dma_wait3A_983, %dma_wait3A_984] : memref<200x8x32x8x128xf32, #tpu.memory_space<hbm>> -> memref<1x1x1x8x128xf32, #tpu.memory_space<hbm>>
        %dma_wait3A_986 = tpu.memref_squeeze %dma_wait3A_985 : memref<1x1x1x8x128xf32, #tpu.memory_space<hbm>> -> memref<8x128xf32, #tpu.memory_space<hbm>>
        %dma_wait3A_987 = arith.constant 24 : i32
        %dma_wait3A_988 = arith.constant 0 : i32
        %dma_wait3A_989 = tpu.memref_slice %arg13[%dma_wait3A_987, %dma_wait3A_988] : memref<64x129xf32, #tpu.memory_space<vmem>> -> memref<8x128xf32, #tpu.memory_space<vmem>>
        tpu.wait_dma2 semaphore(%arg19 : memref<!tpu.dma_semaphore, #tpu.memory_space<semaphore_mem>>) src(%dma_wait3A_989 : memref<8x128xf32, #tpu.memory_space<vmem>>) dst(%dma_wait3A_986 : memref<8x128xf32, #tpu.memory_space<hbm>>)
        %dma_wait3A_990 = arith.constant 4 : i32
        %dma_wait3A_991 = arith.constant 32 : i32
        %dma_wait3A_992 = arith.constant 0 : i32
        %dma_wait3A_993 = tpu.memref_slice %arg13[%dma_wait3A_991, %dma_wait3A_992] : memref<64x129xf32, #tpu.memory_space<vmem>> -> memref<8x128xf32, #tpu.memory_space<vmem>>
        %dma_wait3A_994 = arith.constant 0 : i32
        %dma_wait3A_995 = arith.constant 0 : i32
        %dma_wait3A_996 = tpu.memref_slice %arg5[%sub3A_929, %dma_wait3A_990, %add3A, %dma_wait3A_994, %dma_wait3A_995] : memref<200x8x32x8x128xf32, #tpu.memory_space<hbm>> -> memref<1x1x1x8x128xf32, #tpu.memory_space<hbm>>
        %dma_wait3A_997 = tpu.memref_squeeze %dma_wait3A_996 : memref<1x1x1x8x128xf32, #tpu.memory_space<hbm>> -> memref<8x128xf32, #tpu.memory_space<hbm>>
        %dma_wait3A_998 = arith.constant 0 : i32
        %dma_wait3A_999 = arith.constant 0 : i32
        %dma_wait3A_1000 = tpu.memref_slice %arg5[%sub3A_929, %dma_wait3A_990, %add3A, %dma_wait3A_998, %dma_wait3A_999] : memref<200x8x32x8x128xf32, #tpu.memory_space<hbm>> -> memref<1x1x1x8x128xf32, #tpu.memory_space<hbm>>
        %dma_wait3A_1001 = tpu.memref_squeeze %dma_wait3A_1000 : memref<1x1x1x8x128xf32, #tpu.memory_space<hbm>> -> memref<8x128xf32, #tpu.memory_space<hbm>>
        %dma_wait3A_1002 = arith.constant 32 : i32
        %dma_wait3A_1003 = arith.constant 0 : i32
        %dma_wait3A_1004 = tpu.memref_slice %arg13[%dma_wait3A_1002, %dma_wait3A_1003] : memref<64x129xf32, #tpu.memory_space<vmem>> -> memref<8x128xf32, #tpu.memory_space<vmem>>
        tpu.wait_dma2 semaphore(%arg19 : memref<!tpu.dma_semaphore, #tpu.memory_space<semaphore_mem>>) src(%dma_wait3A_1004 : memref<8x128xf32, #tpu.memory_space<vmem>>) dst(%dma_wait3A_1001 : memref<8x128xf32, #tpu.memory_space<hbm>>)
        %dma_wait3A_1005 = arith.constant 5 : i32
        %dma_wait3A_1006 = arith.constant 40 : i32
        %dma_wait3A_1007 = arith.constant 0 : i32
        %dma_wait3A_1008 = tpu.memref_slice %arg13[%dma_wait3A_1006, %dma_wait3A_1007] : memref<64x129xf32, #tpu.memory_space<vmem>> -> memref<8x128xf32, #tpu.memory_space<vmem>>
        %dma_wait3A_1009 = arith.constant 0 : i32
        %dma_wait3A_1010 = arith.constant 0 : i32
        %dma_wait3A_1011 = tpu.memref_slice %arg5[%sub3A_929, %dma_wait3A_1005, %add3A, %dma_wait3A_1009, %dma_wait3A_1010] : memref<200x8x32x8x128xf32, #tpu.memory_space<hbm>> -> memref<1x1x1x8x128xf32, #tpu.memory_space<hbm>>
        %dma_wait3A_1012 = tpu.memref_squeeze %dma_wait3A_1011 : memref<1x1x1x8x128xf32, #tpu.memory_space<hbm>> -> memref<8x128xf32, #tpu.memory_space<hbm>>
        %dma_wait3A_1013 = arith.constant 0 : i32
        %dma_wait3A_1014 = arith.constant 0 : i32
        %dma_wait3A_1015 = tpu.memref_slice %arg5[%sub3A_929, %dma_wait3A_1005, %add3A, %dma_wait3A_1013, %dma_wait3A_1014] : memref<200x8x32x8x128xf32, #tpu.memory_space<hbm>> -> memref<1x1x1x8x128xf32, #tpu.memory_space<hbm>>
        %dma_wait3A_1016 = tpu.memref_squeeze %dma_wait3A_1015 : memref<1x1x1x8x128xf32, #tpu.memory_space<hbm>> -> memref<8x128xf32, #tpu.memory_space<hbm>>
        %dma_wait3A_1017 = arith.constant 40 : i32
        %dma_wait3A_1018 = arith.constant 0 : i32
        %dma_wait3A_1019 = tpu.memref_slice %arg13[%dma_wait3A_1017, %dma_wait3A_1018] : memref<64x129xf32, #tpu.memory_space<vmem>> -> memref<8x128xf32, #tpu.memory_space<vmem>>
        tpu.wait_dma2 semaphore(%arg19 : memref<!tpu.dma_semaphore, #tpu.memory_space<semaphore_mem>>) src(%dma_wait3A_1019 : memref<8x128xf32, #tpu.memory_space<vmem>>) dst(%dma_wait3A_1016 : memref<8x128xf32, #tpu.memory_space<hbm>>)
        %dma_wait3A_1020 = arith.constant 6 : i32
        %dma_wait3A_1021 = arith.constant 48 : i32
        %dma_wait3A_1022 = arith.constant 0 : i32
        %dma_wait3A_1023 = tpu.memref_slice %arg13[%dma_wait3A_1021, %dma_wait3A_1022] : memref<64x129xf32, #tpu.memory_space<vmem>> -> memref<8x128xf32, #tpu.memory_space<vmem>>
        %dma_wait3A_1024 = arith.constant 0 : i32
        %dma_wait3A_1025 = arith.constant 0 : i32
        %dma_wait3A_1026 = tpu.memref_slice %arg5[%sub3A_929, %dma_wait3A_1020, %add3A, %dma_wait3A_1024, %dma_wait3A_1025] : memref<200x8x32x8x128xf32, #tpu.memory_space<hbm>> -> memref<1x1x1x8x128xf32, #tpu.memory_space<hbm>>
        %dma_wait3A_1027 = tpu.memref_squeeze %dma_wait3A_1026 : memref<1x1x1x8x128xf32, #tpu.memory_space<hbm>> -> memref<8x128xf32, #tpu.memory_space<hbm>>
        %dma_wait3A_1028 = arith.constant 0 : i32
        %dma_wait3A_1029 = arith.constant 0 : i32
        %dma_wait3A_1030 = tpu.memref_slice %arg5[%sub3A_929, %dma_wait3A_1020, %add3A, %dma_wait3A_1028, %dma_wait3A_1029] : memref<200x8x32x8x128xf32, #tpu.memory_space<hbm>> -> memref<1x1x1x8x128xf32, #tpu.memory_space<hbm>>
        %dma_wait3A_1031 = tpu.memref_squeeze %dma_wait3A_1030 : memref<1x1x1x8x128xf32, #tpu.memory_space<hbm>> -> memref<8x128xf32, #tpu.memory_space<hbm>>
        %dma_wait3A_1032 = arith.constant 48 : i32
        %dma_wait3A_1033 = arith.constant 0 : i32
        %dma_wait3A_1034 = tpu.memref_slice %arg13[%dma_wait3A_1032, %dma_wait3A_1033] : memref<64x129xf32, #tpu.memory_space<vmem>> -> memref<8x128xf32, #tpu.memory_space<vmem>>
        tpu.wait_dma2 semaphore(%arg19 : memref<!tpu.dma_semaphore, #tpu.memory_space<semaphore_mem>>) src(%dma_wait3A_1034 : memref<8x128xf32, #tpu.memory_space<vmem>>) dst(%dma_wait3A_1031 : memref<8x128xf32, #tpu.memory_space<hbm>>)
        %dma_wait3A_1035 = arith.constant 7 : i32
        %dma_wait3A_1036 = arith.constant 56 : i32
        %dma_wait3A_1037 = arith.constant 0 : i32
        %dma_wait3A_1038 = tpu.memref_slice %arg13[%dma_wait3A_1036, %dma_wait3A_1037] : memref<64x129xf32, #tpu.memory_space<vmem>> -> memref<8x128xf32, #tpu.memory_space<vmem>>
        %dma_wait3A_1039 = arith.constant 0 : i32
        %dma_wait3A_1040 = arith.constant 0 : i32
        %dma_wait3A_1041 = tpu.memref_slice %arg5[%sub3A_929, %dma_wait3A_1035, %add3A, %dma_wait3A_1039, %dma_wait3A_1040] : memref<200x8x32x8x128xf32, #tpu.memory_space<hbm>> -> memref<1x1x1x8x128xf32, #tpu.memory_space<hbm>>
        %dma_wait3A_1042 = tpu.memref_squeeze %dma_wait3A_1041 : memref<1x1x1x8x128xf32, #tpu.memory_space<hbm>> -> memref<8x128xf32, #tpu.memory_space<hbm>>
        %dma_wait3A_1043 = arith.constant 0 : i32
        %dma_wait3A_1044 = arith.constant 0 : i32
        %dma_wait3A_1045 = tpu.memref_slice %arg5[%sub3A_929, %dma_wait3A_1035, %add3A, %dma_wait3A_1043, %dma_wait3A_1044] : memref<200x8x32x8x128xf32, #tpu.memory_space<hbm>> -> memref<1x1x1x8x128xf32, #tpu.memory_space<hbm>>
        %dma_wait3A_1046 = tpu.memref_squeeze %dma_wait3A_1045 : memref<1x1x1x8x128xf32, #tpu.memory_space<hbm>> -> memref<8x128xf32, #tpu.memory_space<hbm>>
        %dma_wait3A_1047 = arith.constant 56 : i32
        %dma_wait3A_1048 = arith.constant 0 : i32
        %dma_wait3A_1049 = tpu.memref_slice %arg13[%dma_wait3A_1047, %dma_wait3A_1048] : memref<64x129xf32, #tpu.memory_space<vmem>> -> memref<8x128xf32, #tpu.memory_space<vmem>>
        tpu.wait_dma2 semaphore(%arg19 : memref<!tpu.dma_semaphore, #tpu.memory_space<semaphore_mem>>) src(%dma_wait3A_1049 : memref<8x128xf32, #tpu.memory_space<vmem>>) dst(%dma_wait3A_1046 : memref<8x128xf32, #tpu.memory_space<hbm>>)
      } else {
      }
      %get3A_793 = arith.index_cast %add3A_772 : i32 to index
      %get3A_794 = arith.constant 0 : index
      %get3A_795 = tpu.vector_load %arg11[%get3A_793, %get3A_794] {strides = array<i32>} : memref<200x64xf32, #tpu.memory_space<vmem>>, vector<16xf32>,
      %get3A_796 = arith.index_cast %add3A_772 : i32 to index
      %get3A_797 = arith.constant 16 : index
      %get3A_798 = tpu.vector_load %arg11[%get3A_796, %get3A_797] {strides = array<i32>} : memref<200x64xf32, #tpu.memory_space<vmem>>, vector<16xf32>,
      %get3A_799 = arith.index_cast %add3A_772 : i32 to index
      %get3A_800 = arith.constant 32 : index
      %get3A_801 = tpu.vector_load %arg11[%get3A_799, %get3A_800] {strides = array<i32>} : memref<200x64xf32, #tpu.memory_space<vmem>>, vector<16xf32>,
      %get3A_802 = arith.index_cast %add3A_772 : i32 to index
      %get3A_803 = arith.constant 48 : index
      %get3A_804 = tpu.vector_load %arg11[%get3A_802, %get3A_803] {strides = array<i32>} : memref<200x64xf32, #tpu.memory_space<vmem>>, vector<16xf32>,
      %parallel_loop3A_805 = arith.constant 0 : i32
      %parallel_loop3A_806 = arith.constant 128 : i32
      %parallel_loop3A_807 = arith.constant 1 : i32
      scf.for %parallel_loop3A_928 = %parallel_loop3A_805 to %parallel_loop3A_806 step %parallel_loop3A_807  : i32 {
        %parallel_loop3A_929 = vector.broadcast %parallel_loop3A_928 : i32 to vector<16xi32>
        %parallel_loop3A_930 = arith.index_cast %parallel_loop3A_928 : i32 to index
        %parallel_loop3A_931 = arith.constant 0 : index
        %parallel_loop3A_932 = tpu.vector_load %arg10[%parallel_loop3A_930, %parallel_loop3A_931] {strides = array<i32>} : memref<128x64xf32, #tpu.memory_space<vmem>>, vector<16xf32>,
        %parallel_loop3A_933 = arith.addf %parallel_loop3A_932, %get3A_795 : vector<16xf32>
        tpu.vector_store_idx %arg13[%add3A_5, %parallel_loop3A_929], %parallel_loop3A_933 : memref<64x129xf32, #tpu.memory_space<vmem>>[vector<16xi32>, vector<16xi32>], vector<16xf32>,
        %parallel_loop3A_934 = arith.index_cast %parallel_loop3A_928 : i32 to index
        %parallel_loop3A_935 = arith.constant 16 : index
        %parallel_loop3A_936 = tpu.vector_load %arg10[%parallel_loop3A_934, %parallel_loop3A_935] {strides = array<i32>} : memref<128x64xf32, #tpu.memory_space<vmem>>, vector<16xf32>,
        %parallel_loop3A_937 = arith.addf %parallel_loop3A_936, %get3A_798 : vector<16xf32>
        tpu.vector_store_idx %arg13[%add3A_8, %parallel_loop3A_929], %parallel_loop3A_937 : memref<64x129xf32, #tpu.memory_space<vmem>>[vector<16xi32>, vector<16xi32>], vector<16xf32>,
        %parallel_loop3A_938 = arith.index_cast %parallel_loop3A_928 : i32 to index
        %parallel_loop3A_939 = arith.constant 32 : index
        %parallel_loop3A_940 = tpu.vector_load %arg10[%parallel_loop3A_938, %parallel_loop3A_939] {strides = array<i32>} : memref<128x64xf32, #tpu.memory_space<vmem>>, vector<16xf32>,
        %parallel_loop3A_941 = arith.addf %parallel_loop3A_940, %get3A_801 : vector<16xf32>
        tpu.vector_store_idx %arg13[%add3A_11, %parallel_loop3A_929], %parallel_loop3A_941 : memref<64x129xf32, #tpu.memory_space<vmem>>[vector<16xi32>, vector<16xi32>], vector<16xf32>,
        %parallel_loop3A_942 = arith.index_cast %parallel_loop3A_928 : i32 to index
        %parallel_loop3A_943 = arith.constant 48 : index
        %parallel_loop3A_944 = tpu.vector_load %arg10[%parallel_loop3A_942, %parallel_loop3A_943] {strides = array<i32>} : memref<128x64xf32, #tpu.memory_space<vmem>>, vector<16xf32>,
        %parallel_loop3A_945 = arith.addf %parallel_loop3A_944, %get3A_804 : vector<16xf32>
        tpu.vector_store_idx %arg13[%add3A_14, %parallel_loop3A_929], %parallel_loop3A_945 : memref<64x129xf32, #tpu.memory_space<vmem>>[vector<16xi32>, vector<16xi32>], vector<16xf32>,
      } {sc.loop_unroll_factor = 16 : i64, sc.parallel_access}
      %dma_start3A_808 = arith.constant 0 : i32
      %dma_start3A_809 = arith.constant 0 : i32
      %dma_start3A_810 = arith.constant 0 : i32
      %dma_start3A_811 = tpu.memref_slice %arg13[%dma_start3A_809, %dma_start3A_810] : memref<64x129xf32, #tpu.memory_space<vmem>> -> memref<8x128xf32, #tpu.memory_space<vmem>>
      %dma_start3A_812 = arith.constant 0 : i32
      %dma_start3A_813 = arith.constant 0 : i32
      %dma_start3A_814 = tpu.memref_slice %arg5[%add3A_772, %dma_start3A_808, %add3A, %dma_start3A_812, %dma_start3A_813] : memref<200x8x32x8x128xf32, #tpu.memory_space<hbm>> -> memref<1x1x1x8x128xf32, #tpu.memory_space<hbm>>
      %dma_start3A_815 = tpu.memref_squeeze %dma_start3A_814 : memref<1x1x1x8x128xf32, #tpu.memory_space<hbm>> -> memref<8x128xf32, #tpu.memory_space<hbm>>
      %dma_start3A_816 = arith.constant 0 : i32
      %dma_start3A_817 = arith.constant 0 : i32
      %dma_start3A_818 = tpu.memref_slice %arg5[%add3A_772, %dma_start3A_808, %add3A, %dma_start3A_816, %dma_start3A_817] : memref<200x8x32x8x128xf32, #tpu.memory_space<hbm>> -> memref<1x1x1x8x128xf32, #tpu.memory_space<hbm>>
      %dma_start3A_819 = tpu.memref_squeeze %dma_start3A_818 : memref<1x1x1x8x128xf32, #tpu.memory_space<hbm>> -> memref<8x128xf32, #tpu.memory_space<hbm>>
      %dma_start3A_820 = arith.constant 0 : i32
      %dma_start3A_821 = arith.constant 0 : i32
      %dma_start3A_822 = tpu.memref_slice %arg13[%dma_start3A_820, %dma_start3A_821] : memref<64x129xf32, #tpu.memory_space<vmem>> -> memref<8x128xf32, #tpu.memory_space<vmem>>
      tpu.enqueue_dma source(%dma_start3A_822 : memref<8x128xf32, #tpu.memory_space<vmem>>) target(%dma_start3A_819 : memref<8x128xf32, #tpu.memory_space<hbm>>) target_semaphore(%arg19 : memref<!tpu.dma_semaphore, #tpu.memory_space<semaphore_mem>>)
      %dma_start3A_823 = arith.constant 1 : i32
      %dma_start3A_824 = arith.constant 8 : i32
      %dma_start3A_825 = arith.constant 0 : i32
      %dma_start3A_826 = tpu.memref_slice %arg13[%dma_start3A_824, %dma_start3A_825] : memref<64x129xf32, #tpu.memory_space<vmem>> -> memref<8x128xf32, #tpu.memory_space<vmem>>
      %dma_start3A_827 = arith.constant 0 : i32
      %dma_start3A_828 = arith.constant 0 : i32
      %dma_start3A_829 = tpu.memref_slice %arg5[%add3A_772, %dma_start3A_823, %add3A, %dma_start3A_827, %dma_start3A_828] : memref<200x8x32x8x128xf32, #tpu.memory_space<hbm>> -> memref<1x1x1x8x128xf32, #tpu.memory_space<hbm>>
      %dma_start3A_830 = tpu.memref_squeeze %dma_start3A_829 : memref<1x1x1x8x128xf32, #tpu.memory_space<hbm>> -> memref<8x128xf32, #tpu.memory_space<hbm>>
      %dma_start3A_831 = arith.constant 0 : i32
      %dma_start3A_832 = arith.constant 0 : i32
      %dma_start3A_833 = tpu.memref_slice %arg5[%add3A_772, %dma_start3A_823, %add3A, %dma_start3A_831, %dma_start3A_832] : memref<200x8x32x8x128xf32, #tpu.memory_space<hbm>> -> memref<1x1x1x8x128xf32, #tpu.memory_space<hbm>>
      %dma_start3A_834 = tpu.memref_squeeze %dma_start3A_833 : memref<1x1x1x8x128xf32, #tpu.memory_space<hbm>> -> memref<8x128xf32, #tpu.memory_space<hbm>>
      %dma_start3A_835 = arith.constant 8 : i32
      %dma_start3A_836 = arith.constant 0 : i32
      %dma_start3A_837 = tpu.memref_slice %arg13[%dma_start3A_835, %dma_start3A_836] : memref<64x129xf32, #tpu.memory_space<vmem>> -> memref<8x128xf32, #tpu.memory_space<vmem>>
      tpu.enqueue_dma source(%dma_start3A_837 : memref<8x128xf32, #tpu.memory_space<vmem>>) target(%dma_start3A_834 : memref<8x128xf32, #tpu.memory_space<hbm>>) target_semaphore(%arg19 : memref<!tpu.dma_semaphore, #tpu.memory_space<semaphore_mem>>)
      %dma_start3A_838 = arith.constant 2 : i32
      %dma_start3A_839 = arith.constant 16 : i32
      %dma_start3A_840 = arith.constant 0 : i32
      %dma_start3A_841 = tpu.memref_slice %arg13[%dma_start3A_839, %dma_start3A_840] : memref<64x129xf32, #tpu.memory_space<vmem>> -> memref<8x128xf32, #tpu.memory_space<vmem>>
      %dma_start3A_842 = arith.constant 0 : i32
      %dma_start3A_843 = arith.constant 0 : i32
      %dma_start3A_844 = tpu.memref_slice %arg5[%add3A_772, %dma_start3A_838, %add3A, %dma_start3A_842, %dma_start3A_843] : memref<200x8x32x8x128xf32, #tpu.memory_space<hbm>> -> memref<1x1x1x8x128xf32, #tpu.memory_space<hbm>>
      %dma_start3A_845 = tpu.memref_squeeze %dma_start3A_844 : memref<1x1x1x8x128xf32, #tpu.memory_space<hbm>> -> memref<8x128xf32, #tpu.memory_space<hbm>>
      %dma_start3A_846 = arith.constant 0 : i32
      %dma_start3A_847 = arith.constant 0 : i32
      %dma_start3A_848 = tpu.memref_slice %arg5[%add3A_772, %dma_start3A_838, %add3A, %dma_start3A_846, %dma_start3A_847] : memref<200x8x32x8x128xf32, #tpu.memory_space<hbm>> -> memref<1x1x1x8x128xf32, #tpu.memory_space<hbm>>
      %dma_start3A_849 = tpu.memref_squeeze %dma_start3A_848 : memref<1x1x1x8x128xf32, #tpu.memory_space<hbm>> -> memref<8x128xf32, #tpu.memory_space<hbm>>
      %dma_start3A_850 = arith.constant 16 : i32
      %dma_start3A_851 = arith.constant 0 : i32
      %dma_start3A_852 = tpu.memref_slice %arg13[%dma_start3A_850, %dma_start3A_851] : memref<64x129xf32, #tpu.memory_space<vmem>> -> memref<8x128xf32, #tpu.memory_space<vmem>>
      tpu.enqueue_dma source(%dma_start3A_852 : memref<8x128xf32, #tpu.memory_space<vmem>>) target(%dma_start3A_849 : memref<8x128xf32, #tpu.memory_space<hbm>>) target_semaphore(%arg19 : memref<!tpu.dma_semaphore, #tpu.memory_space<semaphore_mem>>)
      %dma_start3A_853 = arith.constant 3 : i32
      %dma_start3A_854 = arith.constant 24 : i32
      %dma_start3A_855 = arith.constant 0 : i32
      %dma_start3A_856 = tpu.memref_slice %arg13[%dma_start3A_854, %dma_start3A_855] : memref<64x129xf32, #tpu.memory_space<vmem>> -> memref<8x128xf32, #tpu.memory_space<vmem>>
      %dma_start3A_857 = arith.constant 0 : i32
      %dma_start3A_858 = arith.constant 0 : i32
      %dma_start3A_859 = tpu.memref_slice %arg5[%add3A_772, %dma_start3A_853, %add3A, %dma_start3A_857, %dma_start3A_858] : memref<200x8x32x8x128xf32, #tpu.memory_space<hbm>> -> memref<1x1x1x8x128xf32, #tpu.memory_space<hbm>>
      %dma_start3A_860 = tpu.memref_squeeze %dma_start3A_859 : memref<1x1x1x8x128xf32, #tpu.memory_space<hbm>> -> memref<8x128xf32, #tpu.memory_space<hbm>>
      %dma_start3A_861 = arith.constant 0 : i32
      %dma_start3A_862 = arith.constant 0 : i32
      %dma_start3A_863 = tpu.memref_slice %arg5[%add3A_772, %dma_start3A_853, %add3A, %dma_start3A_861, %dma_start3A_862] : memref<200x8x32x8x128xf32, #tpu.memory_space<hbm>> -> memref<1x1x1x8x128xf32, #tpu.memory_space<hbm>>
      %dma_start3A_864 = tpu.memref_squeeze %dma_start3A_863 : memref<1x1x1x8x128xf32, #tpu.memory_space<hbm>> -> memref<8x128xf32, #tpu.memory_space<hbm>>
      %dma_start3A_865 = arith.constant 24 : i32
      %dma_start3A_866 = arith.constant 0 : i32
      %dma_start3A_867 = tpu.memref_slice %arg13[%dma_start3A_865, %dma_start3A_866] : memref<64x129xf32, #tpu.memory_space<vmem>> -> memref<8x128xf32, #tpu.memory_space<vmem>>
      tpu.enqueue_dma source(%dma_start3A_867 : memref<8x128xf32, #tpu.memory_space<vmem>>) target(%dma_start3A_864 : memref<8x128xf32, #tpu.memory_space<hbm>>) target_semaphore(%arg19 : memref<!tpu.dma_semaphore, #tpu.memory_space<semaphore_mem>>)
      %dma_start3A_868 = arith.constant 4 : i32
      %dma_start3A_869 = arith.constant 32 : i32
      %dma_start3A_870 = arith.constant 0 : i32
      %dma_start3A_871 = tpu.memref_slice %arg13[%dma_start3A_869, %dma_start3A_870] : memref<64x129xf32, #tpu.memory_space<vmem>> -> memref<8x128xf32, #tpu.memory_space<vmem>>
      %dma_start3A_872 = arith.constant 0 : i32
      %dma_start3A_873 = arith.constant 0 : i32
      %dma_start3A_874 = tpu.memref_slice %arg5[%add3A_772, %dma_start3A_868, %add3A, %dma_start3A_872, %dma_start3A_873] : memref<200x8x32x8x128xf32, #tpu.memory_space<hbm>> -> memref<1x1x1x8x128xf32, #tpu.memory_space<hbm>>
      %dma_start3A_875 = tpu.memref_squeeze %dma_start3A_874 : memref<1x1x1x8x128xf32, #tpu.memory_space<hbm>> -> memref<8x128xf32, #tpu.memory_space<hbm>>
      %dma_start3A_876 = arith.constant 0 : i32
      %dma_start3A_877 = arith.constant 0 : i32
      %dma_start3A_878 = tpu.memref_slice %arg5[%add3A_772, %dma_start3A_868, %add3A, %dma_start3A_876, %dma_start3A_877] : memref<200x8x32x8x128xf32, #tpu.memory_space<hbm>> -> memref<1x1x1x8x128xf32, #tpu.memory_space<hbm>>
      %dma_start3A_879 = tpu.memref_squeeze %dma_start3A_878 : memref<1x1x1x8x128xf32, #tpu.memory_space<hbm>> -> memref<8x128xf32, #tpu.memory_space<hbm>>
      %dma_start3A_880 = arith.constant 32 : i32
      %dma_start3A_881 = arith.constant 0 : i32
      %dma_start3A_882 = tpu.memref_slice %arg13[%dma_start3A_880, %dma_start3A_881] : memref<64x129xf32, #tpu.memory_space<vmem>> -> memref<8x128xf32, #tpu.memory_space<vmem>>
      tpu.enqueue_dma source(%dma_start3A_882 : memref<8x128xf32, #tpu.memory_space<vmem>>) target(%dma_start3A_879 : memref<8x128xf32, #tpu.memory_space<hbm>>) target_semaphore(%arg19 : memref<!tpu.dma_semaphore, #tpu.memory_space<semaphore_mem>>)
      %dma_start3A_883 = arith.constant 5 : i32
      %dma_start3A_884 = arith.constant 40 : i32
      %dma_start3A_885 = arith.constant 0 : i32
      %dma_start3A_886 = tpu.memref_slice %arg13[%dma_start3A_884, %dma_start3A_885] : memref<64x129xf32, #tpu.memory_space<vmem>> -> memref<8x128xf32, #tpu.memory_space<vmem>>
      %dma_start3A_887 = arith.constant 0 : i32
      %dma_start3A_888 = arith.constant 0 : i32
      %dma_start3A_889 = tpu.memref_slice %arg5[%add3A_772, %dma_start3A_883, %add3A, %dma_start3A_887, %dma_start3A_888] : memref<200x8x32x8x128xf32, #tpu.memory_space<hbm>> -> memref<1x1x1x8x128xf32, #tpu.memory_space<hbm>>
      %dma_start3A_890 = tpu.memref_squeeze %dma_start3A_889 : memref<1x1x1x8x128xf32, #tpu.memory_space<hbm>> -> memref<8x128xf32, #tpu.memory_space<hbm>>
      %dma_start3A_891 = arith.constant 0 : i32
      %dma_start3A_892 = arith.constant 0 : i32
      %dma_start3A_893 = tpu.memref_slice %arg5[%add3A_772, %dma_start3A_883, %add3A, %dma_start3A_891, %dma_start3A_892] : memref<200x8x32x8x128xf32, #tpu.memory_space<hbm>> -> memref<1x1x1x8x128xf32, #tpu.memory_space<hbm>>
      %dma_start3A_894 = tpu.memref_squeeze %dma_start3A_893 : memref<1x1x1x8x128xf32, #tpu.memory_space<hbm>> -> memref<8x128xf32, #tpu.memory_space<hbm>>
      %dma_start3A_895 = arith.constant 40 : i32
      %dma_start3A_896 = arith.constant 0 : i32
      %dma_start3A_897 = tpu.memref_slice %arg13[%dma_start3A_895, %dma_start3A_896] : memref<64x129xf32, #tpu.memory_space<vmem>> -> memref<8x128xf32, #tpu.memory_space<vmem>>
      tpu.enqueue_dma source(%dma_start3A_897 : memref<8x128xf32, #tpu.memory_space<vmem>>) target(%dma_start3A_894 : memref<8x128xf32, #tpu.memory_space<hbm>>) target_semaphore(%arg19 : memref<!tpu.dma_semaphore, #tpu.memory_space<semaphore_mem>>)
      %dma_start3A_898 = arith.constant 6 : i32
      %dma_start3A_899 = arith.constant 48 : i32
      %dma_start3A_900 = arith.constant 0 : i32
      %dma_start3A_901 = tpu.memref_slice %arg13[%dma_start3A_899, %dma_start3A_900] : memref<64x129xf32, #tpu.memory_space<vmem>> -> memref<8x128xf32, #tpu.memory_space<vmem>>
      %dma_start3A_902 = arith.constant 0 : i32
      %dma_start3A_903 = arith.constant 0 : i32
      %dma_start3A_904 = tpu.memref_slice %arg5[%add3A_772, %dma_start3A_898, %add3A, %dma_start3A_902, %dma_start3A_903] : memref<200x8x32x8x128xf32, #tpu.memory_space<hbm>> -> memref<1x1x1x8x128xf32, #tpu.memory_space<hbm>>
      %dma_start3A_905 = tpu.memref_squeeze %dma_start3A_904 : memref<1x1x1x8x128xf32, #tpu.memory_space<hbm>> -> memref<8x128xf32, #tpu.memory_space<hbm>>
      %dma_start3A_906 = arith.constant 0 : i32
      %dma_start3A_907 = arith.constant 0 : i32
      %dma_start3A_908 = tpu.memref_slice %arg5[%add3A_772, %dma_start3A_898, %add3A, %dma_start3A_906, %dma_start3A_907] : memref<200x8x32x8x128xf32, #tpu.memory_space<hbm>> -> memref<1x1x1x8x128xf32, #tpu.memory_space<hbm>>
      %dma_start3A_909 = tpu.memref_squeeze %dma_start3A_908 : memref<1x1x1x8x128xf32, #tpu.memory_space<hbm>> -> memref<8x128xf32, #tpu.memory_space<hbm>>
      %dma_start3A_910 = arith.constant 48 : i32
      %dma_start3A_911 = arith.constant 0 : i32
      %dma_start3A_912 = tpu.memref_slice %arg13[%dma_start3A_910, %dma_start3A_911] : memref<64x129xf32, #tpu.memory_space<vmem>> -> memref<8x128xf32, #tpu.memory_space<vmem>>
      tpu.enqueue_dma source(%dma_start3A_912 : memref<8x128xf32, #tpu.memory_space<vmem>>) target(%dma_start3A_909 : memref<8x128xf32, #tpu.memory_space<hbm>>) target_semaphore(%arg19 : memref<!tpu.dma_semaphore, #tpu.memory_space<semaphore_mem>>)
      %dma_start3A_913 = arith.constant 7 : i32
      %dma_start3A_914 = arith.constant 56 : i32
      %dma_start3A_915 = arith.constant 0 : i32
      %dma_start3A_916 = tpu.memref_slice %arg13[%dma_start3A_914, %dma_start3A_915] : memref<64x129xf32, #tpu.memory_space<vmem>> -> memref<8x128xf32, #tpu.memory_space<vmem>>
      %dma_start3A_917 = arith.constant 0 : i32
      %dma_start3A_918 = arith.constant 0 : i32
      %dma_start3A_919 = tpu.memref_slice %arg5[%add3A_772, %dma_start3A_913, %add3A, %dma_start3A_917, %dma_start3A_918] : memref<200x8x32x8x128xf32, #tpu.memory_space<hbm>> -> memref<1x1x1x8x128xf32, #tpu.memory_space<hbm>>
      %dma_start3A_920 = tpu.memref_squeeze %dma_start3A_919 : memref<1x1x1x8x128xf32, #tpu.memory_space<hbm>> -> memref<8x128xf32, #tpu.memory_space<hbm>>
      %dma_start3A_921 = arith.constant 0 : i32
      %dma_start3A_922 = arith.constant 0 : i32
      %dma_start3A_923 = tpu.memref_slice %arg5[%add3A_772, %dma_start3A_913, %add3A, %dma_start3A_921, %dma_start3A_922] : memref<200x8x32x8x128xf32, #tpu.memory_space<hbm>> -> memref<1x1x1x8x128xf32, #tpu.memory_space<hbm>>
      %dma_start3A_924 = tpu.memref_squeeze %dma_start3A_923 : memref<1x1x1x8x128xf32, #tpu.memory_space<hbm>> -> memref<8x128xf32, #tpu.memory_space<hbm>>
      %dma_start3A_925 = arith.constant 56 : i32
      %dma_start3A_926 = arith.constant 0 : i32
      %dma_start3A_927 = tpu.memref_slice %arg13[%dma_start3A_925, %dma_start3A_926] : memref<64x129xf32, #tpu.memory_space<vmem>> -> memref<8x128xf32, #tpu.memory_space<vmem>>
      tpu.enqueue_dma source(%dma_start3A_927 : memref<8x128xf32, #tpu.memory_space<vmem>>) target(%dma_start3A_924 : memref<8x128xf32, #tpu.memory_space<hbm>>) target_semaphore(%arg19 : memref<!tpu.dma_semaphore, #tpu.memory_space<semaphore_mem>>)
    }
    %scan3A_38 = arith.constant 50 : i32
    %dma_wait3A = arith.constant 198 : i32
    %dma_wait3A_39 = arith.constant 0 : i32
    %dma_wait3A_40 = arith.constant 0 : i32
    %dma_wait3A_41 = arith.constant 0 : i32
    %dma_wait3A_42 = tpu.memref_slice %arg12[%dma_wait3A_40, %dma_wait3A_41] : memref<64x129xf32, #tpu.memory_space<vmem>> -> memref<8x128xf32, #tpu.memory_space<vmem>>
    %dma_wait3A_43 = arith.constant 0 : i32
    %dma_wait3A_44 = arith.constant 0 : i32
    %dma_wait3A_45 = tpu.memref_slice %arg5[%dma_wait3A, %dma_wait3A_39, %add3A, %dma_wait3A_43, %dma_wait3A_44] : memref<200x8x32x8x128xf32, #tpu.memory_space<hbm>> -> memref<1x1x1x8x128xf32, #tpu.memory_space<hbm>>
    %dma_wait3A_46 = tpu.memref_squeeze %dma_wait3A_45 : memref<1x1x1x8x128xf32, #tpu.memory_space<hbm>> -> memref<8x128xf32, #tpu.memory_space<hbm>>
    %dma_wait3A_47 = arith.constant 0 : i32
    %dma_wait3A_48 = arith.constant 0 : i32
    %dma_wait3A_49 = tpu.memref_slice %arg5[%dma_wait3A, %dma_wait3A_39, %add3A, %dma_wait3A_47, %dma_wait3A_48] : memref<200x8x32x8x128xf32, #tpu.memory_space<hbm>> -> memref<1x1x1x8x128xf32, #tpu.memory_space<hbm>>
    %dma_wait3A_50 = tpu.memref_squeeze %dma_wait3A_49 : memref<1x1x1x8x128xf32, #tpu.memory_space<hbm>> -> memref<8x128xf32, #tpu.memory_space<hbm>>
    %dma_wait3A_51 = arith.constant 0 : i32
    %dma_wait3A_52 = arith.constant 0 : i32
    %dma_wait3A_53 = tpu.memref_slice %arg12[%dma_wait3A_51, %dma_wait3A_52] : memref<64x129xf32, #tpu.memory_space<vmem>> -> memref<8x128xf32, #tpu.memory_space<vmem>>
    tpu.wait_dma2 semaphore(%arg18 : memref<!tpu.dma_semaphore, #tpu.memory_space<semaphore_mem>>) src(%dma_wait3A_53 : memref<8x128xf32, #tpu.memory_space<vmem>>) dst(%dma_wait3A_50 : memref<8x128xf32, #tpu.memory_space<hbm>>)
    %dma_wait3A_54 = arith.constant 198 : i32
    %dma_wait3A_55 = arith.constant 1 : i32
    %dma_wait3A_56 = arith.constant 8 : i32
    %dma_wait3A_57 = arith.constant 0 : i32
    %dma_wait3A_58 = tpu.memref_slice %arg12[%dma_wait3A_56, %dma_wait3A_57] : memref<64x129xf32, #tpu.memory_space<vmem>> -> memref<8x128xf32, #tpu.memory_space<vmem>>
    %dma_wait3A_59 = arith.constant 0 : i32
    %dma_wait3A_60 = arith.constant 0 : i32
    %dma_wait3A_61 = tpu.memref_slice %arg5[%dma_wait3A_54, %dma_wait3A_55, %add3A, %dma_wait3A_59, %dma_wait3A_60] : memref<200x8x32x8x128xf32, #tpu.memory_space<hbm>> -> memref<1x1x1x8x128xf32, #tpu.memory_space<hbm>>
    %dma_wait3A_62 = tpu.memref_squeeze %dma_wait3A_61 : memref<1x1x1x8x128xf32, #tpu.memory_space<hbm>> -> memref<8x128xf32, #tpu.memory_space<hbm>>
    %dma_wait3A_63 = arith.constant 0 : i32
    %dma_wait3A_64 = arith.constant 0 : i32
    %dma_wait3A_65 = tpu.memref_slice %arg5[%dma_wait3A_54, %dma_wait3A_55, %add3A, %dma_wait3A_63, %dma_wait3A_64] : memref<200x8x32x8x128xf32, #tpu.memory_space<hbm>> -> memref<1x1x1x8x128xf32, #tpu.memory_space<hbm>>
    %dma_wait3A_66 = tpu.memref_squeeze %dma_wait3A_65 : memref<1x1x1x8x128xf32, #tpu.memory_space<hbm>> -> memref<8x128xf32, #tpu.memory_space<hbm>>
    %dma_wait3A_67 = arith.constant 8 : i32
    %dma_wait3A_68 = arith.constant 0 : i32
    %dma_wait3A_69 = tpu.memref_slice %arg12[%dma_wait3A_67, %dma_wait3A_68] : memref<64x129xf32, #tpu.memory_space<vmem>> -> memref<8x128xf32, #tpu.memory_space<vmem>>
    tpu.wait_dma2 semaphore(%arg18 : memref<!tpu.dma_semaphore, #tpu.memory_space<semaphore_mem>>) src(%dma_wait3A_69 : memref<8x128xf32, #tpu.memory_space<vmem>>) dst(%dma_wait3A_66 : memref<8x128xf32, #tpu.memory_space<hbm>>)
    %dma_wait3A_70 = arith.constant 198 : i32
    %dma_wait3A_71 = arith.constant 2 : i32
    %dma_wait3A_72 = arith.constant 16 : i32
    %dma_wait3A_73 = arith.constant 0 : i32
    %dma_wait3A_74 = tpu.memref_slice %arg12[%dma_wait3A_72, %dma_wait3A_73] : memref<64x129xf32, #tpu.memory_space<vmem>> -> memref<8x128xf32, #tpu.memory_space<vmem>>
    %dma_wait3A_75 = arith.constant 0 : i32
    %dma_wait3A_76 = arith.constant 0 : i32
    %dma_wait3A_77 = tpu.memref_slice %arg5[%dma_wait3A_70, %dma_wait3A_71, %add3A, %dma_wait3A_75, %dma_wait3A_76] : memref<200x8x32x8x128xf32, #tpu.memory_space<hbm>> -> memref<1x1x1x8x128xf32, #tpu.memory_space<hbm>>
    %dma_wait3A_78 = tpu.memref_squeeze %dma_wait3A_77 : memref<1x1x1x8x128xf32, #tpu.memory_space<hbm>> -> memref<8x128xf32, #tpu.memory_space<hbm>>
    %dma_wait3A_79 = arith.constant 0 : i32
    %dma_wait3A_80 = arith.constant 0 : i32
    %dma_wait3A_81 = tpu.memref_slice %arg5[%dma_wait3A_70, %dma_wait3A_71, %add3A, %dma_wait3A_79, %dma_wait3A_80] : memref<200x8x32x8x128xf32, #tpu.memory_space<hbm>> -> memref<1x1x1x8x128xf32, #tpu.memory_space<hbm>>
    %dma_wait3A_82 = tpu.memref_squeeze %dma_wait3A_81 : memref<1x1x1x8x128xf32, #tpu.memory_space<hbm>> -> memref<8x128xf32, #tpu.memory_space<hbm>>
    %dma_wait3A_83 = arith.constant 16 : i32
    %dma_wait3A_84 = arith.constant 0 : i32
    %dma_wait3A_85 = tpu.memref_slice %arg12[%dma_wait3A_83, %dma_wait3A_84] : memref<64x129xf32, #tpu.memory_space<vmem>> -> memref<8x128xf32, #tpu.memory_space<vmem>>
    tpu.wait_dma2 semaphore(%arg18 : memref<!tpu.dma_semaphore, #tpu.memory_space<semaphore_mem>>) src(%dma_wait3A_85 : memref<8x128xf32, #tpu.memory_space<vmem>>) dst(%dma_wait3A_82 : memref<8x128xf32, #tpu.memory_space<hbm>>)
    %dma_wait3A_86 = arith.constant 198 : i32
    %dma_wait3A_87 = arith.constant 3 : i32
    %dma_wait3A_88 = arith.constant 24 : i32
    %dma_wait3A_89 = arith.constant 0 : i32
    %dma_wait3A_90 = tpu.memref_slice %arg12[%dma_wait3A_88, %dma_wait3A_89] : memref<64x129xf32, #tpu.memory_space<vmem>> -> memref<8x128xf32, #tpu.memory_space<vmem>>
    %dma_wait3A_91 = arith.constant 0 : i32
    %dma_wait3A_92 = arith.constant 0 : i32
    %dma_wait3A_93 = tpu.memref_slice %arg5[%dma_wait3A_86, %dma_wait3A_87, %add3A, %dma_wait3A_91, %dma_wait3A_92] : memref<200x8x32x8x128xf32, #tpu.memory_space<hbm>> -> memref<1x1x1x8x128xf32, #tpu.memory_space<hbm>>
    %dma_wait3A_94 = tpu.memref_squeeze %dma_wait3A_93 : memref<1x1x1x8x128xf32, #tpu.memory_space<hbm>> -> memref<8x128xf32, #tpu.memory_space<hbm>>
    %dma_wait3A_95 = arith.constant 0 : i32
    %dma_wait3A_96 = arith.constant 0 : i32
    %dma_wait3A_97 = tpu.memref_slice %arg5[%dma_wait3A_86, %dma_wait3A_87, %add3A, %dma_wait3A_95, %dma_wait3A_96] : memref<200x8x32x8x128xf32, #tpu.memory_space<hbm>> -> memref<1x1x1x8x128xf32, #tpu.memory_space<hbm>>
    %dma_wait3A_98 = tpu.memref_squeeze %dma_wait3A_97 : memref<1x1x1x8x128xf32, #tpu.memory_space<hbm>> -> memref<8x128xf32, #tpu.memory_space<hbm>>
    %dma_wait3A_99 = arith.constant 24 : i32
    %dma_wait3A_100 = arith.constant 0 : i32
    %dma_wait3A_101 = tpu.memref_slice %arg12[%dma_wait3A_99, %dma_wait3A_100] : memref<64x129xf32, #tpu.memory_space<vmem>> -> memref<8x128xf32, #tpu.memory_space<vmem>>
    tpu.wait_dma2 semaphore(%arg18 : memref<!tpu.dma_semaphore, #tpu.memory_space<semaphore_mem>>) src(%dma_wait3A_101 : memref<8x128xf32, #tpu.memory_space<vmem>>) dst(%dma_wait3A_98 : memref<8x128xf32, #tpu.memory_space<hbm>>)
    %dma_wait3A_102 = arith.constant 198 : i32
    %dma_wait3A_103 = arith.constant 4 : i32
    %dma_wait3A_104 = arith.constant 32 : i32
    %dma_wait3A_105 = arith.constant 0 : i32
    %dma_wait3A_106 = tpu.memref_slice %arg12[%dma_wait3A_104, %dma_wait3A_105] : memref<64x129xf32, #tpu.memory_space<vmem>> -> memref<8x128xf32, #tpu.memory_space<vmem>>
    %dma_wait3A_107 = arith.constant 0 : i32
    %dma_wait3A_108 = arith.constant 0 : i32
    %dma_wait3A_109 = tpu.memref_slice %arg5[%dma_wait3A_102, %dma_wait3A_103, %add3A, %dma_wait3A_107, %dma_wait3A_108] : memref<200x8x32x8x128xf32, #tpu.memory_space<hbm>> -> memref<1x1x1x8x128xf32, #tpu.memory_space<hbm>>
    %dma_wait3A_110 = tpu.memref_squeeze %dma_wait3A_109 : memref<1x1x1x8x128xf32, #tpu.memory_space<hbm>> -> memref<8x128xf32, #tpu.memory_space<hbm>>
    %dma_wait3A_111 = arith.constant 0 : i32
    %dma_wait3A_112 = arith.constant 0 : i32
    %dma_wait3A_113 = tpu.memref_slice %arg5[%dma_wait3A_102, %dma_wait3A_103, %add3A, %dma_wait3A_111, %dma_wait3A_112] : memref<200x8x32x8x128xf32, #tpu.memory_space<hbm>> -> memref<1x1x1x8x128xf32, #tpu.memory_space<hbm>>
    %dma_wait3A_114 = tpu.memref_squeeze %dma_wait3A_113 : memref<1x1x1x8x128xf32, #tpu.memory_space<hbm>> -> memref<8x128xf32, #tpu.memory_space<hbm>>
    %dma_wait3A_115 = arith.constant 32 : i32
    %dma_wait3A_116 = arith.constant 0 : i32
    %dma_wait3A_117 = tpu.memref_slice %arg12[%dma_wait3A_115, %dma_wait3A_116] : memref<64x129xf32, #tpu.memory_space<vmem>> -> memref<8x128xf32, #tpu.memory_space<vmem>>
    tpu.wait_dma2 semaphore(%arg18 : memref<!tpu.dma_semaphore, #tpu.memory_space<semaphore_mem>>) src(%dma_wait3A_117 : memref<8x128xf32, #tpu.memory_space<vmem>>) dst(%dma_wait3A_114 : memref<8x128xf32, #tpu.memory_space<hbm>>)
    %dma_wait3A_118 = arith.constant 198 : i32
    %dma_wait3A_119 = arith.constant 5 : i32
    %dma_wait3A_120 = arith.constant 40 : i32
    %dma_wait3A_121 = arith.constant 0 : i32
    %dma_wait3A_122 = tpu.memref_slice %arg12[%dma_wait3A_120, %dma_wait3A_121] : memref<64x129xf32, #tpu.memory_space<vmem>> -> memref<8x128xf32, #tpu.memory_space<vmem>>
    %dma_wait3A_123 = arith.constant 0 : i32
    %dma_wait3A_124 = arith.constant 0 : i32
    %dma_wait3A_125 = tpu.memref_slice %arg5[%dma_wait3A_118, %dma_wait3A_119, %add3A, %dma_wait3A_123, %dma_wait3A_124] : memref<200x8x32x8x128xf32, #tpu.memory_space<hbm>> -> memref<1x1x1x8x128xf32, #tpu.memory_space<hbm>>
    %dma_wait3A_126 = tpu.memref_squeeze %dma_wait3A_125 : memref<1x1x1x8x128xf32, #tpu.memory_space<hbm>> -> memref<8x128xf32, #tpu.memory_space<hbm>>
    %dma_wait3A_127 = arith.constant 0 : i32
    %dma_wait3A_128 = arith.constant 0 : i32
    %dma_wait3A_129 = tpu.memref_slice %arg5[%dma_wait3A_118, %dma_wait3A_119, %add3A, %dma_wait3A_127, %dma_wait3A_128] : memref<200x8x32x8x128xf32, #tpu.memory_space<hbm>> -> memref<1x1x1x8x128xf32, #tpu.memory_space<hbm>>
    %dma_wait3A_130 = tpu.memref_squeeze %dma_wait3A_129 : memref<1x1x1x8x128xf32, #tpu.memory_space<hbm>> -> memref<8x128xf32, #tpu.memory_space<hbm>>
    %dma_wait3A_131 = arith.constant 40 : i32
    %dma_wait3A_132 = arith.constant 0 : i32
    %dma_wait3A_133 = tpu.memref_slice %arg12[%dma_wait3A_131, %dma_wait3A_132] : memref<64x129xf32, #tpu.memory_space<vmem>> -> memref<8x128xf32, #tpu.memory_space<vmem>>
    tpu.wait_dma2 semaphore(%arg18 : memref<!tpu.dma_semaphore, #tpu.memory_space<semaphore_mem>>) src(%dma_wait3A_133 : memref<8x128xf32, #tpu.memory_space<vmem>>) dst(%dma_wait3A_130 : memref<8x128xf32, #tpu.memory_space<hbm>>)
    %dma_wait3A_134 = arith.constant 198 : i32
    %dma_wait3A_135 = arith.constant 6 : i32
    %dma_wait3A_136 = arith.constant 48 : i32
    %dma_wait3A_137 = arith.constant 0 : i32
    %dma_wait3A_138 = tpu.memref_slice %arg12[%dma_wait3A_136, %dma_wait3A_137] : memref<64x129xf32, #tpu.memory_space<vmem>> -> memref<8x128xf32, #tpu.memory_space<vmem>>
    %dma_wait3A_139 = arith.constant 0 : i32
    %dma_wait3A_140 = arith.constant 0 : i32
    %dma_wait3A_141 = tpu.memref_slice %arg5[%dma_wait3A_134, %dma_wait3A_135, %add3A, %dma_wait3A_139, %dma_wait3A_140] : memref<200x8x32x8x128xf32, #tpu.memory_space<hbm>> -> memref<1x1x1x8x128xf32, #tpu.memory_space<hbm>>
    %dma_wait3A_142 = tpu.memref_squeeze %dma_wait3A_141 : memref<1x1x1x8x128xf32, #tpu.memory_space<hbm>> -> memref<8x128xf32, #tpu.memory_space<hbm>>
    %dma_wait3A_143 = arith.constant 0 : i32
    %dma_wait3A_144 = arith.constant 0 : i32
    %dma_wait3A_145 = tpu.memref_slice %arg5[%dma_wait3A_134, %dma_wait3A_135, %add3A, %dma_wait3A_143, %dma_wait3A_144] : memref<200x8x32x8x128xf32, #tpu.memory_space<hbm>> -> memref<1x1x1x8x128xf32, #tpu.memory_space<hbm>>
    %dma_wait3A_146 = tpu.memref_squeeze %dma_wait3A_145 : memref<1x1x1x8x128xf32, #tpu.memory_space<hbm>> -> memref<8x128xf32, #tpu.memory_space<hbm>>
    %dma_wait3A_147 = arith.constant 48 : i32
    %dma_wait3A_148 = arith.constant 0 : i32
    %dma_wait3A_149 = tpu.memref_slice %arg12[%dma_wait3A_147, %dma_wait3A_148] : memref<64x129xf32, #tpu.memory_space<vmem>> -> memref<8x128xf32, #tpu.memory_space<vmem>>
    tpu.wait_dma2 semaphore(%arg18 : memref<!tpu.dma_semaphore, #tpu.memory_space<semaphore_mem>>) src(%dma_wait3A_149 : memref<8x128xf32, #tpu.memory_space<vmem>>) dst(%dma_wait3A_146 : memref<8x128xf32, #tpu.memory_space<hbm>>)
    %dma_wait3A_150 = arith.constant 198 : i32
    %dma_wait3A_151 = arith.constant 7 : i32
    %dma_wait3A_152 = arith.constant 56 : i32
    %dma_wait3A_153 = arith.constant 0 : i32
    %dma_wait3A_154 = tpu.memref_slice %arg12[%dma_wait3A_152, %dma_wait3A_153] : memref<64x129xf32, #tpu.memory_space<vmem>> -> memref<8x128xf32, #tpu.memory_space<vmem>>
    %dma_wait3A_155 = arith.constant 0 : i32
    %dma_wait3A_156 = arith.constant 0 : i32
    %dma_wait3A_157 = tpu.memref_slice %arg5[%dma_wait3A_150, %dma_wait3A_151, %add3A, %dma_wait3A_155, %dma_wait3A_156] : memref<200x8x32x8x128xf32, #tpu.memory_space<hbm>> -> memref<1x1x1x8x128xf32, #tpu.memory_space<hbm>>
    %dma_wait3A_158 = tpu.memref_squeeze %dma_wait3A_157 : memref<1x1x1x8x128xf32, #tpu.memory_space<hbm>> -> memref<8x128xf32, #tpu.memory_space<hbm>>
    %dma_wait3A_159 = arith.constant 0 : i32
    %dma_wait3A_160 = arith.constant 0 : i32
    %dma_wait3A_161 = tpu.memref_slice %arg5[%dma_wait3A_150, %dma_wait3A_151, %add3A, %dma_wait3A_159, %dma_wait3A_160] : memref<200x8x32x8x128xf32, #tpu.memory_space<hbm>> -> memref<1x1x1x8x128xf32, #tpu.memory_space<hbm>>
    %dma_wait3A_162 = tpu.memref_squeeze %dma_wait3A_161 : memref<1x1x1x8x128xf32, #tpu.memory_space<hbm>> -> memref<8x128xf32, #tpu.memory_space<hbm>>
    %dma_wait3A_163 = arith.constant 56 : i32
    %dma_wait3A_164 = arith.constant 0 : i32
    %dma_wait3A_165 = tpu.memref_slice %arg12[%dma_wait3A_163, %dma_wait3A_164] : memref<64x129xf32, #tpu.memory_space<vmem>> -> memref<8x128xf32, #tpu.memory_space<vmem>>
    tpu.wait_dma2 semaphore(%arg18 : memref<!tpu.dma_semaphore, #tpu.memory_space<semaphore_mem>>) src(%dma_wait3A_165 : memref<8x128xf32, #tpu.memory_space<vmem>>) dst(%dma_wait3A_162 : memref<8x128xf32, #tpu.memory_space<hbm>>)
    %dma_wait3A_166 = arith.constant 199 : i32
    %dma_wait3A_167 = arith.constant 0 : i32
    %dma_wait3A_168 = arith.constant 0 : i32
    %dma_wait3A_169 = arith.constant 0 : i32
    %dma_wait3A_170 = tpu.memref_slice %arg13[%dma_wait3A_168, %dma_wait3A_169] : memref<64x129xf32, #tpu.memory_space<vmem>> -> memref<8x128xf32, #tpu.memory_space<vmem>>
    %dma_wait3A_171 = arith.constant 0 : i32
    %dma_wait3A_172 = arith.constant 0 : i32
    %dma_wait3A_173 = tpu.memref_slice %arg5[%dma_wait3A_166, %dma_wait3A_167, %add3A, %dma_wait3A_171, %dma_wait3A_172] : memref<200x8x32x8x128xf32, #tpu.memory_space<hbm>> -> memref<1x1x1x8x128xf32, #tpu.memory_space<hbm>>
    %dma_wait3A_174 = tpu.memref_squeeze %dma_wait3A_173 : memref<1x1x1x8x128xf32, #tpu.memory_space<hbm>> -> memref<8x128xf32, #tpu.memory_space<hbm>>
    %dma_wait3A_175 = arith.constant 0 : i32
    %dma_wait3A_176 = arith.constant 0 : i32
    %dma_wait3A_177 = tpu.memref_slice %arg5[%dma_wait3A_166, %dma_wait3A_167, %add3A, %dma_wait3A_175, %dma_wait3A_176] : memref<200x8x32x8x128xf32, #tpu.memory_space<hbm>> -> memref<1x1x1x8x128xf32, #tpu.memory_space<hbm>>
    %dma_wait3A_178 = tpu.memref_squeeze %dma_wait3A_177 : memref<1x1x1x8x128xf32, #tpu.memory_space<hbm>> -> memref<8x128xf32, #tpu.memory_space<hbm>>
    %dma_wait3A_179 = arith.constant 0 : i32
    %dma_wait3A_180 = arith.constant 0 : i32
    %dma_wait3A_181 = tpu.memref_slice %arg13[%dma_wait3A_179, %dma_wait3A_180] : memref<64x129xf32, #tpu.memory_space<vmem>> -> memref<8x128xf32, #tpu.memory_space<vmem>>
    tpu.wait_dma2 semaphore(%arg19 : memref<!tpu.dma_semaphore, #tpu.memory_space<semaphore_mem>>) src(%dma_wait3A_181 : memref<8x128xf32, #tpu.memory_space<vmem>>) dst(%dma_wait3A_178 : memref<8x128xf32, #tpu.memory_space<hbm>>)
    %dma_wait3A_182 = arith.constant 199 : i32
    %dma_wait3A_183 = arith.constant 1 : i32
    %dma_wait3A_184 = arith.constant 8 : i32
    %dma_wait3A_185 = arith.constant 0 : i32
    %dma_wait3A_186 = tpu.memref_slice %arg13[%dma_wait3A_184, %dma_wait3A_185] : memref<64x129xf32, #tpu.memory_space<vmem>> -> memref<8x128xf32, #tpu.memory_space<vmem>>
    %dma_wait3A_187 = arith.constant 0 : i32
    %dma_wait3A_188 = arith.constant 0 : i32
    %dma_wait3A_189 = tpu.memref_slice %arg5[%dma_wait3A_182, %dma_wait3A_183, %add3A, %dma_wait3A_187, %dma_wait3A_188] : memref<200x8x32x8x128xf32, #tpu.memory_space<hbm>> -> memref<1x1x1x8x128xf32, #tpu.memory_space<hbm>>
    %dma_wait3A_190 = tpu.memref_squeeze %dma_wait3A_189 : memref<1x1x1x8x128xf32, #tpu.memory_space<hbm>> -> memref<8x128xf32, #tpu.memory_space<hbm>>
    %dma_wait3A_191 = arith.constant 0 : i32
    %dma_wait3A_192 = arith.constant 0 : i32
    %dma_wait3A_193 = tpu.memref_slice %arg5[%dma_wait3A_182, %dma_wait3A_183, %add3A, %dma_wait3A_191, %dma_wait3A_192] : memref<200x8x32x8x128xf32, #tpu.memory_space<hbm>> -> memref<1x1x1x8x128xf32, #tpu.memory_space<hbm>>
    %dma_wait3A_194 = tpu.memref_squeeze %dma_wait3A_193 : memref<1x1x1x8x128xf32, #tpu.memory_space<hbm>> -> memref<8x128xf32, #tpu.memory_space<hbm>>
    %dma_wait3A_195 = arith.constant 8 : i32
    %dma_wait3A_196 = arith.constant 0 : i32
    %dma_wait3A_197 = tpu.memref_slice %arg13[%dma_wait3A_195, %dma_wait3A_196] : memref<64x129xf32, #tpu.memory_space<vmem>> -> memref<8x128xf32, #tpu.memory_space<vmem>>
    tpu.wait_dma2 semaphore(%arg19 : memref<!tpu.dma_semaphore, #tpu.memory_space<semaphore_mem>>) src(%dma_wait3A_197 : memref<8x128xf32, #tpu.memory_space<vmem>>) dst(%dma_wait3A_194 : memref<8x128xf32, #tpu.memory_space<hbm>>)
    %dma_wait3A_198 = arith.constant 199 : i32
    %dma_wait3A_199 = arith.constant 2 : i32
    %dma_wait3A_200 = arith.constant 16 : i32
    %dma_wait3A_201 = arith.constant 0 : i32
    %dma_wait3A_202 = tpu.memref_slice %arg13[%dma_wait3A_200, %dma_wait3A_201] : memref<64x129xf32, #tpu.memory_space<vmem>> -> memref<8x128xf32, #tpu.memory_space<vmem>>
    %dma_wait3A_203 = arith.constant 0 : i32
    %dma_wait3A_204 = arith.constant 0 : i32
    %dma_wait3A_205 = tpu.memref_slice %arg5[%dma_wait3A_198, %dma_wait3A_199, %add3A, %dma_wait3A_203, %dma_wait3A_204] : memref<200x8x32x8x128xf32, #tpu.memory_space<hbm>> -> memref<1x1x1x8x128xf32, #tpu.memory_space<hbm>>
    %dma_wait3A_206 = tpu.memref_squeeze %dma_wait3A_205 : memref<1x1x1x8x128xf32, #tpu.memory_space<hbm>> -> memref<8x128xf32, #tpu.memory_space<hbm>>
    %dma_wait3A_207 = arith.constant 0 : i32
    %dma_wait3A_208 = arith.constant 0 : i32
    %dma_wait3A_209 = tpu.memref_slice %arg5[%dma_wait3A_198, %dma_wait3A_199, %add3A, %dma_wait3A_207, %dma_wait3A_208] : memref<200x8x32x8x128xf32, #tpu.memory_space<hbm>> -> memref<1x1x1x8x128xf32, #tpu.memory_space<hbm>>
    %dma_wait3A_210 = tpu.memref_squeeze %dma_wait3A_209 : memref<1x1x1x8x128xf32, #tpu.memory_space<hbm>> -> memref<8x128xf32, #tpu.memory_space<hbm>>
    %dma_wait3A_211 = arith.constant 16 : i32
    %dma_wait3A_212 = arith.constant 0 : i32
    %dma_wait3A_213 = tpu.memref_slice %arg13[%dma_wait3A_211, %dma_wait3A_212] : memref<64x129xf32, #tpu.memory_space<vmem>> -> memref<8x128xf32, #tpu.memory_space<vmem>>
    tpu.wait_dma2 semaphore(%arg19 : memref<!tpu.dma_semaphore, #tpu.memory_space<semaphore_mem>>) src(%dma_wait3A_213 : memref<8x128xf32, #tpu.memory_space<vmem>>) dst(%dma_wait3A_210 : memref<8x128xf32, #tpu.memory_space<hbm>>)
    %dma_wait3A_214 = arith.constant 199 : i32
    %dma_wait3A_215 = arith.constant 3 : i32
    %dma_wait3A_216 = arith.constant 24 : i32
    %dma_wait3A_217 = arith.constant 0 : i32
    %dma_wait3A_218 = tpu.memref_slice %arg13[%dma_wait3A_216, %dma_wait3A_217] : memref<64x129xf32, #tpu.memory_space<vmem>> -> memref<8x128xf32, #tpu.memory_space<vmem>>
    %dma_wait3A_219 = arith.constant 0 : i32
    %dma_wait3A_220 = arith.constant 0 : i32
    %dma_wait3A_221 = tpu.memref_slice %arg5[%dma_wait3A_214, %dma_wait3A_215, %add3A, %dma_wait3A_219, %dma_wait3A_220] : memref<200x8x32x8x128xf32, #tpu.memory_space<hbm>> -> memref<1x1x1x8x128xf32, #tpu.memory_space<hbm>>
    %dma_wait3A_222 = tpu.memref_squeeze %dma_wait3A_221 : memref<1x1x1x8x128xf32, #tpu.memory_space<hbm>> -> memref<8x128xf32, #tpu.memory_space<hbm>>
    %dma_wait3A_223 = arith.constant 0 : i32
    %dma_wait3A_224 = arith.constant 0 : i32
    %dma_wait3A_225 = tpu.memref_slice %arg5[%dma_wait3A_214, %dma_wait3A_215, %add3A, %dma_wait3A_223, %dma_wait3A_224] : memref<200x8x32x8x128xf32, #tpu.memory_space<hbm>> -> memref<1x1x1x8x128xf32, #tpu.memory_space<hbm>>
    %dma_wait3A_226 = tpu.memref_squeeze %dma_wait3A_225 : memref<1x1x1x8x128xf32, #tpu.memory_space<hbm>> -> memref<8x128xf32, #tpu.memory_space<hbm>>
    %dma_wait3A_227 = arith.constant 24 : i32
    %dma_wait3A_228 = arith.constant 0 : i32
    %dma_wait3A_229 = tpu.memref_slice %arg13[%dma_wait3A_227, %dma_wait3A_228] : memref<64x129xf32, #tpu.memory_space<vmem>> -> memref<8x128xf32, #tpu.memory_space<vmem>>
    tpu.wait_dma2 semaphore(%arg19 : memref<!tpu.dma_semaphore, #tpu.memory_space<semaphore_mem>>) src(%dma_wait3A_229 : memref<8x128xf32, #tpu.memory_space<vmem>>) dst(%dma_wait3A_226 : memref<8x128xf32, #tpu.memory_space<hbm>>)
    %dma_wait3A_230 = arith.constant 199 : i32
    %dma_wait3A_231 = arith.constant 4 : i32
    %dma_wait3A_232 = arith.constant 32 : i32
    %dma_wait3A_233 = arith.constant 0 : i32
    %dma_wait3A_234 = tpu.memref_slice %arg13[%dma_wait3A_232, %dma_wait3A_233] : memref<64x129xf32, #tpu.memory_space<vmem>> -> memref<8x128xf32, #tpu.memory_space<vmem>>
    %dma_wait3A_235 = arith.constant 0 : i32
    %dma_wait3A_236 = arith.constant 0 : i32
    %dma_wait3A_237 = tpu.memref_slice %arg5[%dma_wait3A_230, %dma_wait3A_231, %add3A, %dma_wait3A_235, %dma_wait3A_236] : memref<200x8x32x8x128xf32, #tpu.memory_space<hbm>> -> memref<1x1x1x8x128xf32, #tpu.memory_space<hbm>>
    %dma_wait3A_238 = tpu.memref_squeeze %dma_wait3A_237 : memref<1x1x1x8x128xf32, #tpu.memory_space<hbm>> -> memref<8x128xf32, #tpu.memory_space<hbm>>
    %dma_wait3A_239 = arith.constant 0 : i32
    %dma_wait3A_240 = arith.constant 0 : i32
    %dma_wait3A_241 = tpu.memref_slice %arg5[%dma_wait3A_230, %dma_wait3A_231, %add3A, %dma_wait3A_239, %dma_wait3A_240] : memref<200x8x32x8x128xf32, #tpu.memory_space<hbm>> -> memref<1x1x1x8x128xf32, #tpu.memory_space<hbm>>
    %dma_wait3A_242 = tpu.memref_squeeze %dma_wait3A_241 : memref<1x1x1x8x128xf32, #tpu.memory_space<hbm>> -> memref<8x128xf32, #tpu.memory_space<hbm>>
    %dma_wait3A_243 = arith.constant 32 : i32
    %dma_wait3A_244 = arith.constant 0 : i32
    %dma_wait3A_245 = tpu.memref_slice %arg13[%dma_wait3A_243, %dma_wait3A_244] : memref<64x129xf32, #tpu.memory_space<vmem>> -> memref<8x128xf32, #tpu.memory_space<vmem>>
    tpu.wait_dma2 semaphore(%arg19 : memref<!tpu.dma_semaphore, #tpu.memory_space<semaphore_mem>>) src(%dma_wait3A_245 : memref<8x128xf32, #tpu.memory_space<vmem>>) dst(%dma_wait3A_242 : memref<8x128xf32, #tpu.memory_space<hbm>>)
    %dma_wait3A_246 = arith.constant 199 : i32
    %dma_wait3A_247 = arith.constant 5 : i32
    %dma_wait3A_248 = arith.constant 40 : i32
    %dma_wait3A_249 = arith.constant 0 : i32
    %dma_wait3A_250 = tpu.memref_slice %arg13[%dma_wait3A_248, %dma_wait3A_249] : memref<64x129xf32, #tpu.memory_space<vmem>> -> memref<8x128xf32, #tpu.memory_space<vmem>>
    %dma_wait3A_251 = arith.constant 0 : i32
    %dma_wait3A_252 = arith.constant 0 : i32
    %dma_wait3A_253 = tpu.memref_slice %arg5[%dma_wait3A_246, %dma_wait3A_247, %add3A, %dma_wait3A_251, %dma_wait3A_252] : memref<200x8x32x8x128xf32, #tpu.memory_space<hbm>> -> memref<1x1x1x8x128xf32, #tpu.memory_space<hbm>>
    %dma_wait3A_254 = tpu.memref_squeeze %dma_wait3A_253 : memref<1x1x1x8x128xf32, #tpu.memory_space<hbm>> -> memref<8x128xf32, #tpu.memory_space<hbm>>
    %dma_wait3A_255 = arith.constant 0 : i32
    %dma_wait3A_256 = arith.constant 0 : i32
    %dma_wait3A_257 = tpu.memref_slice %arg5[%dma_wait3A_246, %dma_wait3A_247, %add3A, %dma_wait3A_255, %dma_wait3A_256] : memref<200x8x32x8x128xf32, #tpu.memory_space<hbm>> -> memref<1x1x1x8x128xf32, #tpu.memory_space<hbm>>
    %dma_wait3A_258 = tpu.memref_squeeze %dma_wait3A_257 : memref<1x1x1x8x128xf32, #tpu.memory_space<hbm>> -> memref<8x128xf32, #tpu.memory_space<hbm>>
    %dma_wait3A_259 = arith.constant 40 : i32
    %dma_wait3A_260 = arith.constant 0 : i32
    %dma_wait3A_261 = tpu.memref_slice %arg13[%dma_wait3A_259, %dma_wait3A_260] : memref<64x129xf32, #tpu.memory_space<vmem>> -> memref<8x128xf32, #tpu.memory_space<vmem>>
    tpu.wait_dma2 semaphore(%arg19 : memref<!tpu.dma_semaphore, #tpu.memory_space<semaphore_mem>>) src(%dma_wait3A_261 : memref<8x128xf32, #tpu.memory_space<vmem>>) dst(%dma_wait3A_258 : memref<8x128xf32, #tpu.memory_space<hbm>>)
    %dma_wait3A_262 = arith.constant 199 : i32
    %dma_wait3A_263 = arith.constant 6 : i32
    %dma_wait3A_264 = arith.constant 48 : i32
    %dma_wait3A_265 = arith.constant 0 : i32
    %dma_wait3A_266 = tpu.memref_slice %arg13[%dma_wait3A_264, %dma_wait3A_265] : memref<64x129xf32, #tpu.memory_space<vmem>> -> memref<8x128xf32, #tpu.memory_space<vmem>>
    %dma_wait3A_267 = arith.constant 0 : i32
    %dma_wait3A_268 = arith.constant 0 : i32
    %dma_wait3A_269 = tpu.memref_slice %arg5[%dma_wait3A_262, %dma_wait3A_263, %add3A, %dma_wait3A_267, %dma_wait3A_268] : memref<200x8x32x8x128xf32, #tpu.memory_space<hbm>> -> memref<1x1x1x8x128xf32, #tpu.memory_space<hbm>>
    %dma_wait3A_270 = tpu.memref_squeeze %dma_wait3A_269 : memref<1x1x1x8x128xf32, #tpu.memory_space<hbm>> -> memref<8x128xf32, #tpu.memory_space<hbm>>
    %dma_wait3A_271 = arith.constant 0 : i32
    %dma_wait3A_272 = arith.constant 0 : i32
    %dma_wait3A_273 = tpu.memref_slice %arg5[%dma_wait3A_262, %dma_wait3A_263, %add3A, %dma_wait3A_271, %dma_wait3A_272] : memref<200x8x32x8x128xf32, #tpu.memory_space<hbm>> -> memref<1x1x1x8x128xf32, #tpu.memory_space<hbm>>
    %dma_wait3A_274 = tpu.memref_squeeze %dma_wait3A_273 : memref<1x1x1x8x128xf32, #tpu.memory_space<hbm>> -> memref<8x128xf32, #tpu.memory_space<hbm>>
    %dma_wait3A_275 = arith.constant 48 : i32
    %dma_wait3A_276 = arith.constant 0 : i32
    %dma_wait3A_277 = tpu.memref_slice %arg13[%dma_wait3A_275, %dma_wait3A_276] : memref<64x129xf32, #tpu.memory_space<vmem>> -> memref<8x128xf32, #tpu.memory_space<vmem>>
    tpu.wait_dma2 semaphore(%arg19 : memref<!tpu.dma_semaphore, #tpu.memory_space<semaphore_mem>>) src(%dma_wait3A_277 : memref<8x128xf32, #tpu.memory_space<vmem>>) dst(%dma_wait3A_274 : memref<8x128xf32, #tpu.memory_space<hbm>>)
    %dma_wait3A_278 = arith.constant 199 : i32
    %dma_wait3A_279 = arith.constant 7 : i32
    %dma_wait3A_280 = arith.constant 56 : i32
    %dma_wait3A_281 = arith.constant 0 : i32
    %dma_wait3A_282 = tpu.memref_slice %arg13[%dma_wait3A_280, %dma_wait3A_281] : memref<64x129xf32, #tpu.memory_space<vmem>> -> memref<8x128xf32, #tpu.memory_space<vmem>>
    %dma_wait3A_283 = arith.constant 0 : i32
    %dma_wait3A_284 = arith.constant 0 : i32
    %dma_wait3A_285 = tpu.memref_slice %arg5[%dma_wait3A_278, %dma_wait3A_279, %add3A, %dma_wait3A_283, %dma_wait3A_284] : memref<200x8x32x8x128xf32, #tpu.memory_space<hbm>> -> memref<1x1x1x8x128xf32, #tpu.memory_space<hbm>>
    %dma_wait3A_286 = tpu.memref_squeeze %dma_wait3A_285 : memref<1x1x1x8x128xf32, #tpu.memory_space<hbm>> -> memref<8x128xf32, #tpu.memory_space<hbm>>
    %dma_wait3A_287 = arith.constant 0 : i32
    %dma_wait3A_288 = arith.constant 0 : i32
    %dma_wait3A_289 = tpu.memref_slice %arg5[%dma_wait3A_278, %dma_wait3A_279, %add3A, %dma_wait3A_287, %dma_wait3A_288] : memref<200x8x32x8x128xf32, #tpu.memory_space<hbm>> -> memref<1x1x1x8x128xf32, #tpu.memory_space<hbm>>
    %dma_wait3A_290 = tpu.memref_squeeze %dma_wait3A_289 : memref<1x1x1x8x128xf32, #tpu.memory_space<hbm>> -> memref<8x128xf32, #tpu.memory_space<hbm>>
    %dma_wait3A_291 = arith.constant 56 : i32
    %dma_wait3A_292 = arith.constant 0 : i32
    %dma_wait3A_293 = tpu.memref_slice %arg13[%dma_wait3A_291, %dma_wait3A_292] : memref<64x129xf32, #tpu.memory_space<vmem>> -> memref<8x128xf32, #tpu.memory_space<vmem>>
    tpu.wait_dma2 semaphore(%arg19 : memref<!tpu.dma_semaphore, #tpu.memory_space<semaphore_mem>>) src(%dma_wait3A_293 : memref<8x128xf32, #tpu.memory_space<vmem>>) dst(%dma_wait3A_290 : memref<8x128xf32, #tpu.memory_space<hbm>>)
    return
  }
}

</mosaic_0001>

<sc_bundles>
// kernel: _embed.3.cloned.1.call-start
scs
__scs_entry_jumppad:
0x0: {  	(pc) =	sbr.rel $0x88, $3  }
0x1: {  	(tag) =	ssettag $0x0;
	lr =	simm.s32 $0x1  }
0x2: {  	[smem:$0x3F9E] =	sst lr;
	_ =	strace $0xD0000000  }
0x3: {  	_ = 	snop  }
0x4: {  	_ = 	snop  }
0x5: {  	_ = 	snop  }
0x6: {  	_ = 	snop  }
0x7: {  	_ = 	snop  }
__scs_overlays_trampoline_lowered:
0x8: {  	[smem:$0x3FAD] =	sst s0  }
0x9: {  	[smem:$0x3FAE] =	sst s1  }
0xa: {  	[smem:$0x3FAF] =	sst s2  }
0xb: {  	[smem:$0x3FB0] =	sst s3  }
0xc: {  	[smem:$0x3FB1] =	sst s4  }
0xd: {  	[smem:$0x3FB2] =	sst s5  }
0xe: {  	[smem:$0x3FB3] =	sst s6  }
0xf: {  	[smem:$0x3FB4] =	sst s7  }
0x10: {  	[smem:$0x3FB5] =	sst s8  }
0x11: {  	[smem:$0x3FB6] =	sst s9;
	s0 =	simm.s32 @!p0 $0x0  }
0x12: {  	s1 =	sld [smem:$0x3F9C];
	s0 =	simm.s32 @p0 $0x1  }
0x13: {  	[smem:$0x3FB7] =	sst s0;
	s0 =	simm.s32 @!p1 $0x0  }
0x14: {  	s2 =	sld [smem:$0x3F9B];
	s0 =	simm.s32 @p1 $0x1  }
0x15: {  	[smem:$0x3FB8] =	sst s0;
	s0 =	simm.s32 @!p2 $0x0  }
0x16: {  	s3 =	sld [smem:$0x3FDB];
	s0 =	simm.s32 @p2 $0x1  }
0x17: {  	s4 =	simm.s32 $0x1BF5;
	[smem:$0x3FBA] =	sst s0  }
0x18: {  	s0 =	sld [smem:$0x3F9D];
	_ =	swait.ge [sflag:s4], $0x0  }
0x19: {  	s7 =	sld [smem:$0x3F9E]  }
0x1a: {  	s8 =	sadd.s32 $0xFFFFE003, lr  }
0x1b: {  	s9 =	sadd.s32 $0xFFFFFEF7, lr;
	s5 =	simm.s32 $0xFFFFFFFF;
	p2 =	slt.u32 s8, $0xFFFFF086  }
0x1c: {  	p1 =	slt.u32 s9, $0xF7A;
	s5 =	simm.s32 @!p2 $0x0  }
0x1d: {  	s5 =	simm.s32 @p1 $0x1;
	p0 =	seq.s32 s7, s2  }
0x1e: {  	s7 =	smul.u32 @!p0 $0xF7A, s2;
	p2 =	seq.s32 @!p0 s5, $0x0  }
0x1f: {  	s9 =	smul.u32 $0xF7A, s1;
	s8 =	simm.s32 @!p0 $0x1BF5;
	p2 =	por !p2, p0  }
0x20: {  	[sflag:s8] =	ssyncset.s32 @!p0 $0xFFFFF086;
	s6 =	sadd.s32 @!p0 s3, s7;
	s7 =	simm.s32 @!p0 $0x108  }
0x21: {  	s3 =	sadd.s32 s3, s9;
	s6 =	sadd.s32 @!p0 $0x88, s6;
	s7 =	simm.s32 @p2 $0x1082  }
0x22: {  	[simem:s7], [sflag:s8] =	dma.local @!p0 [hbm:s6], $0xF7A  }
0x23: {  	s9 =	sor.u32 $0xD0000000, s2;
	s6 =	simm.s32 $0x108;
	_ =	swait.ge @!p0 [sflag:s8], $0x0  }
0x24: {  	s3 =	sadd.s32 $0x88, s3;
	s6 =	simm.s32 @!p1 $0x1082;
	[sflag:s4] =	ssyncset.s32 $0xFFFFF086  }
0x25: {  	[simem:s6], [sflag:s4] =	dma.local [hbm:s3], $0xF7A  }
0x26: {  	[smem:$0x3F9E] =	sst s1;
	(tag) =	ssettag s2;
	_ =	strace s9  }
0x27: {  	s1 =	sld [smem:$0x3FAE]  }
0x28: {  	s2 =	sld [smem:$0x3FAF]  }
0x29: {  	s4 =	sld [smem:$0x3FB1]  }
0x2a: {  	p0 =	seq.s32 s5, $0x0;
	s5 =	sld [smem:$0x3FB2]  }
0x2b: {  	s6 =	sld [smem:$0x3FB3]  }
0x2c: {  	s7 =	sld [smem:$0x3FB4]  }
0x2d: {  	s3 =	simm.s32 $0x108;
	s8 =	sld [smem:$0x3FB5]  }
0x2e: {  	s3 =	simm.s32 @!p0 $0x1082;
	s9 =	sld [smem:$0x3FB6]  }
0x2f: {  	lr =	sadd.s32 s0, s3;
	s0 =	sld [smem:$0x3FAD]  }
0x30: {  	s3 =	sld [smem:$0x3FB0]  }
0x31: {  	[smem:$0x3FB9] =	sst s10  }
0x32: {  	s10 =	sld [smem:$0x3FB7];
	_ =	sdelay $0x3  }
0x33: {  	p0 =	seq.s32 s10, $0x1;
	s10 =	sld [smem:$0x3FB9];
	_ =	sdelay $0x3  }
0x34: {  	[smem:$0x3FB9] =	sst s10  }
0x35: {  	s10 =	sld [smem:$0x3FB8];
	_ =	sdelay $0x3  }
0x36: {  	p1 =	seq.s32 s10, $0x1;
	s10 =	sld [smem:$0x3FB9];
	_ =	sdelay $0x3  }
0x37: {  	[smem:$0x3FB9] =	sst s10  }
0x38: {  	s10 =	sld [smem:$0x3FBA]  }
0x39: {  	_ = 	snop;
	(pc) =	sbr.ind lr, $3  }
0x3a: {  	_ = 	snop  }
0x3b: {  	_ = 	snop  }
0x3c: {  	p2 =	seq.s32 s10, $0x1;
	s10 =	sld [smem:$0x3FB9]  }
0x3d: {  	_ =	shalt  }
0x3e: {  	_ =	shalt  }
0x3f: {  	_ =	shalt  }
0x40: {  	_ =	shalt  }
0x41: {  	_ =	shalt  }
0x42: {  	_ =	shalt  }
0x43: {  	_ =	shalt  }
0x44: {  	_ =	shalt  }
0x45: {  	_ =	shalt  }
0x46: {  	_ =	shalt  }
0x47: {  	_ =	shalt  }
0x48: {  	_ =	shalt  }
0x49: {  	_ =	shalt  }
0x4a: {  	_ =	shalt  }
0x4b: {  	_ =	shalt  }
0x4c: {  	_ =	shalt  }
0x4d: {  	_ =	shalt  }
0x4e: {  	_ =	shalt  }
0x4f: {  	_ =	shalt  }
0x50: {  	_ =	shalt  }
0x51: {  	_ =	shalt  }
0x52: {  	_ =	shalt  }
0x53: {  	_ =	shalt  }
0x54: {  	_ =	shalt  }
0x55: {  	_ =	shalt  }
0x56: {  	_ =	shalt  }
0x57: {  	_ =	shalt  }
0x58: {  	_ =	shalt  }
0x59: {  	_ =	shalt  }
0x5a: {  	_ =	shalt  }
0x5b: {  	_ =	shalt  }
0x5c: {  	_ =	shalt  }
0x5d: {  	_ =	shalt  }
0x5e: {  	_ =	shalt  }
0x5f: {  	_ =	shalt  }
0x60: {  	_ =	shalt  }
0x61: {  	_ =	shalt  }
0x62: {  	_ =	shalt  }
0x63: {  	_ =	shalt  }
0x64: {  	_ =	shalt  }
0x65: {  	_ =	shalt  }
0x66: {  	_ =	shalt  }
0x67: {  	_ =	shalt  }
0x68: {  	_ =	shalt  }
0x69: {  	_ =	shalt  }
0x6a: {  	_ =	shalt  }
0x6b: {  	_ =	shalt  }
0x6c: {  	_ =	shalt  }
0x6d: {  	_ =	shalt  }
0x6e: {  	_ =	shalt  }
0x6f: {  	_ =	shalt  }
0x70: {  	_ =	shalt  }
0x71: {  	_ =	shalt  }
0x72: {  	_ =	shalt  }
0x73: {  	_ =	shalt  }
0x74: {  	_ =	shalt  }
0x75: {  	_ =	shalt  }
0x76: {  	_ =	shalt  }
0x77: {  	_ =	shalt  }
0x78: {  	_ =	shalt  }
0x79: {  	_ =	shalt  }
0x7a: {  	_ =	shalt  }
0x7b: {  	_ =	shalt  }
0x7c: {  	_ =	shalt  }
0x7d: {  	_ =	shalt  }
0x7e: {  	_ =	shalt  }
0x7f: {  	_ =	shalt  }
0x80: {  	_ =	shalt  }
0x81: {  	_ =	shalt  }
0x82: {  	_ =	shalt  }
0x83: {  	_ =	shalt  }
0x84: {  	_ =	shalt  }
0x85: {  	_ =	shalt  }
0x86: {  	_ =	shalt  }
0x87: {  	_ =	shalt  }
.Lfunc_end0:
.L_simem_size_0:
called_computation_lowered:
.L_overlay_start_0:
0x88: {  	s2 =	sld [smem:$0x3FD9]  }
0x89: {  	s3 =	sld [smem:$0x3FFE];
	_ =	sdelay $0x1  }
0x8a: {  	s1 =	srdreg.scid  }
0x8b: {  	s0 =	sand.u32 $0x1, s1  }
0x8c: {  	s17 =	sshll.u32 s0, $0xA;
	s2 =	sadd.s32 s3, s2  }
0x8d: {  	s2 =	sadd.s32 s2, s17  }
0x8e: {  	[smem:$0x3FC5] =	sst s2  }
0x8f: {  	_ = 	snop  }
0x90: {  	s2 =	sld [smem:$0x3FD0];
	(tm) =	ssettm $0x1  }
0x91: {  	s18 =	sld [smem:$0x3FFB];
	_ =	sdelay $0x3  }
0x92: {  	_ =	strace s18  }
0x93: {  	s3 =	sld [smem:$0x3FFC];
	_ =	sdelay $0x3  }
0x94: {  	_ =	strace s3  }
0x95: {  	s3 =	sld [smem:$0x3FFD];
	_ =	sdelay $0x3  }
0x96: {  	_ =	strace s3  }
0x97: {  	_ =	strace $0x8FFFFFFF  }
0x98: {  	s19 =	sld [smem:$0x3FDB];
	_ =	sdelay $0x1  }
0x99: {  	s4 =	simm.s32 $_scs_section_size  }
0x9a: {  	s5 =	simm.s32 $_size__tile_overlayer_lowered;
	s6 =	simm.s32 $_tile_overlayer_lowered  }
0x9b: {  	s22 =	simm.s32 $0x1BFF;
	s21 =	sshll.u32 s6, $0x1;
	s3 =	sadd.s32 s4, s19  }
0x9c: {  	s7 =	simm.s32 $0x0;
	s20 =	sshll.u32 s5, $0x1;
	s5 =	sadd.s32 s21, s3  }
0x9d: {  	[timem:s7], [sflag:s22] =	dma.local [hbm:s5], s20  }
0x9e: {  	_ =	swait.ge [sflag:s22], s20  }
0x9f: {  	s4 =	ssub.s32 $0x0, s20;
	[sflag:s22] =	ssyncset.done $0x0  }
0xa0: {  	[sflag:s22] =	ssyncadd.s32 s4;
	_ =	sdelay $0x1  }
0xa1: {  	s23 =	simm.s32 $0x1B8B  }
0xa2: {  	_ =	swait.ge [sflag:s23], $0x1  }
0xa3: {  	[sflag:s23] =	ssyncset.done $0x0  }
0xa4: {  	s25 =	simm.s32 $0x1B8E;
	s24 =	sld [smem:$0x3FFE];
	[sflag:s23] =	ssyncadd.s32 $0xFFFFFFFF  }
0xa5: {  	s26 =	simm.s32 $execute0_lowered;
	[smem:$0x3FD2] =	sst s25  }
0xa6: {  	s5 =	sshll.u32 s26, $0x1;
	_ =	strace $0x80000046;
	[dreg:$0x1] =	wrdreg $0xFFFFFFFF  }
0xa7: {  	s28 =	simm.s32 $_size_execute0_lowered;
	s3 =	sadd.s32 s3, s5;
	[dreg:$0x0] =	wrdreg $0x0  }
0xa8: {  	s5 =	sshll.u32 s28, $0x1;
	[dreg:$0x2] =	wrdreg s3  }
0xa9: {  	[dreg:$0x3] =	wrdreg s5  }
0xaa: {  	[dreg:$0x4] =	wrdreg $0xC0  }
0xab: {  	_ =	task [dreg:s7], $0x5FFFF  }
0xac: {  	[dreg:$0x1] =	wrdreg $0xFFFFFFFF  }
0xad: {  	[dreg:$0x0] =	wrdreg $0x60  }
0xae: {  	[dreg:$0x2] =	wrdreg s24  }
0xaf: {  	[dreg:$0x3] =	wrdreg s2  }
0xb0: {  	[dreg:$0x4] =	wrdreg $0x9  }
0xb1: {  	_ =	task.clear_ibuf [dreg:s7], $0x5FFFF;
	_ =	strace $0x90000046  }
0xb2: {  	s29 =	simm.s32 $0x9;
	_ =	strace $0x80000048  }
0xb3: {  	_ =	swait.ge [sflag:s29], $0x1  }
0xb4: {  	[sflag:s29] =	ssyncadd.s32 $0xFFFFFFFF  }
0xb5: {  	_ =	strace $0x90000048  }
0xb6: {  	_ =	sfence  }
0xb7: {  	s30 =	sld [smem:$0x0];
	_ =	sdelay $0x2  }
0xb8: {  	s31 =	sshll.u32 s1, $0xD;
	s1 =	sshrl.u32 s1, $0x2  }
0xb9: {  	s3 =	sand.u32 $0x4000, s31;
	s1 =	sadd.s32 s1, s30  }
0xba: {  	s0 =	sor.u32 s3, s0;
	s1 =	sshll.u32 s1, $0x11  }
0xbb: {  	s0 =	sor.u32 s1, s0  }
0xbc: {  	s0 =	sadd.s32 $0x8F2B, s0  }
0xbd: {  	[sflag:s0] =	ssyncadd.remote.s32 $0x1  }
0xbe: {  	_ =	sfence.sel $0xFFFF  }
0xbf: {  	[dreg:$0x0] =	wrdreg $0xFFFFFFFF;
	(pc) =	sbr.abs _section_cstart, $3  }
0xc0: {  	[dreg:$0x1] =	wrdreg $0xFFFFFFFF  }
0xc1: {  	_ =	task.clear_ibuf [dreg:s7], $0x2FFFF;
	_ =	strace $0x9FFFFFFF  }
0xc2: {  	(tm) =	ssettm $0x7FFFFFFF  }
0xc3: {  	_ =	shalt  }
tec
execute0_lowered:
.L_overlay_start_1:
0x0: {  	(tag) =	ssettag $0x1  }
0x1: {  	v0 =	vlaneseq.u32  }
0x2: {  	s0 =	rddreg [dreg:$0x0];
	s3 =	simm.s32 $0x0;
	v63 =	vmul.u32 $0x88, v0  }
0x3: {  	[smem:$0x7FF] =	sst s3  }
0x4: {  	s2 =	rddreg [dreg:$0x1];
	_ =	strace $0x80000047;
	v3 =	vadd.s32 $0x887, v63;
	[tilespmem:$0x1FE20] =	vst v63  }
0x5: {  	v35 =	vadd.s32 $0x880, v63;
	[tilespmem:$0x1FE10] =	vst v3  }
0x6: {  	v8 =	vadd.s32 $0x1100, v63;
	[tilespmem:$0x1FE30] =	vst v35  }
0x7: {  	v9 =	vadd.s32 $0x1980, v63;
	[tilespmem:$0x1FE40] =	vst v8  }
0x8: {  	v4 =	vor.u32 $0x1, v63;
	[tilespmem:$0x1FE50] =	vst v9  }
0x9: {  	v11 =	vadd.s32 $0x881, v63;
	[tilespmem:$0x1FE60] =	vst v4  }
0xa: {  	v34 =	vadd.s32 $0x1101, v63;
	[tilespmem:$0x1FE70] =	vst v11  }
0xb: {  	v12 =	vadd.s32 $0x1981, v63;
	[tilespmem:$0x1FE80] =	vst v34  }
0xc: {  	v13 =	vor.u32 $0x2, v63;
	[tilespmem:$0x1FE90] =	vst v12  }
0xd: {  	v5 =	vadd.s32 $0x882, v63;
	[tilespmem:$0x1FEA0] =	vst v13  }
0xe: {  	v16 =	vadd.s32 $0x1102, v63;
	[tilespmem:$0x1FEB0] =	vst v5  }
0xf: {  	v17 =	vadd.s32 $0x1982, v63;
	[tilespmem:$0x1FEC0] =	vst v16  }
0x10: {  	v23 =	vadd.s32 $0x883, v63;
	[tilespmem:$0x1FED0] =	vst v17  }
0x11: {  	v20 =	vadd.s32 $0x1103, v63;
	[tilespmem:$0x1FEE0] =	vst v23  }
0x12: {  	v21 =	vadd.s32 $0x1983, v63;
	[tilespmem:$0x1FEF0] =	vst v20  }
0x13: {  	v22 =	vor.u32 $0x4, v63;
	[tilespmem:$0x1FF00] =	vst v21  }
0x14: {  	v59 =	vadd.s32 $0x884, v63;
	[tilespmem:$0x1FF10] =	vst v22  }
0x15: {  	v24 =	vadd.s32 $0x1104, v63;
	[tilespmem:$0x1FF20] =	vst v59  }
0x16: {  	s1 =	srdreg.scid;
	s4 =	stileid.u32;
	v7 =	vadd.s32 $0x1984, v63;
	[tilespmem:$0x1FF30] =	vst v24  }
0x17: {  	s25 =	simm.s32 $0x1;
	s26 =	simm.s32 $0x11600;
	s22 =	simm.s32 $0x2;
	v25 =	vor.u32 $0x5, v63;
	[tilespmem:$0x1FF40] =	vst v7  }
0x18: {  	s23 =	simm.s32 $0x6;
	s21 =	simm.s32 $0x157E0;
	s15 =	simm.s32 $0x158F0;
	v27 =	vadd.s32 $0x885, v63;
	[tilespmem:$0x1FF50] =	vst v25  }
0x19: {  	s18 =	simm.s32 $0x15978;
	s20 =	simm.s32 $0x3;
	s24 =	simm.s32 $0x5;
	v28 =	vadd.s32 $0x1105, v63;
	[tilespmem:$0x1FF60] =	vst v27  }
0x1a: {  	s16 =	simm.s32 $0x4;
	s1 =	sand.u32 $0x1, s1;
	s4 =	sshll.u32 s4, $0x1;
	v0 =	vadd.s32 $0x1985, v63;
	[tilespmem:$0x1FF70] =	vst v28  }
0x1b: {  	s8 =	sadd.s32 $0x1000, s2;
	s9 =	sadd.s32 $0x2000, s2;
	s10 =	sadd.s32 $0x3000, s2;
	v31 =	vadd.s32 $0x886, v63;
	[tilespmem:$0x1FF80] =	vst v0  }
0x1c: {  	s11 =	sadd.s32 $0x4000, s2;
	s12 =	sadd.s32 $0x5000, s2;
	s5 =	sor.u32 s1, s4;
	v32 =	vadd.s32 $0x1106, v63;
	[tilespmem:$0x1FF90] =	vst v31  }
0x1d: {  	s13 =	sadd.s32 $0x6000, s2;
	s1 =	ssub.s32 $0x2, s1;
	s4 =	sshll.u32 s5, $0x4;
	v2 =	vor.u32 $0x7, v63;
	[tilespmem:$0x1FFA0] =	vst v32  }
0x1e: {  	s14 =	sadd.s32 $0x7000, s2;
	s7 =	sshrl.u32 s1, $0x1;
	v15 =	vor.u32 $0x3, v63;
	s6 =	sadd.s32 s4, s0;
	[tilespmem:$0x1FFB0] =	vst v2  }
0x1f: {  	v30 =	vor.u32 $0x6, v63;
	s4 =	sadd.s32 $0xF42C00, s0;
	s0 =	sadd.s32 $0x19800, s0;
	s30 =	ssub.s32 s1, s7;
	[tilespmem:$0x1FFC0] =	vst v15  }
0x20: {  	v6 =	vadd.s32 $0x1986, v63;
	s7 =	sshll.u32 s5, $0xA;
	[tilespmem:$0x1FFD0] =	vst v30;
	[dreg:$0x3] =	wrdreg s0;
	s31 =	sadd.s32 $0x800, s6  }
0x21: {  	v1 =	vimm.s32 $0x0;
	vm0 =	vcmask $0x300;
	s5 =	simm.s32 $0x13800;
	v3 =	vadd.s32 $0x1107, v63;
	[tilespmem:$0x1FFF0] =	vst v6;
	s0 =	smax.u32 s30, $0x1;
	[dreg:$0x4] =	wrdreg s31  }
0x22: {  	v1 =	vsel vm0, $0x3, v1;
	v29 =	vadd.s32 $0x1987, v63;
	s1 =	simm.s32 $0x0;
	s6 =	simm.s32 $0x15868;
	[tilespmem:$0x1FFE0] =	vst v3;
	[dreg:$0x5] =	wrdreg s0  }
.LBB2_1:
0x23: {  	[dreg:$0x6] =	wrdreg s1  }
0x24: {  	s0 =	rddreg [dreg:$0x4]  }
0x25: {  	s1 =	simm.s32 $0x80;
	s17 =	simm.s32 $0x1000;
	s30 =	simm.s32 $0x7  }
0x26: {  	[tilespmem:s3], [sflag:$0x7] =	stream.strided.gather [hbm4b:s0+s1], $0x6400, s17, s1, $0x38;
	[tilespmem:$0x15A00] =	vst v63  }
0x27: {  	_ =	swait.ge [sflag:s30], $0x6400  }
0x28: {  	[sflag:s30] =	ssyncset.done $0x0  }
0x29: {  	s19 =	simm.s32 $0xE400;
	s31 =	rddreg [dreg:$0x3];
	[sflag:s30] =	ssyncadd.s32 $0xFFFF9C00  }
0x2a: {  	[tilespmem:s19], [sflag:$0x7] =	stream.linear.gather [hbm4b:s31+s3], $0x3200, $0x38;
	[tilespmem:$0x15A00] =	vst v63  }
0x2b: {  	_ =	swait.ge [sflag:s30], $0x3200  }
0x2c: {  	[sflag:s30] =	ssyncset.done $0x0  }
0x2d: {  	s19 =	simm.s32 $0x6400;
	[sflag:s30] =	ssyncadd.s32 $0xFFFFCE00  }
0x2e: {  	[tilespmem:s19], [sflag:$0x1] =	stream.indirect.gather [hbm4b:s4+s1], $0x40, s3, s1, $0xb8;
	[tilespmem:$0x15A00] =	vst v63  }
0x2f: {  	s29 =	simm.s32 $0x8400  }
0x30: {  	[tilespmem:s29], [sflag:$0x2] =	stream.indirect.gather [hbm4b:s4+s1], $0x40, s1, s1, $0xb8;
	[tilespmem:$0x15A00] =	vst v63  }
0x31: {  	s28 =	simm.s32 $0x0;
	s31 =	simm.s32 $0xA400;
	s30 =	simm.s32 $0x100  }
0x32: {  	[tilespmem:s31], [sflag:$0x3] =	stream.indirect.gather [hbm4b:s4+s1], $0x40, s30, s1, $0xb8;
	[tilespmem:$0x15A00] =	vst v63  }
.LBB2_2:
0x33: {  	s29 =	sshllo.u32 s28, $0x2  }
0x34: {  	s0 =	sshll.u32 s29, $0x7  }
0x35: {  	s1 =	simm.s32 $0x80;
	s17 =	simm.s32 $0xC400;
	s0 =	sand.u32 $0x3FFFFF80, s0  }
0x36: {  	[tilespmem:s17], [sflag:$0x4] =	stream.indirect.gather [hbm4b:s4+s1], $0x40, s0, s1, $0xb8;
	[tilespmem:$0x15A00] =	vst v63  }
0x37: {  	_ =	swait.ge [sflag:s25], $0x2000  }
0x38: {  	p0 =	seq.s32 s28, $0x0;
	[sflag:s25] =	ssyncset.done $0x0  }
0x39: {  	s0 =	simm.s32 @!p0 $0x5;
	[sflag:s25] =	ssyncadd.s32 $0xFFFFE000  }
0x3a: {  	_ =	swait.ge @!p0 [sflag:s0], $0x400  }
0x3b: {  	[sflag:s0] =	ssyncset.done @!p0 $0x0  }
0x3c: {  	[sflag:s0] =	ssyncadd.s32 @!p0 $0xFFFFFC00  }
0x3d: {  	_ =	swait.ge @!p0 [sflag:s0], $0x400  }
0x3e: {  	[sflag:s0] =	ssyncset.done @!p0 $0x0  }
0x3f: {  	[sflag:s0] =	ssyncadd.s32 @!p0 $0xFFFFFC00  }
0x40: {  	_ =	swait.ge @!p0 [sflag:s0], $0x400  }
0x41: {  	[sflag:s0] =	ssyncset.done @!p0 $0x0  }
0x42: {  	[sflag:s0] =	ssyncadd.s32 @!p0 $0xFFFFFC00  }
0x43: {  	_ =	swait.ge @!p0 [sflag:s0], $0x400  }
0x44: {  	[sflag:s0] =	ssyncset.done @!p0 $0x0  }
0x45: {  	[sflag:s0] =	ssyncadd.s32 @!p0 $0xFFFFFC00  }
0x46: {  	_ =	swait.ge @!p0 [sflag:s0], $0x400  }
0x47: {  	s19 =	simm.s32 $0x0;
	s30 =	simm.s32 $0x3;
	[sflag:s0] =	ssyncset.done @!p0 $0x0  }
0x48: {  	v33 =	vmov s19;
	s19 =	simm.s32 $0x2;
	v36 =	vmov s30;
	s30 =	simm.s32 $0x6;
	[sflag:s0] =	ssyncadd.s32 @!p0 $0xFFFFFC00  }
0x49: {  	v35 =	vmov s19;
	s19 =	simm.s32 $0x5;
	v39 =	vmov s30;
	s30 =	simm.s32 $0x9;
	_ =	swait.ge @!p0 [sflag:s0], $0x400  }
0x4a: {  	s17 =	simm.s32 $0x1;
	v38 =	vmov s19;
	s19 =	simm.s32 $0x8;
	[sflag:s0] =	ssyncset.done @!p0 $0x0  }
0x4b: {  	v42 =	vmov s30;
	s30 =	simm.s32 $0xC;
	v34 =	vmov s17;
	s17 =	simm.s32 $0x4;
	[sflag:s0] =	ssyncadd.s32 @!p0 $0xFFFFFC00  }
0x4c: {  	v33 =	vshrl.u32 v33, $0x3;
	v41 =	vmov s19;
	s19 =	simm.s32 $0xB;
	v37 =	vmov s17;
	s17 =	simm.s32 $0x7;
	_ =	swait.ge @!p0 [sflag:s0], $0x400  }
0x4d: {  	v49 =	vshrl.u32 v36, $0x3;
	v44 =	vmov s19;
	s19 =	simm.s32 $0xE;
	v40 =	vmov s17;
	s17 =	simm.s32 $0xA;
	[sflag:s0] =	ssyncset.done @!p0 $0x0  }
0x4e: {  	v33 =	vshll.u32 v33, v1;
	v47 =	vmov s19;
	s19 =	sshll.u32 s28, $0x8;
	v43 =	vmov s17;
	s17 =	simm.s32 $0xD;
	[sflag:s0] =	ssyncadd.s32 @!p0 $0xFFFFFC00  }
0x4f: {  	v48 =	vshrl.u32 v35, $0x3;
	v39 =	vshrl.u32 v39, $0x3;
	v46 =	vmov s17;
	s17 =	sand.u32 $0x3FFFFF00, s19;
	s19 =	simm.s32 $0xF;
	_ =	swait.ge @!p0 [sflag:s0], $0x400  }
0x50: {  	v49 =	vshll.u32 v49, v1;
	v45 =	vmov s30;
	v61 =	vmov s19;
	[sflag:s0] =	ssyncset.done @!p0 $0x0  }
0x51: {  	v16 =	vmovc v11;
	v11 =	vbroadcast v33, $0x0;
	v50 =	vshrl.u32 v37, $0x3;
	v62 =	vshrl.u32 v61, $0x3;
	[sflag:s0] =	ssyncadd.s32 @!p0 $0xFFFFFC00  }
0x52: {  	s31 =	simm.s32 $0x6600;
	v41 =	vshrl.u32 v41, $0x3;
	v52 =	vshll.u32 v50, v1;
	v50 =	vshll.u32 v62, v1;
	v36 =	vld [tilespmem:s17+$0xE400]  }
0x53: {  	v34 =	vshrl.u32 v34, $0x3;
	v58 =	vshll.u32 v41, v1;
	v54 =	vbroadcast v50, $0x0;
	v41 =	vld [tilespmem:s31+$0x1C0]  }
0x54: {  	v48 =	vshll.u32 v48, v1;
	v45 =	vshrl.u32 v45, $0x3;
	v51 =	vshll.u32 v34, v1;
	v55 =	vld [tilespmem:s31+$0xFFFFFE00]  }
0x55: {  	v19 =	vbroadcast v51, $0x0;
	v50 =	vshll.u32 v45, v1;
	v45 =	vadd.s32 v2, v54;
	v57 =	vld [tilespmem:s31+$0xFFFFFE40]  }
0x56: {  	v26 =	vmovc v59;
	v59 =	vadd.s32 v63, v11;
	v51 =	vbroadcast v48, $0x0;
	v46 =	vshrl.u32 v46, $0x3;
	v60 =	vld [tilespmem:s31+$0xFFFFFE80]  }
0x57: {  	v38 =	vshrl.u32 v38, $0x3;
	v61 =	vshll.u32 v46, v1;
	v46 =	vadd.s32 v4, v19;
	v35 =	vld [tilespmem:s17+$0xE410]  }
0x58: {  	v14 =	vmovc v63;
	v18 =	vmovc v15;
	v15 =	vbroadcast v52, $0x0;
	v63 =	vadd.s32 v13, v51;
	v34 =	vld [tilespmem:s17+$0xE420];
	v52 =	vadd.f32 v41, v36  }
0x59: {  	v53 =	vshll.u32 v39, v1;
	v37 =	vshrl.u32 v47, $0x3;
	v33 =	vld [tilespmem:s17+$0xE430];
	v55 =	vadd.f32 v55, v36  }
0x5a: {  	v49 =	vbroadcast v49, $0x0;
	v62 =	vshll.u32 v37, v1;
	v48 =	vld [tilespmem:s31+$0xFFFFFEC0];
	v37 =	vadd.f32 v57, v36;
	[tilespmem:v45+s26+$0x0] =	vst.idx.msk $0xffff, v52  }
0x5b: {  	v42 =	vshrl.u32 v42, $0x3;
	v47 =	vshll.u32 v38, v1;
	v39 =	vld [tilespmem:s31+$0xFFFFFF00];
	[tilespmem:v59+s26+$0x0] =	vst.idx.msk $0xffff, v55;
	v45 =	vadd.f32 v60, v36  }
0x5c: {  	v40 =	vshrl.u32 v40, $0x3;
	v47 =	vbroadcast v47, $0x0;
	v38 =	vld [tilespmem:s31+$0xFFFFFF40];
	v41 =	vadd.s32 v18, v49;
	[tilespmem:v46+s26+$0x0] =	vst.idx.msk $0xffff, v37  }
0x5d: {  	v53 =	vbroadcast v53, $0x0;
	v56 =	vshll.u32 v40, v1;
	v40 =	vld [tilespmem:s31+$0xFFFFFF80];
	v57 =	vadd.s32 v22, v15;
	[tilespmem:v63+s26+$0x0] =	vst.idx.msk $0xffff, v45  }
0x5e: {  	v42 =	vshll.u32 v42, v1;
	v43 =	vshrl.u32 v43, $0x3;
	v52 =	vadd.s32 v25, v47;
	v10 =	vld [tilespmem:$0x1FE10]  }
0x5f: {  	v37 =	vadd.f32 v48, v36;
	v59 =	vadd.s32 v30, v53;
	v60 =	vld [tilespmem:s31+$0xFFFFFFC0];
	v48 =	vbroadcast v56, $0x0  }
0x60: {  	v43 =	vshll.u32 v43, v1;
	v39 =	vadd.f32 v39, v36;
	v56 =	vld [tilespmem:s31+$0x0];
	v45 =	vbroadcast v58, $0x0  }
0x61: {  	v44 =	vshrl.u32 v44, $0x3;
	v55 =	vld [tilespmem:s31+$0x1D0];
	[tilespmem:v41+s26+$0x0] =	vst.idx.msk $0xffff, v37;
	v37 =	vadd.f32 v38, v36;
	v41 =	vadd.s32 v2, v48  }
0x62: {  	v46 =	vbroadcast v42, $0x0;
	v63 =	vld [tilespmem:s31+$0x40];
	[tilespmem:v57+s26+$0x0] =	vst.idx.msk $0xffff, v39;
	v38 =	vadd.f32 v40, v36;
	v57 =	vadd.s32 v14, v45  }
0x63: {  	v44 =	vshll.u32 v44, v1;
	v42 =	vbroadcast v43, $0x0;
	v39 =	vld [tilespmem:s31+$0x80];
	[tilespmem:v52+s26+$0x0] =	vst.idx.msk $0xffff, v37;
	v58 =	vadd.s32 v10, v54  }
0x64: {  	v44 =	vbroadcast v44, $0x0;
	v52 =	vadd.s32 v4, v46;
	v37 =	vld [tilespmem:s31+$0xC0];
	[tilespmem:v59+s26+$0x0] =	vst.idx.msk $0xffff, v38;
	v40 =	vadd.f32 v60, v36  }
0x65: {  	v59 =	vadd.s32 v13, v42;
	v13 =	vmovc v12;
	v12 =	vbroadcast v50, $0x0;
	v50 =	vadd.f32 v56, v36  }
0x66: {  	v61 =	vbroadcast v61, $0x0;
	v56 =	vadd.s32 v18, v44;
	v38 =	vld [tilespmem:s31+$0x140];
	v43 =	vadd.f32 v55, v35;
	[tilespmem:v41+s26+$0x0] =	vst.idx.msk $0xffff, v40  }
0x67: {  	v60 =	vld [tilespmem:s31+$0x100];
	v41 =	vadd.f32 v63, v36;
	[tilespmem:v57+s26+$0x0] =	vst.idx.msk $0xffff, v50  }
0x68: {  	v39 =	vadd.f32 v39, v36;
	v50 =	vadd.s32 v25, v61;
	v57 =	vld [tilespmem:s31+$0x180];
	[tilespmem:v58+s26+$0x0] =	vst.idx.msk $0xffff, v43;
	v43 =	vbroadcast v62, $0x0  }
0x69: {  	v55 =	vadd.s32 v22, v12;
	[tilespmem:v52+s26+$0x0] =	vst.idx.msk $0xffff, v41;
	v37 =	vadd.f32 v37, v36;
	v58 =	vld [tilespmem:s31+$0x1E0]  }
0x6a: {  	[tilespmem:v59+s26+$0x0] =	vst.idx.msk $0xffff, v39;
	v62 =	vld [tilespmem:s31+$0xFFFFFE50];
	v59 =	vadd.s32 v30, v43  }
0x6b: {  	v41 =	vadd.s32 v3, v54;
	v52 =	vld [tilespmem:s31+$0xFFFFFE90];
	[tilespmem:v56+s26+$0x0] =	vst.idx.msk $0xffff, v37;
	v37 =	vadd.f32 v38, v36  }
0x6c: {  	v63 =	vld [tilespmem:s31+$0xFFFFFED0];
	v39 =	vadd.f32 v60, v36;
	v60 =	vadd.s32 v16, v19  }
0x6d: {  	v38 =	vadd.s32 v5, v51;
	v56 =	vld [tilespmem:s31+$0xFFFFFF10];
	[tilespmem:v50+s26+$0x0] =	vst.idx.msk $0xffff, v37;
	v37 =	vadd.f32 v57, v36  }
0x6e: {  	[tilespmem:v55+s26+$0x0] =	vst.idx.msk $0xffff, v39;
	v55 =	vadd.s32 v23, v49;
	v39 =	vadd.f32 v58, v34  }
0x6f: {  	v57 =	vadd.s32 v26, v15;
	v50 =	vadd.f32 v62, v35;
	[tilespmem:v59+s26+$0x0] =	vst.idx.msk $0xffff, v37  }
0x70: {  	[tilespmem:v41+s26+$0x0] =	vst.idx.msk $0xffff, v39;
	v39 =	vadd.f32 v52, v35  }
0x71: {  	[tilespmem:v60+s26+$0x0] =	vst.idx.msk $0xffff, v50;
	v60 =	vadd.f32 v63, v35  }
0x72: {  	[tilespmem:v38+s26+$0x0] =	vst.idx.msk $0xffff, v39;
	v38 =	vadd.f32 v56, v35  }
0x73: {  	v62 =	vld [tilespmem:s31+$0xFFFFFF90];
	[tilespmem:v55+s26+$0x0] =	vst.idx.msk $0xffff, v60  }
0x74: {  	v58 =	vld [tilespmem:s31+$0xFFFFFF50];
	[tilespmem:v57+s26+$0x0] =	vst.idx.msk $0xffff, v38  }
0x75: {  	v55 =	vadd.s32 v10, v48;
	v10 =	vld [tilespmem:$0x1FE30]  }
0x76: {  	v59 =	vld [tilespmem:s31+$0xFFFFFFD0];
	v41 =	vadd.s32 v27, v47  }
0x77: {  	v52 =	vadd.s32 v31, v53;
	v37 =	vld [tilespmem:s31+$0x1F0]  }
0x78: {  	v63 =	vld [tilespmem:s31+$0x10]  }
0x79: {  	v54 =	vadd.s32 v29, v54;
	v56 =	vld [tilespmem:s31+$0x50];
	v60 =	vadd.f32 v58, v35  }
0x7a: {  	v62 =	vadd.f32 v62, v35;
	v58 =	vld [tilespmem:s31+$0x90];
	v57 =	vadd.s32 v10, v45  }
0x7b: {  	v38 =	vadd.f32 v59, v35;
	[tilespmem:v41+s26+$0x0] =	vst.idx.msk $0xffff, v60;
	v41 =	vadd.s32 v16, v46  }
0x7c: {  	v50 =	vld [tilespmem:s31+$0xD0];
	[tilespmem:v52+s26+$0x0] =	vst.idx.msk $0xffff, v62;
	v52 =	vadd.s32 v5, v42;
	v37 =	vadd.f32 v37, v33  }
0x7d: {  	v39 =	vadd.f32 v63, v35;
	[tilespmem:v55+s26+$0x0] =	vst.idx.msk $0xffff, v38  }
0x7e: {  	v59 =	vld [tilespmem:s31+$0x110];
	v60 =	vadd.s32 v23, v44;
	v63 =	vadd.f32 v56, v35;
	[tilespmem:v54+s26+$0x0] =	vst.idx.msk $0xffff, v37  }
0x7f: {  	v62 =	vld [tilespmem:s31+$0x150];
	[tilespmem:v57+s26+$0x0] =	vst.idx.msk $0xffff, v39;
	v39 =	vadd.f32 v58, v35  }
0x80: {  	v55 =	vld [tilespmem:s31+$0xFFFFFE10];
	[tilespmem:v41+s26+$0x0] =	vst.idx.msk $0xffff, v63  }
0x81: {  	v54 =	vld [tilespmem:s31+$0x190];
	v63 =	vadd.f32 v50, v35;
	[tilespmem:v52+s26+$0x0] =	vst.idx.msk $0xffff, v39  }
0x82: {  	v38 =	vadd.s32 v26, v12;
	v14 =	vld [tilespmem:$0x1FE80]  }
0x83: {  	v56 =	vadd.s32 v27, v61;
	v57 =	vld [tilespmem:s31+$0xFFFFFE60];
	[tilespmem:v60+s26+$0x0] =	vst.idx.msk $0xffff, v63  }
0x84: {  	v16 =	vld [tilespmem:$0x1FEC0]  }
0x85: {  	v41 =	vadd.s32 v31, v43;
	v37 =	vadd.f32 v62, v35;
	v62 =	vld [tilespmem:s31+$0xFFFFFF20];
	v39 =	vadd.f32 v59, v35  }
0x86: {  	v50 =	vadd.s32 v10, v11;
	v58 =	vld [tilespmem:s31+$0xFFFFFEA0]  }
0x87: {  	v59 =	vld [tilespmem:s31+$0xFFFFFEE0];
	[tilespmem:v38+s26+$0x0] =	vst.idx.msk $0xffff, v39;
	v38 =	vadd.f32 v54, v35;
	v52 =	vadd.s32 v14, v19  }
0x88: {  	[tilespmem:v56+s26+$0x0] =	vst.idx.msk $0xffff, v37;
	v56 =	vadd.s32 v24, v15;
	v63 =	vadd.f32 v57, v34;
	v57 =	vld [tilespmem:s31+$0xFFFFFFA0]  }
0x89: {  	v39 =	vadd.f32 v55, v35;
	v55 =	vld [tilespmem:s31+$0xFFFFFF60];
	v60 =	vadd.s32 v16, v51  }
0x8a: {  	v54 =	vadd.s32 v20, v49;
	[tilespmem:v41+s26+$0x0] =	vst.idx.msk $0xffff, v38  }
0x8b: {  	v40 =	vadd.f32 v62, v34;
	[tilespmem:v50+s26+$0x0] =	vst.idx.msk $0xffff, v39;
	v39 =	vadd.s32 v28, v47;
	v41 =	vld [tilespmem:s31+$0xFFFFFFE0]  }
0x8c: {  	v58 =	vadd.f32 v58, v34;
	v50 =	vadd.s32 v32, v53;
	[tilespmem:v52+s26+$0x0] =	vst.idx.msk $0xffff, v63;
	v52 =	vld [tilespmem:s31+$0x20]  }
0x8d: {  	[tilespmem:v56+s26+$0x0] =	vst.idx.msk $0xffff, v40;
	v62 =	vadd.f32 v57, v34;
	v63 =	vadd.f32 v59, v34;
	v59 =	vld [tilespmem:s31+$0x60]  }
0x8e: {  	v57 =	vld [tilespmem:s31+$0xE0];
	[tilespmem:v60+s26+$0x0] =	vst.idx.msk $0xffff, v58;
	v58 =	vadd.s32 v3, v48;
	v60 =	vadd.f32 v55, v34  }
0x8f: {  	v55 =	vld [tilespmem:s31+$0xA0];
	[tilespmem:v54+s26+$0x0] =	vst.idx.msk $0xffff, v63;
	v54 =	vadd.s32 v8, v45  }
0x90: {  	v56 =	vadd.s32 v14, v46;
	[tilespmem:v39+s26+$0x0] =	vst.idx.msk $0xffff, v60;
	v39 =	vld [tilespmem:s31+$0x120]  }
0x91: {  	[tilespmem:v50+s26+$0x0] =	vst.idx.msk $0xffff, v62;
	v50 =	vadd.s32 v16, v42;
	v63 =	vadd.f32 v41, v34  }
0x92: {  	v41 =	vld [tilespmem:s31+$0x160];
	v38 =	vadd.f32 v52, v34;
	v40 =	vadd.f32 v59, v34;
	v59 =	vadd.s32 v24, v12  }
0x93: {  	v37 =	vadd.f32 v57, v34;
	v60 =	vld [tilespmem:s31+$0xFFFFFE20];
	[tilespmem:v58+s26+$0x0] =	vst.idx.msk $0xffff, v63;
	v58 =	vadd.s32 v20, v44  }
0x94: {  	v57 =	vadd.s32 v8, v11;
	v52 =	vld [tilespmem:s31+$0x1A0];
	[tilespmem:v54+s26+$0x0] =	vst.idx.msk $0xffff, v38;
	v38 =	vadd.f32 v55, v34  }
0x95: {  	v62 =	vld [tilespmem:s31+$0xFFFFFEB0];
	v54 =	vadd.s32 v28, v61;
	[tilespmem:v56+s26+$0x0] =	vst.idx.msk $0xffff, v40;
	v39 =	vadd.f32 v39, v34  }
0x96: {  	s1 =	simm.s32 $0x10;
	v63 =	vadd.s32 v13, v19;
	v55 =	vld [tilespmem:s31+$0xFFFFFE70];
	v56 =	vadd.s32 v32, v43;
	[tilespmem:v50+s26+$0x0] =	vst.idx.msk $0xffff, v38  }
0x97: {  	s17 =	simm.s32 $0x11;
	v40 =	vld [tilespmem:s31+$0xFFFFFEF0];
	v41 =	vadd.f32 v41, v34;
	v38 =	vmov s1;
	v50 =	vadd.s32 v17, v51;
	[tilespmem:v59+s26+$0x0] =	vst.idx.msk $0xffff, v39  }
0x98: {  	v51 =	vld [tilespmem:s31+$0xFFFFFF30];
	v19 =	vshrl.u32 v38, $0x3;
	v38 =	vadd.f32 v60, v34;
	v60 =	vmov s17;
	[tilespmem:v58+s26+$0x0] =	vst.idx.msk $0xffff, v37  }
0x99: {  	v52 =	vadd.f32 v52, v34;
	v58 =	vld [tilespmem:s31+$0xFFFFFF70];
	[tilespmem:$0x1FDF0] =	vst v60  }
0x9a: {  	s1 =	simm.s32 $0x13;
	[tilespmem:v54+s26+$0x0] =	vst.idx.msk $0xffff, v41  }
0x9b: {  	v49 =	vadd.s32 v21, v49;
	v60 =	vld [tilespmem:s31+$0xFFFFFFB0];
	[tilespmem:v56+s26+$0x0] =	vst.idx.msk $0xffff, v52;
	v56 =	vmov s1  }
0x9c: {  	v59 =	vadd.s32 v7, v15;
	v55 =	vadd.f32 v55, v33;
	v54 =	vadd.f32 v62, v33;
	v62 =	vld [tilespmem:s31+$0xFFFFFFF0];
	[tilespmem:$0x1FE00] =	vst v56  }
0x9d: {  	v47 =	vadd.s32 v0, v47;
	[tilespmem:v57+s26+$0x0] =	vst.idx.msk $0xffff, v38  }
0x9e: {  	v53 =	vadd.s32 v6, v53;
	v40 =	vadd.f32 v40, v33;
	v56 =	vld [tilespmem:s31+$0x30];
	[tilespmem:v63+s26+$0x0] =	vst.idx.msk $0xffff, v55  }
0x9f: {  	v48 =	vadd.s32 v29, v48;
	v51 =	vadd.f32 v51, v33;
	v57 =	vld [tilespmem:s31+$0x70];
	[tilespmem:v50+s26+$0x0] =	vst.idx.msk $0xffff, v54  }
0xa0: {  	v37 =	vadd.s32 v9, v45;
	v63 =	vld [tilespmem:s31+$0xB0];
	[tilespmem:v49+s26+$0x0] =	vst.idx.msk $0xffff, v40;
	v58 =	vadd.f32 v58, v33  }
0xa1: {  	v46 =	vadd.s32 v13, v46;
	[tilespmem:v59+s26+$0x0] =	vst.idx.msk $0xffff, v51;
	v38 =	vadd.f32 v60, v33  }
0xa2: {  	v42 =	vadd.s32 v17, v42;
	v49 =	vadd.f32 v62, v33;
	[tilespmem:v47+s26+$0x0] =	vst.idx.msk $0xffff, v58  }
0xa3: {  	v51 =	vadd.f32 v56, v33;
	[tilespmem:v53+s26+$0x0] =	vst.idx.msk $0xffff, v38  }
0xa4: {  	v45 =	vld [tilespmem:s31+$0x1B0];
	v47 =	vadd.f32 v57, v33;
	[tilespmem:v48+s26+$0x0] =	vst.idx.msk $0xffff, v49  }
0xa5: {  	v60 =	vld [tilespmem:s31+$0xF0];
	v50 =	vadd.f32 v63, v33;
	[tilespmem:v37+s26+$0x0] =	vst.idx.msk $0xffff, v51  }
0xa6: {  	s19 =	simm.s32 $0x12;
	v61 =	vadd.s32 v0, v61;
	v43 =	vadd.s32 v6, v43;
	v62 =	vld [tilespmem:s31+$0x130];
	[tilespmem:v46+s26+$0x0] =	vst.idx.msk $0xffff, v47  }
0xa7: {  	v15 =	vmov s19;
	s17 =	simm.s32 $0x14;
	s19 =	simm.s32 $0x15;
	v39 =	vadd.s32 v9, v11;
	v56 =	vadd.s32 v21, v44;
	v44 =	vld [tilespmem:s31+$0x170];
	[tilespmem:v42+s26+$0x0] =	vst.idx.msk $0xffff, v50  }
0xa8: {  	v52 =	vmov s17;
	s1 =	simm.s32 $0x16;
	s17 =	simm.s32 $0x17;
	v55 =	vmov s19;
	s19 =	simm.s32 $0x18;
	v57 =	vadd.s32 v7, v12;
	v0 =	vld [tilespmem:$0x1FDF0]  }
0xa9: {  	v41 =	vmov s17;
	s17 =	simm.s32 $0x1A;
	v54 =	vmov s1;
	s1 =	simm.s32 $0x19;
	v59 =	vmov s19;
	v38 =	vld [tilespmem:s31+$0xFFFFFE30]  }
0xaa: {  	s19 =	simm.s32 $0x1B;
	v58 =	vmov s1;
	v53 =	vmov s17;
	v48 =	vadd.f32 v60, v33  }
0xab: {  	v63 =	vmov s19;
	s19 =	simm.s32 $0x1E;
	v37 =	vshll.u32 v19, v1;
	v49 =	vadd.f32 v62, v33  }
0xac: {  	v40 =	vmov s19;
	v42 =	vadd.f32 v45, v33;
	v46 =	vadd.f32 v44, v33;
	[tilespmem:v56+s26+$0x0] =	vst.idx.msk $0xffff, v48  }
0xad: {  	v50 =	vshrl.u32 v15, $0x3;
	v51 =	vshrl.u32 v52, $0x3;
	v44 =	vshrl.u32 v0, $0x3;
	v0 =	vld [tilespmem:$0x1FE00];
	[tilespmem:v57+s26+$0x0] =	vst.idx.msk $0xffff, v49  }
0xae: {  	v6 =	vmovc v3;
	s1 =	simm.s32 $0x1C;
	s17 =	simm.s32 $0x1D;
	v47 =	vshrl.u32 v59, $0x3;
	v40 =	vshrl.u32 v40, $0x3;
	v56 =	vadd.f32 v38, v33;
	[tilespmem:v61+s26+$0x0] =	vst.idx.msk $0xffff, v46  }
0xaf: {  	v9 =	vmovc v2;
	v7 =	vmovc v10;
	v60 =	vmov s1;
	v62 =	vmov s17;
	v37 =	vbroadcast v37, $0x0;
	[tilespmem:v43+s26+$0x0] =	vst.idx.msk $0xffff, v42  }
0xb0: {  	v10 =	vmovc v4;
	v12 =	vmovc v14;
	v48 =	vshrl.u32 v55, $0x3;
	v38 =	vshrl.u32 v58, $0x3;
	v49 =	vshrl.u32 v54, $0x3;
	[tilespmem:v39+s26+$0x0] =	vst.idx.msk $0xffff, v56  }
0xb1: {  	v15 =	vmovc v5;
	v19 =	vmovc v23;
	v46 =	vshrl.u32 v41, $0x3;
	v42 =	vshrl.u32 v53, $0x3;
	v43 =	vshrl.u32 v63, $0x3;
	v11 =	vld [tilespmem:$0x1FE70]  }
0xb2: {  	s30 =	sshll.u32 s28, $0x2;
	s0 =	simm.s32 $0x20;
	v23 =	vmovc v26;
	v26 =	vmovc v25;
	s1 =	simm.s32 $0x1F;
	v41 =	vshrl.u32 v60, $0x3;
	v39 =	vshrl.u32 v62, $0x3;
	v14 =	vld [tilespmem:$0x1FEA0];
	v45 =	vshrl.u32 v0, $0x3  }
.LBB2_3:
0xb3: {  	v60 =	vmov s1  }
0xb4: {  	v44 =	vshll.u32 v44, v1;
	v53 =	vshll.u32 v50, v1;
	s31 =	sadd.s32 $0x400, s31;
	v25 =	vld [tilespmem:$0x1FE20];
	v50 =	vshrl.u32 v60, $0x3  }
0xb5: {  	v60 =	vshll.u32 v43, v1;
	v43 =	vld [tilespmem:s31+$0xFFFFFE40];
	v61 =	vshll.u32 v50, v1;
	v50 =	vbroadcast v44, $0x0  }
0xb6: {  	v45 =	vshll.u32 v45, v1;
	v54 =	vshll.u32 v51, v1;
	v57 =	vld [tilespmem:s31+$0x1C0]  }
0xb7: {  	v48 =	vshll.u32 v48, v1;
	v58 =	vld [tilespmem:s31+$0xFFFFFE00];
	v52 =	vbroadcast v61, $0x0;
	v63 =	vadd.s32 v10, v50  }
0xb8: {  	v55 =	vshll.u32 v49, v1;
	v46 =	vshll.u32 v46, v1;
	v56 =	vshll.u32 v47, v1;
	v62 =	vld [tilespmem:s31+$0xFFFFFE80]  }
0xb9: {  	v38 =	vshll.u32 v38, v1;
	v59 =	vshll.u32 v42, v1;
	v0 =	vld [tilespmem:s31+$0xFFFFFEC0];
	v44 =	vadd.s32 v9, v52  }
0xba: {  	v51 =	vbroadcast v53, $0x0;
	v49 =	vbroadcast v45, $0x0;
	v45 =	vld [tilespmem:s31+$0xFFFFFF00];
	v43 =	vadd.f32 v43, v36  }
0xbb: {  	v2 =	vshll.u32 v40, v1;
	v53 =	vshll.u32 v39, v1;
	v3 =	vld [tilespmem:s31+$0xFFFFFF40];
	v61 =	vadd.s32 v25, v37  }
0xbc: {  	v47 =	vbroadcast v54, $0x0;
	v40 =	vadd.s32 v14, v51;
	v54 =	vadd.f32 v57, v36;
	[tilespmem:v63+s26+$0x0] =	vst.idx.msk $0xffff, v43;
	v63 =	vld [tilespmem:$0x1FE10]  }
0xbd: {  	v42 =	vbroadcast v48, $0x0;
	v5 =	vld [tilespmem:s31+$0xFFFFFF80];
	v57 =	vadd.f32 v58, v36;
	v58 =	vadd.s32 v18, v49  }
0xbe: {  	v39 =	vbroadcast v55, $0x0;
	v48 =	vbroadcast v46, $0x0;
	v46 =	vld [tilespmem:s31+$0x0];
	v4 =	vadd.s32 v22, v47;
	[tilespmem:v44+s26+$0x0] =	vst.idx.msk $0xffff, v54  }
0xbf: {  	v41 =	vshll.u32 v41, v1;
	v44 =	vadd.f32 v62, v36;
	v54 =	vadd.s32 v26, v42;
	v55 =	vld [tilespmem:s31+$0x1D0]  }
0xc0: {  	v0 =	vadd.f32 v0, v36;
	v43 =	vbroadcast v59, $0x0;
	[tilespmem:v61+s26+$0x0] =	vst.idx.msk $0xffff, v57;
	v57 =	vadd.s32 v30, v39;
	v61 =	vld [tilespmem:s31+$0xFFFFFFC0]  }
0xc1: {  	v59 =	vld [tilespmem:s31+$0x100];
	[tilespmem:v40+s26+$0x0] =	vst.idx.msk $0xffff, v44;
	v40 =	vadd.f32 v45, v36;
	v44 =	vbroadcast v56, $0x0;
	v56 =	vadd.s32 v63, v52  }
0xc2: {  	[tilespmem:v58+s26+$0x0] =	vst.idx.msk $0xffff, v0;
	v0 =	vadd.f32 v3, v36;
	v3 =	vadd.s32 v9, v48;
	v58 =	vld [tilespmem:s31+$0x40];
	v45 =	vbroadcast v38, $0x0  }
0xc3: {  	v62 =	vld [tilespmem:s31+$0x80];
	[tilespmem:v4+s26+$0x0] =	vst.idx.msk $0xffff, v40;
	v4 =	vadd.f32 v5, v36;
	v5 =	vadd.s32 v25, v44  }
0xc4: {  	v40 =	vbroadcast v60, $0x0;
	[tilespmem:v54+s26+$0x0] =	vst.idx.msk $0xffff, v0;
	v0 =	vadd.s32 v10, v45;
	v54 =	vld [tilespmem:s31+$0xC0];
	v55 =	vadd.f32 v55, v35  }
0xc5: {  	v41 =	vbroadcast v41, $0x0;
	v25 =	vld [tilespmem:$0x1FE50];
	[tilespmem:v57+s26+$0x0] =	vst.idx.msk $0xffff, v4;
	v4 =	vadd.f32 v61, v36;
	v57 =	vadd.s32 v14, v43  }
0xc6: {  	v46 =	vadd.f32 v46, v36;
	v38 =	vbroadcast v53, $0x0;
	v60 =	vadd.s32 v18, v40;
	v61 =	vld [tilespmem:s31+$0x140];
	[tilespmem:v56+s26+$0x0] =	vst.idx.msk $0xffff, v55  }
0xc7: {  	[tilespmem:v3+s26+$0x0] =	vst.idx.msk $0xffff, v4;
	v3 =	vadd.f32 v58, v36;
	v4 =	vadd.s32 v22, v41;
	v53 =	vld [tilespmem:s31+$0x1E0]  }
0xc8: {  	[tilespmem:v5+s26+$0x0] =	vst.idx.msk $0xffff, v46;
	v5 =	vadd.f32 v62, v36;
	v55 =	vadd.s32 v26, v38;
	v56 =	vld [tilespmem:s31+$0x180];
	v46 =	vbroadcast v2, $0x0  }
0xc9: {  	v2 =	vld [tilespmem:s31+$0xFFFFFE50];
	[tilespmem:v0+s26+$0x0] =	vst.idx.msk $0xffff, v3;
	v0 =	vadd.f32 v54, v36;
	v3 =	vadd.s32 v6, v52  }
0xca: {  	v54 =	vld [tilespmem:s31+$0xFFFFFE90];
	[tilespmem:v57+s26+$0x0] =	vst.idx.msk $0xffff, v5;
	v5 =	vadd.f32 v59, v36;
	v57 =	vadd.s32 v30, v46  }
0xcb: {  	v58 =	vadd.s32 v11, v50;
	v59 =	vld [tilespmem:s31+$0xFFFFFED0];
	[tilespmem:v60+s26+$0x0] =	vst.idx.msk $0xffff, v0;
	v0 =	vadd.f32 v61, v36  }
0xcc: {  	v60 =	vadd.s32 v15, v51;
	v61 =	vld [tilespmem:s31+$0xFFFFFF10];
	[tilespmem:v4+s26+$0x0] =	vst.idx.msk $0xffff, v5;
	v4 =	vadd.f32 v53, v34  }
0xcd: {  	v5 =	vadd.s32 v19, v49;
	[tilespmem:v55+s26+$0x0] =	vst.idx.msk $0xffff, v0;
	v0 =	vadd.f32 v56, v36;
	v53 =	vld [tilespmem:s31+$0xFFFFFF50]  }
0xce: {  	v2 =	vadd.f32 v2, v35;
	v55 =	vadd.s32 v23, v47;
	v56 =	vld [tilespmem:s31+$0xFFFFFF90];
	[tilespmem:v3+s26+$0x0] =	vst.idx.msk $0xffff, v4  }
0xcf: {  	[tilespmem:v57+s26+$0x0] =	vst.idx.msk $0xffff, v0;
	v3 =	vadd.f32 v54, v35;
	v4 =	vadd.s32 v27, v42;
	v0 =	vld [tilespmem:s31+$0x1F0]  }
0xd0: {  	v62 =	vld [tilespmem:s31+$0xFFFFFFD0];
	[tilespmem:v58+s26+$0x0] =	vst.idx.msk $0xffff, v2;
	v2 =	vadd.f32 v59, v35;
	v54 =	vadd.s32 v31, v39  }
0xd1: {  	v52 =	vadd.s32 v29, v52;
	[tilespmem:v60+s26+$0x0] =	vst.idx.msk $0xffff, v3;
	v3 =	vadd.f32 v61, v35;
	v60 =	vld [tilespmem:s31+$0x10]  }
0xd2: {  	v57 =	vld [tilespmem:s31+$0x110];
	[tilespmem:v5+s26+$0x0] =	vst.idx.msk $0xffff, v2;
	v5 =	vadd.s32 v63, v48;
	v2 =	vadd.f32 v53, v35  }
0xd3: {  	v53 =	vld [tilespmem:s31+$0x50];
	[tilespmem:v55+s26+$0x0] =	vst.idx.msk $0xffff, v3;
	v3 =	vadd.f32 v56, v35  }
0xd4: {  	v55 =	vadd.s32 v7, v44;
	v56 =	vld [tilespmem:s31+$0x90];
	[tilespmem:v4+s26+$0x0] =	vst.idx.msk $0xffff, v2;
	v0 =	vadd.f32 v0, v33  }
0xd5: {  	v2 =	vadd.s32 v11, v45;
	v4 =	vld [tilespmem:s31+$0xD0];
	[tilespmem:v54+s26+$0x0] =	vst.idx.msk $0xffff, v3;
	v3 =	vadd.f32 v62, v35  }
0xd6: {  	v54 =	vadd.s32 v15, v43;
	v58 =	vadd.f32 v60, v35;
	v60 =	vld [tilespmem:s31+$0x150];
	[tilespmem:v52+s26+$0x0] =	vst.idx.msk $0xffff, v0  }
0xd7: {  	v59 =	vadd.s32 v19, v40;
	[tilespmem:v5+s26+$0x0] =	vst.idx.msk $0xffff, v3;
	v5 =	vld [tilespmem:s31+$0x190]  }
0xd8: {  	v0 =	vadd.f32 v53, v35;
	v3 =	vadd.s32 v23, v41;
	v52 =	vld [tilespmem:s31+$0xFFFFFE10];
	v53 =	vadd.f32 v57, v35  }
0xd9: {  	v63 =	vld [tilespmem:s31+$0xFFFFFF60];
	[tilespmem:v55+s26+$0x0] =	vst.idx.msk $0xffff, v58;
	v61 =	vadd.f32 v56, v35;
	v55 =	vadd.s32 v27, v38  }
0xda: {  	v56 =	vld [tilespmem:s31+$0xFFFFFE60];
	[tilespmem:v2+s26+$0x0] =	vst.idx.msk $0xffff, v0;
	v0 =	vadd.f32 v4, v35;
	v4 =	vadd.s32 v7, v37  }
0xdb: {  	v58 =	vld [tilespmem:s31+$0xFFFFFEA0];
	v2 =	vadd.s32 v31, v46;
	[tilespmem:v54+s26+$0x0] =	vst.idx.msk $0xffff, v61;
	v54 =	vadd.s32 v12, v50  }
0xdc: {  	v57 =	vld [tilespmem:s31+$0xFFFFFEE0];
	[tilespmem:v59+s26+$0x0] =	vst.idx.msk $0xffff, v0;
	v0 =	vadd.f32 v60, v35;
	v59 =	vadd.s32 v16, v51  }
0xdd: {  	v60 =	vld [tilespmem:s31+$0xFFFFFF20];
	[tilespmem:v3+s26+$0x0] =	vst.idx.msk $0xffff, v53;
	v3 =	vadd.f32 v5, v35;
	v5 =	vadd.f32 v52, v35  }
0xde: {  	v62 =	vadd.s32 v20, v49;
	v61 =	vld [tilespmem:s31+$0xFFFFFFA0];
	[tilespmem:v55+s26+$0x0] =	vst.idx.msk $0xffff, v0  }
0xdf: {  	v0 =	vadd.f32 v56, v34;
	v55 =	vadd.s32 v24, v47;
	[tilespmem:v4+s26+$0x0] =	vst.idx.msk $0xffff, v5;
	v4 =	vld [tilespmem:s31+$0xFFFFFFE0]  }
0xe0: {  	[tilespmem:v2+s26+$0x0] =	vst.idx.msk $0xffff, v3;
	v2 =	vadd.f32 v58, v34;
	v3 =	vadd.s32 v28, v42;
	v58 =	vld [tilespmem:s31+$0x60]  }
0xe1: {  	v5 =	vadd.s32 v32, v39;
	[tilespmem:v54+s26+$0x0] =	vst.idx.msk $0xffff, v0;
	v0 =	vadd.f32 v57, v34;
	v54 =	vld [tilespmem:s31+$0x20]  }
0xe2: {  	v57 =	vadd.s32 v6, v48;
	[tilespmem:v59+s26+$0x0] =	vst.idx.msk $0xffff, v2;
	v2 =	vadd.f32 v60, v34;
	v59 =	vld [tilespmem:s31+$0xFFFFFE20]  }
0xe3: {  	v53 =	vld [tilespmem:s31+$0xFFFFFE70];
	[tilespmem:v62+s26+$0x0] =	vst.idx.msk $0xffff, v0;
	v0 =	vadd.f32 v63, v34;
	v62 =	vadd.s32 v8, v44  }
0xe4: {  	v60 =	vadd.s32 v12, v45;
	v63 =	vld [tilespmem:s31+$0xA0];
	[tilespmem:v55+s26+$0x0] =	vst.idx.msk $0xffff, v2;
	v2 =	vadd.f32 v61, v34  }
0xe5: {  	v49 =	vadd.s32 v21, v49;
	v61 =	vld [tilespmem:s31+$0xE0];
	[tilespmem:v3+s26+$0x0] =	vst.idx.msk $0xffff, v0;
	v0 =	vadd.f32 v4, v34  }
0xe6: {  	v3 =	vadd.s32 v16, v43;
	v4 =	vld [tilespmem:s31+$0x120];
	[tilespmem:v5+s26+$0x0] =	vst.idx.msk $0xffff, v2;
	v2 =	vadd.f32 v54, v34  }
0xe7: {  	v56 =	vadd.s32 v8, v37;
	v54 =	vld [tilespmem:s31+$0x160];
	[tilespmem:v57+s26+$0x0] =	vst.idx.msk $0xffff, v0;
	v0 =	vadd.f32 v58, v34  }
0xe8: {  	v52 =	vadd.s32 v28, v38;
	v5 =	vadd.s32 v20, v40;
	v58 =	vld [tilespmem:s31+$0x1A0];
	[tilespmem:v62+s26+$0x0] =	vst.idx.msk $0xffff, v2  }
0xe9: {  	v57 =	vadd.s32 v24, v41;
	v2 =	vadd.f32 v63, v34;
	[tilespmem:v60+s26+$0x0] =	vst.idx.msk $0xffff, v0;
	v60 =	vld [tilespmem:s31+$0xFFFFFEB0]  }
0xea: {  	v37 =	vadd.s32 v25, v37;
	v48 =	vadd.s32 v29, v48;
	v62 =	vadd.f32 v59, v34;
	v59 =	vld [tilespmem:$0x1FF40]  }
0xeb: {  	v55 =	vadd.s32 v32, v46;
	v0 =	vadd.f32 v61, v34;
	v61 =	vld [tilespmem:$0x1FFF0];
	[tilespmem:v3+s26+$0x0] =	vst.idx.msk $0xffff, v2  }
0xec: {  	v2 =	vadd.f32 v4, v34;
	v3 =	vadd.s32 v13, v50;
	v4 =	vld [tilespmem:s31+$0xFFFFFEF0];
	[tilespmem:v56+s26+$0x0] =	vst.idx.msk $0xffff, v62  }
0xed: {  	v50 =	vadd.s32 v17, v51;
	v51 =	vld [tilespmem:s31+$0xFFFFFF30];
	[tilespmem:v5+s26+$0x0] =	vst.idx.msk $0xffff, v0;
	v0 =	vadd.f32 v54, v34  }
0xee: {  	[tilespmem:v57+s26+$0x0] =	vst.idx.msk $0xffff, v2;
	v2 =	vadd.f32 v58, v34;
	v54 =	vadd.f32 v60, v33;
	v60 =	vld [tilespmem:$0x1FF80]  }
0xef: {  	v57 =	vld [tilespmem:s31+$0xFFFFFF70];
	[tilespmem:v52+s26+$0x0] =	vst.idx.msk $0xffff, v0;
	v52 =	vadd.f32 v53, v33;
	v47 =	vadd.s32 v59, v47  }
0xf0: {  	s19 =	sadd.s32 $0x1, s0;
	v45 =	vadd.s32 v13, v45;
	v44 =	vadd.s32 v25, v44;
	v5 =	vmov s0;
	v53 =	vld [tilespmem:s31+$0xFFFFFFB0];
	[tilespmem:v55+s26+$0x0] =	vst.idx.msk $0xffff, v2  }
0xf1: {  	v62 =	vld [tilespmem:s31+$0xB0];
	v5 =	vshrl.u32 v5, $0x3;
	v0 =	vmov s19;
	v41 =	vadd.s32 v59, v41;
	[tilespmem:v3+s26+$0x0] =	vst.idx.msk $0xffff, v52  }
0xf2: {  	s17 =	sadd.s32 $0x2, s0;
	v3 =	vadd.f32 v4, v33;
	v4 =	vadd.s32 v61, v39;
	v39 =	vld [tilespmem:s31+$0x30];
	v63 =	vadd.f32 v51, v33  }
0xf3: {  	s19 =	sadd.s32 $0x3, s0;
	v5 =	vshll.u32 v5, v1;
	v2 =	vmov s17;
	v55 =	vld [tilespmem:s31+$0xFFFFFFF0];
	s17 =	sadd.s32 $0x4, s0;
	[tilespmem:v50+s26+$0x0] =	vst.idx.msk $0xffff, v54;
	v42 =	vadd.s32 v60, v42  }
0xf4: {  	v56 =	vmov s19;
	s19 =	sadd.s32 $0x5, s0;
	v46 =	vadd.s32 v61, v46;
	v52 =	vmov s17;
	[tilespmem:v47+s26+$0x0] =	vst.idx.msk $0xffff, v63;
	v47 =	vld [tilespmem:s31+$0x1B0]  }
0xf5: {  	v51 =	vld [tilespmem:s31+$0x70];
	s17 =	sadd.s32 $0x6, s0;
	v54 =	vmov s19;
	s19 =	sadd.s32 $0x7, s0;
	[tilespmem:v49+s26+$0x0] =	vst.idx.msk $0xffff, v3;
	v3 =	vadd.f32 v57, v33;
	v63 =	vadd.f32 v53, v33  }
0xf6: {  	v57 =	vmov s17;
	v53 =	vmov s19;
	v38 =	vadd.s32 v60, v38  }
0xf7: {  	v50 =	vld [tilespmem:s31+$0xF0];
	s19 =	sadd.s32 $0x9, s0;
	v49 =	vshrl.u32 v57, $0x3;
	[tilespmem:v4+s26+$0x0] =	vst.idx.msk $0xffff, v63;
	v4 =	vadd.f32 v39, v33;
	v39 =	vadd.s32 v21, v40  }
0xf8: {  	v58 =	vmov s19;
	s19 =	sadd.s32 $0xB, s0;
	[tilespmem:v42+s26+$0x0] =	vst.idx.msk $0xffff, v3;
	v3 =	vadd.f32 v55, v33;
	v42 =	vadd.s32 v17, v43;
	v43 =	vld [tilespmem:s31+$0x130]  }
0xf9: {  	s17 =	sadd.s32 $0x8, s0;
	v40 =	vld [tilespmem:s31+$0x170];
	v60 =	vmov s19;
	[tilespmem:v44+s26+$0x0] =	vst.idx.msk $0xffff, v4;
	v44 =	vshrl.u32 v0, $0x3;
	v0 =	vadd.f32 v47, v33  }
0xfa: {  	s19 =	sadd.s32 $0xD, s0;
	v4 =	vadd.f32 v62, v33;
	v55 =	vmov s17;
	s17 =	sadd.s32 $0xA, s0;
	[tilespmem:v48+s26+$0x0] =	vst.idx.msk $0xffff, v3;
	v3 =	vadd.f32 v51, v33;
	v48 =	vld [tilespmem:s31+$0xFFFFFE30]  }
0xfb: {  	v62 =	vmov s19;
	v59 =	vmov s17;
	s17 =	sadd.s32 $0xC, s0;
	[tilespmem:v46+s26+$0x0] =	vst.idx.msk $0xffff, v0;
	v46 =	vshrl.u32 v53, $0x3  }
0xfc: {  	p1 =	slt.u32 s0, $0x70;
	v47 =	vshrl.u32 v55, $0x3;
	v61 =	vmov s17;
	s17 =	sadd.s32 $0xE, s0;
	[tilespmem:v45+s26+$0x0] =	vst.idx.msk $0xffff, v3;
	v3 =	vadd.f32 v50, v33  }
.Ltmp0:
0xfd: {  	v51 =	vshrl.u32 v52, $0x3;
	v63 =	vmov s17;
	[tilespmem:v42+s26+$0x0] =	vst.idx.msk $0xffff, v4;
	v4 =	vadd.f32 v43, v33;
	(pc) =	sbr.rel @p1 .LBB2_3-.Ltmp0, $4  }
0xfe: {  	v50 =	vshrl.u32 v2, $0x3;
	v45 =	vshrl.u32 v56, $0x3;
	[tilespmem:v39+s26+$0x0] =	vst.idx.msk $0xffff, v3;
	v3 =	vadd.f32 v40, v33  }
0xff: {  	v42 =	vshrl.u32 v59, $0x3;
	v43 =	vshrl.u32 v60, $0x3;
	[tilespmem:v41+s26+$0x0] =	vst.idx.msk $0xffff, v4;
	v2 =	vadd.f32 v48, v33  }
0x100: {  	v39 =	vshrl.u32 v62, $0x3;
	v40 =	vshrl.u32 v63, $0x3;
	v48 =	vshrl.u32 v54, $0x3;
	[tilespmem:v38+s26+$0x0] =	vst.idx.msk $0xffff, v3  }
0x101: {  	s1 =	sadd.s32 $0xF, s0;
	s0 =	sadd.s32 $0x10, s0;
	v41 =	vshrl.u32 v61, $0x3;
	v38 =	vshrl.u32 v58, $0x3;
	[tilespmem:v37+s26+$0x0] =	vst.idx.msk $0xffff, v2;
	v37 =	vbroadcast v5, $0x0  }
0x102: {  	v0 =	vshll.u32 v44, v1  }
0x103: {  	v2 =	vshll.u32 v50, v1;
	v3 =	vmov s1;
	s0 =	sadd.s32 $0x400, s31;
	v50 =	vshll.u32 v38, v1;
	v25 =	vld [tilespmem:$0x1FE20]  }
0x104: {  	v52 =	vshll.u32 v43, v1;
	v3 =	vshrl.u32 v3, $0x3;
	v43 =	vld [tilespmem:s0+$0xFFFFFE40];
	v38 =	vbroadcast v0, $0x0  }
0x105: {  	v0 =	vshll.u32 v41, v1;
	v55 =	vld [tilespmem:s0+$0xFFFFFE80];
	v41 =	vbroadcast v2, $0x0;
	v3 =	vshll.u32 v3, v1  }
0x106: {  	v63 =	vld [tilespmem:s0+$0x1C0];
	v3 =	vbroadcast v3, $0x0;
	v56 =	vadd.s32 v10, v38  }
0x107: {  	v60 =	vld [tilespmem:s0+$0xFFFFFE00];
	v58 =	vadd.s32 v14, v41  }
0x108: {  	v4 =	vshll.u32 v45, v1;
	v53 =	vadd.s32 v9, v3  }
0x109: {  	v5 =	vshll.u32 v51, v1;
	v54 =	vadd.s32 v25, v37;
	v61 =	vadd.f32 v43, v36  }
0x10a: {  	v2 =	vshll.u32 v39, v1;
	v39 =	vbroadcast v4, $0x0;
	v62 =	vadd.f32 v55, v36  }
0x10b: {  	v4 =	vshll.u32 v40, v1;
	v40 =	vbroadcast v5, $0x0;
	v5 =	vadd.f32 v63, v36;
	[tilespmem:v56+s26+$0x0] =	vst.idx.msk $0xffff, v61  }
0x10c: {  	v44 =	vshll.u32 v48, v1;
	v57 =	vld [tilespmem:s0+$0xFFFFFEC0];
	v48 =	vadd.f32 v60, v36;
	[tilespmem:v58+s26+$0x0] =	vst.idx.msk $0xffff, v62  }
0x10d: {  	v59 =	vld [tilespmem:s0+$0xFFFFFF00];
	[tilespmem:v53+s26+$0x0] =	vst.idx.msk $0xffff, v5  }
0x10e: {  	v45 =	vshll.u32 v49, v1;
	v60 =	vld [tilespmem:s0+$0xFFFFFF40];
	[tilespmem:v54+s26+$0x0] =	vst.idx.msk $0xffff, v48  }
0x10f: {  	v51 =	vshll.u32 v42, v1;
	v42 =	vbroadcast v44, $0x0;
	v49 =	vadd.s32 v18, v39;
	v63 =	vld [tilespmem:$0x1FE10]  }
0x110: {  	v46 =	vshll.u32 v46, v1;
	v5 =	vadd.s32 v22, v40;
	v53 =	vld [tilespmem:s0+$0xFFFFFF80]  }
0x111: {  	v43 =	vbroadcast v45, $0x0;
	v55 =	vadd.f32 v57, v36;
	v57 =	vld [tilespmem:s0+$0xFFFFFFC0];
	v48 =	vadd.s32 v26, v42  }
0x112: {  	v47 =	vshll.u32 v47, v1;
	v44 =	vbroadcast v46, $0x0;
	v54 =	vld [tilespmem:s0+$0x1D0]  }
0x113: {  	v45 =	vbroadcast v47, $0x0;
	v56 =	vadd.s32 v30, v43;
	v58 =	vadd.f32 v59, v36;
	v59 =	vld [tilespmem:s0+$0x0]  }
0x114: {  	v46 =	vbroadcast v50, $0x0;
	[tilespmem:v49+s26+$0x0] =	vst.idx.msk $0xffff, v55;
	v49 =	vadd.f32 v60, v36;
	v60 =	vld [tilespmem:s0+$0x40];
	v61 =	vadd.s32 v63, v3  }
0x115: {  	v47 =	vbroadcast v51, $0x0;
	[tilespmem:v5+s26+$0x0] =	vst.idx.msk $0xffff, v58;
	v5 =	vadd.f32 v53, v36;
	v53 =	vadd.s32 v25, v45;
	v58 =	vld [tilespmem:s0+$0x80]  }
0x116: {  	v62 =	vadd.s32 v10, v46;
	v55 =	vadd.s32 v9, v44;
	[tilespmem:v48+s26+$0x0] =	vst.idx.msk $0xffff, v49;
	v48 =	vbroadcast v52, $0x0;
	v63 =	vld [tilespmem:s0+$0xC0]  }
0x117: {  	v25 =	vadd.f32 v57, v36;
	v49 =	vbroadcast v0, $0x0;
	v50 =	vadd.f32 v54, v35;
	v54 =	vld [tilespmem:s0+$0x100]  }
0x118: {  	v52 =	vadd.s32 v14, v47;
	v0 =	vadd.f32 v59, v36;
	[tilespmem:v56+s26+$0x0] =	vst.idx.msk $0xffff, v5  }
0x119: {  	v57 =	vld [tilespmem:s0+$0x140];
	v56 =	vadd.s32 v18, v48;
	v5 =	vadd.s32 v22, v49;
	[tilespmem:v61+s26+$0x0] =	vst.idx.msk $0xffff, v50;
	v50 =	vbroadcast v2, $0x0  }
0x11a: {  	v51 =	vbroadcast v4, $0x0;
	[tilespmem:v53+s26+$0x0] =	vst.idx.msk $0xffff, v0;
	v0 =	vadd.f32 v58, v36;
	v58 =	vld [tilespmem:s0+$0x180];
	v2 =	vadd.f32 v60, v36  }
0x11b: {  	[tilespmem:v55+s26+$0x0] =	vst.idx.msk $0xffff, v25;
	v22 =	vadd.f32 v63, v36;
	v55 =	vld [tilespmem:s0+$0x1E0];
	v53 =	vadd.s32 v26, v50  }
0x11c: {  	[tilespmem:v62+s26+$0x0] =	vst.idx.msk $0xffff, v2;
	v2 =	vld [tilespmem:s0+$0xFFFFFE50];
	v26 =	vadd.f32 v54, v36;
	v54 =	vadd.s32 v30, v51  }
0x11d: {  	v25 =	vadd.s32 v6, v3;
	[tilespmem:v52+s26+$0x0] =	vst.idx.msk $0xffff, v0;
	v0 =	vld [tilespmem:s0+$0xFFFFFE90]  }
0x11e: {  	v4 =	vadd.s32 v11, v38;
	v57 =	vadd.f32 v57, v36;
	v63 =	vmov v30;
	[tilespmem:v56+s26+$0x0] =	vst.idx.msk $0xffff, v22;
	v30 =	vld [tilespmem:s0+$0xFFFFFED0]  }
0x11f: {  	[tilespmem:v5+s26+$0x0] =	vst.idx.msk $0xffff, v26;
	v5 =	vadd.s32 v15, v41;
	v62 =	vadd.f32 v58, v36  }
0x120: {  	v55 =	vadd.f32 v55, v34;
	[tilespmem:v53+s26+$0x0] =	vst.idx.msk $0xffff, v57;
	v53 =	vadd.s32 v19, v39  }
0x121: {  	v22 =	vld [tilespmem:s0+$0xFFFFFF50];
	v2 =	vadd.f32 v2, v35;
	[tilespmem:v54+s26+$0x0] =	vst.idx.msk $0xffff, v62  }
0x122: {  	v0 =	vadd.f32 v0, v35;
	[tilespmem:v25+s26+$0x0] =	vst.idx.msk $0xffff, v55  }
0x123: {  	[tilespmem:v4+s26+$0x0] =	vst.idx.msk $0xffff, v2;
	v2 =	vadd.f32 v30, v35  }
0x124: {  	[tilespmem:v5+s26+$0x0] =	vst.idx.msk $0xffff, v0  }
0x125: {  	v60 =	vld [tilespmem:s0+$0xFFFFFF10];
	[tilespmem:v53+s26+$0x0] =	vst.idx.msk $0xffff, v2  }
0x126: {  	v2 =	vadd.f32 v22, v35;
	v22 =	vld [tilespmem:$0x1FE10]  }
0x127: {  	v26 =	vld [tilespmem:s0+$0xFFFFFF90];
	v25 =	vadd.s32 v23, v40  }
0x128: {  	v36 =	vadd.s32 v27, v42;
	v54 =	vld [tilespmem:s0+$0x1F0]  }
0x129: {  	v4 =	vadd.s32 v31, v43;
	v30 =	vld [tilespmem:s0+$0xFFFFFFD0]  }
0x12a: {  	v3 =	vadd.s32 v29, v3;
	v0 =	vadd.f32 v60, v35;
	v60 =	vld [tilespmem:s0+$0x10]  }
0x12b: {  	v62 =	vld [tilespmem:s0+$0x50];
	v52 =	vadd.s32 v22, v44  }
0x12c: {  	[tilespmem:v25+s26+$0x0] =	vst.idx.msk $0xffff, v0;
	v0 =	vadd.f32 v26, v35;
	v25 =	vadd.s32 v7, v45;
	v26 =	vld [tilespmem:s0+$0x90]  }
0x12d: {  	[tilespmem:v36+s26+$0x0] =	vst.idx.msk $0xffff, v2;
	v2 =	vadd.s32 v11, v46;
	v36 =	vld [tilespmem:s0+$0xD0];
	v54 =	vadd.f32 v54, v33  }
0x12e: {  	v56 =	vld [tilespmem:s0+$0x110];
	[tilespmem:v4+s26+$0x0] =	vst.idx.msk $0xffff, v0;
	v0 =	vadd.f32 v30, v35;
	v30 =	vadd.s32 v15, v47  }
0x12f: {  	v5 =	vadd.f32 v60, v35;
	v60 =	vld [tilespmem:s0+$0x150];
	[tilespmem:v3+s26+$0x0] =	vst.idx.msk $0xffff, v54;
	v3 =	vadd.s32 v19, v48  }
0x130: {  	v53 =	vld [tilespmem:s0+$0x190];
	[tilespmem:v52+s26+$0x0] =	vst.idx.msk $0xffff, v0;
	v0 =	vadd.f32 v62, v35;
	v62 =	vadd.s32 v23, v49  }
0x131: {  	[tilespmem:v25+s26+$0x0] =	vst.idx.msk $0xffff, v5;
	v25 =	vadd.f32 v26, v35;
	v26 =	vadd.s32 v27, v50;
	v23 =	vld [tilespmem:s0+$0xFFFFFE10]  }
0x132: {  	v27 =	vadd.s32 v31, v51;
	[tilespmem:v2+s26+$0x0] =	vst.idx.msk $0xffff, v0;
	v0 =	vld [tilespmem:s0+$0xFFFFFE60];
	v2 =	vadd.f32 v36, v35  }
0x133: {  	v56 =	vadd.f32 v56, v35;
	v31 =	vld [tilespmem:s0+$0xFFFFFEA0];
	[tilespmem:v30+s26+$0x0] =	vst.idx.msk $0xffff, v25;
	v30 =	vadd.s32 v7, v37  }
0x134: {  	v54 =	vadd.f32 v60, v35;
	[tilespmem:v3+s26+$0x0] =	vst.idx.msk $0xffff, v2;
	v2 =	vadd.s32 v12, v38;
	v3 =	vld [tilespmem:s0+$0xFFFFFEE0]  }
0x135: {  	v53 =	vadd.f32 v53, v35;
	v60 =	vadd.s32 v16, v41;
	[tilespmem:v62+s26+$0x0] =	vst.idx.msk $0xffff, v56;
	v62 =	vld [tilespmem:s0+$0xFFFFFF20]  }
0x136: {  	[tilespmem:v26+s26+$0x0] =	vst.idx.msk $0xffff, v54;
	v54 =	vld [tilespmem:s0+$0xFFFFFF60];
	v5 =	vadd.f32 v23, v35;
	v35 =	vadd.s32 v20, v39  }
0x137: {  	v25 =	vld [tilespmem:s0+$0xFFFFFFA0];
	[tilespmem:v27+s26+$0x0] =	vst.idx.msk $0xffff, v53;
	v23 =	vadd.s32 v24, v40;
	v0 =	vadd.f32 v0, v34  }
0x138: {  	v26 =	vadd.f32 v31, v34;
	v27 =	vadd.s32 v28, v42;
	[tilespmem:v30+s26+$0x0] =	vst.idx.msk $0xffff, v5;
	v30 =	vld [tilespmem:s0+$0xFFFFFFE0]  }
0x139: {  	[tilespmem:v2+s26+$0x0] =	vst.idx.msk $0xffff, v0;
	v0 =	vadd.f32 v3, v34;
	v2 =	vadd.s32 v32, v43;
	v3 =	vld [tilespmem:s0+$0x20]  }
0x13a: {  	[tilespmem:v60+s26+$0x0] =	vst.idx.msk $0xffff, v26;
	v60 =	vadd.s32 v6, v44;
	v31 =	vadd.f32 v62, v34;
	v62 =	vld [tilespmem:s0+$0x60]  }
0x13b: {  	[tilespmem:v35+s26+$0x0] =	vst.idx.msk $0xffff, v0;
	v0 =	vadd.f32 v54, v34;
	v35 =	vadd.s32 v8, v45;
	v54 =	vld [tilespmem:s0+$0xA0]  }
0x13c: {  	v26 =	vld [tilespmem:s0+$0xE0];
	[tilespmem:v23+s26+$0x0] =	vst.idx.msk $0xffff, v31;
	v23 =	vadd.f32 v25, v34;
	v25 =	vadd.s32 v12, v46  }
0x13d: {  	[tilespmem:v27+s26+$0x0] =	vst.idx.msk $0xffff, v0;
	v0 =	vadd.f32 v30, v34;
	v27 =	vadd.s32 v16, v47;
	v30 =	vld [tilespmem:s0+$0x120]  }
0x13e: {  	v31 =	vld [tilespmem:s0+$0x160];
	[tilespmem:v2+s26+$0x0] =	vst.idx.msk $0xffff, v23;
	v2 =	vadd.f32 v3, v34;
	v3 =	vadd.s32 v20, v48  }
0x13f: {  	[tilespmem:v60+s26+$0x0] =	vst.idx.msk $0xffff, v0;
	v0 =	vadd.f32 v62, v34;
	v60 =	vadd.s32 v24, v49;
	v62 =	vld [tilespmem:s0+$0x1A0]  }
0x140: {  	v24 =	vadd.s32 v28, v50;
	[tilespmem:v35+s26+$0x0] =	vst.idx.msk $0xffff, v2;
	v2 =	vld [tilespmem:s0+$0xFFFFFE20];
	v23 =	vadd.f32 v54, v34  }
0x141: {  	[tilespmem:v25+s26+$0x0] =	vst.idx.msk $0xffff, v0;
	v0 =	vld [tilespmem:s0+$0xFFFFFE70];
	v25 =	vadd.f32 v26, v34;
	v26 =	vadd.s32 v32, v51  }
0x142: {  	v28 =	vld [tilespmem:s0+$0xFFFFFEB0];
	[tilespmem:v27+s26+$0x0] =	vst.idx.msk $0xffff, v23;
	v27 =	vadd.s32 v8, v37;
	v55 =	vadd.f32 v30, v34  }
0x143: {  	v4 =	vadd.f32 v31, v34;
	v30 =	vld [tilespmem:s0+$0xFFFFFEF0];
	[tilespmem:v3+s26+$0x0] =	vst.idx.msk $0xffff, v25;
	v3 =	vadd.s32 v13, v38  }
0x144: {  	v31 =	vadd.s32 v17, v41;
	[tilespmem:v60+s26+$0x0] =	vst.idx.msk $0xffff, v55;
	v58 =	vadd.f32 v62, v34  }
0x145: {  	v59 =	vadd.s32 v21, v39;
	[tilespmem:v24+s26+$0x0] =	vst.idx.msk $0xffff, v4;
	v2 =	vadd.f32 v2, v34  }
0x146: {  	v57 =	vld [tilespmem:s0+$0xFFFFFF30];
	[tilespmem:v26+s26+$0x0] =	vst.idx.msk $0xffff, v58;
	v0 =	vadd.f32 v0, v33  }
0x147: {  	v9 =	vld [tilespmem:$0x1FF40];
	[tilespmem:v27+s26+$0x0] =	vst.idx.msk $0xffff, v2;
	v2 =	vadd.f32 v28, v33  }
0x148: {  	v8 =	vld [tilespmem:$0x1FF80];
	[tilespmem:v3+s26+$0x0] =	vst.idx.msk $0xffff, v0;
	v0 =	vadd.f32 v30, v33  }
0x149: {  	v26 =	vld [tilespmem:$0x1FFF0];
	[tilespmem:v31+s26+$0x0] =	vst.idx.msk $0xffff, v2  }
0x14a: {  	v60 =	vld [tilespmem:s0+$0xFFFFFF70];
	[tilespmem:v59+s26+$0x0] =	vst.idx.msk $0xffff, v0  }
0x14b: {  	v30 =	vld [tilespmem:$0x1FE50]  }
0x14c: {  	v23 =	vld [tilespmem:s0+$0xFFFFFFB0];
	v62 =	vadd.s32 v9, v40  }
0x14d: {  	v25 =	vld [tilespmem:s0+$0xFFFFFFF0];
	v24 =	vadd.s32 v8, v42  }
0x14e: {  	v27 =	vld [tilespmem:s0+$0x30];
	v3 =	vadd.s32 v26, v43  }
0x14f: {  	v61 =	vmovc v18;
	v18 =	vmov v29;
	v28 =	vadd.s32 v29, v44;
	v29 =	vld [tilespmem:s0+$0x70];
	v2 =	vadd.f32 v57, v33  }
0x150: {  	v44 =	vld [tilespmem:s0+$0xB0];
	v0 =	vadd.f32 v60, v33;
	v31 =	vadd.s32 v30, v45  }
0x151: {  	v45 =	vadd.s32 v13, v46;
	v46 =	vld [tilespmem:s0+$0xF0];
	[tilespmem:v62+s26+$0x0] =	vst.idx.msk $0xffff, v2;
	v2 =	vadd.f32 v23, v33  }
0x152: {  	v52 =	vadd.s32 v17, v47;
	v53 =	vld [tilespmem:s0+$0x130];
	[tilespmem:v24+s26+$0x0] =	vst.idx.msk $0xffff, v0;
	v0 =	vadd.f32 v25, v33  }
0x153: {  	v54 =	vld [tilespmem:s0+$0x170];
	[tilespmem:v3+s26+$0x0] =	vst.idx.msk $0xffff, v2;
	v2 =	vadd.f32 v27, v33;
	v3 =	vadd.s32 v21, v48  }
0x154: {  	v56 =	vld [tilespmem:s0+$0x1B0];
	v55 =	vadd.s32 v9, v49;
	[tilespmem:v28+s26+$0x0] =	vst.idx.msk $0xffff, v0;
	v0 =	vadd.f32 v29, v33  }
0x155: {  	v57 =	vadd.f32 v44, v33;
	v58 =	vadd.s32 v8, v50;
	[tilespmem:v31+s26+$0x0] =	vst.idx.msk $0xffff, v2;
	v2 =	vld [tilespmem:s0+$0xFFFFFE30]  }
0x156: {  	v59 =	vadd.s32 v26, v51;
	[tilespmem:v45+s26+$0x0] =	vst.idx.msk $0xffff, v0;
	v0 =	vadd.f32 v46, v33  }
0x157: {  	[tilespmem:v52+s26+$0x0] =	vst.idx.msk $0xffff, v57;
	v60 =	vadd.s32 v30, v37;
	v62 =	vadd.f32 v53, v33  }
0x158: {  	[tilespmem:v3+s26+$0x0] =	vst.idx.msk $0xffff, v0;
	v0 =	vadd.f32 v54, v33  }
0x159: {  	s17 =	sshll.u32 s28, $0x14;
	[tilespmem:v55+s26+$0x0] =	vst.idx.msk $0xffff, v62;
	v3 =	vadd.f32 v56, v33  }
0x15a: {  	s0 =	sor.u32 s7, s17;
	[tilespmem:v58+s26+$0x0] =	vst.idx.msk $0xffff, v0;
	v0 =	vadd.f32 v2, v33  }
0x15b: {  	s0 =	sshrl.u32 s0, $0x3;
	[tilespmem:v59+s26+$0x0] =	vst.idx.msk $0xffff, v3  }
0x15c: {  	s1 =	sadd.s32 s2, s0;
	[tilespmem:v60+s26+$0x0] =	vst.idx.msk $0xffff, v0  }
0x15d: {  	[hbm4b:s1+s3] =	stream.linear.scatter [tilespmem:s26], [sflag:$0x5], $0x80, $0x38;
	[tilespmem:$0x15A00] =	vst v63  }
0x15e: {  	s19 =	simm.s32 $0x11688;
	s17 =	sadd.s32 $0x10, s1  }
0x15f: {  	[hbm4b:s17+s3] =	stream.linear.scatter [tilespmem:s19], [sflag:$0x5], $0x80, $0x38;
	[tilespmem:$0x15A00] =	vst v63  }
0x160: {  	s31 =	simm.s32 $0x11710;
	s19 =	sadd.s32 $0x20, s1  }
0x161: {  	[hbm4b:s19+s3] =	stream.linear.scatter [tilespmem:s31], [sflag:$0x5], $0x80, $0x38;
	[tilespmem:$0x15A00] =	vst v63  }
0x162: {  	s19 =	sadd.s32 $0x30, s1;
	s31 =	simm.s32 $0x11798  }
0x163: {  	[hbm4b:s19+s3] =	stream.linear.scatter [tilespmem:s31], [sflag:$0x5], $0x80, $0x38;
	[tilespmem:$0x15A00] =	vst v63  }
0x164: {  	s19 =	sadd.s32 $0x40, s1;
	s31 =	simm.s32 $0x11820  }
0x165: {  	[hbm4b:s19+s3] =	stream.linear.scatter [tilespmem:s31], [sflag:$0x5], $0x80, $0x38;
	[tilespmem:$0x15A00] =	vst v63  }
0x166: {  	s19 =	sadd.s32 $0x50, s1;
	s31 =	simm.s32 $0x118A8  }
0x167: {  	[hbm4b:s19+s3] =	stream.linear.scatter [tilespmem:s31], [sflag:$0x5], $0x80, $0x38;
	[tilespmem:$0x15A00] =	vst v63  }
0x168: {  	s19 =	sadd.s32 $0x60, s1;
	s31 =	simm.s32 $0x11930  }
0x169: {  	[hbm4b:s19+s3] =	stream.linear.scatter [tilespmem:s31], [sflag:$0x5], $0x80, $0x38;
	[tilespmem:$0x15A00] =	vst v63  }
0x16a: {  	s1 =	sadd.s32 $0x70, s1;
	s19 =	simm.s32 $0x119B8  }
0x16b: {  	[hbm4b:s1+s3] =	stream.linear.scatter [tilespmem:s19], [sflag:$0x5], $0x80, $0x38;
	[tilespmem:$0x15A00] =	vst v63  }
0x16c: {  	s31 =	simm.s32 $0x11A40;
	s1 =	sadd.s32 s0, s8  }
0x16d: {  	[hbm4b:s1+s3] =	stream.linear.scatter [tilespmem:s31], [sflag:$0x5], $0x80, $0x38;
	[tilespmem:$0x15A00] =	vst v63  }
0x16e: {  	s19 =	sadd.s32 $0x10, s1;
	s31 =	simm.s32 $0x11AC8  }
0x16f: {  	[hbm4b:s19+s3] =	stream.linear.scatter [tilespmem:s31], [sflag:$0x5], $0x80, $0x38;
	[tilespmem:$0x15A00] =	vst v63  }
0x170: {  	s19 =	sadd.s32 $0x20, s1;
	s31 =	simm.s32 $0x11B50  }
0x171: {  	[hbm4b:s19+s3] =	stream.linear.scatter [tilespmem:s31], [sflag:$0x5], $0x80, $0x38;
	[tilespmem:$0x15A00] =	vst v63  }
0x172: {  	s19 =	sadd.s32 $0x30, s1;
	s31 =	simm.s32 $0x11BD8  }
0x173: {  	[hbm4b:s19+s3] =	stream.linear.scatter [tilespmem:s31], [sflag:$0x5], $0x80, $0x38;
	[tilespmem:$0x15A00] =	vst v63  }
0x174: {  	s19 =	sadd.s32 $0x40, s1;
	s31 =	simm.s32 $0x11C60  }
0x175: {  	[hbm4b:s19+s3] =	stream.linear.scatter [tilespmem:s31], [sflag:$0x5], $0x80, $0x38;
	[tilespmem:$0x15A00] =	vst v63  }
0x176: {  	s19 =	sadd.s32 $0x50, s1;
	s31 =	simm.s32 $0x11CE8  }
0x177: {  	[hbm4b:s19+s3] =	stream.linear.scatter [tilespmem:s31], [sflag:$0x5], $0x80, $0x38;
	[tilespmem:$0x15A00] =	vst v63  }
0x178: {  	s19 =	sadd.s32 $0x60, s1;
	s31 =	simm.s32 $0x11D70  }
0x179: {  	[hbm4b:s19+s3] =	stream.linear.scatter [tilespmem:s31], [sflag:$0x5], $0x80, $0x38;
	[tilespmem:$0x15A00] =	vst v63  }
0x17a: {  	s1 =	sadd.s32 $0x70, s1;
	s19 =	simm.s32 $0x11DF8  }
0x17b: {  	[hbm4b:s1+s3] =	stream.linear.scatter [tilespmem:s19], [sflag:$0x5], $0x80, $0x38;
	[tilespmem:$0x15A00] =	vst v63  }
0x17c: {  	s31 =	simm.s32 $0x11E80;
	s1 =	sadd.s32 s0, s9  }
0x17d: {  	[hbm4b:s1+s3] =	stream.linear.scatter [tilespmem:s31], [sflag:$0x5], $0x80, $0x38;
	[tilespmem:$0x15A00] =	vst v63  }
0x17e: {  	s19 =	sadd.s32 $0x10, s1;
	s31 =	simm.s32 $0x11F08  }
0x17f: {  	[hbm4b:s19+s3] =	stream.linear.scatter [tilespmem:s31], [sflag:$0x5], $0x80, $0x38;
	[tilespmem:$0x15A00] =	vst v63  }
0x180: {  	s19 =	sadd.s32 $0x20, s1;
	s31 =	simm.s32 $0x11F90  }
0x181: {  	[hbm4b:s19+s3] =	stream.linear.scatter [tilespmem:s31], [sflag:$0x5], $0x80, $0x38;
	[tilespmem:$0x15A00] =	vst v63  }
0x182: {  	s19 =	sadd.s32 $0x30, s1;
	s31 =	simm.s32 $0x12018  }
0x183: {  	[hbm4b:s19+s3] =	stream.linear.scatter [tilespmem:s31], [sflag:$0x5], $0x80, $0x38;
	[tilespmem:$0x15A00] =	vst v63  }
0x184: {  	s19 =	sadd.s32 $0x40, s1;
	s31 =	simm.s32 $0x120A0  }
0x185: {  	[hbm4b:s19+s3] =	stream.linear.scatter [tilespmem:s31], [sflag:$0x5], $0x80, $0x38;
	[tilespmem:$0x15A00] =	vst v63  }
0x186: {  	s19 =	sadd.s32 $0x50, s1;
	s31 =	simm.s32 $0x12128  }
0x187: {  	[hbm4b:s19+s3] =	stream.linear.scatter [tilespmem:s31], [sflag:$0x5], $0x80, $0x38;
	[tilespmem:$0x15A00] =	vst v63  }
0x188: {  	s19 =	sadd.s32 $0x60, s1;
	s31 =	simm.s32 $0x121B0  }
0x189: {  	[hbm4b:s19+s3] =	stream.linear.scatter [tilespmem:s31], [sflag:$0x5], $0x80, $0x38;
	[tilespmem:$0x15A00] =	vst v63  }
0x18a: {  	s1 =	sadd.s32 $0x70, s1;
	s19 =	simm.s32 $0x12238  }
0x18b: {  	[hbm4b:s1+s3] =	stream.linear.scatter [tilespmem:s19], [sflag:$0x5], $0x80, $0x38;
	[tilespmem:$0x15A00] =	vst v63  }
0x18c: {  	s31 =	simm.s32 $0x122C0;
	s1 =	sadd.s32 s0, s10  }
0x18d: {  	[hbm4b:s1+s3] =	stream.linear.scatter [tilespmem:s31], [sflag:$0x5], $0x80, $0x38;
	[tilespmem:$0x15A00] =	vst v63  }
0x18e: {  	s19 =	sadd.s32 $0x10, s1;
	s31 =	simm.s32 $0x12348  }
0x18f: {  	[hbm4b:s19+s3] =	stream.linear.scatter [tilespmem:s31], [sflag:$0x5], $0x80, $0x38;
	[tilespmem:$0x15A00] =	vst v63  }
0x190: {  	s19 =	sadd.s32 $0x20, s1;
	s31 =	simm.s32 $0x123D0  }
0x191: {  	[hbm4b:s19+s3] =	stream.linear.scatter [tilespmem:s31], [sflag:$0x5], $0x80, $0x38;
	[tilespmem:$0x15A00] =	vst v63  }
0x192: {  	s19 =	sadd.s32 $0x30, s1;
	s31 =	simm.s32 $0x12458  }
0x193: {  	[hbm4b:s19+s3] =	stream.linear.scatter [tilespmem:s31], [sflag:$0x5], $0x80, $0x38;
	[tilespmem:$0x15A00] =	vst v63  }
0x194: {  	s19 =	sadd.s32 $0x40, s1;
	s31 =	simm.s32 $0x124E0  }
0x195: {  	[hbm4b:s19+s3] =	stream.linear.scatter [tilespmem:s31], [sflag:$0x5], $0x80, $0x38;
	[tilespmem:$0x15A00] =	vst v63  }
0x196: {  	s19 =	sadd.s32 $0x50, s1;
	s31 =	simm.s32 $0x12568  }
0x197: {  	[hbm4b:s19+s3] =	stream.linear.scatter [tilespmem:s31], [sflag:$0x5], $0x80, $0x38;
	[tilespmem:$0x15A00] =	vst v63  }
0x198: {  	s19 =	sadd.s32 $0x60, s1;
	s31 =	simm.s32 $0x125F0  }
0x199: {  	[hbm4b:s19+s3] =	stream.linear.scatter [tilespmem:s31], [sflag:$0x5], $0x80, $0x38;
	[tilespmem:$0x15A00] =	vst v63  }
0x19a: {  	s1 =	sadd.s32 $0x70, s1;
	s19 =	simm.s32 $0x12678  }
0x19b: {  	[hbm4b:s1+s3] =	stream.linear.scatter [tilespmem:s19], [sflag:$0x5], $0x80, $0x38;
	[tilespmem:$0x15A00] =	vst v63  }
0x19c: {  	s31 =	simm.s32 $0x12700;
	s1 =	sadd.s32 s0, s11  }
0x19d: {  	[hbm4b:s1+s3] =	stream.linear.scatter [tilespmem:s31], [sflag:$0x5], $0x80, $0x38;
	[tilespmem:$0x15A00] =	vst v63  }
0x19e: {  	s19 =	sadd.s32 $0x10, s1;
	s31 =	simm.s32 $0x12788  }
0x19f: {  	[hbm4b:s19+s3] =	stream.linear.scatter [tilespmem:s31], [sflag:$0x5], $0x80, $0x38;
	[tilespmem:$0x15A00] =	vst v63  }
0x1a0: {  	s19 =	sadd.s32 $0x20, s1;
	s31 =	simm.s32 $0x12810  }
0x1a1: {  	[hbm4b:s19+s3] =	stream.linear.scatter [tilespmem:s31], [sflag:$0x5], $0x80, $0x38;
	[tilespmem:$0x15A00] =	vst v63  }
0x1a2: {  	s19 =	sadd.s32 $0x30, s1;
	s31 =	simm.s32 $0x12898  }
0x1a3: {  	[hbm4b:s19+s3] =	stream.linear.scatter [tilespmem:s31], [sflag:$0x5], $0x80, $0x38;
	[tilespmem:$0x15A00] =	vst v63  }
0x1a4: {  	s19 =	sadd.s32 $0x40, s1;
	s31 =	simm.s32 $0x12920  }
0x1a5: {  	[hbm4b:s19+s3] =	stream.linear.scatter [tilespmem:s31], [sflag:$0x5], $0x80, $0x38;
	[tilespmem:$0x15A00] =	vst v63  }
0x1a6: {  	s19 =	sadd.s32 $0x50, s1;
	s31 =	simm.s32 $0x129A8  }
0x1a7: {  	[hbm4b:s19+s3] =	stream.linear.scatter [tilespmem:s31], [sflag:$0x5], $0x80, $0x38;
	[tilespmem:$0x15A00] =	vst v63  }
0x1a8: {  	s19 =	sadd.s32 $0x60, s1;
	s31 =	simm.s32 $0x12A30  }
0x1a9: {  	[hbm4b:s19+s3] =	stream.linear.scatter [tilespmem:s31], [sflag:$0x5], $0x80, $0x38;
	[tilespmem:$0x15A00] =	vst v63  }
0x1aa: {  	s1 =	sadd.s32 $0x70, s1;
	s19 =	simm.s32 $0x12AB8  }
0x1ab: {  	[hbm4b:s1+s3] =	stream.linear.scatter [tilespmem:s19], [sflag:$0x5], $0x80, $0x38;
	[tilespmem:$0x15A00] =	vst v63  }
0x1ac: {  	s31 =	simm.s32 $0x12B40;
	s1 =	sadd.s32 s0, s12  }
0x1ad: {  	[hbm4b:s1+s3] =	stream.linear.scatter [tilespmem:s31], [sflag:$0x5], $0x80, $0x38;
	[tilespmem:$0x15A00] =	vst v63  }
0x1ae: {  	s19 =	sadd.s32 $0x10, s1;
	s31 =	simm.s32 $0x12BC8  }
0x1af: {  	[hbm4b:s19+s3] =	stream.linear.scatter [tilespmem:s31], [sflag:$0x5], $0x80, $0x38;
	[tilespmem:$0x15A00] =	vst v63  }
0x1b0: {  	s19 =	sadd.s32 $0x20, s1;
	s31 =	simm.s32 $0x12C50  }
0x1b1: {  	[hbm4b:s19+s3] =	stream.linear.scatter [tilespmem:s31], [sflag:$0x5], $0x80, $0x38;
	[tilespmem:$0x15A00] =	vst v63  }
0x1b2: {  	s19 =	sadd.s32 $0x30, s1;
	s31 =	simm.s32 $0x12CD8  }
0x1b3: {  	[hbm4b:s19+s3] =	stream.linear.scatter [tilespmem:s31], [sflag:$0x5], $0x80, $0x38;
	[tilespmem:$0x15A00] =	vst v63  }
0x1b4: {  	s19 =	sadd.s32 $0x40, s1;
	s31 =	simm.s32 $0x12D60  }
0x1b5: {  	[hbm4b:s19+s3] =	stream.linear.scatter [tilespmem:s31], [sflag:$0x5], $0x80, $0x38;
	[tilespmem:$0x15A00] =	vst v63  }
0x1b6: {  	s19 =	sadd.s32 $0x50, s1;
	s31 =	simm.s32 $0x12DE8  }
0x1b7: {  	[hbm4b:s19+s3] =	stream.linear.scatter [tilespmem:s31], [sflag:$0x5], $0x80, $0x38;
	[tilespmem:$0x15A00] =	vst v63  }
0x1b8: {  	s19 =	sadd.s32 $0x60, s1;
	s31 =	simm.s32 $0x12E70  }
0x1b9: {  	[hbm4b:s19+s3] =	stream.linear.scatter [tilespmem:s31], [sflag:$0x5], $0x80, $0x38;
	[tilespmem:$0x15A00] =	vst v63  }
0x1ba: {  	s1 =	sadd.s32 $0x70, s1;
	s19 =	simm.s32 $0x12EF8  }
0x1bb: {  	[hbm4b:s1+s3] =	stream.linear.scatter [tilespmem:s19], [sflag:$0x5], $0x80, $0x38;
	[tilespmem:$0x15A00] =	vst v63  }
0x1bc: {  	s31 =	simm.s32 $0x12F80;
	s1 =	sadd.s32 s0, s13  }
0x1bd: {  	[hbm4b:s1+s3] =	stream.linear.scatter [tilespmem:s31], [sflag:$0x5], $0x80, $0x38;
	[tilespmem:$0x15A00] =	vst v63  }
0x1be: {  	s19 =	sadd.s32 $0x10, s1;
	s31 =	simm.s32 $0x13008  }
0x1bf: {  	[hbm4b:s19+s3] =	stream.linear.scatter [tilespmem:s31], [sflag:$0x5], $0x80, $0x38;
	[tilespmem:$0x15A00] =	vst v63  }
0x1c0: {  	s19 =	sadd.s32 $0x20, s1;
	s31 =	simm.s32 $0x13090  }
0x1c1: {  	[hbm4b:s19+s3] =	stream.linear.scatter [tilespmem:s31], [sflag:$0x5], $0x80, $0x38;
	[tilespmem:$0x15A00] =	vst v63  }
0x1c2: {  	s19 =	sadd.s32 $0x30, s1;
	s31 =	simm.s32 $0x13118  }
0x1c3: {  	[hbm4b:s19+s3] =	stream.linear.scatter [tilespmem:s31], [sflag:$0x5], $0x80, $0x38;
	[tilespmem:$0x15A00] =	vst v63  }
0x1c4: {  	s19 =	sadd.s32 $0x40, s1;
	s31 =	simm.s32 $0x131A0  }
0x1c5: {  	[hbm4b:s19+s3] =	stream.linear.scatter [tilespmem:s31], [sflag:$0x5], $0x80, $0x38;
	[tilespmem:$0x15A00] =	vst v63  }
0x1c6: {  	s19 =	sadd.s32 $0x50, s1;
	s31 =	simm.s32 $0x13228  }
0x1c7: {  	[hbm4b:s19+s3] =	stream.linear.scatter [tilespmem:s31], [sflag:$0x5], $0x80, $0x38;
	[tilespmem:$0x15A00] =	vst v63  }
0x1c8: {  	s19 =	sadd.s32 $0x60, s1;
	s31 =	simm.s32 $0x132B0  }
0x1c9: {  	[hbm4b:s19+s3] =	stream.linear.scatter [tilespmem:s31], [sflag:$0x5], $0x80, $0x38;
	[tilespmem:$0x15A00] =	vst v63  }
0x1ca: {  	s1 =	sadd.s32 $0x70, s1;
	s31 =	simm.s32 $0x13338  }
0x1cb: {  	[hbm4b:s1+s3] =	stream.linear.scatter [tilespmem:s31], [sflag:$0x5], $0x80, $0x38;
	[tilespmem:$0x15A00] =	vst v63  }
0x1cc: {  	s17 =	simm.s32 $0x133C0;
	s0 =	sadd.s32 s0, s14  }
0x1cd: {  	[hbm4b:s0+s3] =	stream.linear.scatter [tilespmem:s17], [sflag:$0x5], $0x80, $0x38;
	[tilespmem:$0x15A00] =	vst v63  }
0x1ce: {  	s19 =	sadd.s32 $0x10, s0;
	s31 =	simm.s32 $0x13448  }
0x1cf: {  	[hbm4b:s19+s3] =	stream.linear.scatter [tilespmem:s31], [sflag:$0x5], $0x80, $0x38;
	[tilespmem:$0x15A00] =	vst v63  }
0x1d0: {  	s19 =	sadd.s32 $0x20, s0;
	s31 =	simm.s32 $0x134D0  }
0x1d1: {  	[hbm4b:s19+s3] =	stream.linear.scatter [tilespmem:s31], [sflag:$0x5], $0x80, $0x38;
	[tilespmem:$0x15A00] =	vst v63  }
0x1d2: {  	s19 =	sadd.s32 $0x30, s0;
	s31 =	simm.s32 $0x13558  }
0x1d3: {  	[hbm4b:s19+s3] =	stream.linear.scatter [tilespmem:s31], [sflag:$0x5], $0x80, $0x38;
	[tilespmem:$0x15A00] =	vst v63  }
0x1d4: {  	s19 =	sadd.s32 $0x40, s0;
	s31 =	simm.s32 $0x135E0  }
0x1d5: {  	[hbm4b:s19+s3] =	stream.linear.scatter [tilespmem:s31], [sflag:$0x5], $0x80, $0x38;
	[tilespmem:$0x15A00] =	vst v63  }
0x1d6: {  	p1 =	sne.s32 s28, $0x31;
	s19 =	sadd.s32 $0x50, s0;
	s31 =	simm.s32 $0x13668  }
0x1d7: {  	[hbm4b:s19+s3] =	stream.linear.scatter [tilespmem:s31], [sflag:$0x5], $0x80, $0x38;
	[tilespmem:$0x15A00] =	vst v63  }
.Ltmp1:
0x1d8: {  	_ = 	snop;
	(pc) =	sbr.rel @p1 .LBB2_6-.Ltmp1, $4  }
0x1d9: {  	s17 =	sadd.s32 $0x60, s0;
	s19 =	simm.s32 $0x136F0  }
0x1da: {  	[hbm4b:s17+s3] =	stream.linear.scatter [tilespmem:s19], [sflag:$0x5], $0x80, $0x38;
	[tilespmem:$0x15A00] =	vst v63  }
0x1db: {  	s0 =	sadd.s32 $0x70, s0;
	s31 =	simm.s32 $0x13778  }
0x1dc: {  	v14 =	vmov v6;
	v9 =	vmov v22;
	v10 =	vmov v26;
	[hbm4b:s0+s3] =	stream.linear.scatter [tilespmem:s31], [sflag:$0x5], $0x80, $0x38;
	[tilespmem:$0x15A00] =	vst v63  }
.Ltmp2:
0x1dd: {  	(pc) =	sbr.rel .LBB2_7-.Ltmp2, $4  }
0x1de: {  	_ = 	snop  }
0x1df: {  	_ =	swait.ge [sflag:s22], $0x2000  }
0x1e0: {  	[sflag:s22] =	ssyncset.done $0x0  }
0x1e1: {  	[sflag:s22] =	ssyncadd.s32 $0xFFFFE000  }
.LBB2_6:
0x1e2: {  	s0 =	sshll.u32 s28, $0x9  }
0x1e3: {  	s1 =	simm.s32 $0x80;
	s0 =	sand.u32 $0x3FFFFE00, s0  }
.Ltmp3:
0x1e4: {  	s17 =	simm.s32 $0x6400;
	s0 =	sadd.s32 $0x200, s0;
	(pc) =	sbr.rel @p0 .LBB2_8-.Ltmp3, $4  }
0x1e5: {  	[tilespmem:s17], [sflag:$0x1] =	stream.indirect.gather [hbm4b:s4+s1], $0x40, s0, s1, $0xb8;
	[tilespmem:$0x15A00] =	vst v63  }
0x1e6: {  	_ =	swait.ge [sflag:s22], $0x2000  }
0x1e7: {  	[sflag:s22] =	ssyncset.done $0x0  }
0x1e8: {  	[sflag:s22] =	ssyncadd.s32 $0xFFFFE000  }
.LBB2_7:
0x1e9: {  	_ =	swait.ge [sflag:s23], $0x400  }
0x1ea: {  	[sflag:s23] =	ssyncset.done $0x0  }
0x1eb: {  	[sflag:s23] =	ssyncadd.s32 $0xFFFFFC00  }
0x1ec: {  	_ =	swait.ge [sflag:s23], $0x400  }
0x1ed: {  	[sflag:s23] =	ssyncset.done $0x0  }
0x1ee: {  	[sflag:s23] =	ssyncadd.s32 $0xFFFFFC00  }
0x1ef: {  	_ =	swait.ge [sflag:s23], $0x400  }
0x1f0: {  	[sflag:s23] =	ssyncset.done $0x0  }
0x1f1: {  	[sflag:s23] =	ssyncadd.s32 $0xFFFFFC00  }
0x1f2: {  	_ =	swait.ge [sflag:s23], $0x400  }
0x1f3: {  	[sflag:s23] =	ssyncset.done $0x0  }
0x1f4: {  	[sflag:s23] =	ssyncadd.s32 $0xFFFFFC00  }
0x1f5: {  	_ =	swait.ge [sflag:s23], $0x400  }
0x1f6: {  	[sflag:s23] =	ssyncset.done $0x0  }
0x1f7: {  	[sflag:s23] =	ssyncadd.s32 $0xFFFFFC00  }
0x1f8: {  	_ =	swait.ge [sflag:s23], $0x400  }
0x1f9: {  	[sflag:s23] =	ssyncset.done $0x0  }
0x1fa: {  	[sflag:s23] =	ssyncadd.s32 $0xFFFFFC00  }
0x1fb: {  	_ =	swait.ge [sflag:s23], $0x400  }
0x1fc: {  	[sflag:s23] =	ssyncset.done $0x0  }
0x1fd: {  	[sflag:s23] =	ssyncadd.s32 $0xFFFFFC00  }
0x1fe: {  	_ =	swait.ge [sflag:s23], $0x400  }
0x1ff: {  	[sflag:s23] =	ssyncset.done $0x0  }
0x200: {  	[sflag:s23] =	ssyncadd.s32 $0xFFFFFC00  }
.LBB2_8:
0x201: {  	s1 =	simm.s32 $0x2  }
0x202: {  	s0 =	simm.s32 $0x0;
	s19 =	simm.s32 $0x1;
	v3 =	vmov s1;
	s1 =	simm.s32 $0x4  }
0x203: {  	s17 =	simm.s32 $0x3;
	s31 =	sor.u32 $0x1, s30;
	v0 =	vmov s0;
	v2 =	vmov s19;
	v5 =	vmov s1;
	s1 =	simm.s32 $0x7  }
0x204: {  	v4 =	vmov s17;
	s17 =	simm.s32 $0x5;
	s19 =	simm.s32 $0x6;
	v0 =	vshrl.u32 v0, $0x3;
	v35 =	vmov s1;
	s1 =	simm.s32 $0xA  }
0x205: {  	v7 =	vld [tilespmem:$0x1FFB0];
	v33 =	vmov s17;
	v34 =	vmov s19;
	s17 =	simm.s32 $0x8;
	s19 =	simm.s32 $0x9;
	v38 =	vmov s1;
	s1 =	sshll.u32 s31, $0x6  }
0x206: {  	v6 =	vld [tilespmem:$0x1FE20];
	v36 =	vmov s17;
	v37 =	vmov s19;
	s17 =	simm.s32 $0xB;
	v0 =	vshll.u32 v0, v1;
	s0 =	sand.u32 $0x3FFFFFC0, s1  }
0x207: {  	v43 =	vshrl.u32 v33, $0x3;
	v39 =	vmov s17;
	s17 =	simm.s32 $0xD;
	v46 =	vshrl.u32 v36, $0x3;
	v36 =	vld [tilespmem:s0+$0xE400]  }
0x208: {  	s19 =	simm.s32 $0xC;
	v44 =	vshrl.u32 v34, $0x3;
	v45 =	vshrl.u32 v35, $0x3;
	v41 =	vmov s17;
	s17 =	simm.s32 $0xF;
	v35 =	vld [tilespmem:s0+$0xE410]  }
0x209: {  	v40 =	vmov s19;
	s19 =	simm.s32 $0xE;
	v47 =	vshrl.u32 v37, $0x3;
	v58 =	vmov s17;
	v34 =	vld [tilespmem:s0+$0xE420]  }
0x20a: {  	v37 =	vbroadcast v0, $0x0;
	v42 =	vmov s19;
	v33 =	vld [tilespmem:s0+$0xE430];
	s0 =	simm.s32 $0x8600;
	v59 =	vshrl.u32 v58, $0x3  }
0x20b: {  	v0 =	vshrl.u32 v41, $0x3;
	v41 =	vshrl.u32 v42, $0x3;
	v62 =	vld [tilespmem:s0+$0xFFFFFE00];
	v42 =	vshll.u32 v59, v1  }
0x20c: {  	v2 =	vshrl.u32 v2, $0x3;
	v3 =	vshrl.u32 v3, $0x3;
	v60 =	vld [tilespmem:s0+$0x1C0];
	v52 =	vbroadcast v42, $0x0  }
0x20d: {  	v8 =	vld [tilespmem:$0x1FE60];
	v2 =	vshll.u32 v2, v1;
	v40 =	vshrl.u32 v40, $0x3;
	v55 =	vadd.s32 v6, v37  }
0x20e: {  	v11 =	vld [tilespmem:$0x1FEA0];
	v50 =	vbroadcast v2, $0x0;
	v2 =	vshll.u32 v40, v1;
	v40 =	vadd.s32 v7, v52  }
0x20f: {  	v13 =	vld [tilespmem:$0x1FF10];
	v4 =	vshrl.u32 v4, $0x3;
	v5 =	vshrl.u32 v5, $0x3;
	v3 =	vshll.u32 v3, v1  }
0x210: {  	v4 =	vshll.u32 v4, v1;
	v5 =	vshll.u32 v5, v1;
	v54 =	vld [tilespmem:s0+$0xFFFFFE40];
	v42 =	vadd.f32 v62, v36  }
0x211: {  	v53 =	vshll.u32 v47, v1;
	v47 =	vbroadcast v5, $0x0;
	v56 =	vld [tilespmem:s0+$0xFFFFFE80];
	v5 =	vadd.f32 v60, v36  }
0x212: {  	v43 =	vshll.u32 v43, v1;
	v48 =	vshll.u32 v44, v1;
	v51 =	vbroadcast v3, $0x0;
	v57 =	vld [tilespmem:s0+$0xFFFFFEC0];
	[tilespmem:v55+s5+$0x0] =	vst.idx.msk $0xffff, v42  }
0x213: {  	v49 =	vbroadcast v4, $0x0;
	v38 =	vshrl.u32 v38, $0x3;
	v3 =	vadd.s32 v8, v50;
	v59 =	vld [tilespmem:s0+$0xFFFFFF00];
	[tilespmem:v40+s5+$0x0] =	vst.idx.msk $0xffff, v5  }
0x214: {  	v39 =	vshrl.u32 v39, $0x3;
	v45 =	vshll.u32 v45, v1;
	v58 =	vadd.s32 v11, v51;
	v15 =	vld [tilespmem:$0x1FF50]  }
0x215: {  	v46 =	vshll.u32 v46, v1;
	v44 =	vbroadcast v43, $0x0;
	v4 =	vshll.u32 v41, v1  }
0x216: {  	v41 =	vbroadcast v48, $0x0;
	v32 =	vadd.f32 v54, v36;
	v54 =	vadd.s32 v13, v47;
	v62 =	vld [tilespmem:s0+$0xFFFFFF80]  }
0x217: {  	v12 =	vmovc v61;
	v38 =	vshll.u32 v38, v1;
	v60 =	vadd.s32 v61, v49;
	v61 =	vld [tilespmem:s0+$0xFFFFFF40];
	v5 =	vadd.f32 v56, v36  }
0x218: {  	v48 =	vbroadcast v45, $0x0;
	v43 =	vadd.s32 v63, v41;
	v55 =	vld [tilespmem:s0+$0x1D0];
	[tilespmem:v3+s5+$0x0] =	vst.idx.msk $0xffff, v32;
	v3 =	vadd.f32 v57, v36  }
0x219: {  	v45 =	vbroadcast v46, $0x0;
	v57 =	vld [tilespmem:s0+$0x0];
	[tilespmem:v58+s5+$0x0] =	vst.idx.msk $0xffff, v5;
	v5 =	vadd.f32 v59, v36;
	v40 =	vadd.s32 v15, v44  }
0x21a: {  	v39 =	vshll.u32 v39, v1;
	v46 =	vbroadcast v53, $0x0;
	v32 =	vld [tilespmem:s0+$0xFFFFFFC0];
	v58 =	vadd.s32 v9, v52  }
0x21b: {  	v53 =	vadd.s32 v6, v45;
	v42 =	vbroadcast v38, $0x0;
	[tilespmem:v54+s5+$0x0] =	vst.idx.msk $0xffff, v5;
	v5 =	vadd.f32 v62, v36;
	v54 =	vld [tilespmem:s0+$0x80]  }
0x21c: {  	v59 =	vadd.s32 v7, v48;
	[tilespmem:v60+s5+$0x0] =	vst.idx.msk $0xffff, v3;
	v3 =	vadd.f32 v61, v36;
	v60 =	vld [tilespmem:s0+$0x40]  }
0x21d: {  	v39 =	vbroadcast v39, $0x0;
	v56 =	vadd.s32 v11, v42;
	v55 =	vadd.f32 v55, v35;
	[tilespmem:v43+s5+$0x0] =	vst.idx.msk $0xffff, v5  }
0x21e: {  	v61 =	vld [tilespmem:s0+$0xC0];
	[tilespmem:v40+s5+$0x0] =	vst.idx.msk $0xffff, v3;
	v3 =	vadd.s32 v8, v46;
	v40 =	vbroadcast v2, $0x0;
	v2 =	vadd.f32 v57, v36  }
0x21f: {  	v16 =	vmov v63;
	v0 =	vshll.u32 v0, v1;
	v5 =	vadd.f32 v32, v36;
	v32 =	vld [tilespmem:s0+$0x100];
	[tilespmem:v58+s5+$0x0] =	vst.idx.msk $0xffff, v55  }
0x220: {  	v63 =	vld [tilespmem:s0+$0x140];
	v38 =	vbroadcast v0, $0x0;
	v57 =	vadd.s32 v12, v39;
	[tilespmem:v53+s5+$0x0] =	vst.idx.msk $0xffff, v2;
	v2 =	vadd.f32 v54, v36  }
0x221: {  	v43 =	vbroadcast v4, $0x0;
	v4 =	vld [tilespmem:s0+$0xFFFFFE50];
	[tilespmem:v59+s5+$0x0] =	vst.idx.msk $0xffff, v5;
	v0 =	vadd.f32 v60, v36;
	v5 =	vadd.s32 v13, v40  }
0x222: {  	v58 =	vld [tilespmem:s0+$0xFFFFFE90];
	v53 =	vadd.s32 v15, v38;
	[tilespmem:v56+s5+$0x0] =	vst.idx.msk $0xffff, v2  }
0x223: {  	v55 =	vld [tilespmem:s0+$0x1E0];
	[tilespmem:v3+s5+$0x0] =	vst.idx.msk $0xffff, v0;
	v0 =	vadd.f32 v61, v36  }
0x224: {  	v2 =	vadd.f32 v32, v36;
	v8 =	vld [tilespmem:$0x1FE70]  }
0x225: {  	v54 =	vld [tilespmem:s0+$0x180];
	v3 =	vadd.s32 v14, v52;
	[tilespmem:v57+s5+$0x0] =	vst.idx.msk $0xffff, v0;
	v0 =	vadd.f32 v63, v36  }
0x226: {  	v63 =	vmov v6;
	v6 =	vld [tilespmem:$0x1FEB0];
	[tilespmem:v5+s5+$0x0] =	vst.idx.msk $0xffff, v2  }
0x227: {  	v11 =	vld [tilespmem:$0x1FEE0];
	[tilespmem:v53+s5+$0x0] =	vst.idx.msk $0xffff, v0  }
0x228: {  	v56 =	vadd.s32 v16, v43;
	v2 =	vadd.f32 v55, v34;
	v12 =	vld [tilespmem:$0x1FF20]  }
0x229: {  	v32 =	vld [tilespmem:s0+$0xFFFFFED0];
	v59 =	vadd.s32 v8, v50  }
0x22a: {  	v61 =	vld [tilespmem:s0+$0xFFFFFF10];
	[tilespmem:v3+s5+$0x0] =	vst.idx.msk $0xffff, v2  }
0x22b: {  	v0 =	vadd.f32 v54, v36;
	v27 =	vld [tilespmem:$0x1FF60];
	v57 =	vadd.s32 v6, v51  }
0x22c: {  	v4 =	vadd.f32 v4, v35;
	v5 =	vadd.s32 v11, v49  }
0x22d: {  	v55 =	vld [tilespmem:s0+$0xFFFFFF50];
	[tilespmem:v56+s5+$0x0] =	vst.idx.msk $0xffff, v0;
	v53 =	vadd.s32 v12, v47  }
0x22e: {  	v60 =	vld [tilespmem:s0+$0xFFFFFFD0];
	v2 =	vadd.f32 v58, v35;
	[tilespmem:v59+s5+$0x0] =	vst.idx.msk $0xffff, v4  }
0x22f: {  	v4 =	vadd.f32 v32, v35;
	v31 =	vld [tilespmem:$0x1FF90]  }
0x230: {  	v54 =	vld [tilespmem:s0+$0xFFFFFF90];
	v3 =	vadd.s32 v27, v44;
	[tilespmem:v57+s5+$0x0] =	vst.idx.msk $0xffff, v2;
	v2 =	vadd.f32 v61, v35  }
0x231: {  	v0 =	vld [tilespmem:s0+$0x1F0];
	[tilespmem:v5+s5+$0x0] =	vst.idx.msk $0xffff, v4  }
0x232: {  	v4 =	vadd.f32 v55, v35;
	v55 =	vld [tilespmem:s0+$0x50];
	[tilespmem:v53+s5+$0x0] =	vst.idx.msk $0xffff, v2  }
0x233: {  	v52 =	vadd.s32 v18, v52;
	v7 =	vld [tilespmem:$0x1FE30]  }
0x234: {  	v62 =	vld [tilespmem:s0+$0x10];
	v32 =	vadd.s32 v31, v41  }
0x235: {  	v2 =	vadd.f32 v54, v35;
	v54 =	vld [tilespmem:s0+$0x90];
	[tilespmem:v3+s5+$0x0] =	vst.idx.msk $0xffff, v4;
	v3 =	vadd.s32 v8, v46  }
0x236: {  	v0 =	vadd.f32 v0, v33;
	v5 =	vadd.s32 v9, v48  }
0x237: {  	v56 =	vadd.s32 v6, v42  }
0x238: {  	v4 =	vld [tilespmem:s0+$0xD0];
	[tilespmem:v52+s5+$0x0] =	vst.idx.msk $0xffff, v0;
	v0 =	vadd.f32 v55, v35;
	v53 =	vadd.s32 v7, v45  }
0x239: {  	v59 =	vadd.s32 v11, v39;
	[tilespmem:v32+s5+$0x0] =	vst.idx.msk $0xffff, v2;
	v2 =	vadd.f32 v60, v35;
	v32 =	vld [tilespmem:s0+$0x110]  }
0x23a: {  	v57 =	vadd.f32 v62, v35;
	v62 =	vadd.f32 v54, v35;
	[tilespmem:v3+s5+$0x0] =	vst.idx.msk $0xffff, v0  }
0x23b: {  	v52 =	vld [tilespmem:s0+$0xFFFFFE10];
	[tilespmem:v5+s5+$0x0] =	vst.idx.msk $0xffff, v2;
	v2 =	vadd.s32 v12, v40  }
0x23c: {  	v60 =	vld [tilespmem:s0+$0x150];
	[tilespmem:v56+s5+$0x0] =	vst.idx.msk $0xffff, v62  }
0x23d: {  	v0 =	vadd.f32 v4, v35;
	v5 =	vld [tilespmem:s0+$0x190];
	[tilespmem:v53+s5+$0x0] =	vst.idx.msk $0xffff, v57  }
0x23e: {  	v54 =	vadd.s32 v27, v38;
	v53 =	vadd.f32 v32, v35;
	v12 =	vld [tilespmem:$0x1FE80]  }
0x23f: {  	v55 =	vld [tilespmem:s0+$0xFFFFFE60];
	v3 =	vadd.s32 v31, v43;
	[tilespmem:v59+s5+$0x0] =	vst.idx.msk $0xffff, v0  }
0x240: {  	v4 =	vadd.s32 v7, v37;
	v16 =	vld [tilespmem:$0x1FEC0];
	[tilespmem:v2+s5+$0x0] =	vst.idx.msk $0xffff, v53  }
0x241: {  	v0 =	vadd.f32 v60, v35;
	v20 =	vld [tilespmem:$0x1FEF0]  }
0x242: {  	v57 =	vld [tilespmem:s0+$0xFFFFFEA0];
	v2 =	vadd.f32 v5, v35  }
0x243: {  	v32 =	vld [tilespmem:s0+$0xFFFFFEE0];
	v5 =	vadd.f32 v52, v35;
	[tilespmem:v54+s5+$0x0] =	vst.idx.msk $0xffff, v0;
	v56 =	vadd.s32 v12, v50  }
0x244: {  	v24 =	vld [tilespmem:$0x1FF30];
	[tilespmem:v3+s5+$0x0] =	vst.idx.msk $0xffff, v2  }
0x245: {  	[tilespmem:v4+s5+$0x0] =	vst.idx.msk $0xffff, v5;
	v59 =	vadd.s32 v16, v51  }
0x246: {  	v0 =	vadd.f32 v55, v34;
	v28 =	vld [tilespmem:$0x1FF70];
	v52 =	vadd.s32 v20, v49  }
0x247: {  	v62 =	vld [tilespmem:s0+$0xFFFFFF60]  }
0x248: {  	v61 =	vld [tilespmem:s0+$0xFFFFFFA0];
	v2 =	vadd.f32 v57, v34;
	[tilespmem:v56+s5+$0x0] =	vst.idx.msk $0xffff, v0  }
0x249: {  	v0 =	vadd.f32 v32, v34;
	v32 =	vld [tilespmem:$0x1FFA0]  }
0x24a: {  	v60 =	vld [tilespmem:s0+$0xFFFFFF20];
	[tilespmem:v59+s5+$0x0] =	vst.idx.msk $0xffff, v2  }
0x24b: {  	v4 =	vld [tilespmem:s0+$0xFFFFFFE0];
	v3 =	vadd.s32 v28, v44;
	[tilespmem:v52+s5+$0x0] =	vst.idx.msk $0xffff, v0  }
0x24c: {  	v54 =	vadd.s32 v24, v47;
	v8 =	vld [tilespmem:$0x1FE40]  }
0x24d: {  	v58 =	vld [tilespmem:s0+$0x60];
	v57 =	vadd.s32 v14, v48  }
0x24e: {  	v56 =	vld [tilespmem:s0+$0x20];
	v0 =	vadd.f32 v62, v34;
	v5 =	vadd.s32 v32, v41  }
0x24f: {  	v2 =	vadd.f32 v60, v34;
	v59 =	vld [tilespmem:s0+$0xFFFFFE20]  }
0x250: {  	v60 =	vadd.s32 v12, v46;
	v62 =	vld [tilespmem:s0+$0xA0];
	[tilespmem:v3+s5+$0x0] =	vst.idx.msk $0xffff, v0;
	v0 =	vadd.f32 v4, v34  }
0x251: {  	[tilespmem:v54+s5+$0x0] =	vst.idx.msk $0xffff, v2;
	v2 =	vadd.f32 v61, v34;
	v61 =	vld [tilespmem:s0+$0xE0];
	v52 =	vadd.s32 v8, v45  }
0x252: {  	v53 =	vld [tilespmem:s0+$0xFFFFFE70];
	[tilespmem:v57+s5+$0x0] =	vst.idx.msk $0xffff, v0  }
0x253: {  	v3 =	vld [tilespmem:s0+$0x120];
	v0 =	vadd.f32 v58, v34;
	[tilespmem:v5+s5+$0x0] =	vst.idx.msk $0xffff, v2;
	v5 =	vadd.s32 v16, v42  }
0x254: {  	v4 =	vld [tilespmem:s0+$0x160];
	v2 =	vadd.f32 v56, v34  }
0x255: {  	v57 =	vadd.s32 v20, v39;
	v58 =	vadd.s32 v24, v40;
	[tilespmem:v60+s5+$0x0] =	vst.idx.msk $0xffff, v0;
	v60 =	vld [tilespmem:s0+$0xFFFFFEB0]  }
0x256: {  	v0 =	vadd.f32 v61, v34;
	v61 =	vld [tilespmem:s0+$0xFFFFFEF0];
	[tilespmem:v52+s5+$0x0] =	vst.idx.msk $0xffff, v2;
	v2 =	vadd.f32 v62, v34  }
0x257: {  	v56 =	vld [tilespmem:s0+$0x1A0];
	v52 =	vadd.s32 v28, v38  }
0x258: {  	v13 =	vld [tilespmem:$0x1FE90];
	[tilespmem:v5+s5+$0x0] =	vst.idx.msk $0xffff, v2  }
0x259: {  	v55 =	vadd.s32 v8, v37;
	v3 =	vadd.f32 v3, v34;
	v17 =	vld [tilespmem:$0x1FED0]  }
0x25a: {  	s19 =	simm.s32 $0x10;
	v4 =	vadd.f32 v4, v34;
	[tilespmem:v57+s5+$0x0] =	vst.idx.msk $0xffff, v0;
	v57 =	vld [tilespmem:s0+$0xFFFFFF70]  }
0x25b: {  	v2 =	vmov s19;
	v21 =	vld [tilespmem:$0x1FF00];
	[tilespmem:v58+s5+$0x0] =	vst.idx.msk $0xffff, v3  }
0x25c: {  	v54 =	vadd.s32 v32, v43;
	v0 =	vshrl.u32 v2, $0x3;
	v2 =	vadd.f32 v59, v34;
	v25 =	vld [tilespmem:$0x1FF40];
	[tilespmem:v52+s5+$0x0] =	vst.idx.msk $0xffff, v4  }
0x25d: {  	v48 =	vadd.s32 v18, v48;
	v53 =	vadd.f32 v53, v33;
	v29 =	vld [tilespmem:$0x1FF80]  }
0x25e: {  	v41 =	vadd.s32 v10, v41;
	v50 =	vadd.s32 v13, v50;
	[tilespmem:v55+s5+$0x0] =	vst.idx.msk $0xffff, v2;
	v55 =	vld [tilespmem:s0+$0x70]  }
0x25f: {  	v43 =	vadd.s32 v10, v43;
	v56 =	vadd.f32 v56, v34;
	v58 =	vld [tilespmem:s0+$0xFFFFFFB0];
	v5 =	vadd.s32 v17, v51  }
0x260: {  	s17 =	simm.s32 $0x11;
	v0 =	vshll.u32 v0, v1;
	v52 =	vadd.f32 v60, v33;
	v46 =	vadd.s32 v13, v46;
	v51 =	vld [tilespmem:s0+$0xFFFFFF30]  }
0x261: {  	v59 =	vld [tilespmem:s0+$0xFFFFFFF0];
	v3 =	vmov s17;
	[tilespmem:v54+s5+$0x0] =	vst.idx.msk $0xffff, v56;
	v56 =	vadd.f32 v61, v33;
	v49 =	vadd.s32 v21, v49  }
0x262: {  	s19 =	simm.s32 $0x12;
	v60 =	vld [tilespmem:s0+$0x30];
	v42 =	vadd.s32 v17, v42;
	v39 =	vadd.s32 v21, v39;
	v47 =	vadd.s32 v25, v47  }
0x263: {  	s17 =	simm.s32 $0x13;
	v4 =	vmov s19;
	[tilespmem:v50+s5+$0x0] =	vst.idx.msk $0xffff, v53;
	v50 =	vadd.f32 v57, v33;
	v57 =	vld [tilespmem:s0+$0xB0];
	v62 =	vadd.f32 v55, v33  }
0x264: {  	s19 =	simm.s32 $0x14;
	v54 =	vmov s17;
	v40 =	vadd.s32 v25, v40;
	v44 =	vadd.s32 v29, v44;
	v9 =	vld [tilespmem:$0x1FE50];
	[tilespmem:v5+s5+$0x0] =	vst.idx.msk $0xffff, v52  }
0x265: {  	v2 =	vmov s19;
	s17 =	simm.s32 $0x15;
	s19 =	simm.s32 $0x16;
	v51 =	vadd.f32 v51, v33;
	v52 =	vadd.f32 v58, v33;
	v58 =	vld [tilespmem:s0+$0xF0];
	[tilespmem:v46+s5+$0x0] =	vst.idx.msk $0xffff, v62  }
0x266: {  	v53 =	vmov s17;
	s17 =	simm.s32 $0x17;
	v5 =	vmov s19;
	s19 =	simm.s32 $0x18;
	[tilespmem:v49+s5+$0x0] =	vst.idx.msk $0xffff, v56;
	v49 =	vadd.f32 v59, v33;
	v59 =	vld [tilespmem:s0+$0x130]  }
0x267: {  	v38 =	vadd.s32 v29, v38;
	v56 =	vmov s17;
	s17 =	simm.s32 $0x19;
	[tilespmem:v47+s5+$0x0] =	vst.idx.msk $0xffff, v51;
	v47 =	vmov s19  }
0x268: {  	v51 =	vadd.f32 v60, v33;
	v60 =	vld [tilespmem:s0+$0x170];
	v61 =	vmov s17;
	s19 =	simm.s32 $0x1A;
	[tilespmem:v41+s5+$0x0] =	vst.idx.msk $0xffff, v52;
	v46 =	vshrl.u32 v56, $0x3  }
0x269: {  	s17 =	simm.s32 $0x1B;
	[tilespmem:v44+s5+$0x0] =	vst.idx.msk $0xffff, v50;
	v50 =	vld [tilespmem:s0+$0x1B0];
	v41 =	vmov s19;
	v55 =	vadd.f32 v57, v33;
	v45 =	vadd.s32 v9, v45  }
0x26a: {  	v52 =	vld [tilespmem:s0+$0xFFFFFE30];
	[tilespmem:v48+s5+$0x0] =	vst.idx.msk $0xffff, v49;
	v57 =	vmov s17;
	v44 =	vshrl.u32 v3, $0x3;
	v48 =	vadd.f32 v58, v33  }
0x26b: {  	s19 =	simm.s32 $0x1C;
	s17 =	simm.s32 $0x1D;
	v47 =	vshrl.u32 v47, $0x3;
	v37 =	vadd.s32 v9, v37;
	[tilespmem:v42+s5+$0x0] =	vst.idx.msk $0xffff, v55;
	v49 =	vadd.f32 v59, v33  }
0x26c: {  	v58 =	vmov s19;
	s19 =	simm.s32 $0x1E;
	v42 =	vshrl.u32 v41, $0x3;
	v59 =	vmov s17;
	[tilespmem:v39+s5+$0x0] =	vst.idx.msk $0xffff, v48  }
0x26d: {  	v62 =	vmov s19;
	v41 =	vshrl.u32 v58, $0x3;
	v60 =	vadd.f32 v60, v33;
	[tilespmem:v40+s5+$0x0] =	vst.idx.msk $0xffff, v49  }
0x26e: {  	v48 =	vshrl.u32 v53, $0x3;
	v39 =	vshrl.u32 v59, $0x3;
	v3 =	vadd.f32 v50, v33;
	[tilespmem:v45+s5+$0x0] =	vst.idx.msk $0xffff, v51  }
0x26f: {  	v50 =	vshrl.u32 v4, $0x3;
	v4 =	vadd.f32 v52, v33;
	v49 =	vshrl.u32 v5, $0x3;
	[tilespmem:v38+s5+$0x0] =	vst.idx.msk $0xffff, v60  }
0x270: {  	v40 =	vshrl.u32 v62, $0x3;
	v45 =	vshrl.u32 v54, $0x3;
	v51 =	vshrl.u32 v2, $0x3;
	[tilespmem:v43+s5+$0x0] =	vst.idx.msk $0xffff, v3  }
0x271: {  	s1 =	simm.s32 $0x20;
	s17 =	simm.s32 $0x1F;
	v38 =	vshrl.u32 v61, $0x3;
	v43 =	vshrl.u32 v57, $0x3;
	[tilespmem:v37+s5+$0x0] =	vst.idx.msk $0xffff, v4;
	v37 =	vbroadcast v0, $0x0  }
.LBB2_9:
0x272: {  	v26 =	vld [tilespmem:$0x1FFB0]  }
0x273: {  	v30 =	vld [tilespmem:$0x1FE60]  }
0x274: {  	v11 =	vld [tilespmem:$0x1FEA0]  }
0x275: {  	v14 =	vld [tilespmem:$0x1FFC0]  }
0x276: {  	v15 =	vld [tilespmem:$0x1FF10]  }
0x277: {  	v3 =	vmov s17;
	v19 =	vld [tilespmem:$0x1FF50]  }
0x278: {  	v23 =	vld [tilespmem:$0x1FFD0];
	v3 =	vshrl.u32 v3, $0x3  }
0x279: {  	v0 =	vshll.u32 v44, v1;
	v2 =	vshll.u32 v50, v1;
	s0 =	sadd.s32 $0x400, s0;
	v22 =	vld [tilespmem:$0x1FE10];
	v3 =	vshll.u32 v3, v1  }
0x27a: {  	v4 =	vshll.u32 v45, v1;
	v44 =	vshll.u32 v48, v1;
	v48 =	vld [tilespmem:s0+$0x1C0];
	v52 =	vbroadcast v3, $0x0  }
0x27b: {  	v5 =	vshll.u32 v51, v1;
	v45 =	vshll.u32 v49, v1;
	v55 =	vshll.u32 v43, v1;
	v3 =	vld [tilespmem:s0+$0xFFFFFE00]  }
0x27c: {  	v43 =	vld [tilespmem:s0+$0xFFFFFE40];
	v50 =	vbroadcast v0, $0x0;
	v0 =	vshll.u32 v41, v1;
	v41 =	vadd.s32 v26, v52  }
0x27d: {  	v53 =	vshll.u32 v47, v1;
	v56 =	vadd.s32 v63, v37;
	v57 =	vld [tilespmem:s0+$0xFFFFFE80];
	v51 =	vbroadcast v2, $0x0  }
0x27e: {  	v59 =	vld [tilespmem:s0+$0xFFFFFEC0];
	v49 =	vbroadcast v4, $0x0;
	v4 =	vshll.u32 v40, v1;
	v58 =	vadd.s32 v30, v50  }
0x27f: {  	v60 =	vld [tilespmem:s0+$0xFFFFFF00];
	v47 =	vbroadcast v5, $0x0;
	v40 =	vadd.s32 v11, v51;
	v5 =	vadd.f32 v48, v36  }
0x280: {  	v46 =	vshll.u32 v46, v1;
	v54 =	vshll.u32 v42, v1;
	v62 =	vld [tilespmem:s0+$0xFFFFFF40];
	v3 =	vadd.f32 v3, v36  }
0x281: {  	v42 =	vbroadcast v44, $0x0;
	v6 =	vld [tilespmem:s0+$0xFFFFFF80];
	v63 =	vadd.s32 v15, v47;
	v43 =	vadd.f32 v43, v36;
	[tilespmem:v41+s5+$0x0] =	vst.idx.msk $0xffff, v5  }
0x282: {  	v2 =	vshll.u32 v39, v1;
	v48 =	vbroadcast v46, $0x0;
	v46 =	vld [tilespmem:s0+$0x0];
	[tilespmem:v56+s5+$0x0] =	vst.idx.msk $0xffff, v3;
	v3 =	vadd.f32 v57, v36  }
0x283: {  	v39 =	vbroadcast v45, $0x0;
	v61 =	vadd.s32 v14, v49;
	v5 =	vadd.s32 v19, v42;
	[tilespmem:v58+s5+$0x0] =	vst.idx.msk $0xffff, v43;
	v57 =	vld [tilespmem:s0+$0xFFFFFFC0]  }
0x284: {  	v43 =	vadd.f32 v59, v36;
	v59 =	vld [tilespmem:s0+$0x40];
	[tilespmem:v40+s5+$0x0] =	vst.idx.msk $0xffff, v3;
	v3 =	vadd.f32 v60, v36  }
0x285: {  	v56 =	vadd.s32 v23, v39;
	v41 =	vld [tilespmem:s0+$0x1D0]  }
0x286: {  	[tilespmem:v63+s5+$0x0] =	vst.idx.msk $0xffff, v3;
	v63 =	vld [tilespmem:$0x1FE20]  }
0x287: {  	v38 =	vshll.u32 v38, v1;
	v44 =	vbroadcast v53, $0x0;
	v40 =	vadd.f32 v62, v36;
	v60 =	vld [tilespmem:s0+$0x80]  }
0x288: {  	v45 =	vbroadcast v38, $0x0;
	[tilespmem:v61+s5+$0x0] =	vst.idx.msk $0xffff, v43;
	v43 =	vbroadcast v54, $0x0;
	v54 =	vld [tilespmem:s0+$0xC0];
	v3 =	vadd.f32 v6, v36  }
0x289: {  	v53 =	vadd.s32 v22, v52;
	v58 =	vadd.s32 v26, v48;
	v62 =	vld [tilespmem:s0+$0x140];
	[tilespmem:v5+s5+$0x0] =	vst.idx.msk $0xffff, v40;
	v40 =	vbroadcast v55, $0x0  }
0x28a: {  	v55 =	vadd.f32 v41, v35;
	[tilespmem:v56+s5+$0x0] =	vst.idx.msk $0xffff, v3;
	v3 =	vadd.f32 v57, v36;
	v57 =	vld [tilespmem:s0+$0x100];
	v41 =	vbroadcast v0, $0x0  }
0x28b: {  	v0 =	vadd.f32 v46, v36;
	v46 =	vbroadcast v4, $0x0;
	v4 =	vld [tilespmem:s0+$0xFFFFFE50];
	v6 =	vadd.s32 v63, v44  }
0x28c: {  	v5 =	vadd.s32 v30, v45;
	v56 =	vadd.s32 v11, v43;
	v11 =	vld [tilespmem:$0x1FFE0]  }
0x28d: {  	v61 =	vadd.s32 v14, v40;
	v14 =	vld [tilespmem:$0x1FE70]  }
0x28e: {  	[tilespmem:v53+s5+$0x0] =	vst.idx.msk $0xffff, v55;
	v55 =	vld [tilespmem:s0+$0x180]  }
0x28f: {  	v38 =	vbroadcast v2, $0x0;
	v2 =	vadd.f32 v59, v36;
	[tilespmem:v58+s5+$0x0] =	vst.idx.msk $0xffff, v3;
	v3 =	vadd.s32 v15, v41;
	v15 =	vld [tilespmem:$0x1FEB0]  }
0x290: {  	v53 =	vld [tilespmem:s0+$0x1E0];
	[tilespmem:v6+s5+$0x0] =	vst.idx.msk $0xffff, v0;
	v0 =	vadd.f32 v60, v36  }
0x291: {  	[tilespmem:v5+s5+$0x0] =	vst.idx.msk $0xffff, v2;
	v2 =	vadd.f32 v54, v36;
	v6 =	vadd.s32 v19, v38;
	v19 =	vld [tilespmem:$0x1FEE0]  }
0x292: {  	v5 =	vadd.s32 v11, v52;
	[tilespmem:v56+s5+$0x0] =	vst.idx.msk $0xffff, v0;
	v56 =	vadd.s32 v23, v46;
	v23 =	vld [tilespmem:$0x1FF20]  }
0x293: {  	v54 =	vld [tilespmem:s0+$0xFFFFFE90];
	v0 =	vadd.f32 v57, v36  }
0x294: {  	v58 =	vld [tilespmem:s0+$0xFFFFFED0];
	[tilespmem:v61+s5+$0x0] =	vst.idx.msk $0xffff, v2;
	v2 =	vadd.f32 v62, v36;
	v57 =	vadd.s32 v14, v50  }
0x295: {  	v59 =	vadd.s32 v15, v51;
	v60 =	vld [tilespmem:s0+$0xFFFFFF10];
	[tilespmem:v3+s5+$0x0] =	vst.idx.msk $0xffff, v0;
	v0 =	vadd.f32 v53, v34  }
0x296: {  	v53 =	vld [tilespmem:s0+$0xFFFFFF50];
	v3 =	vadd.s32 v19, v49;
	[tilespmem:v6+s5+$0x0] =	vst.idx.msk $0xffff, v2;
	v2 =	vadd.f32 v55, v36  }
0x297: {  	v4 =	vadd.f32 v4, v35;
	v61 =	vld [tilespmem:s0+$0xFFFFFF90];
	[tilespmem:v5+s5+$0x0] =	vst.idx.msk $0xffff, v0;
	v6 =	vadd.s32 v23, v47  }
0x298: {  	v0 =	vadd.f32 v54, v35;
	v5 =	vadd.s32 v27, v42;
	[tilespmem:v56+s5+$0x0] =	vst.idx.msk $0xffff, v2;
	v2 =	vld [tilespmem:s0+$0x1F0]  }
0x299: {  	v62 =	vld [tilespmem:s0+$0xFFFFFFD0];
	v54 =	vadd.s32 v31, v39;
	[tilespmem:v57+s5+$0x0] =	vst.idx.msk $0xffff, v4;
	v4 =	vadd.f32 v58, v35  }
0x29a: {  	v52 =	vadd.s32 v18, v52;
	[tilespmem:v59+s5+$0x0] =	vst.idx.msk $0xffff, v0;
	v0 =	vadd.f32 v60, v35;
	v60 =	vld [tilespmem:s0+$0x10]  }
0x29b: {  	[tilespmem:v3+s5+$0x0] =	vst.idx.msk $0xffff, v4;
	v3 =	vadd.f32 v53, v35;
	v4 =	vadd.s32 v22, v48;
	v53 =	vld [tilespmem:s0+$0x50]  }
0x29c: {  	[tilespmem:v6+s5+$0x0] =	vst.idx.msk $0xffff, v0;
	v0 =	vadd.f32 v61, v35;
	v6 =	vadd.s32 v7, v44  }
0x29d: {  	v61 =	vld [tilespmem:s0+$0x90];
	[tilespmem:v5+s5+$0x0] =	vst.idx.msk $0xffff, v3;
	v3 =	vadd.s32 v14, v45;
	v2 =	vadd.f32 v2, v33  }
0x29e: {  	v5 =	vld [tilespmem:s0+$0xD0];
	[tilespmem:v54+s5+$0x0] =	vst.idx.msk $0xffff, v0;
	v0 =	vadd.f32 v62, v35  }
0x29f: {  	v56 =	vld [tilespmem:s0+$0x110];
	v57 =	vadd.f32 v60, v35;
	v54 =	vadd.s32 v15, v43;
	[tilespmem:v52+s5+$0x0] =	vst.idx.msk $0xffff, v2  }
0x2a0: {  	v60 =	vld [tilespmem:s0+$0x150];
	v62 =	vadd.s32 v19, v40;
	[tilespmem:v4+s5+$0x0] =	vst.idx.msk $0xffff, v0;
	v0 =	vadd.f32 v53, v35  }
0x2a1: {  	v55 =	vadd.s32 v8, v37;
	v2 =	vadd.s32 v23, v41;
	v4 =	vld [tilespmem:s0+$0x190];
	[tilespmem:v6+s5+$0x0] =	vst.idx.msk $0xffff, v57  }
0x2a2: {  	v52 =	vld [tilespmem:s0+$0xFFFFFE10];
	v53 =	vadd.s32 v27, v38;
	v6 =	vadd.f32 v61, v35;
	[tilespmem:v3+s5+$0x0] =	vst.idx.msk $0xffff, v0  }
0x2a3: {  	v61 =	vld [tilespmem:s0+$0xFFFFFE60];
	v0 =	vadd.f32 v5, v35;
	v3 =	vadd.s32 v31, v46;
	v5 =	vadd.s32 v7, v37  }
0x2a4: {  	v37 =	vadd.s32 v9, v37;
	[tilespmem:v54+s5+$0x0] =	vst.idx.msk $0xffff, v6;
	v6 =	vadd.f32 v56, v35  }
0x2a5: {  	v57 =	vld [tilespmem:s0+$0xFFFFFEA0];
	v54 =	vadd.s32 v12, v50;
	[tilespmem:v62+s5+$0x0] =	vst.idx.msk $0xffff, v0;
	v0 =	vadd.f32 v60, v35  }
0x2a6: {  	v56 =	vld [tilespmem:s0+$0xFFFFFEE0];
	v62 =	vadd.s32 v16, v51;
	[tilespmem:v2+s5+$0x0] =	vst.idx.msk $0xffff, v6;
	v2 =	vadd.f32 v4, v35  }
0x2a7: {  	v4 =	vadd.f32 v52, v35;
	v6 =	vadd.s32 v20, v49;
	[tilespmem:v53+s5+$0x0] =	vst.idx.msk $0xffff, v0  }
0x2a8: {  	v60 =	vld [tilespmem:s0+$0xFFFFFF20];
	v49 =	vadd.s32 v21, v49;
	v0 =	vadd.f32 v61, v34;
	[tilespmem:v3+s5+$0x0] =	vst.idx.msk $0xffff, v2  }
0x2a9: {  	v52 =	vld [tilespmem:s0+$0xFFFFFF60];
	v53 =	vadd.s32 v24, v47;
	v47 =	vadd.s32 v25, v47;
	[tilespmem:v5+s5+$0x0] =	vst.idx.msk $0xffff, v4  }
0x2aa: {  	v61 =	vld [tilespmem:s0+$0xFFFFFFA0];
	v2 =	vadd.f32 v57, v34;
	v3 =	vadd.s32 v28, v42;
	v5 =	vadd.s32 v32, v39  }
0x2ab: {  	v4 =	vld [tilespmem:s0+$0xFFFFFFE0];
	v42 =	vadd.s32 v29, v42;
	[tilespmem:v54+s5+$0x0] =	vst.idx.msk $0xffff, v0;
	v0 =	vadd.f32 v56, v34  }
0x2ac: {  	v54 =	vld [tilespmem:s0+$0x20];
	v56 =	vadd.s32 v24, v41;
	v41 =	vadd.s32 v25, v41;
	[tilespmem:v62+s5+$0x0] =	vst.idx.msk $0xffff, v2  }
0x2ad: {  	v2 =	vadd.f32 v60, v34;
	v62 =	vadd.s32 v11, v48;
	v60 =	vld [tilespmem:s0+$0x60];
	v48 =	vadd.s32 v18, v48  }
0x2ae: {  	[tilespmem:v6+s5+$0x0] =	vst.idx.msk $0xffff, v0;
	v0 =	vadd.f32 v52, v34;
	v6 =	vadd.s32 v8, v44;
	v52 =	vld [tilespmem:s0+$0xA0]  }
0x2af: {  	[tilespmem:v53+s5+$0x0] =	vst.idx.msk $0xffff, v2;
	v2 =	vadd.f32 v61, v34;
	v53 =	vadd.s32 v12, v45;
	v61 =	vld [tilespmem:s0+$0xE0]  }
0x2b0: {  	[tilespmem:v3+s5+$0x0] =	vst.idx.msk $0xffff, v0;
	v0 =	vadd.f32 v4, v34;
	v3 =	vadd.s32 v16, v43;
	v4 =	vld [tilespmem:s0+$0x120]  }
0x2b1: {  	[tilespmem:v5+s5+$0x0] =	vst.idx.msk $0xffff, v2;
	v2 =	vadd.f32 v54, v34;
	v5 =	vadd.s32 v20, v40;
	v54 =	vld [tilespmem:s0+$0x160]  }
0x2b2: {  	v44 =	vadd.s32 v9, v44;
	[tilespmem:v62+s5+$0x0] =	vst.idx.msk $0xffff, v0;
	v0 =	vadd.f32 v60, v34;
	v62 =	vld [tilespmem:s0+$0x1A0]  }
0x2b3: {  	v60 =	vld [tilespmem:s0+$0xFFFFFE20];
	[tilespmem:v6+s5+$0x0] =	vst.idx.msk $0xffff, v2;
	v2 =	vadd.f32 v52, v34;
	v6 =	vadd.s32 v28, v38  }
0x2b4: {  	v52 =	vld [tilespmem:s0+$0xFFFFFE70];
	[tilespmem:v53+s5+$0x0] =	vst.idx.msk $0xffff, v0;
	v0 =	vadd.f32 v61, v34;
	v53 =	vadd.s32 v32, v46  }
0x2b5: {  	v45 =	vadd.s32 v13, v45;
	v61 =	vld [tilespmem:s0+$0xFFFFFEB0];
	[tilespmem:v3+s5+$0x0] =	vst.idx.msk $0xffff, v2;
	v2 =	vadd.f32 v4, v34  }
0x2b6: {  	v3 =	vadd.s32 v13, v50;
	v4 =	vld [tilespmem:s0+$0xFFFFFEF0];
	[tilespmem:v5+s5+$0x0] =	vst.idx.msk $0xffff, v0;
	v0 =	vadd.f32 v54, v34  }
0x2b7: {  	v50 =	vadd.s32 v17, v51;
	v51 =	vld [tilespmem:s0+$0xFFFFFF30];
	[tilespmem:v56+s5+$0x0] =	vst.idx.msk $0xffff, v2;
	v2 =	vadd.f32 v62, v34  }
0x2b8: {  	s19 =	sadd.s32 $0x1, s1;
	v38 =	vadd.s32 v29, v38;
	v62 =	vadd.f32 v60, v34;
	v60 =	vld [tilespmem:s0+$0xFFFFFF70];
	[tilespmem:v6+s5+$0x0] =	vst.idx.msk $0xffff, v0  }
0x2b9: {  	v46 =	vadd.s32 v10, v46;
	v0 =	vmov s19;
	s19 =	sadd.s32 $0x2, s1;
	v6 =	vadd.f32 v52, v33;
	v52 =	vld [tilespmem:s0+$0xFFFFFFB0];
	[tilespmem:v53+s5+$0x0] =	vst.idx.msk $0xffff, v2  }
0x2ba: {  	v5 =	vmov s1;
	v54 =	vld [tilespmem:s0+$0xFFFFFFF0];
	v2 =	vmov s19;
	s19 =	sadd.s32 $0x3, s1;
	[tilespmem:v55+s5+$0x0] =	vst.idx.msk $0xffff, v62;
	v61 =	vadd.f32 v61, v33  }
0x2bb: {  	v55 =	vmov s19;
	s19 =	sadd.s32 $0x4, s1;
	[tilespmem:v3+s5+$0x0] =	vst.idx.msk $0xffff, v6;
	v3 =	vadd.f32 v4, v33;
	v4 =	vadd.s32 v10, v39;
	v6 =	vld [tilespmem:s0+$0x30]  }
0x2bc: {  	v5 =	vshrl.u32 v5, $0x3;
	v62 =	vadd.f32 v51, v33;
	v51 =	vld [tilespmem:s0+$0x70];
	v39 =	vmov s19;
	s19 =	sadd.s32 $0x5, s1;
	[tilespmem:v50+s5+$0x0] =	vst.idx.msk $0xffff, v61  }
0x2bd: {  	v5 =	vshll.u32 v5, v1;
	v53 =	vmov s19;
	s19 =	sadd.s32 $0x6, s1;
	[tilespmem:v49+s5+$0x0] =	vst.idx.msk $0xffff, v3;
	v3 =	vadd.f32 v60, v33;
	v60 =	vld [tilespmem:s0+$0xB0]  }
0x2be: {  	v50 =	vshrl.u32 v2, $0x3;
	[tilespmem:v47+s5+$0x0] =	vst.idx.msk $0xffff, v62;
	v47 =	vld [tilespmem:s0+$0x1B0];
	v56 =	vmov s19;
	s19 =	sadd.s32 $0x7, s1;
	v61 =	vadd.f32 v52, v33  }
0x2bf: {  	v62 =	vld [tilespmem:s0+$0xF0];
	v52 =	vmov s19;
	s19 =	sadd.s32 $0x8, s1;
	[tilespmem:v42+s5+$0x0] =	vst.idx.msk $0xffff, v3;
	v3 =	vadd.f32 v54, v33;
	v42 =	vadd.s32 v17, v43  }
0x2c0: {  	s17 =	sadd.s32 $0xD, s1;
	v43 =	vld [tilespmem:s0+$0x130];
	v49 =	vshrl.u32 v56, $0x3;
	v54 =	vmov s19;
	[tilespmem:v4+s5+$0x0] =	vst.idx.msk $0xffff, v61;
	v4 =	vadd.f32 v6, v33  }
0x2c1: {  	s19 =	sadd.s32 $0x9, s1;
	v6 =	vadd.s32 v21, v40;
	v40 =	vld [tilespmem:s0+$0x170];
	v61 =	vmov s17;
	[tilespmem:v48+s5+$0x0] =	vst.idx.msk $0xffff, v3;
	v3 =	vadd.f32 v51, v33  }
0x2c2: {  	v57 =	vmov s19;
	v48 =	vld [tilespmem:s0+$0xFFFFFE30];
	v51 =	vshrl.u32 v39, $0x3;
	[tilespmem:v44+s5+$0x0] =	vst.idx.msk $0xffff, v4;
	v4 =	vadd.f32 v60, v33  }
0x2c3: {  	s19 =	sadd.s32 $0xA, s1;
	v39 =	vshrl.u32 v61, $0x3;
	v44 =	vshrl.u32 v0, $0x3;
	v0 =	vadd.f32 v47, v33;
	[tilespmem:v45+s5+$0x0] =	vst.idx.msk $0xffff, v3  }
0x2c4: {  	p0 =	slt.u32 s1, $0x70;
	v58 =	vmov s19;
	s19 =	sadd.s32 $0xB, s1;
	v47 =	vshrl.u32 v54, $0x3;
	v3 =	vadd.f32 v62, v33;
	[tilespmem:v42+s5+$0x0] =	vst.idx.msk $0xffff, v4  }
.Ltmp4:
0x2c5: {  	v59 =	vmov s19;
	s19 =	sadd.s32 $0xC, s1;
	v45 =	vshrl.u32 v55, $0x3;
	v4 =	vadd.f32 v43, v33;
	[tilespmem:v46+s5+$0x0] =	vst.idx.msk $0xffff, v0;
	(pc) =	sbr.rel @p0 .LBB2_9-.Ltmp4, $4  }
0x2c6: {  	v60 =	vmov s19;
	v46 =	vshrl.u32 v52, $0x3;
	[tilespmem:v6+s5+$0x0] =	vst.idx.msk $0xffff, v3;
	v3 =	vadd.f32 v40, v33  }
0x2c7: {  	s19 =	sadd.s32 $0xE, s1;
	v42 =	vshrl.u32 v58, $0x3;
	v43 =	vshrl.u32 v59, $0x3;
	[tilespmem:v41+s5+$0x0] =	vst.idx.msk $0xffff, v4;
	v2 =	vadd.f32 v48, v33  }
0x2c8: {  	v62 =	vmov s19;
	v48 =	vshrl.u32 v53, $0x3;
	v41 =	vshrl.u32 v60, $0x3;
	[tilespmem:v38+s5+$0x0] =	vst.idx.msk $0xffff, v3  }
0x2c9: {  	s17 =	sadd.s32 $0xF, s1;
	s1 =	sadd.s32 $0x10, s1;
	v40 =	vshrl.u32 v62, $0x3;
	v38 =	vshrl.u32 v57, $0x3;
	[tilespmem:v37+s5+$0x0] =	vst.idx.msk $0xffff, v2;
	v37 =	vbroadcast v5, $0x0  }
0x2ca: {  	v22 =	vld [tilespmem:$0x1FFB0]  }
0x2cb: {  	v3 =	vmov s17;
	v30 =	vld [tilespmem:$0x1FE60]  }
0x2cc: {  	v0 =	vshll.u32 v44, v1;
	v2 =	vshll.u32 v50, v1;
	s0 =	sadd.s32 $0x400, s0;
	v19 =	vld [tilespmem:$0x1FEA0];
	v3 =	vshrl.u32 v3, $0x3  }
0x2cd: {  	v4 =	vshll.u32 v45, v1;
	v5 =	vshll.u32 v51, v1;
	v62 =	vld [tilespmem:s0+$0xFFFFFE00];
	v3 =	vshll.u32 v3, v1  }
0x2ce: {  	v44 =	vshll.u32 v49, v1;
	v45 =	vshll.u32 v46, v1;
	v61 =	vld [tilespmem:s0+$0x1C0];
	v3 =	vbroadcast v3, $0x0  }
0x2cf: {  	v46 =	vshll.u32 v47, v1;
	v49 =	vshll.u32 v38, v1;
	v53 =	vadd.s32 v63, v37  }
0x2d0: {  	v51 =	vshll.u32 v43, v1;
	v60 =	vld [tilespmem:s0+$0xFFFFFE40];
	v38 =	vbroadcast v0, $0x0;
	v52 =	vadd.s32 v22, v3  }
0x2d1: {  	v54 =	vld [tilespmem:s0+$0xFFFFFE80];
	v43 =	vbroadcast v2, $0x0;
	v2 =	vshll.u32 v39, v1;
	v39 =	vbroadcast v4, $0x0  }
0x2d2: {  	v15 =	vld [tilespmem:$0x1FF10];
	v4 =	vshll.u32 v40, v1;
	v55 =	vadd.s32 v30, v38;
	v47 =	vadd.f32 v62, v36  }
0x2d3: {  	v26 =	vld [tilespmem:$0x1FFC0];
	v40 =	vbroadcast v5, $0x0;
	v57 =	vadd.s32 v19, v43;
	v5 =	vadd.f32 v61, v36  }
0x2d4: {  	v6 =	vshll.u32 v48, v1;
	v56 =	vld [tilespmem:s0+$0xFFFFFEC0];
	[tilespmem:v53+s5+$0x0] =	vst.idx.msk $0xffff, v47  }
0x2d5: {  	v0 =	vshll.u32 v41, v1;
	v58 =	vld [tilespmem:s0+$0xFFFFFF00];
	v41 =	vbroadcast v6, $0x0;
	v6 =	vadd.f32 v60, v36;
	[tilespmem:v52+s5+$0x0] =	vst.idx.msk $0xffff, v5  }
0x2d6: {  	v5 =	vadd.f32 v54, v36;
	v23 =	vld [tilespmem:$0x1FF50]  }
0x2d7: {  	v59 =	vld [tilespmem:s0+$0xFFFFFF40];
	v60 =	vadd.s32 v15, v40;
	[tilespmem:v55+s5+$0x0] =	vst.idx.msk $0xffff, v6  }
0x2d8: {  	v50 =	vshll.u32 v42, v1;
	v14 =	vld [tilespmem:$0x1FFD0];
	[tilespmem:v57+s5+$0x0] =	vst.idx.msk $0xffff, v5  }
0x2d9: {  	v42 =	vbroadcast v44, $0x0;
	v44 =	vbroadcast v45, $0x0;
	v48 =	vadd.s32 v26, v39;
	v62 =	vld [tilespmem:$0x1FE10]  }
0x2da: {  	v45 =	vbroadcast v46, $0x0;
	v6 =	vadd.f32 v56, v36;
	v56 =	vld [tilespmem:s0+$0x0];
	v5 =	vadd.f32 v58, v36  }
0x2db: {  	v61 =	vld [tilespmem:s0+$0xFFFFFF80];
	v52 =	vadd.s32 v23, v41  }
0x2dc: {  	v53 =	vld [tilespmem:s0+$0x1D0];
	[tilespmem:v60+s5+$0x0] =	vst.idx.msk $0xffff, v5;
	v60 =	vadd.s32 v63, v45  }
0x2dd: {  	v46 =	vbroadcast v49, $0x0;
	v55 =	vld [tilespmem:s0+$0xFFFFFFC0];
	v54 =	vadd.s32 v14, v42  }
0x2de: {  	v47 =	vbroadcast v50, $0x0;
	[tilespmem:v48+s5+$0x0] =	vst.idx.msk $0xffff, v6;
	v6 =	vadd.f32 v59, v36;
	v59 =	vld [tilespmem:s0+$0x40];
	v57 =	vadd.s32 v62, v3  }
0x2df: {  	v50 =	vbroadcast v0, $0x0;
	v58 =	vadd.s32 v22, v44;
	v0 =	vadd.f32 v56, v36  }
0x2e0: {  	v5 =	vadd.f32 v61, v36;
	v61 =	vld [tilespmem:s0+$0x80];
	[tilespmem:v52+s5+$0x0] =	vst.idx.msk $0xffff, v6;
	v6 =	vadd.s32 v30, v46  }
0x2e1: {  	v48 =	vbroadcast v51, $0x0;
	v51 =	vadd.f32 v53, v35;
	[tilespmem:v60+s5+$0x0] =	vst.idx.msk $0xffff, v0;
	v52 =	vld [tilespmem:s0+$0xC0]  }
0x2e2: {  	v53 =	vadd.s32 v19, v47;
	[tilespmem:v54+s5+$0x0] =	vst.idx.msk $0xffff, v5;
	v5 =	vadd.f32 v55, v36;
	v54 =	vld [tilespmem:s0+$0x100]  }
0x2e3: {  	v49 =	vbroadcast v2, $0x0;
	v56 =	vld [tilespmem:s0+$0x140];
	v2 =	vadd.f32 v59, v36;
	v55 =	vadd.s32 v26, v48;
	[tilespmem:v57+s5+$0x0] =	vst.idx.msk $0xffff, v51  }
0x2e4: {  	v59 =	vld [tilespmem:s0+$0x180];
	[tilespmem:v58+s5+$0x0] =	vst.idx.msk $0xffff, v5;
	v5 =	vadd.s32 v15, v50  }
0x2e5: {  	v0 =	vadd.f32 v61, v36;
	v51 =	vbroadcast v4, $0x0;
	v4 =	vld [tilespmem:s0+$0xFFFFFE50];
	v58 =	vadd.s32 v23, v49;
	[tilespmem:v6+s5+$0x0] =	vst.idx.msk $0xffff, v2  }
0x2e6: {  	v2 =	vadd.f32 v52, v36;
	v19 =	vld [tilespmem:$0x1FFE0]  }
0x2e7: {  	v57 =	vld [tilespmem:s0+$0x1E0];
	[tilespmem:v53+s5+$0x0] =	vst.idx.msk $0xffff, v0;
	v0 =	vadd.f32 v54, v36  }
0x2e8: {  	v30 =	vld [tilespmem:$0x1FE70];
	[tilespmem:v55+s5+$0x0] =	vst.idx.msk $0xffff, v2;
	v2 =	vadd.f32 v56, v36  }
0x2e9: {  	v53 =	vadd.s32 v14, v51;
	v14 =	vld [tilespmem:$0x1FEB0];
	[tilespmem:v5+s5+$0x0] =	vst.idx.msk $0xffff, v0  }
0x2ea: {  	v15 =	vld [tilespmem:$0x1FEE0];
	[tilespmem:v58+s5+$0x0] =	vst.idx.msk $0xffff, v2  }
0x2eb: {  	v11 =	vld [tilespmem:$0x1FF20];
	v6 =	vadd.s32 v19, v3  }
0x2ec: {  	v52 =	vld [tilespmem:s0+$0xFFFFFE90]  }
0x2ed: {  	v60 =	vld [tilespmem:s0+$0xFFFFFED0];
	v54 =	vadd.s32 v30, v38  }
0x2ee: {  	v56 =	vld [tilespmem:s0+$0xFFFFFF10];
	v0 =	vadd.f32 v57, v34;
	v55 =	vadd.s32 v14, v43  }
0x2ef: {  	v57 =	vld [tilespmem:s0+$0xFFFFFF50];
	v2 =	vadd.f32 v59, v36;
	v5 =	vadd.s32 v15, v39  }
0x2f0: {  	v4 =	vadd.f32 v4, v35;
	v58 =	vld [tilespmem:s0+$0xFFFFFF90];
	v36 =	vadd.s32 v11, v40;
	[tilespmem:v6+s5+$0x0] =	vst.idx.msk $0xffff, v0  }
0x2f1: {  	[tilespmem:v53+s5+$0x0] =	vst.idx.msk $0xffff, v2;
	v0 =	vadd.f32 v52, v35;
	v6 =	vadd.s32 v27, v41;
	v2 =	vld [tilespmem:s0+$0x1F0]  }
0x2f2: {  	v61 =	vld [tilespmem:s0+$0xFFFFFFD0];
	v52 =	vadd.s32 v31, v42;
	[tilespmem:v54+s5+$0x0] =	vst.idx.msk $0xffff, v4;
	v4 =	vadd.f32 v60, v35  }
0x2f3: {  	v3 =	vadd.s32 v18, v3;
	v54 =	vld [tilespmem:s0+$0x10];
	[tilespmem:v55+s5+$0x0] =	vst.idx.msk $0xffff, v0;
	v0 =	vadd.f32 v56, v35  }
0x2f4: {  	v55 =	vld [tilespmem:s0+$0x50];
	[tilespmem:v5+s5+$0x0] =	vst.idx.msk $0xffff, v4;
	v4 =	vadd.f32 v57, v35;
	v5 =	vadd.s32 v62, v44  }
0x2f5: {  	v60 =	vld [tilespmem:s0+$0x90];
	v62 =	vadd.s32 v7, v45;
	[tilespmem:v36+s5+$0x0] =	vst.idx.msk $0xffff, v0;
	v0 =	vadd.f32 v58, v35  }
0x2f6: {  	[tilespmem:v6+s5+$0x0] =	vst.idx.msk $0xffff, v4;
	v4 =	vadd.s32 v30, v46;
	v6 =	vld [tilespmem:s0+$0xD0];
	v2 =	vadd.f32 v2, v33  }
0x2f7: {  	[tilespmem:v52+s5+$0x0] =	vst.idx.msk $0xffff, v0;
	v0 =	vadd.f32 v61, v35;
	v52 =	vadd.s32 v14, v47;
	v61 =	vld [tilespmem:s0+$0x110]  }
0x2f8: {  	v57 =	vadd.s32 v15, v48;
	v58 =	vld [tilespmem:s0+$0x150];
	v54 =	vadd.f32 v54, v35;
	[tilespmem:v3+s5+$0x0] =	vst.idx.msk $0xffff, v2  }
0x2f9: {  	[tilespmem:v5+s5+$0x0] =	vst.idx.msk $0xffff, v0;
	v0 =	vadd.f32 v55, v35;
	v2 =	vadd.s32 v11, v50;
	v3 =	vld [tilespmem:s0+$0x190]  }
0x2fa: {  	v5 =	vld [tilespmem:s0+$0xFFFFFE10];
	[tilespmem:v62+s5+$0x0] =	vst.idx.msk $0xffff, v54;
	v62 =	vadd.f32 v60, v35;
	v54 =	vadd.s32 v27, v49  }
0x2fb: {  	v60 =	vld [tilespmem:s0+$0xFFFFFE60];
	[tilespmem:v4+s5+$0x0] =	vst.idx.msk $0xffff, v0;
	v0 =	vadd.f32 v6, v35;
	v4 =	vadd.s32 v31, v51  }
0x2fc: {  	v56 =	vld [tilespmem:s0+$0xFFFFFEA0];
	v6 =	vadd.s32 v7, v37;
	[tilespmem:v52+s5+$0x0] =	vst.idx.msk $0xffff, v62;
	v61 =	vadd.f32 v61, v35  }
0x2fd: {  	v52 =	vadd.s32 v12, v38;
	v62 =	vld [tilespmem:s0+$0xFFFFFEE0];
	[tilespmem:v57+s5+$0x0] =	vst.idx.msk $0xffff, v0;
	v0 =	vadd.f32 v58, v35  }
0x2fe: {  	v57 =	vadd.s32 v16, v43;
	v58 =	vld [tilespmem:s0+$0xFFFFFF20];
	[tilespmem:v2+s5+$0x0] =	vst.idx.msk $0xffff, v61;
	v2 =	vadd.f32 v3, v35  }
0x2ff: {  	v3 =	vadd.f32 v5, v35;
	v5 =	vadd.s32 v20, v39;
	v35 =	vld [tilespmem:s0+$0xFFFFFF60];
	[tilespmem:v54+s5+$0x0] =	vst.idx.msk $0xffff, v0  }
0x300: {  	v61 =	vld [tilespmem:s0+$0xFFFFFFA0];
	v0 =	vadd.f32 v60, v34;
	v60 =	vadd.s32 v24, v40;
	[tilespmem:v4+s5+$0x0] =	vst.idx.msk $0xffff, v2  }
0x301: {  	[tilespmem:v6+s5+$0x0] =	vst.idx.msk $0xffff, v3;
	v2 =	vadd.f32 v56, v34;
	v3 =	vadd.s32 v28, v41;
	v4 =	vld [tilespmem:s0+$0xFFFFFFE0]  }
0x302: {  	v6 =	vadd.s32 v32, v42;
	[tilespmem:v52+s5+$0x0] =	vst.idx.msk $0xffff, v0;
	v0 =	vadd.f32 v62, v34;
	v62 =	vld [tilespmem:s0+$0x20]  }
0x303: {  	v59 =	vld [tilespmem:s0+$0x60];
	[tilespmem:v57+s5+$0x0] =	vst.idx.msk $0xffff, v2;
	v2 =	vadd.f32 v58, v34;
	v58 =	vadd.s32 v19, v44  }
0x304: {  	[tilespmem:v5+s5+$0x0] =	vst.idx.msk $0xffff, v0;
	v0 =	vadd.f32 v35, v34;
	v5 =	vadd.s32 v8, v45;
	v35 =	vld [tilespmem:s0+$0xA0]  }
0x305: {  	v36 =	vadd.s32 v12, v46;
	v54 =	vld [tilespmem:s0+$0xE0];
	[tilespmem:v60+s5+$0x0] =	vst.idx.msk $0xffff, v2;
	v2 =	vadd.f32 v61, v34  }
0x306: {  	[tilespmem:v3+s5+$0x0] =	vst.idx.msk $0xffff, v0;
	v0 =	vadd.f32 v4, v34;
	v3 =	vadd.s32 v16, v47;
	v4 =	vld [tilespmem:s0+$0x120]  }
0x307: {  	v60 =	vld [tilespmem:s0+$0x160];
	[tilespmem:v6+s5+$0x0] =	vst.idx.msk $0xffff, v2;
	v2 =	vadd.f32 v62, v34;
	v6 =	vadd.s32 v20, v48  }
0x308: {  	v53 =	vadd.s32 v24, v50;
	v61 =	vld [tilespmem:s0+$0x1A0];
	[tilespmem:v58+s5+$0x0] =	vst.idx.msk $0xffff, v0;
	v0 =	vadd.f32 v59, v34  }
0x309: {  	v62 =	vld [tilespmem:s0+$0xFFFFFE20];
	[tilespmem:v5+s5+$0x0] =	vst.idx.msk $0xffff, v2;
	v2 =	vadd.f32 v35, v34;
	v5 =	vadd.s32 v28, v49  }
0x30a: {  	v35 =	vld [tilespmem:s0+$0xFFFFFE70];
	[tilespmem:v36+s5+$0x0] =	vst.idx.msk $0xffff, v0;
	v0 =	vadd.f32 v54, v34;
	v36 =	vadd.s32 v32, v51  }
0x30b: {  	v57 =	vld [tilespmem:s0+$0xFFFFFEB0];
	v54 =	vadd.s32 v8, v37;
	[tilespmem:v3+s5+$0x0] =	vst.idx.msk $0xffff, v2;
	v2 =	vadd.f32 v4, v34  }
0x30c: {  	v3 =	vadd.s32 v13, v38;
	v4 =	vld [tilespmem:s0+$0xFFFFFEF0];
	[tilespmem:v6+s5+$0x0] =	vst.idx.msk $0xffff, v0;
	v0 =	vadd.f32 v60, v34  }
0x30d: {  	v6 =	vadd.s32 v17, v43;
	v60 =	vld [tilespmem:s0+$0xFFFFFF30];
	[tilespmem:v53+s5+$0x0] =	vst.idx.msk $0xffff, v2;
	v2 =	vadd.f32 v61, v34  }
0x30e: {  	v39 =	vadd.s32 v21, v39;
	v61 =	vadd.f32 v62, v34;
	v62 =	vld [tilespmem:s0+$0xFFFFFF70];
	[tilespmem:v5+s5+$0x0] =	vst.idx.msk $0xffff, v0  }
0x30f: {  	v52 =	vld [tilespmem:s0+$0xFFFFFFB0];
	v0 =	vadd.f32 v35, v33;
	v5 =	vadd.s32 v25, v40;
	[tilespmem:v36+s5+$0x0] =	vst.idx.msk $0xffff, v2  }
0x310: {  	v53 =	vadd.s32 v29, v41;
	[tilespmem:v54+s5+$0x0] =	vst.idx.msk $0xffff, v61;
	v2 =	vadd.f32 v57, v33;
	v54 =	vld [tilespmem:s0+$0xFFFFFFF0]  }
0x311: {  	[tilespmem:v3+s5+$0x0] =	vst.idx.msk $0xffff, v0;
	v0 =	vadd.f32 v4, v33;
	v3 =	vadd.s32 v10, v42;
	v4 =	vld [tilespmem:s0+$0x30]  }
0x312: {  	v55 =	vld [tilespmem:s0+$0x70];
	[tilespmem:v6+s5+$0x0] =	vst.idx.msk $0xffff, v2;
	v2 =	vadd.f32 v60, v33;
	v6 =	vadd.s32 v18, v44  }
0x313: {  	v56 =	vadd.s32 v9, v45;
	v57 =	vld [tilespmem:s0+$0xB0];
	[tilespmem:v39+s5+$0x0] =	vst.idx.msk $0xffff, v0;
	v0 =	vadd.f32 v62, v33  }
0x314: {  	v58 =	vld [tilespmem:s0+$0xF0];
	[tilespmem:v5+s5+$0x0] =	vst.idx.msk $0xffff, v2;
	v2 =	vadd.f32 v52, v33;
	v5 =	vadd.s32 v13, v46  }
0x315: {  	v59 =	vadd.s32 v17, v47;
	v60 =	vld [tilespmem:s0+$0x130];
	[tilespmem:v53+s5+$0x0] =	vst.idx.msk $0xffff, v0;
	v0 =	vadd.f32 v54, v33  }
0x316: {  	[tilespmem:v3+s5+$0x0] =	vst.idx.msk $0xffff, v2;
	v2 =	vadd.f32 v4, v33;
	v3 =	vadd.s32 v21, v48;
	v4 =	vld [tilespmem:s0+$0x170]  }
0x317: {  	v62 =	vld [tilespmem:s0+$0xFFFFFE30];
	[tilespmem:v6+s5+$0x0] =	vst.idx.msk $0xffff, v0;
	v0 =	vadd.f32 v55, v33;
	v6 =	vadd.s32 v25, v50  }
0x318: {  	v61 =	vld [tilespmem:s0+$0x1B0];
	v44 =	vadd.s32 v29, v49;
	[tilespmem:v56+s5+$0x0] =	vst.idx.msk $0xffff, v2;
	v2 =	vadd.f32 v57, v33  }
0x319: {  	v45 =	vadd.s32 v9, v37;
	[tilespmem:v5+s5+$0x0] =	vst.idx.msk $0xffff, v0;
	v0 =	vadd.f32 v58, v33  }
0x31a: {  	v5 =	vadd.s32 v10, v51;
	[tilespmem:v59+s5+$0x0] =	vst.idx.msk $0xffff, v2;
	v2 =	vadd.f32 v60, v33  }
0x31b: {  	[tilespmem:v3+s5+$0x0] =	vst.idx.msk $0xffff, v0;
	v0 =	vadd.f32 v4, v33  }
0x31c: {  	s17 =	sshll.u32 s31, $0x12;
	v3 =	vadd.f32 v62, v33;
	[tilespmem:v6+s5+$0x0] =	vst.idx.msk $0xffff, v2  }
0x31d: {  	s0 =	sor.u32 s7, s17;
	v2 =	vadd.f32 v61, v33;
	[tilespmem:v44+s5+$0x0] =	vst.idx.msk $0xffff, v0  }
0x31e: {  	s0 =	sshrl.u32 s0, $0x3;
	[tilespmem:v45+s5+$0x0] =	vst.idx.msk $0xffff, v3  }
0x31f: {  	s1 =	sadd.s32 s2, s0;
	[tilespmem:v5+s5+$0x0] =	vst.idx.msk $0xffff, v2  }
0x320: {  	[hbm4b:s1+s3] =	stream.linear.scatter [tilespmem:s5], [sflag:$0x6], $0x80, $0x38;
	[tilespmem:$0x15A00] =	vst v63  }
0x321: {  	s19 =	simm.s32 $0x13888;
	s17 =	sadd.s32 $0x10, s1  }
0x322: {  	[hbm4b:s17+s3] =	stream.linear.scatter [tilespmem:s19], [sflag:$0x6], $0x80, $0x38;
	[tilespmem:$0x15A00] =	vst v63  }
0x323: {  	s17 =	sadd.s32 $0x20, s1;
	s19 =	simm.s32 $0x13910  }
0x324: {  	[hbm4b:s17+s3] =	stream.linear.scatter [tilespmem:s19], [sflag:$0x6], $0x80, $0x38;
	[tilespmem:$0x15A00] =	vst v63  }
0x325: {  	s17 =	sadd.s32 $0x30, s1;
	s19 =	simm.s32 $0x13998  }
0x326: {  	[hbm4b:s17+s3] =	stream.linear.scatter [tilespmem:s19], [sflag:$0x6], $0x80, $0x38;
	[tilespmem:$0x15A00] =	vst v63  }
0x327: {  	s17 =	sadd.s32 $0x40, s1;
	s19 =	simm.s32 $0x13A20  }
0x328: {  	[hbm4b:s17+s3] =	stream.linear.scatter [tilespmem:s19], [sflag:$0x6], $0x80, $0x38;
	[tilespmem:$0x15A00] =	vst v63  }
0x329: {  	s17 =	sadd.s32 $0x50, s1;
	s19 =	simm.s32 $0x13AA8  }
0x32a: {  	[hbm4b:s17+s3] =	stream.linear.scatter [tilespmem:s19], [sflag:$0x6], $0x80, $0x38;
	[tilespmem:$0x15A00] =	vst v63  }
0x32b: {  	s17 =	sadd.s32 $0x60, s1;
	s19 =	simm.s32 $0x13B30  }
0x32c: {  	[hbm4b:s17+s3] =	stream.linear.scatter [tilespmem:s19], [sflag:$0x6], $0x80, $0x38;
	[tilespmem:$0x15A00] =	vst v63  }
0x32d: {  	s1 =	sadd.s32 $0x70, s1;
	s19 =	simm.s32 $0x13BB8  }
0x32e: {  	[hbm4b:s1+s3] =	stream.linear.scatter [tilespmem:s19], [sflag:$0x6], $0x80, $0x38;
	[tilespmem:$0x15A00] =	vst v63  }
0x32f: {  	s1 =	sadd.s32 s0, s8;
	s19 =	simm.s32 $0x13C40  }
0x330: {  	[hbm4b:s1+s3] =	stream.linear.scatter [tilespmem:s19], [sflag:$0x6], $0x80, $0x38;
	[tilespmem:$0x15A00] =	vst v63  }
0x331: {  	s17 =	sadd.s32 $0x10, s1;
	s19 =	simm.s32 $0x13CC8  }
0x332: {  	[hbm4b:s17+s3] =	stream.linear.scatter [tilespmem:s19], [sflag:$0x6], $0x80, $0x38;
	[tilespmem:$0x15A00] =	vst v63  }
0x333: {  	s17 =	sadd.s32 $0x20, s1;
	s19 =	simm.s32 $0x13D50  }
0x334: {  	[hbm4b:s17+s3] =	stream.linear.scatter [tilespmem:s19], [sflag:$0x6], $0x80, $0x38;
	[tilespmem:$0x15A00] =	vst v63  }
0x335: {  	s17 =	sadd.s32 $0x30, s1;
	s19 =	simm.s32 $0x13DD8  }
0x336: {  	[hbm4b:s17+s3] =	stream.linear.scatter [tilespmem:s19], [sflag:$0x6], $0x80, $0x38;
	[tilespmem:$0x15A00] =	vst v63  }
0x337: {  	s17 =	sadd.s32 $0x40, s1;
	s19 =	simm.s32 $0x13E60  }
0x338: {  	[hbm4b:s17+s3] =	stream.linear.scatter [tilespmem:s19], [sflag:$0x6], $0x80, $0x38;
	[tilespmem:$0x15A00] =	vst v63  }
0x339: {  	s17 =	sadd.s32 $0x50, s1;
	s19 =	simm.s32 $0x13EE8  }
0x33a: {  	[hbm4b:s17+s3] =	stream.linear.scatter [tilespmem:s19], [sflag:$0x6], $0x80, $0x38;
	[tilespmem:$0x15A00] =	vst v63  }
0x33b: {  	s17 =	sadd.s32 $0x60, s1;
	s19 =	simm.s32 $0x13F70  }
0x33c: {  	[hbm4b:s17+s3] =	stream.linear.scatter [tilespmem:s19], [sflag:$0x6], $0x80, $0x38;
	[tilespmem:$0x15A00] =	vst v63  }
0x33d: {  	s1 =	sadd.s32 $0x70, s1;
	s19 =	simm.s32 $0x13FF8  }
0x33e: {  	[hbm4b:s1+s3] =	stream.linear.scatter [tilespmem:s19], [sflag:$0x6], $0x80, $0x38;
	[tilespmem:$0x15A00] =	vst v63  }
0x33f: {  	s1 =	sadd.s32 s0, s9;
	s19 =	simm.s32 $0x14080  }
0x340: {  	[hbm4b:s1+s3] =	stream.linear.scatter [tilespmem:s19], [sflag:$0x6], $0x80, $0x38;
	[tilespmem:$0x15A00] =	vst v63  }
0x341: {  	s17 =	sadd.s32 $0x10, s1;
	s19 =	simm.s32 $0x14108  }
0x342: {  	[hbm4b:s17+s3] =	stream.linear.scatter [tilespmem:s19], [sflag:$0x6], $0x80, $0x38;
	[tilespmem:$0x15A00] =	vst v63  }
0x343: {  	s17 =	sadd.s32 $0x20, s1;
	s19 =	simm.s32 $0x14190  }
0x344: {  	[hbm4b:s17+s3] =	stream.linear.scatter [tilespmem:s19], [sflag:$0x6], $0x80, $0x38;
	[tilespmem:$0x15A00] =	vst v63  }
0x345: {  	s17 =	sadd.s32 $0x30, s1;
	s19 =	simm.s32 $0x14218  }
0x346: {  	[hbm4b:s17+s3] =	stream.linear.scatter [tilespmem:s19], [sflag:$0x6], $0x80, $0x38;
	[tilespmem:$0x15A00] =	vst v63  }
0x347: {  	s17 =	sadd.s32 $0x40, s1;
	s19 =	simm.s32 $0x142A0  }
0x348: {  	[hbm4b:s17+s3] =	stream.linear.scatter [tilespmem:s19], [sflag:$0x6], $0x80, $0x38;
	[tilespmem:$0x15A00] =	vst v63  }
0x349: {  	s17 =	sadd.s32 $0x50, s1;
	s19 =	simm.s32 $0x14328  }
0x34a: {  	[hbm4b:s17+s3] =	stream.linear.scatter [tilespmem:s19], [sflag:$0x6], $0x80, $0x38;
	[tilespmem:$0x15A00] =	vst v63  }
0x34b: {  	s17 =	sadd.s32 $0x60, s1;
	s19 =	simm.s32 $0x143B0  }
0x34c: {  	[hbm4b:s17+s3] =	stream.linear.scatter [tilespmem:s19], [sflag:$0x6], $0x80, $0x38;
	[tilespmem:$0x15A00] =	vst v63  }
0x34d: {  	s1 =	sadd.s32 $0x70, s1;
	s19 =	simm.s32 $0x14438  }
0x34e: {  	[hbm4b:s1+s3] =	stream.linear.scatter [tilespmem:s19], [sflag:$0x6], $0x80, $0x38;
	[tilespmem:$0x15A00] =	vst v63  }
0x34f: {  	s1 =	sadd.s32 s0, s10;
	s19 =	simm.s32 $0x144C0  }
0x350: {  	[hbm4b:s1+s3] =	stream.linear.scatter [tilespmem:s19], [sflag:$0x6], $0x80, $0x38;
	[tilespmem:$0x15A00] =	vst v63  }
0x351: {  	s17 =	sadd.s32 $0x10, s1;
	s19 =	simm.s32 $0x14548  }
0x352: {  	[hbm4b:s17+s3] =	stream.linear.scatter [tilespmem:s19], [sflag:$0x6], $0x80, $0x38;
	[tilespmem:$0x15A00] =	vst v63  }
0x353: {  	s17 =	sadd.s32 $0x20, s1;
	s19 =	simm.s32 $0x145D0  }
0x354: {  	[hbm4b:s17+s3] =	stream.linear.scatter [tilespmem:s19], [sflag:$0x6], $0x80, $0x38;
	[tilespmem:$0x15A00] =	vst v63  }
0x355: {  	s17 =	sadd.s32 $0x30, s1;
	s19 =	simm.s32 $0x14658  }
0x356: {  	[hbm4b:s17+s3] =	stream.linear.scatter [tilespmem:s19], [sflag:$0x6], $0x80, $0x38;
	[tilespmem:$0x15A00] =	vst v63  }
0x357: {  	s17 =	sadd.s32 $0x40, s1;
	s19 =	simm.s32 $0x146E0  }
0x358: {  	[hbm4b:s17+s3] =	stream.linear.scatter [tilespmem:s19], [sflag:$0x6], $0x80, $0x38;
	[tilespmem:$0x15A00] =	vst v63  }
0x359: {  	s17 =	sadd.s32 $0x50, s1;
	s19 =	simm.s32 $0x14768  }
0x35a: {  	[hbm4b:s17+s3] =	stream.linear.scatter [tilespmem:s19], [sflag:$0x6], $0x80, $0x38;
	[tilespmem:$0x15A00] =	vst v63  }
0x35b: {  	s17 =	sadd.s32 $0x60, s1;
	s19 =	simm.s32 $0x147F0  }
0x35c: {  	[hbm4b:s17+s3] =	stream.linear.scatter [tilespmem:s19], [sflag:$0x6], $0x80, $0x38;
	[tilespmem:$0x15A00] =	vst v63  }
0x35d: {  	s1 =	sadd.s32 $0x70, s1;
	s19 =	simm.s32 $0x14878  }
0x35e: {  	[hbm4b:s1+s3] =	stream.linear.scatter [tilespmem:s19], [sflag:$0x6], $0x80, $0x38;
	[tilespmem:$0x15A00] =	vst v63  }
0x35f: {  	s1 =	sadd.s32 s0, s11;
	s19 =	simm.s32 $0x14900  }
0x360: {  	[hbm4b:s1+s3] =	stream.linear.scatter [tilespmem:s19], [sflag:$0x6], $0x80, $0x38;
	[tilespmem:$0x15A00] =	vst v63  }
0x361: {  	s17 =	sadd.s32 $0x10, s1;
	s19 =	simm.s32 $0x14988  }
0x362: {  	[hbm4b:s17+s3] =	stream.linear.scatter [tilespmem:s19], [sflag:$0x6], $0x80, $0x38;
	[tilespmem:$0x15A00] =	vst v63  }
0x363: {  	s17 =	sadd.s32 $0x20, s1;
	s19 =	simm.s32 $0x14A10  }
0x364: {  	[hbm4b:s17+s3] =	stream.linear.scatter [tilespmem:s19], [sflag:$0x6], $0x80, $0x38;
	[tilespmem:$0x15A00] =	vst v63  }
0x365: {  	s17 =	sadd.s32 $0x30, s1;
	s19 =	simm.s32 $0x14A98  }
0x366: {  	[hbm4b:s17+s3] =	stream.linear.scatter [tilespmem:s19], [sflag:$0x6], $0x80, $0x38;
	[tilespmem:$0x15A00] =	vst v63  }
0x367: {  	s17 =	sadd.s32 $0x40, s1;
	s19 =	simm.s32 $0x14B20  }
0x368: {  	[hbm4b:s17+s3] =	stream.linear.scatter [tilespmem:s19], [sflag:$0x6], $0x80, $0x38;
	[tilespmem:$0x15A00] =	vst v63  }
0x369: {  	s17 =	sadd.s32 $0x50, s1;
	s19 =	simm.s32 $0x14BA8  }
0x36a: {  	[hbm4b:s17+s3] =	stream.linear.scatter [tilespmem:s19], [sflag:$0x6], $0x80, $0x38;
	[tilespmem:$0x15A00] =	vst v63  }
0x36b: {  	s17 =	sadd.s32 $0x60, s1;
	s19 =	simm.s32 $0x14C30  }
0x36c: {  	[hbm4b:s17+s3] =	stream.linear.scatter [tilespmem:s19], [sflag:$0x6], $0x80, $0x38;
	[tilespmem:$0x15A00] =	vst v63  }
0x36d: {  	s1 =	sadd.s32 $0x70, s1;
	s19 =	simm.s32 $0x14CB8  }
0x36e: {  	[hbm4b:s1+s3] =	stream.linear.scatter [tilespmem:s19], [sflag:$0x6], $0x80, $0x38;
	[tilespmem:$0x15A00] =	vst v63  }
0x36f: {  	s1 =	sadd.s32 s0, s12;
	s19 =	simm.s32 $0x14D40  }
0x370: {  	[hbm4b:s1+s3] =	stream.linear.scatter [tilespmem:s19], [sflag:$0x6], $0x80, $0x38;
	[tilespmem:$0x15A00] =	vst v63  }
0x371: {  	s17 =	sadd.s32 $0x10, s1;
	s19 =	simm.s32 $0x14DC8  }
0x372: {  	[hbm4b:s17+s3] =	stream.linear.scatter [tilespmem:s19], [sflag:$0x6], $0x80, $0x38;
	[tilespmem:$0x15A00] =	vst v63  }
0x373: {  	s17 =	sadd.s32 $0x20, s1;
	s19 =	simm.s32 $0x14E50  }
0x374: {  	[hbm4b:s17+s3] =	stream.linear.scatter [tilespmem:s19], [sflag:$0x6], $0x80, $0x38;
	[tilespmem:$0x15A00] =	vst v63  }
0x375: {  	s17 =	sadd.s32 $0x30, s1;
	s19 =	simm.s32 $0x14ED8  }
0x376: {  	[hbm4b:s17+s3] =	stream.linear.scatter [tilespmem:s19], [sflag:$0x6], $0x80, $0x38;
	[tilespmem:$0x15A00] =	vst v63  }
0x377: {  	s17 =	sadd.s32 $0x40, s1;
	s19 =	simm.s32 $0x14F60  }
0x378: {  	[hbm4b:s17+s3] =	stream.linear.scatter [tilespmem:s19], [sflag:$0x6], $0x80, $0x38;
	[tilespmem:$0x15A00] =	vst v63  }
0x379: {  	s17 =	sadd.s32 $0x50, s1;
	s19 =	simm.s32 $0x14FE8  }
0x37a: {  	[hbm4b:s17+s3] =	stream.linear.scatter [tilespmem:s19], [sflag:$0x6], $0x80, $0x38;
	[tilespmem:$0x15A00] =	vst v63  }
0x37b: {  	s17 =	sadd.s32 $0x60, s1;
	s19 =	simm.s32 $0x15070  }
0x37c: {  	[hbm4b:s17+s3] =	stream.linear.scatter [tilespmem:s19], [sflag:$0x6], $0x80, $0x38;
	[tilespmem:$0x15A00] =	vst v63  }
0x37d: {  	s1 =	sadd.s32 $0x70, s1;
	s19 =	simm.s32 $0x150F8  }
0x37e: {  	[hbm4b:s1+s3] =	stream.linear.scatter [tilespmem:s19], [sflag:$0x6], $0x80, $0x38;
	[tilespmem:$0x15A00] =	vst v63  }
0x37f: {  	s1 =	sadd.s32 s0, s13;
	s19 =	simm.s32 $0x15180  }
0x380: {  	[hbm4b:s1+s3] =	stream.linear.scatter [tilespmem:s19], [sflag:$0x6], $0x80, $0x38;
	[tilespmem:$0x15A00] =	vst v63  }
0x381: {  	s17 =	sadd.s32 $0x10, s1;
	s19 =	simm.s32 $0x15208  }
0x382: {  	[hbm4b:s17+s3] =	stream.linear.scatter [tilespmem:s19], [sflag:$0x6], $0x80, $0x38;
	[tilespmem:$0x15A00] =	vst v63  }
0x383: {  	s17 =	sadd.s32 $0x20, s1;
	s19 =	simm.s32 $0x15290  }
0x384: {  	[hbm4b:s17+s3] =	stream.linear.scatter [tilespmem:s19], [sflag:$0x6], $0x80, $0x38;
	[tilespmem:$0x15A00] =	vst v63  }
0x385: {  	s17 =	sadd.s32 $0x30, s1;
	s19 =	simm.s32 $0x15318  }
0x386: {  	[hbm4b:s17+s3] =	stream.linear.scatter [tilespmem:s19], [sflag:$0x6], $0x80, $0x38;
	[tilespmem:$0x15A00] =	vst v63  }
0x387: {  	s17 =	sadd.s32 $0x40, s1;
	s19 =	simm.s32 $0x153A0  }
0x388: {  	[hbm4b:s17+s3] =	stream.linear.scatter [tilespmem:s19], [sflag:$0x6], $0x80, $0x38;
	[tilespmem:$0x15A00] =	vst v63  }
0x389: {  	s17 =	sadd.s32 $0x50, s1;
	s19 =	simm.s32 $0x15428  }
0x38a: {  	[hbm4b:s17+s3] =	stream.linear.scatter [tilespmem:s19], [sflag:$0x6], $0x80, $0x38;
	[tilespmem:$0x15A00] =	vst v63  }
0x38b: {  	s17 =	sadd.s32 $0x60, s1;
	s19 =	simm.s32 $0x154B0  }
0x38c: {  	[hbm4b:s17+s3] =	stream.linear.scatter [tilespmem:s19], [sflag:$0x6], $0x80, $0x38;
	[tilespmem:$0x15A00] =	vst v63  }
0x38d: {  	s1 =	sadd.s32 $0x70, s1;
	s19 =	simm.s32 $0x15538  }
0x38e: {  	[hbm4b:s1+s3] =	stream.linear.scatter [tilespmem:s19], [sflag:$0x6], $0x80, $0x38;
	[tilespmem:$0x15A00] =	vst v63  }
0x38f: {  	s0 =	sadd.s32 s0, s14;
	s19 =	simm.s32 $0x155C0  }
0x390: {  	[hbm4b:s0+s3] =	stream.linear.scatter [tilespmem:s19], [sflag:$0x6], $0x80, $0x38;
	[tilespmem:$0x15A00] =	vst v63  }
0x391: {  	s17 =	sadd.s32 $0x10, s0;
	s19 =	simm.s32 $0x15648  }
0x392: {  	[hbm4b:s17+s3] =	stream.linear.scatter [tilespmem:s19], [sflag:$0x6], $0x80, $0x38;
	[tilespmem:$0x15A00] =	vst v63  }
0x393: {  	s17 =	sadd.s32 $0x20, s0;
	s19 =	simm.s32 $0x156D0  }
0x394: {  	[hbm4b:s17+s3] =	stream.linear.scatter [tilespmem:s19], [sflag:$0x6], $0x80, $0x38;
	[tilespmem:$0x15A00] =	vst v63  }
0x395: {  	s17 =	sadd.s32 $0x30, s0;
	s19 =	simm.s32 $0x15758  }
0x396: {  	[hbm4b:s17+s3] =	stream.linear.scatter [tilespmem:s19], [sflag:$0x6], $0x80, $0x38;
	[tilespmem:$0x15A00] =	vst v63  }
0x397: {  	s17 =	sadd.s32 $0x40, s0  }
0x398: {  	[hbm4b:s17+s3] =	stream.linear.scatter [tilespmem:s21], [sflag:$0x6], $0x80, $0x38;
	[tilespmem:$0x15A00] =	vst v63  }
0x399: {  	s19 =	sadd.s32 $0x50, s0  }
0x39a: {  	[hbm4b:s19+s3] =	stream.linear.scatter [tilespmem:s6], [sflag:$0x6], $0x80, $0x38;
	[tilespmem:$0x15A00] =	vst v63  }
0x39b: {  	s17 =	sadd.s32 $0x60, s0  }
0x39c: {  	[hbm4b:s17+s3] =	stream.linear.scatter [tilespmem:s15], [sflag:$0x6], $0x80, $0x38;
	[tilespmem:$0x15A00] =	vst v63  }
0x39d: {  	p0 =	seq.s32 s28, $0x31;
	s0 =	sadd.s32 $0x70, s0  }
0x39e: {  	[hbm4b:s0+s3] =	stream.linear.scatter [tilespmem:s18], [sflag:$0x6], $0x80, $0x38;
	[tilespmem:$0x15A00] =	vst v63  }
0x39f: {  	s0 =	sshll.u32 @!p0 s28, $0x9  }
0x3a0: {  	s31 =	sand.u32 @!p0 $0x3FFFFE00, s0  }
0x3a1: {  	s1 =	simm.s32 @!p0 $0x80;
	s17 =	simm.s32 @!p0 $0x8400;
	s0 =	sadd.s32 @!p0 $0x280, s31  }
0x3a2: {  	[tilespmem:s17], [sflag:$0x2] =	stream.indirect.gather @!p0 [hbm4b:s4+s1], $0x40, s0, s1, $0xb8;
	[tilespmem:$0x15A00] =	vst v63  }
0x3a3: {  	_ =	swait.ge [sflag:s20], $0x2000  }
0x3a4: {  	[sflag:s20] =	ssyncset.done $0x0  }
0x3a5: {  	[sflag:s20] =	ssyncadd.s32 $0xFFFFE000  }
0x3a6: {  	_ =	swait.ge [sflag:s24], $0x400  }
0x3a7: {  	[sflag:s24] =	ssyncset.done $0x0  }
0x3a8: {  	[sflag:s24] =	ssyncadd.s32 $0xFFFFFC00  }
0x3a9: {  	_ =	swait.ge [sflag:s24], $0x400  }
0x3aa: {  	[sflag:s24] =	ssyncset.done $0x0  }
0x3ab: {  	[sflag:s24] =	ssyncadd.s32 $0xFFFFFC00  }
0x3ac: {  	_ =	swait.ge [sflag:s24], $0x400  }
0x3ad: {  	[sflag:s24] =	ssyncset.done $0x0  }
0x3ae: {  	[sflag:s24] =	ssyncadd.s32 $0xFFFFFC00  }
0x3af: {  	_ =	swait.ge [sflag:s24], $0x400  }
0x3b0: {  	[sflag:s24] =	ssyncset.done $0x0  }
0x3b1: {  	[sflag:s24] =	ssyncadd.s32 $0xFFFFFC00  }
0x3b2: {  	_ =	swait.ge [sflag:s24], $0x400  }
0x3b3: {  	[sflag:s24] =	ssyncset.done $0x0  }
0x3b4: {  	[sflag:s24] =	ssyncadd.s32 $0xFFFFFC00  }
0x3b5: {  	s19 =	simm.s32 $0x0;
	s17 =	simm.s32 $0x2;
	_ =	swait.ge [sflag:s24], $0x400  }
0x3b6: {  	v0 =	vmov s19;
	s19 =	simm.s32 $0x3;
	v3 =	vmov s17;
	s17 =	simm.s32 $0x5;
	[sflag:s24] =	ssyncset.done $0x0  }
0x3b7: {  	v4 =	vmov s19;
	s19 =	simm.s32 $0x6;
	v6 =	vmov s17;
	s17 =	simm.s32 $0x8;
	[sflag:s24] =	ssyncadd.s32 $0xFFFFFC00  }
0x3b8: {  	v0 =	vshrl.u32 v0, $0x3;
	v46 =	vmov s19;
	s1 =	simm.s32 $0x1;
	v48 =	vmov s17;
	s17 =	simm.s32 $0xB;
	_ =	swait.ge [sflag:s24], $0x400  }
0x3b9: {  	v0 =	vshll.u32 v0, v1;
	v2 =	vmov s1;
	s1 =	simm.s32 $0x4;
	v51 =	vmov s17;
	s17 =	simm.s32 $0xD;
	[sflag:s24] =	ssyncset.done $0x0  }
0x3ba: {  	v37 =	vbroadcast v0, $0x0;
	v5 =	vmov s1;
	s1 =	simm.s32 $0x7;
	v53 =	vmov s17;
	[sflag:s24] =	ssyncadd.s32 $0xFFFFFC00  }
0x3bb: {  	s30 =	sor.u32 $0x2, s30;
	v2 =	vshrl.u32 v2, $0x3;
	v47 =	vmov s1;
	s1 =	simm.s32 $0xA;
	v0 =	vshrl.u32 v53, $0x3;
	_ =	swait.ge [sflag:s24], $0x400  }
0x3bc: {  	v2 =	vshll.u32 v2, v1;
	v50 =	vmov s1;
	s1 =	sshll.u32 s30, $0x6;
	v19 =	vshll.u32 v0, v1;
	[sflag:s24] =	ssyncset.done $0x0;
	v0 =	vld [tilespmem:$0x1FE60]  }
0x3bd: {  	s19 =	simm.s32 $0x9;
	v4 =	vshrl.u32 v4, $0x3;
	s0 =	sand.u32 $0x3FFFFFC0, s1;
	v59 =	vshrl.u32 v50, $0x3;
	v50 =	vbroadcast v2, $0x0;
	v2 =	vld [tilespmem:$0x1FEA0];
	[sflag:s24] =	ssyncadd.s32 $0xFFFFFC00  }
0x3be: {  	v49 =	vmov s19;
	s19 =	simm.s32 $0xC;
	v55 =	vshrl.u32 v46, $0x3;
	v4 =	vshll.u32 v4, v1;
	s17 =	simm.s32 $0xF;
	v36 =	vld [tilespmem:s0+$0xE400]  }
0x3bf: {  	v52 =	vmov s19;
	s19 =	simm.s32 $0xE;
	v58 =	vshrl.u32 v49, $0x3;
	v60 =	vmov s17;
	v35 =	vld [tilespmem:s0+$0xE410]  }
0x3c0: {  	v49 =	vbroadcast v4, $0x0;
	v54 =	vmov s19;
	v61 =	vshrl.u32 v60, $0x3;
	v34 =	vld [tilespmem:s0+$0xE420]  }
0x3c1: {  	v39 =	vshrl.u32 v52, $0x3;
	v46 =	vadd.s32 v63, v37;
	v41 =	vshll.u32 v61, v1;
	v33 =	vld [tilespmem:s0+$0xE430];
	s0 =	simm.s32 $0xA600  }
0x3c2: {  	v40 =	vshrl.u32 v54, $0x3;
	v23 =	vshll.u32 v39, v1;
	v53 =	vbroadcast v41, $0x0;
	v62 =	vld [tilespmem:s0+$0x1C0]  }
0x3c3: {  	v26 =	vshll.u32 v40, v1;
	v3 =	vshrl.u32 v3, $0x3;
	v5 =	vshrl.u32 v5, $0x3;
	v60 =	vld [tilespmem:s0+$0xFFFFFE00]  }
0x3c4: {  	v6 =	vshrl.u32 v6, $0x3;
	v3 =	vshll.u32 v3, v1;
	v39 =	vadd.s32 v22, v53;
	v45 =	vld [tilespmem:s0+$0xFFFFFE40]  }
0x3c5: {  	v57 =	vshrl.u32 v48, $0x3;
	v38 =	vshrl.u32 v51, $0x3;
	v51 =	vbroadcast v3, $0x0;
	v48 =	vld [tilespmem:s0+$0xFFFFFE80]  }
0x3c6: {  	v56 =	vshrl.u32 v47, $0x3;
	v5 =	vshll.u32 v5, v1;
	v3 =	vadd.s32 v0, v50  }
0x3c7: {  	v47 =	vbroadcast v5, $0x0;
	v4 =	vld [tilespmem:$0x1FFC0];
	v40 =	vadd.s32 v2, v51;
	v5 =	vadd.f32 v62, v36  }
0x3c8: {  	v54 =	vshll.u32 v58, v1;
	v6 =	vshll.u32 v6, v1;
	v14 =	vld [tilespmem:s0+$0xFFFFFF00];
	v58 =	vadd.f32 v60, v36  }
0x3c9: {  	v44 =	vbroadcast v6, $0x0;
	v11 =	vld [tilespmem:$0x1FF10];
	v6 =	vadd.f32 v45, v36;
	[tilespmem:v39+s26+$0x0] =	vst.idx.msk $0xffff, v5  }
0x3ca: {  	v43 =	vshll.u32 v56, v1;
	v56 =	vld [tilespmem:s0+$0xFFFFFEC0];
	[tilespmem:v46+s26+$0x0] =	vst.idx.msk $0xffff, v58;
	v5 =	vadd.f32 v48, v36  }
0x3cb: {  	v52 =	vshll.u32 v57, v1;
	v57 =	vld [tilespmem:$0x1FF50];
	[tilespmem:v3+s26+$0x0] =	vst.idx.msk $0xffff, v6  }
0x3cc: {  	v15 =	vld [tilespmem:$0x1FFD0];
	[tilespmem:v40+s26+$0x0] =	vst.idx.msk $0xffff, v5  }
0x3cd: {  	v5 =	vadd.f32 v14, v36;
	v14 =	vld [tilespmem:$0x1FE10]  }
0x3ce: {  	v42 =	vshll.u32 v55, v1;
	v55 =	vshll.u32 v59, v1;
	v59 =	vadd.s32 v4, v49;
	v60 =	vld [tilespmem:s0+$0xFFFFFF40]  }
0x3cf: {  	v41 =	vbroadcast v42, $0x0;
	v61 =	vadd.s32 v11, v47;
	v62 =	vld [tilespmem:s0+$0xFFFFFF80]  }
0x3d0: {  	v58 =	vld [tilespmem:s0+$0x1D0];
	v39 =	vadd.s32 v57, v44  }
0x3d1: {  	v48 =	vbroadcast v43, $0x0;
	v3 =	vadd.f32 v56, v36;
	v56 =	vld [tilespmem:s0+$0xFFFFFFC0];
	v6 =	vadd.s32 v15, v41  }
0x3d2: {  	v38 =	vshll.u32 v38, v1;
	v45 =	vbroadcast v52, $0x0;
	v43 =	vld [tilespmem:s0+$0x0];
	v52 =	vadd.s32 v14, v53  }
0x3d3: {  	v46 =	vbroadcast v54, $0x0;
	v22 =	vadd.s32 v22, v48;
	[tilespmem:v59+s26+$0x0] =	vst.idx.msk $0xffff, v3;
	v3 =	vadd.f32 v60, v36;
	v59 =	vld [tilespmem:s0+$0x40]  }
0x3d4: {  	v54 =	vadd.s32 v63, v45;
	[tilespmem:v61+s26+$0x0] =	vst.idx.msk $0xffff, v5;
	v5 =	vadd.f32 v62, v36  }
0x3d5: {  	v42 =	vbroadcast v55, $0x0;
	v60 =	vld [tilespmem:s0+$0x80];
	v58 =	vadd.f32 v58, v35;
	[tilespmem:v39+s26+$0x0] =	vst.idx.msk $0xffff, v3;
	v3 =	vadd.s32 v0, v46  }
0x3d6: {  	v55 =	vld [tilespmem:s0+$0xC0];
	v39 =	vbroadcast v38, $0x0;
	[tilespmem:v6+s26+$0x0] =	vst.idx.msk $0xffff, v5;
	v5 =	vadd.f32 v56, v36  }
0x3d7: {  	v40 =	vbroadcast v23, $0x0;
	v6 =	vadd.s32 v2, v42;
	v56 =	vld [tilespmem:s0+$0x100];
	v2 =	vadd.f32 v43, v36;
	[tilespmem:v52+s26+$0x0] =	vst.idx.msk $0xffff, v58  }
0x3d8: {  	v62 =	vld [tilespmem:s0+$0x140];
	v38 =	vbroadcast v19, $0x0;
	v0 =	vadd.f32 v59, v36;
	v61 =	vadd.s32 v4, v39;
	[tilespmem:v22+s26+$0x0] =	vst.idx.msk $0xffff, v5  }
0x3d9: {  	v5 =	vadd.s32 v11, v40;
	[tilespmem:v54+s26+$0x0] =	vst.idx.msk $0xffff, v2  }
0x3da: {  	v4 =	vld [tilespmem:s0+$0xFFFFFE50];
	v2 =	vadd.f32 v60, v36;
	v54 =	vadd.s32 v57, v38;
	[tilespmem:v3+s26+$0x0] =	vst.idx.msk $0xffff, v0  }
0x3db: {  	v0 =	vadd.f32 v55, v36;
	v22 =	vld [tilespmem:$0x1FFE0]  }
0x3dc: {  	v52 =	vld [tilespmem:s0+$0x1E0];
	[tilespmem:v6+s26+$0x0] =	vst.idx.msk $0xffff, v2;
	v2 =	vadd.f32 v56, v36  }
0x3dd: {  	v43 =	vbroadcast v26, $0x0;
	v57 =	vld [tilespmem:s0+$0x180];
	[tilespmem:v61+s26+$0x0] =	vst.idx.msk $0xffff, v0;
	v0 =	vadd.f32 v62, v36  }
0x3de: {  	v11 =	vld [tilespmem:$0x1FEB0];
	[tilespmem:v5+s26+$0x0] =	vst.idx.msk $0xffff, v2  }
0x3df: {  	v6 =	vadd.s32 v15, v43;
	v15 =	vld [tilespmem:$0x1FEE0];
	[tilespmem:v54+s26+$0x0] =	vst.idx.msk $0xffff, v0  }
0x3e0: {  	v19 =	vld [tilespmem:$0x1FF20];
	v3 =	vadd.s32 v22, v53  }
0x3e1: {  	v55 =	vld [tilespmem:s0+$0xFFFFFE90]  }
0x3e2: {  	v58 =	vld [tilespmem:s0+$0xFFFFFED0];
	v56 =	vadd.s32 v30, v50  }
0x3e3: {  	v60 =	vld [tilespmem:s0+$0xFFFFFF10];
	v2 =	vadd.f32 v52, v34;
	v59 =	vadd.s32 v11, v51  }
0x3e4: {  	v61 =	vld [tilespmem:s0+$0xFFFFFF50];
	v0 =	vadd.f32 v57, v36;
	v5 =	vadd.s32 v15, v49  }
0x3e5: {  	v4 =	vadd.f32 v4, v35;
	v62 =	vld [tilespmem:s0+$0xFFFFFF90];
	v54 =	vadd.s32 v19, v47;
	[tilespmem:v3+s26+$0x0] =	vst.idx.msk $0xffff, v2  }
0x3e6: {  	[tilespmem:v6+s26+$0x0] =	vst.idx.msk $0xffff, v0;
	v2 =	vadd.f32 v55, v35;
	v3 =	vadd.s32 v27, v44;
	v0 =	vld [tilespmem:s0+$0x1F0]  }
0x3e7: {  	[tilespmem:v56+s26+$0x0] =	vst.idx.msk $0xffff, v4;
	v4 =	vadd.f32 v58, v35;
	v6 =	vadd.s32 v31, v41;
	v55 =	vld [tilespmem:s0+$0xFFFFFFD0]  }
0x3e8: {  	v56 =	vld [tilespmem:s0+$0x10];
	v53 =	vadd.s32 v18, v53;
	[tilespmem:v59+s26+$0x0] =	vst.idx.msk $0xffff, v2;
	v2 =	vadd.f32 v60, v35  }
0x3e9: {  	[tilespmem:v5+s26+$0x0] =	vst.idx.msk $0xffff, v4;
	v4 =	vadd.f32 v61, v35;
	v5 =	vadd.s32 v14, v48;
	v61 =	vld [tilespmem:s0+$0x50]  }
0x3ea: {  	v58 =	vadd.s32 v15, v39;
	v60 =	vld [tilespmem:s0+$0x90];
	[tilespmem:v54+s26+$0x0] =	vst.idx.msk $0xffff, v2;
	v2 =	vadd.f32 v62, v35  }
0x3eb: {  	v62 =	vadd.s32 v7, v45;
	[tilespmem:v3+s26+$0x0] =	vst.idx.msk $0xffff, v4;
	v0 =	vadd.f32 v0, v33  }
0x3ec: {  	v3 =	vadd.s32 v30, v46;
	v4 =	vld [tilespmem:s0+$0xD0];
	[tilespmem:v6+s26+$0x0] =	vst.idx.msk $0xffff, v2;
	v2 =	vadd.f32 v55, v35  }
0x3ed: {  	v52 =	vld [tilespmem:s0+$0xFFFFFE10];
	v56 =	vadd.f32 v56, v35;
	v54 =	vadd.s32 v32, v43;
	[tilespmem:v53+s26+$0x0] =	vst.idx.msk $0xffff, v0  }
0x3ee: {  	v6 =	vadd.s32 v11, v42;
	v55 =	vld [tilespmem:s0+$0x110];
	[tilespmem:v5+s26+$0x0] =	vst.idx.msk $0xffff, v2;
	v0 =	vadd.f32 v61, v35  }
0x3ef: {  	v59 =	vld [tilespmem:s0+$0x150];
	v2 =	vadd.s32 v19, v40;
	v61 =	vadd.f32 v60, v35;
	v53 =	vadd.s32 v12, v50  }
0x3f0: {  	v5 =	vld [tilespmem:s0+$0x190];
	v50 =	vadd.s32 v13, v50;
	[tilespmem:v62+s26+$0x0] =	vst.idx.msk $0xffff, v56;
	v62 =	vadd.s32 v27, v38  }
0x3f1: {  	v56 =	vadd.s32 v8, v37;
	[tilespmem:v3+s26+$0x0] =	vst.idx.msk $0xffff, v0;
	v0 =	vadd.f32 v4, v35  }
0x3f2: {  	v60 =	vld [tilespmem:s0+$0xFFFFFE60];
	v3 =	vadd.s32 v31, v43;
	v4 =	vadd.s32 v7, v37;
	v43 =	vadd.s32 v10, v43  }
0x3f3: {  	v57 =	vld [tilespmem:s0+$0xFFFFFEA0];
	v37 =	vadd.s32 v9, v37;
	[tilespmem:v6+s26+$0x0] =	vst.idx.msk $0xffff, v61;
	v6 =	vadd.f32 v55, v35  }
0x3f4: {  	v55 =	vld [tilespmem:s0+$0xFFFFFEE0];
	[tilespmem:v58+s26+$0x0] =	vst.idx.msk $0xffff, v0;
	v0 =	vadd.f32 v59, v35;
	v58 =	vadd.s32 v16, v51  }
0x3f5: {  	v61 =	vld [tilespmem:s0+$0xFFFFFF60];
	[tilespmem:v2+s26+$0x0] =	vst.idx.msk $0xffff, v6;
	v2 =	vadd.f32 v5, v35;
	v5 =	vadd.f32 v52, v35  }
0x3f6: {  	v59 =	vld [tilespmem:s0+$0xFFFFFF20];
	v6 =	vadd.s32 v20, v49;
	v49 =	vadd.s32 v21, v49;
	[tilespmem:v62+s26+$0x0] =	vst.idx.msk $0xffff, v0  }
0x3f7: {  	v0 =	vadd.f32 v60, v34;
	v62 =	vadd.s32 v24, v47;
	v60 =	vld [tilespmem:s0+$0xFFFFFFA0];
	[tilespmem:v3+s26+$0x0] =	vst.idx.msk $0xffff, v2  }
0x3f8: {  	v47 =	vadd.s32 v25, v47;
	[tilespmem:v4+s26+$0x0] =	vst.idx.msk $0xffff, v5;
	v2 =	vadd.f32 v57, v34;
	v4 =	vld [tilespmem:s0+$0xFFFFFFE0]  }
0x3f9: {  	v3 =	vadd.s32 v28, v44;
	v5 =	vadd.s32 v32, v41;
	v57 =	vld [tilespmem:s0+$0x60];
	v44 =	vadd.s32 v29, v44  }
0x3fa: {  	v41 =	vadd.s32 v10, v41;
	[tilespmem:v53+s26+$0x0] =	vst.idx.msk $0xffff, v0;
	v0 =	vadd.f32 v55, v34;
	v53 =	vld [tilespmem:s0+$0x20]  }
0x3fb: {  	v55 =	vadd.s32 v22, v48;
	[tilespmem:v58+s26+$0x0] =	vst.idx.msk $0xffff, v2;
	v2 =	vadd.f32 v59, v34;
	v58 =	vld [tilespmem:s0+$0xFFFFFE20]  }
0x3fc: {  	v52 =	vld [tilespmem:s0+$0xFFFFFE70];
	[tilespmem:v6+s26+$0x0] =	vst.idx.msk $0xffff, v0;
	v0 =	vadd.f32 v61, v34;
	v6 =	vadd.s32 v8, v45  }
0x3fd: {  	v61 =	vld [tilespmem:s0+$0xA0];
	[tilespmem:v62+s26+$0x0] =	vst.idx.msk $0xffff, v2;
	v2 =	vadd.f32 v60, v34;
	v62 =	vadd.s32 v12, v46  }
0x3fe: {  	v48 =	vadd.s32 v18, v48;
	v60 =	vld [tilespmem:s0+$0xE0];
	[tilespmem:v3+s26+$0x0] =	vst.idx.msk $0xffff, v0;
	v0 =	vadd.f32 v4, v34  }
0x3ff: {  	v3 =	vld [tilespmem:s0+$0x120];
	[tilespmem:v5+s26+$0x0] =	vst.idx.msk $0xffff, v2;
	v2 =	vadd.f32 v53, v34;
	v5 =	vadd.s32 v16, v42  }
0x400: {  	v4 =	vld [tilespmem:s0+$0x160];
	[tilespmem:v55+s26+$0x0] =	vst.idx.msk $0xffff, v0;
	v0 =	vadd.f32 v57, v34;
	v55 =	vadd.s32 v20, v39  }
0x401: {  	v53 =	vld [tilespmem:s0+$0x1A0];
	v57 =	vadd.s32 v24, v40;
	v52 =	vadd.f32 v52, v33;
	[tilespmem:v6+s26+$0x0] =	vst.idx.msk $0xffff, v2  }
0x402: {  	v59 =	vld [tilespmem:s0+$0xFFFFFEB0];
	v2 =	vadd.f32 v61, v34;
	v6 =	vadd.s32 v28, v38;
	[tilespmem:v62+s26+$0x0] =	vst.idx.msk $0xffff, v0  }
0x403: {  	v45 =	vadd.s32 v9, v45;
	v0 =	vadd.f32 v60, v34;
	v60 =	vld [tilespmem:s0+$0xFFFFFEF0];
	[tilespmem:v50+s26+$0x0] =	vst.idx.msk $0xffff, v52  }
0x404: {  	v46 =	vadd.s32 v13, v46;
	v62 =	vld [tilespmem:s0+$0x30];
	v3 =	vadd.f32 v3, v34;
	[tilespmem:v5+s26+$0x0] =	vst.idx.msk $0xffff, v2  }
0x405: {  	s19 =	simm.s32 $0x10;
	v4 =	vadd.f32 v4, v34;
	v5 =	vadd.s32 v17, v51;
	v51 =	vld [tilespmem:s0+$0xFFFFFF30];
	[tilespmem:v55+s26+$0x0] =	vst.idx.msk $0xffff, v0  }
0x406: {  	v42 =	vadd.s32 v17, v42;
	v2 =	vmov s19;
	v53 =	vadd.f32 v53, v34;
	v55 =	vld [tilespmem:s0+$0xFFFFFF70];
	[tilespmem:v57+s26+$0x0] =	vst.idx.msk $0xffff, v3  }
0x407: {  	v39 =	vadd.s32 v21, v39;
	v0 =	vshrl.u32 v2, $0x3;
	v2 =	vadd.f32 v58, v34;
	v57 =	vld [tilespmem:s0+$0xFFFFFFB0];
	[tilespmem:v6+s26+$0x0] =	vst.idx.msk $0xffff, v4  }
0x408: {  	v40 =	vadd.s32 v25, v40;
	v58 =	vld [tilespmem:s0+$0xFFFFFFF0];
	v6 =	vadd.f32 v59, v33;
	[tilespmem:v54+s26+$0x0] =	vst.idx.msk $0xffff, v53  }
0x409: {  	s17 =	simm.s32 $0x11;
	v38 =	vadd.s32 v29, v38;
	s19 =	simm.s32 $0x12;
	v61 =	vadd.f32 v60, v33;
	[tilespmem:v56+s26+$0x0] =	vst.idx.msk $0xffff, v2;
	v56 =	vld [tilespmem:s0+$0x70]  }
0x40a: {  	v3 =	vmov s17;
	s17 =	simm.s32 $0x13;
	v4 =	vmov s19;
	v59 =	vld [tilespmem:s0+$0x170];
	v51 =	vadd.f32 v51, v33;
	[tilespmem:v5+s26+$0x0] =	vst.idx.msk $0xffff, v6  }
0x40b: {  	v53 =	vmov s17;
	s19 =	simm.s32 $0x14;
	s17 =	simm.s32 $0x15;
	v0 =	vshll.u32 v0, v1;
	v50 =	vld [tilespmem:s0+$0x1B0];
	[tilespmem:v49+s26+$0x0] =	vst.idx.msk $0xffff, v61;
	v60 =	vadd.f32 v55, v33  }
0x40c: {  	v2 =	vmov s19;
	v52 =	vmov s17;
	s19 =	simm.s32 $0x16;
	s17 =	simm.s32 $0x17;
	v6 =	vadd.f32 v57, v33;
	[tilespmem:v47+s26+$0x0] =	vst.idx.msk $0xffff, v51  }
0x40d: {  	v54 =	vmov s17;
	s17 =	simm.s32 $0x19;
	v5 =	vmov s19;
	s19 =	simm.s32 $0x18;
	v55 =	vld [tilespmem:s0+$0xB0];
	v49 =	vadd.f32 v58, v33;
	[tilespmem:v44+s26+$0x0] =	vst.idx.msk $0xffff, v60  }
0x40e: {  	v57 =	vld [tilespmem:s0+$0xF0];
	v47 =	vmov s19;
	v51 =	vadd.f32 v62, v33;
	s19 =	simm.s32 $0x1A;
	v60 =	vmov s17;
	[tilespmem:v41+s26+$0x0] =	vst.idx.msk $0xffff, v6  }
0x40f: {  	v58 =	vld [tilespmem:s0+$0x130];
	v61 =	vadd.f32 v56, v33;
	v6 =	vmov s19;
	[tilespmem:v48+s26+$0x0] =	vst.idx.msk $0xffff, v49;
	v62 =	vadd.f32 v59, v33  }
0x410: {  	s17 =	simm.s32 $0x1B;
	v41 =	vld [tilespmem:s0+$0xFFFFFE30];
	v44 =	vshrl.u32 v3, $0x3;
	v3 =	vadd.f32 v50, v33;
	v50 =	vshrl.u32 v4, $0x3;
	[tilespmem:v45+s26+$0x0] =	vst.idx.msk $0xffff, v51  }
0x411: {  	v47 =	vshrl.u32 v47, $0x3;
	v56 =	vmov s17;
	v45 =	vshrl.u32 v53, $0x3;
	[tilespmem:v46+s26+$0x0] =	vst.idx.msk $0xffff, v61  }
0x412: {  	v51 =	vshrl.u32 v2, $0x3;
	[tilespmem:v38+s26+$0x0] =	vst.idx.msk $0xffff, v62;
	v46 =	vshrl.u32 v54, $0x3;
	v55 =	vadd.f32 v55, v33  }
0x413: {  	s19 =	simm.s32 $0x1C;
	s17 =	simm.s32 $0x1D;
	v38 =	vshrl.u32 v60, $0x3;
	[tilespmem:v43+s26+$0x0] =	vst.idx.msk $0xffff, v3;
	v43 =	vshrl.u32 v56, $0x3;
	v48 =	vadd.f32 v57, v33  }
0x414: {  	v57 =	vmov s19;
	s19 =	simm.s32 $0x1E;
	v49 =	vadd.f32 v58, v33;
	v58 =	vmov s17;
	[tilespmem:v42+s26+$0x0] =	vst.idx.msk $0xffff, v55  }
0x415: {  	v61 =	vmov s19;
	[tilespmem:v39+s26+$0x0] =	vst.idx.msk $0xffff, v48;
	v4 =	vadd.f32 v41, v33;
	v48 =	vshrl.u32 v52, $0x3  }
0x416: {  	[tilespmem:v40+s26+$0x0] =	vst.idx.msk $0xffff, v49;
	v49 =	vshrl.u32 v5, $0x3;
	v42 =	vshrl.u32 v6, $0x3;
	v41 =	vshrl.u32 v57, $0x3  }
0x417: {  	s1 =	simm.s32 $0x20;
	s17 =	simm.s32 $0x1F;
	v39 =	vshrl.u32 v58, $0x3;
	v40 =	vshrl.u32 v61, $0x3;
	[tilespmem:v37+s26+$0x0] =	vst.idx.msk $0xffff, v4;
	v37 =	vbroadcast v0, $0x0  }
.LBB2_11:
0x418: {  	v26 =	vld [tilespmem:$0x1FFB0]  }
0x419: {  	v30 =	vld [tilespmem:$0x1FE60]  }
0x41a: {  	v11 =	vld [tilespmem:$0x1FEA0]  }
0x41b: {  	v14 =	vld [tilespmem:$0x1FFC0]  }
0x41c: {  	v15 =	vld [tilespmem:$0x1FF10]  }
0x41d: {  	v3 =	vmov s17;
	v19 =	vld [tilespmem:$0x1FF50]  }
0x41e: {  	v23 =	vld [tilespmem:$0x1FFD0];
	v3 =	vshrl.u32 v3, $0x3  }
0x41f: {  	v0 =	vshll.u32 v44, v1;
	v2 =	vshll.u32 v50, v1;
	s0 =	sadd.s32 $0x400, s0;
	v22 =	vld [tilespmem:$0x1FE10];
	v3 =	vshll.u32 v3, v1  }
0x420: {  	v4 =	vshll.u32 v45, v1;
	v5 =	vshll.u32 v51, v1;
	v61 =	vld [tilespmem:s0+$0x1C0];
	v52 =	vbroadcast v3, $0x0  }
0x421: {  	v6 =	vshll.u32 v48, v1;
	v44 =	vshll.u32 v49, v1;
	v54 =	vshll.u32 v43, v1;
	v3 =	vld [tilespmem:s0+$0xFFFFFE00]  }
0x422: {  	v43 =	vld [tilespmem:s0+$0xFFFFFE40];
	v50 =	vbroadcast v0, $0x0;
	v0 =	vshll.u32 v41, v1;
	v41 =	vadd.s32 v26, v52  }
0x423: {  	v45 =	vshll.u32 v46, v1;
	v46 =	vshll.u32 v47, v1;
	v55 =	vadd.s32 v63, v37;
	v56 =	vld [tilespmem:s0+$0xFFFFFE80]  }
0x424: {  	v53 =	vshll.u32 v42, v1;
	v51 =	vbroadcast v2, $0x0;
	v58 =	vld [tilespmem:s0+$0xFFFFFEC0];
	v57 =	vadd.s32 v30, v50  }
0x425: {  	v49 =	vbroadcast v4, $0x0;
	v59 =	vld [tilespmem:s0+$0xFFFFFF00];
	v47 =	vbroadcast v5, $0x0;
	v5 =	vadd.f32 v61, v36  }
0x426: {  	v4 =	vshll.u32 v40, v1;
	v62 =	vld [tilespmem:s0+$0xFFFFFF80];
	v40 =	vadd.s32 v11, v51;
	v3 =	vadd.f32 v3, v36  }
0x427: {  	v42 =	vbroadcast v6, $0x0;
	v60 =	vadd.s32 v14, v49;
	v61 =	vld [tilespmem:s0+$0xFFFFFF40];
	v6 =	vadd.f32 v43, v36;
	[tilespmem:v41+s26+$0x0] =	vst.idx.msk $0xffff, v5  }
0x428: {  	v43 =	vadd.s32 v15, v47;
	[tilespmem:v55+s26+$0x0] =	vst.idx.msk $0xffff, v3;
	v3 =	vadd.f32 v56, v36;
	v56 =	vld [tilespmem:s0+$0xFFFFFFC0]  }
0x429: {  	v5 =	vadd.s32 v19, v42;
	[tilespmem:v57+s26+$0x0] =	vst.idx.msk $0xffff, v6;
	v57 =	vld [tilespmem:s0+$0x0]  }
0x42a: {  	v2 =	vshll.u32 v39, v1;
	v39 =	vbroadcast v44, $0x0;
	v6 =	vadd.f32 v58, v36;
	v41 =	vld [tilespmem:s0+$0x1D0]  }
0x42b: {  	v38 =	vshll.u32 v38, v1;
	[tilespmem:v40+s26+$0x0] =	vst.idx.msk $0xffff, v3;
	v3 =	vadd.f32 v59, v36;
	v59 =	vld [tilespmem:s0+$0x40]  }
0x42c: {  	v48 =	vbroadcast v45, $0x0;
	v55 =	vadd.s32 v23, v39;
	[tilespmem:v60+s26+$0x0] =	vst.idx.msk $0xffff, v6;
	v6 =	vadd.f32 v61, v36;
	v61 =	vld [tilespmem:s0+$0x80]  }
0x42d: {  	v44 =	vbroadcast v46, $0x0;
	v46 =	vadd.s32 v22, v52;
	[tilespmem:v43+s26+$0x0] =	vst.idx.msk $0xffff, v3;
	v3 =	vadd.f32 v62, v36;
	v62 =	vld [tilespmem:s0+$0x100]  }
0x42e: {  	v58 =	vadd.s32 v26, v48;
	v40 =	vbroadcast v54, $0x0;
	v43 =	vbroadcast v53, $0x0;
	[tilespmem:v5+s26+$0x0] =	vst.idx.msk $0xffff, v6;
	v6 =	vld [tilespmem:s0+$0xC0]  }
0x42f: {  	v53 =	vadd.f32 v41, v35;
	v41 =	vbroadcast v0, $0x0;
	v0 =	vadd.f32 v57, v36;
	v57 =	vld [tilespmem:s0+$0x140]  }
0x430: {  	v45 =	vbroadcast v38, $0x0;
	v60 =	vadd.s32 v63, v44;
	v54 =	vadd.s32 v11, v43;
	v11 =	vld [tilespmem:$0x1FFE0]  }
0x431: {  	[tilespmem:v55+s26+$0x0] =	vst.idx.msk $0xffff, v3;
	v3 =	vadd.f32 v56, v36;
	v56 =	vadd.s32 v14, v40;
	v14 =	vld [tilespmem:$0x1FE70]  }
0x432: {  	v38 =	vbroadcast v2, $0x0;
	v5 =	vadd.s32 v30, v45;
	v2 =	vadd.f32 v59, v36;
	v59 =	vld [tilespmem:s0+$0x180]  }
0x433: {  	[tilespmem:v46+s26+$0x0] =	vst.idx.msk $0xffff, v53;
	v46 =	vbroadcast v4, $0x0;
	v4 =	vld [tilespmem:s0+$0xFFFFFE50]  }
0x434: {  	[tilespmem:v58+s26+$0x0] =	vst.idx.msk $0xffff, v3;
	v3 =	vadd.s32 v15, v41;
	v15 =	vld [tilespmem:$0x1FEB0]  }
0x435: {  	v53 =	vld [tilespmem:s0+$0x1E0]  }
0x436: {  	[tilespmem:v60+s26+$0x0] =	vst.idx.msk $0xffff, v0;
	v0 =	vadd.f32 v61, v36;
	v58 =	vadd.s32 v19, v38;
	v19 =	vld [tilespmem:$0x1FEE0]  }
0x437: {  	[tilespmem:v5+s26+$0x0] =	vst.idx.msk $0xffff, v2;
	v2 =	vadd.f32 v6, v36;
	v6 =	vld [tilespmem:s0+$0xFFFFFE90];
	v5 =	vadd.s32 v11, v52  }
0x438: {  	[tilespmem:v54+s26+$0x0] =	vst.idx.msk $0xffff, v0;
	v0 =	vadd.f32 v62, v36;
	v54 =	vadd.s32 v23, v46;
	v23 =	vld [tilespmem:$0x1FF20]  }
0x439: {  	v60 =	vld [tilespmem:s0+$0xFFFFFED0];
	v55 =	vadd.s32 v14, v50;
	[tilespmem:v56+s26+$0x0] =	vst.idx.msk $0xffff, v2;
	v2 =	vadd.f32 v57, v36  }
0x43a: {  	v56 =	vadd.s32 v15, v51;
	[tilespmem:v3+s26+$0x0] =	vst.idx.msk $0xffff, v0;
	v0 =	vadd.f32 v53, v34  }
0x43b: {  	v57 =	vld [tilespmem:s0+$0xFFFFFF10];
	v3 =	vadd.s32 v19, v49;
	[tilespmem:v58+s26+$0x0] =	vst.idx.msk $0xffff, v2;
	v2 =	vadd.f32 v59, v36  }
0x43c: {  	v4 =	vadd.f32 v4, v35;
	v53 =	vld [tilespmem:s0+$0xFFFFFF50];
	[tilespmem:v5+s26+$0x0] =	vst.idx.msk $0xffff, v0  }
0x43d: {  	v62 =	vld [tilespmem:s0+$0xFFFFFF90];
	v61 =	vadd.s32 v23, v47;
	v0 =	vadd.f32 v6, v35;
	[tilespmem:v54+s26+$0x0] =	vst.idx.msk $0xffff, v2  }
0x43e: {  	v5 =	vadd.s32 v27, v42;
	[tilespmem:v55+s26+$0x0] =	vst.idx.msk $0xffff, v4;
	v4 =	vadd.f32 v60, v35;
	v2 =	vld [tilespmem:s0+$0x1F0]  }
0x43f: {  	v52 =	vadd.s32 v18, v52;
	v6 =	vadd.s32 v31, v39;
	v54 =	vld [tilespmem:s0+$0xFFFFFFD0];
	[tilespmem:v56+s26+$0x0] =	vst.idx.msk $0xffff, v0  }
0x440: {  	v58 =	vadd.s32 v19, v40;
	v60 =	vld [tilespmem:s0+$0x10];
	v0 =	vadd.f32 v57, v35;
	[tilespmem:v3+s26+$0x0] =	vst.idx.msk $0xffff, v4  }
0x441: {  	v4 =	vadd.s32 v22, v48;
	v56 =	vadd.s32 v8, v37;
	v3 =	vadd.f32 v53, v35;
	v53 =	vld [tilespmem:s0+$0x50]  }
0x442: {  	[tilespmem:v61+s26+$0x0] =	vst.idx.msk $0xffff, v0;
	v0 =	vadd.f32 v62, v35;
	v61 =	vadd.s32 v7, v44;
	v62 =	vld [tilespmem:s0+$0x90]  }
0x443: {  	[tilespmem:v5+s26+$0x0] =	vst.idx.msk $0xffff, v3;
	v3 =	vadd.s32 v14, v45;
	v5 =	vld [tilespmem:s0+$0xD0];
	v2 =	vadd.f32 v2, v33  }
0x444: {  	[tilespmem:v6+s26+$0x0] =	vst.idx.msk $0xffff, v0;
	v0 =	vadd.f32 v54, v35;
	v6 =	vadd.s32 v15, v43;
	v54 =	vld [tilespmem:s0+$0x110]  }
0x445: {  	v55 =	vadd.f32 v60, v35;
	v60 =	vld [tilespmem:s0+$0x150];
	[tilespmem:v52+s26+$0x0] =	vst.idx.msk $0xffff, v2;
	v2 =	vadd.s32 v23, v41  }
0x446: {  	[tilespmem:v4+s26+$0x0] =	vst.idx.msk $0xffff, v0;
	v0 =	vadd.f32 v53, v35;
	v4 =	vld [tilespmem:s0+$0x190];
	v53 =	vadd.s32 v12, v50  }
0x447: {  	v52 =	vld [tilespmem:s0+$0xFFFFFE10];
	[tilespmem:v61+s26+$0x0] =	vst.idx.msk $0xffff, v55;
	v61 =	vadd.f32 v62, v35;
	v55 =	vadd.s32 v27, v38  }
0x448: {  	v62 =	vld [tilespmem:s0+$0xFFFFFE60];
	[tilespmem:v3+s26+$0x0] =	vst.idx.msk $0xffff, v0;
	v0 =	vadd.f32 v5, v35;
	v3 =	vadd.s32 v31, v46  }
0x449: {  	v5 =	vadd.s32 v7, v37;
	[tilespmem:v6+s26+$0x0] =	vst.idx.msk $0xffff, v61;
	v6 =	vadd.f32 v54, v35  }
0x44a: {  	v57 =	vld [tilespmem:s0+$0xFFFFFEA0];
	v37 =	vadd.s32 v9, v37;
	[tilespmem:v58+s26+$0x0] =	vst.idx.msk $0xffff, v0;
	v0 =	vadd.f32 v60, v35  }
0x44b: {  	v54 =	vld [tilespmem:s0+$0xFFFFFEE0];
	v58 =	vadd.s32 v16, v51;
	[tilespmem:v2+s26+$0x0] =	vst.idx.msk $0xffff, v6;
	v2 =	vadd.f32 v4, v35  }
0x44c: {  	v60 =	vld [tilespmem:s0+$0xFFFFFF20];
	v4 =	vadd.f32 v52, v35;
	v6 =	vadd.s32 v20, v49;
	[tilespmem:v55+s26+$0x0] =	vst.idx.msk $0xffff, v0  }
0x44d: {  	v61 =	vld [tilespmem:s0+$0xFFFFFF60];
	v49 =	vadd.s32 v21, v49;
	v0 =	vadd.f32 v62, v34;
	[tilespmem:v3+s26+$0x0] =	vst.idx.msk $0xffff, v2  }
0x44e: {  	v55 =	vadd.s32 v24, v47;
	v47 =	vadd.s32 v25, v47;
	[tilespmem:v5+s26+$0x0] =	vst.idx.msk $0xffff, v4  }
0x44f: {  	v62 =	vld [tilespmem:s0+$0xFFFFFFA0];
	v2 =	vadd.f32 v57, v34;
	v3 =	vadd.s32 v28, v42;
	v5 =	vadd.s32 v32, v39  }
0x450: {  	v4 =	vld [tilespmem:s0+$0xFFFFFFE0];
	v42 =	vadd.s32 v29, v42;
	[tilespmem:v53+s26+$0x0] =	vst.idx.msk $0xffff, v0;
	v0 =	vadd.f32 v54, v34  }
0x451: {  	v53 =	vld [tilespmem:s0+$0x20];
	v54 =	vadd.s32 v11, v48;
	[tilespmem:v58+s26+$0x0] =	vst.idx.msk $0xffff, v2;
	v2 =	vadd.f32 v60, v34  }
0x452: {  	v48 =	vadd.s32 v18, v48;
	v60 =	vld [tilespmem:s0+$0x60];
	[tilespmem:v6+s26+$0x0] =	vst.idx.msk $0xffff, v0;
	v0 =	vadd.f32 v61, v34  }
0x453: {  	v6 =	vadd.s32 v8, v44;
	v61 =	vld [tilespmem:s0+$0xA0];
	v44 =	vadd.s32 v9, v44;
	[tilespmem:v55+s26+$0x0] =	vst.idx.msk $0xffff, v2  }
0x454: {  	v2 =	vadd.f32 v62, v34;
	v55 =	vadd.s32 v12, v45;
	v62 =	vld [tilespmem:s0+$0xE0];
	v45 =	vadd.s32 v13, v45  }
0x455: {  	[tilespmem:v3+s26+$0x0] =	vst.idx.msk $0xffff, v0;
	v0 =	vadd.f32 v4, v34;
	v3 =	vadd.s32 v16, v43;
	v4 =	vld [tilespmem:s0+$0x120]  }
0x456: {  	[tilespmem:v5+s26+$0x0] =	vst.idx.msk $0xffff, v2;
	v2 =	vadd.f32 v53, v34;
	v5 =	vadd.s32 v20, v40;
	v53 =	vld [tilespmem:s0+$0x160]  }
0x457: {  	v57 =	vld [tilespmem:s0+$0x1A0];
	[tilespmem:v54+s26+$0x0] =	vst.idx.msk $0xffff, v0;
	v0 =	vadd.f32 v60, v34;
	v54 =	vadd.s32 v24, v41  }
0x458: {  	v60 =	vld [tilespmem:s0+$0xFFFFFE20];
	[tilespmem:v6+s26+$0x0] =	vst.idx.msk $0xffff, v2;
	v2 =	vadd.f32 v61, v34;
	v6 =	vadd.s32 v28, v38  }
0x459: {  	v61 =	vld [tilespmem:s0+$0xFFFFFE70];
	[tilespmem:v55+s26+$0x0] =	vst.idx.msk $0xffff, v0;
	v0 =	vadd.f32 v62, v34;
	v55 =	vadd.s32 v32, v46  }
0x45a: {  	v41 =	vadd.s32 v25, v41;
	v62 =	vld [tilespmem:s0+$0xFFFFFEB0];
	[tilespmem:v3+s26+$0x0] =	vst.idx.msk $0xffff, v2;
	v2 =	vadd.f32 v4, v34  }
0x45b: {  	v3 =	vadd.s32 v13, v50;
	v4 =	vld [tilespmem:s0+$0xFFFFFEF0];
	[tilespmem:v5+s26+$0x0] =	vst.idx.msk $0xffff, v0;
	v0 =	vadd.f32 v53, v34  }
0x45c: {  	v50 =	vadd.s32 v17, v51;
	v51 =	vld [tilespmem:s0+$0xFFFFFF30];
	[tilespmem:v54+s26+$0x0] =	vst.idx.msk $0xffff, v2;
	v2 =	vadd.f32 v57, v34  }
0x45d: {  	s19 =	sadd.s32 $0x1, s1;
	v38 =	vadd.s32 v29, v38;
	v58 =	vadd.f32 v60, v34;
	v60 =	vld [tilespmem:s0+$0xFFFFFF70];
	[tilespmem:v6+s26+$0x0] =	vst.idx.msk $0xffff, v0  }
0x45e: {  	v46 =	vadd.s32 v10, v46;
	v0 =	vmov s19;
	s19 =	sadd.s32 $0x2, s1;
	v6 =	vadd.f32 v61, v33;
	v61 =	vld [tilespmem:s0+$0xFFFFFFB0];
	[tilespmem:v55+s26+$0x0] =	vst.idx.msk $0xffff, v2  }
0x45f: {  	v5 =	vmov s1;
	v2 =	vmov s19;
	s19 =	sadd.s32 $0x3, s1;
	[tilespmem:v56+s26+$0x0] =	vst.idx.msk $0xffff, v58;
	v62 =	vadd.f32 v62, v33;
	v55 =	vld [tilespmem:s0+$0xFFFFFFF0]  }
0x460: {  	v56 =	vmov s19;
	s19 =	sadd.s32 $0x4, s1;
	[tilespmem:v3+s26+$0x0] =	vst.idx.msk $0xffff, v6;
	v3 =	vadd.f32 v4, v33;
	v4 =	vadd.s32 v10, v39;
	v6 =	vld [tilespmem:s0+$0x30]  }
0x461: {  	v5 =	vshrl.u32 v5, $0x3;
	v59 =	vadd.f32 v51, v33;
	v51 =	vld [tilespmem:s0+$0x70];
	v39 =	vmov s19;
	s19 =	sadd.s32 $0x5, s1;
	[tilespmem:v50+s26+$0x0] =	vst.idx.msk $0xffff, v62  }
0x462: {  	v5 =	vshll.u32 v5, v1;
	v53 =	vmov s19;
	s19 =	sadd.s32 $0x6, s1;
	[tilespmem:v49+s26+$0x0] =	vst.idx.msk $0xffff, v3;
	v3 =	vadd.f32 v60, v33;
	v60 =	vld [tilespmem:s0+$0xB0]  }
0x463: {  	v50 =	vshrl.u32 v2, $0x3;
	[tilespmem:v47+s26+$0x0] =	vst.idx.msk $0xffff, v59;
	v47 =	vld [tilespmem:s0+$0x1B0];
	v54 =	vmov s19;
	s19 =	sadd.s32 $0x7, s1;
	v61 =	vadd.f32 v61, v33  }
0x464: {  	v62 =	vld [tilespmem:s0+$0xF0];
	v52 =	vmov s19;
	s19 =	sadd.s32 $0x8, s1;
	[tilespmem:v42+s26+$0x0] =	vst.idx.msk $0xffff, v3;
	v3 =	vadd.f32 v55, v33;
	v42 =	vadd.s32 v17, v43  }
0x465: {  	s17 =	sadd.s32 $0xD, s1;
	v43 =	vld [tilespmem:s0+$0x130];
	v49 =	vshrl.u32 v54, $0x3;
	v55 =	vmov s19;
	[tilespmem:v4+s26+$0x0] =	vst.idx.msk $0xffff, v61;
	v4 =	vadd.f32 v6, v33  }
0x466: {  	s19 =	sadd.s32 $0x9, s1;
	v6 =	vadd.s32 v21, v40;
	v40 =	vld [tilespmem:s0+$0x170];
	v61 =	vmov s17;
	[tilespmem:v48+s26+$0x0] =	vst.idx.msk $0xffff, v3;
	v3 =	vadd.f32 v51, v33  }
0x467: {  	v57 =	vmov s19;
	v48 =	vld [tilespmem:s0+$0xFFFFFE30];
	v51 =	vshrl.u32 v39, $0x3;
	[tilespmem:v44+s26+$0x0] =	vst.idx.msk $0xffff, v4;
	v4 =	vadd.f32 v60, v33  }
0x468: {  	s19 =	sadd.s32 $0xA, s1;
	v39 =	vshrl.u32 v61, $0x3;
	v44 =	vshrl.u32 v0, $0x3;
	v0 =	vadd.f32 v47, v33;
	[tilespmem:v45+s26+$0x0] =	vst.idx.msk $0xffff, v3  }
0x469: {  	p1 =	slt.u32 s1, $0x70;
	v58 =	vmov s19;
	s19 =	sadd.s32 $0xB, s1;
	v47 =	vshrl.u32 v55, $0x3;
	v3 =	vadd.f32 v62, v33;
	[tilespmem:v42+s26+$0x0] =	vst.idx.msk $0xffff, v4  }
.Ltmp5:
0x46a: {  	v59 =	vmov s19;
	s19 =	sadd.s32 $0xC, s1;
	v45 =	vshrl.u32 v56, $0x3;
	v4 =	vadd.f32 v43, v33;
	[tilespmem:v46+s26+$0x0] =	vst.idx.msk $0xffff, v0;
	(pc) =	sbr.rel @p1 .LBB2_11-.Ltmp5, $4  }
0x46b: {  	v60 =	vmov s19;
	v46 =	vshrl.u32 v52, $0x3;
	[tilespmem:v6+s26+$0x0] =	vst.idx.msk $0xffff, v3;
	v3 =	vadd.f32 v40, v33  }
0x46c: {  	s19 =	sadd.s32 $0xE, s1;
	v42 =	vshrl.u32 v58, $0x3;
	v43 =	vshrl.u32 v59, $0x3;
	[tilespmem:v41+s26+$0x0] =	vst.idx.msk $0xffff, v4;
	v2 =	vadd.f32 v48, v33  }
0x46d: {  	v62 =	vmov s19;
	v48 =	vshrl.u32 v53, $0x3;
	v41 =	vshrl.u32 v60, $0x3;
	[tilespmem:v38+s26+$0x0] =	vst.idx.msk $0xffff, v3  }
0x46e: {  	s17 =	sadd.s32 $0xF, s1;
	s1 =	sadd.s32 $0x10, s1;
	v40 =	vshrl.u32 v62, $0x3;
	v38 =	vshrl.u32 v57, $0x3;
	[tilespmem:v37+s26+$0x0] =	vst.idx.msk $0xffff, v2;
	v37 =	vbroadcast v5, $0x0  }
0x46f: {  	v22 =	vld [tilespmem:$0x1FFB0]  }
0x470: {  	v3 =	vmov s17;
	v30 =	vld [tilespmem:$0x1FE60]  }
0x471: {  	v0 =	vshll.u32 v44, v1;
	v2 =	vshll.u32 v50, v1;
	s0 =	sadd.s32 $0x400, s0;
	v19 =	vld [tilespmem:$0x1FEA0];
	v3 =	vshrl.u32 v3, $0x3  }
0x472: {  	v4 =	vshll.u32 v45, v1;
	v5 =	vshll.u32 v51, v1;
	v62 =	vld [tilespmem:s0+$0xFFFFFE00];
	v3 =	vshll.u32 v3, v1  }
0x473: {  	v44 =	vshll.u32 v49, v1;
	v45 =	vshll.u32 v46, v1;
	v61 =	vld [tilespmem:s0+$0x1C0];
	v3 =	vbroadcast v3, $0x0  }
0x474: {  	v46 =	vshll.u32 v47, v1;
	v49 =	vshll.u32 v38, v1;
	v53 =	vadd.s32 v63, v37  }
0x475: {  	v51 =	vshll.u32 v43, v1;
	v60 =	vld [tilespmem:s0+$0xFFFFFE40];
	v38 =	vbroadcast v0, $0x0;
	v52 =	vadd.s32 v22, v3  }
0x476: {  	v54 =	vld [tilespmem:s0+$0xFFFFFE80];
	v43 =	vbroadcast v2, $0x0;
	v2 =	vshll.u32 v39, v1;
	v39 =	vbroadcast v4, $0x0  }
0x477: {  	v15 =	vld [tilespmem:$0x1FF10];
	v4 =	vshll.u32 v40, v1;
	v55 =	vadd.s32 v30, v38;
	v47 =	vadd.f32 v62, v36  }
0x478: {  	v26 =	vld [tilespmem:$0x1FFC0];
	v40 =	vbroadcast v5, $0x0;
	v57 =	vadd.s32 v19, v43;
	v5 =	vadd.f32 v61, v36  }
0x479: {  	v6 =	vshll.u32 v48, v1;
	v56 =	vld [tilespmem:s0+$0xFFFFFEC0];
	[tilespmem:v53+s26+$0x0] =	vst.idx.msk $0xffff, v47  }
0x47a: {  	v0 =	vshll.u32 v41, v1;
	v58 =	vld [tilespmem:s0+$0xFFFFFF00];
	v41 =	vbroadcast v6, $0x0;
	v6 =	vadd.f32 v60, v36;
	[tilespmem:v52+s26+$0x0] =	vst.idx.msk $0xffff, v5  }
0x47b: {  	v5 =	vadd.f32 v54, v36;
	v23 =	vld [tilespmem:$0x1FF50]  }
0x47c: {  	v59 =	vld [tilespmem:s0+$0xFFFFFF40];
	v60 =	vadd.s32 v15, v40;
	[tilespmem:v55+s26+$0x0] =	vst.idx.msk $0xffff, v6  }
0x47d: {  	v50 =	vshll.u32 v42, v1;
	v14 =	vld [tilespmem:$0x1FFD0];
	[tilespmem:v57+s26+$0x0] =	vst.idx.msk $0xffff, v5  }
0x47e: {  	v42 =	vbroadcast v44, $0x0;
	v44 =	vbroadcast v45, $0x0;
	v48 =	vadd.s32 v26, v39;
	v62 =	vld [tilespmem:$0x1FE10]  }
0x47f: {  	v45 =	vbroadcast v46, $0x0;
	v6 =	vadd.f32 v56, v36;
	v56 =	vld [tilespmem:s0+$0x0];
	v5 =	vadd.f32 v58, v36  }
0x480: {  	v61 =	vld [tilespmem:s0+$0xFFFFFF80];
	v52 =	vadd.s32 v23, v41  }
0x481: {  	v53 =	vld [tilespmem:s0+$0x1D0];
	[tilespmem:v60+s26+$0x0] =	vst.idx.msk $0xffff, v5;
	v60 =	vadd.s32 v63, v45  }
0x482: {  	v46 =	vbroadcast v49, $0x0;
	v55 =	vld [tilespmem:s0+$0xFFFFFFC0];
	v54 =	vadd.s32 v14, v42  }
0x483: {  	v47 =	vbroadcast v50, $0x0;
	[tilespmem:v48+s26+$0x0] =	vst.idx.msk $0xffff, v6;
	v6 =	vadd.f32 v59, v36;
	v59 =	vld [tilespmem:s0+$0x40];
	v57 =	vadd.s32 v62, v3  }
0x484: {  	v50 =	vbroadcast v0, $0x0;
	v58 =	vadd.s32 v22, v44;
	v0 =	vadd.f32 v56, v36  }
0x485: {  	v5 =	vadd.f32 v61, v36;
	v61 =	vld [tilespmem:s0+$0x80];
	[tilespmem:v52+s26+$0x0] =	vst.idx.msk $0xffff, v6;
	v6 =	vadd.s32 v30, v46  }
0x486: {  	v48 =	vbroadcast v51, $0x0;
	v51 =	vadd.f32 v53, v35;
	[tilespmem:v60+s26+$0x0] =	vst.idx.msk $0xffff, v0;
	v52 =	vld [tilespmem:s0+$0xC0]  }
0x487: {  	v53 =	vadd.s32 v19, v47;
	[tilespmem:v54+s26+$0x0] =	vst.idx.msk $0xffff, v5;
	v5 =	vadd.f32 v55, v36;
	v54 =	vld [tilespmem:s0+$0x100]  }
0x488: {  	v49 =	vbroadcast v2, $0x0;
	v56 =	vld [tilespmem:s0+$0x140];
	v2 =	vadd.f32 v59, v36;
	v55 =	vadd.s32 v26, v48;
	[tilespmem:v57+s26+$0x0] =	vst.idx.msk $0xffff, v51  }
0x489: {  	v59 =	vld [tilespmem:s0+$0x180];
	[tilespmem:v58+s26+$0x0] =	vst.idx.msk $0xffff, v5;
	v5 =	vadd.s32 v15, v50  }
0x48a: {  	v0 =	vadd.f32 v61, v36;
	v51 =	vbroadcast v4, $0x0;
	v4 =	vld [tilespmem:s0+$0xFFFFFE50];
	v58 =	vadd.s32 v23, v49;
	[tilespmem:v6+s26+$0x0] =	vst.idx.msk $0xffff, v2  }
0x48b: {  	v2 =	vadd.f32 v52, v36;
	v19 =	vld [tilespmem:$0x1FFE0]  }
0x48c: {  	v57 =	vld [tilespmem:s0+$0x1E0];
	[tilespmem:v53+s26+$0x0] =	vst.idx.msk $0xffff, v0;
	v0 =	vadd.f32 v54, v36  }
0x48d: {  	v30 =	vld [tilespmem:$0x1FE70];
	[tilespmem:v55+s26+$0x0] =	vst.idx.msk $0xffff, v2;
	v2 =	vadd.f32 v56, v36  }
0x48e: {  	v53 =	vadd.s32 v14, v51;
	v14 =	vld [tilespmem:$0x1FEB0];
	[tilespmem:v5+s26+$0x0] =	vst.idx.msk $0xffff, v0  }
0x48f: {  	v15 =	vld [tilespmem:$0x1FEE0];
	[tilespmem:v58+s26+$0x0] =	vst.idx.msk $0xffff, v2  }
0x490: {  	v11 =	vld [tilespmem:$0x1FF20];
	v6 =	vadd.s32 v19, v3  }
0x491: {  	v52 =	vld [tilespmem:s0+$0xFFFFFE90]  }
0x492: {  	v60 =	vld [tilespmem:s0+$0xFFFFFED0];
	v54 =	vadd.s32 v30, v38  }
0x493: {  	v56 =	vld [tilespmem:s0+$0xFFFFFF10];
	v0 =	vadd.f32 v57, v34;
	v55 =	vadd.s32 v14, v43  }
0x494: {  	v57 =	vld [tilespmem:s0+$0xFFFFFF50];
	v2 =	vadd.f32 v59, v36;
	v5 =	vadd.s32 v15, v39  }
0x495: {  	v4 =	vadd.f32 v4, v35;
	v58 =	vld [tilespmem:s0+$0xFFFFFF90];
	v36 =	vadd.s32 v11, v40;
	[tilespmem:v6+s26+$0x0] =	vst.idx.msk $0xffff, v0  }
0x496: {  	[tilespmem:v53+s26+$0x0] =	vst.idx.msk $0xffff, v2;
	v0 =	vadd.f32 v52, v35;
	v6 =	vadd.s32 v27, v41;
	v2 =	vld [tilespmem:s0+$0x1F0]  }
0x497: {  	v61 =	vld [tilespmem:s0+$0xFFFFFFD0];
	v52 =	vadd.s32 v31, v42;
	[tilespmem:v54+s26+$0x0] =	vst.idx.msk $0xffff, v4;
	v4 =	vadd.f32 v60, v35  }
0x498: {  	v3 =	vadd.s32 v18, v3;
	v54 =	vld [tilespmem:s0+$0x10];
	[tilespmem:v55+s26+$0x0] =	vst.idx.msk $0xffff, v0;
	v0 =	vadd.f32 v56, v35  }
0x499: {  	v55 =	vld [tilespmem:s0+$0x50];
	[tilespmem:v5+s26+$0x0] =	vst.idx.msk $0xffff, v4;
	v4 =	vadd.f32 v57, v35;
	v5 =	vadd.s32 v62, v44  }
0x49a: {  	v60 =	vld [tilespmem:s0+$0x90];
	v62 =	vadd.s32 v7, v45;
	[tilespmem:v36+s26+$0x0] =	vst.idx.msk $0xffff, v0;
	v0 =	vadd.f32 v58, v35  }
0x49b: {  	[tilespmem:v6+s26+$0x0] =	vst.idx.msk $0xffff, v4;
	v4 =	vadd.s32 v30, v46;
	v6 =	vld [tilespmem:s0+$0xD0];
	v2 =	vadd.f32 v2, v33  }
0x49c: {  	[tilespmem:v52+s26+$0x0] =	vst.idx.msk $0xffff, v0;
	v0 =	vadd.f32 v61, v35;
	v52 =	vadd.s32 v14, v47;
	v61 =	vld [tilespmem:s0+$0x110]  }
0x49d: {  	v57 =	vadd.s32 v15, v48;
	v58 =	vld [tilespmem:s0+$0x150];
	v54 =	vadd.f32 v54, v35;
	[tilespmem:v3+s26+$0x0] =	vst.idx.msk $0xffff, v2  }
0x49e: {  	[tilespmem:v5+s26+$0x0] =	vst.idx.msk $0xffff, v0;
	v0 =	vadd.f32 v55, v35;
	v2 =	vadd.s32 v11, v50;
	v3 =	vld [tilespmem:s0+$0x190]  }
0x49f: {  	v5 =	vld [tilespmem:s0+$0xFFFFFE10];
	[tilespmem:v62+s26+$0x0] =	vst.idx.msk $0xffff, v54;
	v62 =	vadd.f32 v60, v35;
	v54 =	vadd.s32 v27, v49  }
0x4a0: {  	v60 =	vld [tilespmem:s0+$0xFFFFFE60];
	[tilespmem:v4+s26+$0x0] =	vst.idx.msk $0xffff, v0;
	v0 =	vadd.f32 v6, v35;
	v4 =	vadd.s32 v31, v51  }
0x4a1: {  	v56 =	vld [tilespmem:s0+$0xFFFFFEA0];
	v6 =	vadd.s32 v7, v37;
	[tilespmem:v52+s26+$0x0] =	vst.idx.msk $0xffff, v62;
	v61 =	vadd.f32 v61, v35  }
0x4a2: {  	v52 =	vadd.s32 v12, v38;
	v62 =	vld [tilespmem:s0+$0xFFFFFEE0];
	[tilespmem:v57+s26+$0x0] =	vst.idx.msk $0xffff, v0;
	v0 =	vadd.f32 v58, v35  }
0x4a3: {  	v57 =	vadd.s32 v16, v43;
	v58 =	vld [tilespmem:s0+$0xFFFFFF20];
	[tilespmem:v2+s26+$0x0] =	vst.idx.msk $0xffff, v61;
	v2 =	vadd.f32 v3, v35  }
0x4a4: {  	v3 =	vadd.f32 v5, v35;
	v5 =	vadd.s32 v20, v39;
	v35 =	vld [tilespmem:s0+$0xFFFFFF60];
	[tilespmem:v54+s26+$0x0] =	vst.idx.msk $0xffff, v0  }
0x4a5: {  	v61 =	vld [tilespmem:s0+$0xFFFFFFA0];
	v0 =	vadd.f32 v60, v34;
	v60 =	vadd.s32 v24, v40;
	[tilespmem:v4+s26+$0x0] =	vst.idx.msk $0xffff, v2  }
0x4a6: {  	[tilespmem:v6+s26+$0x0] =	vst.idx.msk $0xffff, v3;
	v2 =	vadd.f32 v56, v34;
	v3 =	vadd.s32 v28, v41;
	v4 =	vld [tilespmem:s0+$0xFFFFFFE0]  }
0x4a7: {  	v6 =	vadd.s32 v32, v42;
	[tilespmem:v52+s26+$0x0] =	vst.idx.msk $0xffff, v0;
	v0 =	vadd.f32 v62, v34;
	v62 =	vld [tilespmem:s0+$0x20]  }
0x4a8: {  	v59 =	vld [tilespmem:s0+$0x60];
	[tilespmem:v57+s26+$0x0] =	vst.idx.msk $0xffff, v2;
	v2 =	vadd.f32 v58, v34;
	v58 =	vadd.s32 v19, v44  }
0x4a9: {  	[tilespmem:v5+s26+$0x0] =	vst.idx.msk $0xffff, v0;
	v0 =	vadd.f32 v35, v34;
	v5 =	vadd.s32 v8, v45;
	v35 =	vld [tilespmem:s0+$0xA0]  }
0x4aa: {  	v36 =	vadd.s32 v12, v46;
	v54 =	vld [tilespmem:s0+$0xE0];
	[tilespmem:v60+s26+$0x0] =	vst.idx.msk $0xffff, v2;
	v2 =	vadd.f32 v61, v34  }
0x4ab: {  	[tilespmem:v3+s26+$0x0] =	vst.idx.msk $0xffff, v0;
	v0 =	vadd.f32 v4, v34;
	v3 =	vadd.s32 v16, v47;
	v4 =	vld [tilespmem:s0+$0x120]  }
0x4ac: {  	v60 =	vld [tilespmem:s0+$0x160];
	[tilespmem:v6+s26+$0x0] =	vst.idx.msk $0xffff, v2;
	v2 =	vadd.f32 v62, v34;
	v6 =	vadd.s32 v20, v48  }
0x4ad: {  	v53 =	vadd.s32 v24, v50;
	v61 =	vld [tilespmem:s0+$0x1A0];
	[tilespmem:v58+s26+$0x0] =	vst.idx.msk $0xffff, v0;
	v0 =	vadd.f32 v59, v34  }
0x4ae: {  	v62 =	vld [tilespmem:s0+$0xFFFFFE20];
	[tilespmem:v5+s26+$0x0] =	vst.idx.msk $0xffff, v2;
	v2 =	vadd.f32 v35, v34;
	v5 =	vadd.s32 v28, v49  }
0x4af: {  	v35 =	vld [tilespmem:s0+$0xFFFFFE70];
	[tilespmem:v36+s26+$0x0] =	vst.idx.msk $0xffff, v0;
	v0 =	vadd.f32 v54, v34;
	v36 =	vadd.s32 v32, v51  }
0x4b0: {  	v57 =	vld [tilespmem:s0+$0xFFFFFEB0];
	v54 =	vadd.s32 v8, v37;
	[tilespmem:v3+s26+$0x0] =	vst.idx.msk $0xffff, v2;
	v2 =	vadd.f32 v4, v34  }
0x4b1: {  	v3 =	vadd.s32 v13, v38;
	v4 =	vld [tilespmem:s0+$0xFFFFFEF0];
	[tilespmem:v6+s26+$0x0] =	vst.idx.msk $0xffff, v0;
	v0 =	vadd.f32 v60, v34  }
0x4b2: {  	v6 =	vadd.s32 v17, v43;
	v60 =	vld [tilespmem:s0+$0xFFFFFF30];
	[tilespmem:v53+s26+$0x0] =	vst.idx.msk $0xffff, v2;
	v2 =	vadd.f32 v61, v34  }
0x4b3: {  	v39 =	vadd.s32 v21, v39;
	v61 =	vadd.f32 v62, v34;
	v62 =	vld [tilespmem:s0+$0xFFFFFF70];
	[tilespmem:v5+s26+$0x0] =	vst.idx.msk $0xffff, v0  }
0x4b4: {  	v52 =	vld [tilespmem:s0+$0xFFFFFFB0];
	v0 =	vadd.f32 v35, v33;
	v5 =	vadd.s32 v25, v40;
	[tilespmem:v36+s26+$0x0] =	vst.idx.msk $0xffff, v2  }
0x4b5: {  	v53 =	vadd.s32 v29, v41;
	[tilespmem:v54+s26+$0x0] =	vst.idx.msk $0xffff, v61;
	v2 =	vadd.f32 v57, v33;
	v54 =	vld [tilespmem:s0+$0xFFFFFFF0]  }
0x4b6: {  	[tilespmem:v3+s26+$0x0] =	vst.idx.msk $0xffff, v0;
	v0 =	vadd.f32 v4, v33;
	v3 =	vadd.s32 v10, v42;
	v4 =	vld [tilespmem:s0+$0x30]  }
0x4b7: {  	v55 =	vld [tilespmem:s0+$0x70];
	[tilespmem:v6+s26+$0x0] =	vst.idx.msk $0xffff, v2;
	v2 =	vadd.f32 v60, v33;
	v6 =	vadd.s32 v18, v44  }
0x4b8: {  	v56 =	vadd.s32 v9, v45;
	v57 =	vld [tilespmem:s0+$0xB0];
	[tilespmem:v39+s26+$0x0] =	vst.idx.msk $0xffff, v0;
	v0 =	vadd.f32 v62, v33  }
0x4b9: {  	v58 =	vld [tilespmem:s0+$0xF0];
	[tilespmem:v5+s26+$0x0] =	vst.idx.msk $0xffff, v2;
	v2 =	vadd.f32 v52, v33;
	v5 =	vadd.s32 v13, v46  }
0x4ba: {  	v59 =	vadd.s32 v17, v47;
	v60 =	vld [tilespmem:s0+$0x130];
	[tilespmem:v53+s26+$0x0] =	vst.idx.msk $0xffff, v0;
	v0 =	vadd.f32 v54, v33  }
0x4bb: {  	[tilespmem:v3+s26+$0x0] =	vst.idx.msk $0xffff, v2;
	v2 =	vadd.f32 v4, v33;
	v3 =	vadd.s32 v21, v48;
	v4 =	vld [tilespmem:s0+$0x170]  }
0x4bc: {  	v62 =	vld [tilespmem:s0+$0xFFFFFE30];
	[tilespmem:v6+s26+$0x0] =	vst.idx.msk $0xffff, v0;
	v0 =	vadd.f32 v55, v33;
	v6 =	vadd.s32 v25, v50  }
0x4bd: {  	v61 =	vld [tilespmem:s0+$0x1B0];
	v44 =	vadd.s32 v29, v49;
	[tilespmem:v56+s26+$0x0] =	vst.idx.msk $0xffff, v2;
	v2 =	vadd.f32 v57, v33  }
0x4be: {  	v45 =	vadd.s32 v9, v37;
	[tilespmem:v5+s26+$0x0] =	vst.idx.msk $0xffff, v0;
	v0 =	vadd.f32 v58, v33  }
0x4bf: {  	v5 =	vadd.s32 v10, v51;
	[tilespmem:v59+s26+$0x0] =	vst.idx.msk $0xffff, v2;
	v2 =	vadd.f32 v60, v33  }
0x4c0: {  	[tilespmem:v3+s26+$0x0] =	vst.idx.msk $0xffff, v0;
	v0 =	vadd.f32 v4, v33  }
0x4c1: {  	s19 =	sshll.u32 s30, $0x12;
	v3 =	vadd.f32 v62, v33;
	[tilespmem:v6+s26+$0x0] =	vst.idx.msk $0xffff, v2  }
0x4c2: {  	s0 =	sor.u32 s7, s19;
	v2 =	vadd.f32 v61, v33;
	[tilespmem:v44+s26+$0x0] =	vst.idx.msk $0xffff, v0  }
0x4c3: {  	s0 =	sshrl.u32 s0, $0x3;
	[tilespmem:v45+s26+$0x0] =	vst.idx.msk $0xffff, v3  }
0x4c4: {  	s1 =	sadd.s32 s2, s0;
	[tilespmem:v5+s26+$0x0] =	vst.idx.msk $0xffff, v2  }
0x4c5: {  	[hbm4b:s1+s3] =	stream.linear.scatter [tilespmem:s26], [sflag:$0x5], $0x80, $0x38;
	[tilespmem:$0x15A00] =	vst v63  }
0x4c6: {  	s19 =	simm.s32 $0x11688;
	s30 =	sadd.s32 $0x10, s1  }
0x4c7: {  	[hbm4b:s30+s3] =	stream.linear.scatter [tilespmem:s19], [sflag:$0x5], $0x80, $0x38;
	[tilespmem:$0x15A00] =	vst v63  }
0x4c8: {  	s19 =	sadd.s32 $0x20, s1;
	s30 =	simm.s32 $0x11710  }
0x4c9: {  	[hbm4b:s19+s3] =	stream.linear.scatter [tilespmem:s30], [sflag:$0x5], $0x80, $0x38;
	[tilespmem:$0x15A00] =	vst v63  }
0x4ca: {  	s19 =	sadd.s32 $0x30, s1;
	s30 =	simm.s32 $0x11798  }
0x4cb: {  	[hbm4b:s19+s3] =	stream.linear.scatter [tilespmem:s30], [sflag:$0x5], $0x80, $0x38;
	[tilespmem:$0x15A00] =	vst v63  }
0x4cc: {  	s19 =	sadd.s32 $0x40, s1;
	s30 =	simm.s32 $0x11820  }
0x4cd: {  	[hbm4b:s19+s3] =	stream.linear.scatter [tilespmem:s30], [sflag:$0x5], $0x80, $0x38;
	[tilespmem:$0x15A00] =	vst v63  }
0x4ce: {  	s19 =	sadd.s32 $0x50, s1;
	s30 =	simm.s32 $0x118A8  }
0x4cf: {  	[hbm4b:s19+s3] =	stream.linear.scatter [tilespmem:s30], [sflag:$0x5], $0x80, $0x38;
	[tilespmem:$0x15A00] =	vst v63  }
0x4d0: {  	s19 =	sadd.s32 $0x60, s1;
	s30 =	simm.s32 $0x11930  }
0x4d1: {  	[hbm4b:s19+s3] =	stream.linear.scatter [tilespmem:s30], [sflag:$0x5], $0x80, $0x38;
	[tilespmem:$0x15A00] =	vst v63  }
0x4d2: {  	s1 =	sadd.s32 $0x70, s1;
	s19 =	simm.s32 $0x119B8  }
0x4d3: {  	[hbm4b:s1+s3] =	stream.linear.scatter [tilespmem:s19], [sflag:$0x5], $0x80, $0x38;
	[tilespmem:$0x15A00] =	vst v63  }
0x4d4: {  	s30 =	simm.s32 $0x11A40;
	s1 =	sadd.s32 s0, s8  }
0x4d5: {  	[hbm4b:s1+s3] =	stream.linear.scatter [tilespmem:s30], [sflag:$0x5], $0x80, $0x38;
	[tilespmem:$0x15A00] =	vst v63  }
0x4d6: {  	s19 =	sadd.s32 $0x10, s1;
	s30 =	simm.s32 $0x11AC8  }
0x4d7: {  	[hbm4b:s19+s3] =	stream.linear.scatter [tilespmem:s30], [sflag:$0x5], $0x80, $0x38;
	[tilespmem:$0x15A00] =	vst v63  }
0x4d8: {  	s19 =	sadd.s32 $0x20, s1;
	s30 =	simm.s32 $0x11B50  }
0x4d9: {  	[hbm4b:s19+s3] =	stream.linear.scatter [tilespmem:s30], [sflag:$0x5], $0x80, $0x38;
	[tilespmem:$0x15A00] =	vst v63  }
0x4da: {  	s19 =	sadd.s32 $0x30, s1;
	s30 =	simm.s32 $0x11BD8  }
0x4db: {  	[hbm4b:s19+s3] =	stream.linear.scatter [tilespmem:s30], [sflag:$0x5], $0x80, $0x38;
	[tilespmem:$0x15A00] =	vst v63  }
0x4dc: {  	s19 =	sadd.s32 $0x40, s1;
	s30 =	simm.s32 $0x11C60  }
0x4dd: {  	[hbm4b:s19+s3] =	stream.linear.scatter [tilespmem:s30], [sflag:$0x5], $0x80, $0x38;
	[tilespmem:$0x15A00] =	vst v63  }
0x4de: {  	s19 =	sadd.s32 $0x50, s1;
	s30 =	simm.s32 $0x11CE8  }
0x4df: {  	[hbm4b:s19+s3] =	stream.linear.scatter [tilespmem:s30], [sflag:$0x5], $0x80, $0x38;
	[tilespmem:$0x15A00] =	vst v63  }
0x4e0: {  	s19 =	sadd.s32 $0x60, s1;
	s30 =	simm.s32 $0x11D70  }
0x4e1: {  	[hbm4b:s19+s3] =	stream.linear.scatter [tilespmem:s30], [sflag:$0x5], $0x80, $0x38;
	[tilespmem:$0x15A00] =	vst v63  }
0x4e2: {  	s1 =	sadd.s32 $0x70, s1;
	s19 =	simm.s32 $0x11DF8  }
0x4e3: {  	[hbm4b:s1+s3] =	stream.linear.scatter [tilespmem:s19], [sflag:$0x5], $0x80, $0x38;
	[tilespmem:$0x15A00] =	vst v63  }
0x4e4: {  	s30 =	simm.s32 $0x11E80;
	s1 =	sadd.s32 s0, s9  }
0x4e5: {  	[hbm4b:s1+s3] =	stream.linear.scatter [tilespmem:s30], [sflag:$0x5], $0x80, $0x38;
	[tilespmem:$0x15A00] =	vst v63  }
0x4e6: {  	s19 =	sadd.s32 $0x10, s1;
	s30 =	simm.s32 $0x11F08  }
0x4e7: {  	[hbm4b:s19+s3] =	stream.linear.scatter [tilespmem:s30], [sflag:$0x5], $0x80, $0x38;
	[tilespmem:$0x15A00] =	vst v63  }
0x4e8: {  	s19 =	sadd.s32 $0x20, s1;
	s30 =	simm.s32 $0x11F90  }
0x4e9: {  	[hbm4b:s19+s3] =	stream.linear.scatter [tilespmem:s30], [sflag:$0x5], $0x80, $0x38;
	[tilespmem:$0x15A00] =	vst v63  }
0x4ea: {  	s19 =	sadd.s32 $0x30, s1;
	s30 =	simm.s32 $0x12018  }
0x4eb: {  	[hbm4b:s19+s3] =	stream.linear.scatter [tilespmem:s30], [sflag:$0x5], $0x80, $0x38;
	[tilespmem:$0x15A00] =	vst v63  }
0x4ec: {  	s19 =	sadd.s32 $0x40, s1;
	s30 =	simm.s32 $0x120A0  }
0x4ed: {  	[hbm4b:s19+s3] =	stream.linear.scatter [tilespmem:s30], [sflag:$0x5], $0x80, $0x38;
	[tilespmem:$0x15A00] =	vst v63  }
0x4ee: {  	s19 =	sadd.s32 $0x50, s1;
	s30 =	simm.s32 $0x12128  }
0x4ef: {  	[hbm4b:s19+s3] =	stream.linear.scatter [tilespmem:s30], [sflag:$0x5], $0x80, $0x38;
	[tilespmem:$0x15A00] =	vst v63  }
0x4f0: {  	s19 =	sadd.s32 $0x60, s1;
	s30 =	simm.s32 $0x121B0  }
0x4f1: {  	[hbm4b:s19+s3] =	stream.linear.scatter [tilespmem:s30], [sflag:$0x5], $0x80, $0x38;
	[tilespmem:$0x15A00] =	vst v63  }
0x4f2: {  	s1 =	sadd.s32 $0x70, s1;
	s19 =	simm.s32 $0x12238  }
0x4f3: {  	[hbm4b:s1+s3] =	stream.linear.scatter [tilespmem:s19], [sflag:$0x5], $0x80, $0x38;
	[tilespmem:$0x15A00] =	vst v63  }
0x4f4: {  	s30 =	simm.s32 $0x122C0;
	s1 =	sadd.s32 s0, s10  }
0x4f5: {  	[hbm4b:s1+s3] =	stream.linear.scatter [tilespmem:s30], [sflag:$0x5], $0x80, $0x38;
	[tilespmem:$0x15A00] =	vst v63  }
0x4f6: {  	s19 =	sadd.s32 $0x10, s1;
	s30 =	simm.s32 $0x12348  }
0x4f7: {  	[hbm4b:s19+s3] =	stream.linear.scatter [tilespmem:s30], [sflag:$0x5], $0x80, $0x38;
	[tilespmem:$0x15A00] =	vst v63  }
0x4f8: {  	s19 =	sadd.s32 $0x20, s1;
	s30 =	simm.s32 $0x123D0  }
0x4f9: {  	[hbm4b:s19+s3] =	stream.linear.scatter [tilespmem:s30], [sflag:$0x5], $0x80, $0x38;
	[tilespmem:$0x15A00] =	vst v63  }
0x4fa: {  	s19 =	sadd.s32 $0x30, s1;
	s30 =	simm.s32 $0x12458  }
0x4fb: {  	[hbm4b:s19+s3] =	stream.linear.scatter [tilespmem:s30], [sflag:$0x5], $0x80, $0x38;
	[tilespmem:$0x15A00] =	vst v63  }
0x4fc: {  	s19 =	sadd.s32 $0x40, s1;
	s30 =	simm.s32 $0x124E0  }
0x4fd: {  	[hbm4b:s19+s3] =	stream.linear.scatter [tilespmem:s30], [sflag:$0x5], $0x80, $0x38;
	[tilespmem:$0x15A00] =	vst v63  }
0x4fe: {  	s19 =	sadd.s32 $0x50, s1;
	s30 =	simm.s32 $0x12568  }
0x4ff: {  	[hbm4b:s19+s3] =	stream.linear.scatter [tilespmem:s30], [sflag:$0x5], $0x80, $0x38;
	[tilespmem:$0x15A00] =	vst v63  }
0x500: {  	s19 =	sadd.s32 $0x60, s1;
	s30 =	simm.s32 $0x125F0  }
0x501: {  	[hbm4b:s19+s3] =	stream.linear.scatter [tilespmem:s30], [sflag:$0x5], $0x80, $0x38;
	[tilespmem:$0x15A00] =	vst v63  }
0x502: {  	s1 =	sadd.s32 $0x70, s1;
	s19 =	simm.s32 $0x12678  }
0x503: {  	[hbm4b:s1+s3] =	stream.linear.scatter [tilespmem:s19], [sflag:$0x5], $0x80, $0x38;
	[tilespmem:$0x15A00] =	vst v63  }
0x504: {  	s30 =	simm.s32 $0x12700;
	s1 =	sadd.s32 s0, s11  }
0x505: {  	[hbm4b:s1+s3] =	stream.linear.scatter [tilespmem:s30], [sflag:$0x5], $0x80, $0x38;
	[tilespmem:$0x15A00] =	vst v63  }
0x506: {  	s19 =	sadd.s32 $0x10, s1;
	s30 =	simm.s32 $0x12788  }
0x507: {  	[hbm4b:s19+s3] =	stream.linear.scatter [tilespmem:s30], [sflag:$0x5], $0x80, $0x38;
	[tilespmem:$0x15A00] =	vst v63  }
0x508: {  	s19 =	sadd.s32 $0x20, s1;
	s30 =	simm.s32 $0x12810  }
0x509: {  	[hbm4b:s19+s3] =	stream.linear.scatter [tilespmem:s30], [sflag:$0x5], $0x80, $0x38;
	[tilespmem:$0x15A00] =	vst v63  }
0x50a: {  	s19 =	sadd.s32 $0x30, s1;
	s30 =	simm.s32 $0x12898  }
0x50b: {  	[hbm4b:s19+s3] =	stream.linear.scatter [tilespmem:s30], [sflag:$0x5], $0x80, $0x38;
	[tilespmem:$0x15A00] =	vst v63  }
0x50c: {  	s19 =	sadd.s32 $0x40, s1;
	s30 =	simm.s32 $0x12920  }
0x50d: {  	[hbm4b:s19+s3] =	stream.linear.scatter [tilespmem:s30], [sflag:$0x5], $0x80, $0x38;
	[tilespmem:$0x15A00] =	vst v63  }
0x50e: {  	s19 =	sadd.s32 $0x50, s1;
	s30 =	simm.s32 $0x129A8  }
0x50f: {  	[hbm4b:s19+s3] =	stream.linear.scatter [tilespmem:s30], [sflag:$0x5], $0x80, $0x38;
	[tilespmem:$0x15A00] =	vst v63  }
0x510: {  	s19 =	sadd.s32 $0x60, s1;
	s30 =	simm.s32 $0x12A30  }
0x511: {  	[hbm4b:s19+s3] =	stream.linear.scatter [tilespmem:s30], [sflag:$0x5], $0x80, $0x38;
	[tilespmem:$0x15A00] =	vst v63  }
0x512: {  	s1 =	sadd.s32 $0x70, s1;
	s19 =	simm.s32 $0x12AB8  }
0x513: {  	[hbm4b:s1+s3] =	stream.linear.scatter [tilespmem:s19], [sflag:$0x5], $0x80, $0x38;
	[tilespmem:$0x15A00] =	vst v63  }
0x514: {  	s30 =	simm.s32 $0x12B40;
	s1 =	sadd.s32 s0, s12  }
0x515: {  	[hbm4b:s1+s3] =	stream.linear.scatter [tilespmem:s30], [sflag:$0x5], $0x80, $0x38;
	[tilespmem:$0x15A00] =	vst v63  }
0x516: {  	s19 =	sadd.s32 $0x10, s1;
	s30 =	simm.s32 $0x12BC8  }
0x517: {  	[hbm4b:s19+s3] =	stream.linear.scatter [tilespmem:s30], [sflag:$0x5], $0x80, $0x38;
	[tilespmem:$0x15A00] =	vst v63  }
0x518: {  	s19 =	sadd.s32 $0x20, s1;
	s30 =	simm.s32 $0x12C50  }
0x519: {  	[hbm4b:s19+s3] =	stream.linear.scatter [tilespmem:s30], [sflag:$0x5], $0x80, $0x38;
	[tilespmem:$0x15A00] =	vst v63  }
0x51a: {  	s19 =	sadd.s32 $0x30, s1;
	s30 =	simm.s32 $0x12CD8  }
0x51b: {  	[hbm4b:s19+s3] =	stream.linear.scatter [tilespmem:s30], [sflag:$0x5], $0x80, $0x38;
	[tilespmem:$0x15A00] =	vst v63  }
0x51c: {  	s19 =	sadd.s32 $0x40, s1;
	s30 =	simm.s32 $0x12D60  }
0x51d: {  	[hbm4b:s19+s3] =	stream.linear.scatter [tilespmem:s30], [sflag:$0x5], $0x80, $0x38;
	[tilespmem:$0x15A00] =	vst v63  }
0x51e: {  	s19 =	sadd.s32 $0x50, s1;
	s30 =	simm.s32 $0x12DE8  }
0x51f: {  	[hbm4b:s19+s3] =	stream.linear.scatter [tilespmem:s30], [sflag:$0x5], $0x80, $0x38;
	[tilespmem:$0x15A00] =	vst v63  }
0x520: {  	s19 =	sadd.s32 $0x60, s1;
	s30 =	simm.s32 $0x12E70  }
0x521: {  	[hbm4b:s19+s3] =	stream.linear.scatter [tilespmem:s30], [sflag:$0x5], $0x80, $0x38;
	[tilespmem:$0x15A00] =	vst v63  }
0x522: {  	s1 =	sadd.s32 $0x70, s1;
	s19 =	simm.s32 $0x12EF8  }
0x523: {  	[hbm4b:s1+s3] =	stream.linear.scatter [tilespmem:s19], [sflag:$0x5], $0x80, $0x38;
	[tilespmem:$0x15A00] =	vst v63  }
0x524: {  	s30 =	simm.s32 $0x12F80;
	s1 =	sadd.s32 s0, s13  }
0x525: {  	[hbm4b:s1+s3] =	stream.linear.scatter [tilespmem:s30], [sflag:$0x5], $0x80, $0x38;
	[tilespmem:$0x15A00] =	vst v63  }
0x526: {  	s19 =	sadd.s32 $0x10, s1;
	s30 =	simm.s32 $0x13008  }
0x527: {  	[hbm4b:s19+s3] =	stream.linear.scatter [tilespmem:s30], [sflag:$0x5], $0x80, $0x38;
	[tilespmem:$0x15A00] =	vst v63  }
0x528: {  	s19 =	sadd.s32 $0x20, s1;
	s30 =	simm.s32 $0x13090  }
0x529: {  	[hbm4b:s19+s3] =	stream.linear.scatter [tilespmem:s30], [sflag:$0x5], $0x80, $0x38;
	[tilespmem:$0x15A00] =	vst v63  }
0x52a: {  	s19 =	sadd.s32 $0x30, s1;
	s30 =	simm.s32 $0x13118  }
0x52b: {  	[hbm4b:s19+s3] =	stream.linear.scatter [tilespmem:s30], [sflag:$0x5], $0x80, $0x38;
	[tilespmem:$0x15A00] =	vst v63  }
0x52c: {  	s19 =	sadd.s32 $0x40, s1;
	s30 =	simm.s32 $0x131A0  }
0x52d: {  	[hbm4b:s19+s3] =	stream.linear.scatter [tilespmem:s30], [sflag:$0x5], $0x80, $0x38;
	[tilespmem:$0x15A00] =	vst v63  }
0x52e: {  	s19 =	sadd.s32 $0x50, s1;
	s30 =	simm.s32 $0x13228  }
0x52f: {  	[hbm4b:s19+s3] =	stream.linear.scatter [tilespmem:s30], [sflag:$0x5], $0x80, $0x38;
	[tilespmem:$0x15A00] =	vst v63  }
0x530: {  	s19 =	sadd.s32 $0x60, s1;
	s30 =	simm.s32 $0x132B0  }
0x531: {  	[hbm4b:s19+s3] =	stream.linear.scatter [tilespmem:s30], [sflag:$0x5], $0x80, $0x38;
	[tilespmem:$0x15A00] =	vst v63  }
0x532: {  	s1 =	sadd.s32 $0x70, s1;
	s30 =	simm.s32 $0x13338  }
0x533: {  	[hbm4b:s1+s3] =	stream.linear.scatter [tilespmem:s30], [sflag:$0x5], $0x80, $0x38;
	[tilespmem:$0x15A00] =	vst v63  }
0x534: {  	s17 =	simm.s32 $0x133C0;
	s0 =	sadd.s32 s0, s14  }
0x535: {  	[hbm4b:s0+s3] =	stream.linear.scatter [tilespmem:s17], [sflag:$0x5], $0x80, $0x38;
	[tilespmem:$0x15A00] =	vst v63  }
0x536: {  	s19 =	sadd.s32 $0x10, s0;
	s30 =	simm.s32 $0x13448  }
0x537: {  	[hbm4b:s19+s3] =	stream.linear.scatter [tilespmem:s30], [sflag:$0x5], $0x80, $0x38;
	[tilespmem:$0x15A00] =	vst v63  }
0x538: {  	s19 =	sadd.s32 $0x20, s0;
	s30 =	simm.s32 $0x134D0  }
0x539: {  	[hbm4b:s19+s3] =	stream.linear.scatter [tilespmem:s30], [sflag:$0x5], $0x80, $0x38;
	[tilespmem:$0x15A00] =	vst v63  }
0x53a: {  	s19 =	sadd.s32 $0x30, s0;
	s30 =	simm.s32 $0x13558  }
0x53b: {  	[hbm4b:s19+s3] =	stream.linear.scatter [tilespmem:s30], [sflag:$0x5], $0x80, $0x38;
	[tilespmem:$0x15A00] =	vst v63  }
0x53c: {  	s19 =	sadd.s32 $0x40, s0;
	s30 =	simm.s32 $0x135E0  }
0x53d: {  	[hbm4b:s19+s3] =	stream.linear.scatter [tilespmem:s30], [sflag:$0x5], $0x80, $0x38;
	[tilespmem:$0x15A00] =	vst v63  }
0x53e: {  	s19 =	sadd.s32 $0x50, s0;
	s30 =	simm.s32 $0x13668  }
0x53f: {  	[hbm4b:s19+s3] =	stream.linear.scatter [tilespmem:s30], [sflag:$0x5], $0x80, $0x38;
	[tilespmem:$0x15A00] =	vst v63  }
0x540: {  	s17 =	sadd.s32 $0x60, s0;
	s19 =	simm.s32 $0x136F0  }
0x541: {  	[hbm4b:s17+s3] =	stream.linear.scatter [tilespmem:s19], [sflag:$0x5], $0x80, $0x38;
	[tilespmem:$0x15A00] =	vst v63  }
0x542: {  	s0 =	sadd.s32 $0x70, s0;
	s30 =	simm.s32 $0x13778  }
0x543: {  	[hbm4b:s0+s3] =	stream.linear.scatter [tilespmem:s30], [sflag:$0x5], $0x80, $0x38;
	[tilespmem:$0x15A00] =	vst v63  }
0x544: {  	s1 =	simm.s32 @!p0 $0x80;
	s17 =	simm.s32 @!p0 $0xA400;
	s0 =	sadd.s32 @!p0 $0x300, s31  }
0x545: {  	[tilespmem:s17], [sflag:$0x3] =	stream.indirect.gather @!p0 [hbm4b:s4+s1], $0x40, s0, s1, $0xb8;
	[tilespmem:$0x15A00] =	vst v63  }
0x546: {  	_ =	swait.ge [sflag:s16], $0x2000  }
0x547: {  	[sflag:s16] =	ssyncset.done $0x0  }
0x548: {  	[sflag:s16] =	ssyncadd.s32 $0xFFFFE000  }
0x549: {  	_ =	swait.ge [sflag:s23], $0x400  }
0x54a: {  	[sflag:s23] =	ssyncset.done $0x0  }
0x54b: {  	[sflag:s23] =	ssyncadd.s32 $0xFFFFFC00  }
0x54c: {  	_ =	swait.ge [sflag:s23], $0x400  }
0x54d: {  	[sflag:s23] =	ssyncset.done $0x0  }
0x54e: {  	[sflag:s23] =	ssyncadd.s32 $0xFFFFFC00  }
0x54f: {  	_ =	swait.ge [sflag:s23], $0x400  }
0x550: {  	[sflag:s23] =	ssyncset.done $0x0  }
0x551: {  	[sflag:s23] =	ssyncadd.s32 $0xFFFFFC00  }
0x552: {  	_ =	swait.ge [sflag:s23], $0x400  }
0x553: {  	[sflag:s23] =	ssyncset.done $0x0  }
0x554: {  	[sflag:s23] =	ssyncadd.s32 $0xFFFFFC00  }
0x555: {  	_ =	swait.ge [sflag:s23], $0x400  }
0x556: {  	[sflag:s23] =	ssyncset.done $0x0  }
0x557: {  	s19 =	simm.s32 $0x1;
	[sflag:s23] =	ssyncadd.s32 $0xFFFFFC00  }
0x558: {  	v2 =	vmov s19;
	s19 =	simm.s32 $0x4;
	_ =	swait.ge [sflag:s23], $0x400  }
0x559: {  	s30 =	simm.s32 $0x2;
	s31 =	simm.s32 $0x3;
	[sflag:s23] =	ssyncset.done $0x0  }
0x55a: {  	v5 =	vmov s19;
	v2 =	vshrl.u32 v2, $0x3;
	v3 =	vmov s30;
	s30 =	simm.s32 $0x5;
	s17 =	simm.s32 $0x0;
	[sflag:s23] =	ssyncadd.s32 $0xFFFFFC00  }
0x55b: {  	s19 =	simm.s32 $0x7;
	v4 =	vmov s31;
	v6 =	vmov s30;
	s30 =	simm.s32 $0x8;
	v0 =	vmov s17;
	_ =	swait.ge [sflag:s23], $0x400  }
0x55c: {  	v47 =	vmov s19;
	v48 =	vmov s30;
	s30 =	simm.s32 $0xD;
	v0 =	vshrl.u32 v0, $0x3;
	[sflag:s23] =	ssyncset.done $0x0  }
0x55d: {  	v5 =	vshrl.u32 v5, $0x3;
	v53 =	vmov s30;
	v0 =	vshll.u32 v0, v1;
	[sflag:s23] =	ssyncadd.s32 $0xFFFFFC00  }
0x55e: {  	s31 =	simm.s32 $0x6;
	v2 =	vshll.u32 v2, v1;
	s1 =	simm.s32 $0xA;
	v37 =	vbroadcast v0, $0x0;
	v0 =	vshrl.u32 v53, $0x3;
	_ =	swait.ge [sflag:s23], $0x400  }
0x55f: {  	s19 =	simm.s32 $0xC;
	v46 =	vmov s31;
	v50 =	vmov s1;
	s1 =	sshll.u32 s29, $0x6;
	v19 =	vshll.u32 v0, v1;
	[sflag:s23] =	ssyncset.done $0x0;
	v0 =	vld [tilespmem:$0x1FE60]  }
0x560: {  	v52 =	vmov s19;
	s17 =	simm.s32 $0xB;
	s0 =	sand.u32 $0x3FFFFFC0, s1;
	v59 =	vshrl.u32 v50, $0x3;
	v50 =	vbroadcast v2, $0x0;
	v2 =	vld [tilespmem:$0x1FEA0];
	[sflag:s23] =	ssyncadd.s32 $0xFFFFFC00  }
0x561: {  	v3 =	vshrl.u32 v3, $0x3;
	v4 =	vshrl.u32 v4, $0x3;
	v51 =	vmov s17;
	s17 =	simm.s32 $0xF;
	v36 =	vld [tilespmem:s0+$0xE400]  }
0x562: {  	s31 =	simm.s32 $0x9;
	v56 =	vshrl.u32 v47, $0x3;
	v5 =	vshll.u32 v5, v1;
	v60 =	vmov s17;
	v35 =	vld [tilespmem:s0+$0xE410]  }
0x563: {  	v49 =	vmov s31;
	v6 =	vshrl.u32 v6, $0x3;
	v61 =	vshrl.u32 v60, $0x3;
	v34 =	vld [tilespmem:s0+$0xE420]  }
0x564: {  	v55 =	vshrl.u32 v46, $0x3;
	v39 =	vshrl.u32 v52, $0x3;
	v41 =	vshll.u32 v61, v1;
	v33 =	vld [tilespmem:s0+$0xE430];
	s0 =	simm.s32 $0xC600  }
0x565: {  	s31 =	simm.s32 $0xE;
	v3 =	vshll.u32 v3, v1;
	v4 =	vshll.u32 v4, v1;
	v53 =	vbroadcast v41, $0x0;
	v62 =	vld [tilespmem:s0+$0x1C0]  }
0x566: {  	v47 =	vbroadcast v5, $0x0;
	v54 =	vmov s31;
	v57 =	vshrl.u32 v48, $0x3;
	v60 =	vld [tilespmem:s0+$0xFFFFFE00]  }
0x567: {  	v58 =	vshrl.u32 v49, $0x3;
	v23 =	vshll.u32 v39, v1;
	v39 =	vadd.s32 v22, v53;
	v45 =	vld [tilespmem:s0+$0xFFFFFE40]  }
0x568: {  	v38 =	vshrl.u32 v51, $0x3;
	v51 =	vbroadcast v3, $0x0;
	v46 =	vadd.s32 v63, v37;
	v48 =	vld [tilespmem:s0+$0xFFFFFE80]  }
0x569: {  	v49 =	vbroadcast v4, $0x0;
	v40 =	vshrl.u32 v54, $0x3;
	v3 =	vadd.s32 v0, v50  }
0x56a: {  	v26 =	vshll.u32 v40, v1;
	v4 =	vld [tilespmem:$0x1FFC0];
	v40 =	vadd.s32 v2, v51;
	v5 =	vadd.f32 v62, v36  }
0x56b: {  	v6 =	vshll.u32 v6, v1;
	v54 =	vshll.u32 v58, v1;
	v14 =	vld [tilespmem:s0+$0xFFFFFF00];
	v58 =	vadd.f32 v60, v36  }
0x56c: {  	v44 =	vbroadcast v6, $0x0;
	v11 =	vld [tilespmem:$0x1FF10];
	v6 =	vadd.f32 v45, v36;
	[tilespmem:v39+s5+$0x0] =	vst.idx.msk $0xffff, v5  }
0x56d: {  	v43 =	vshll.u32 v56, v1;
	v56 =	vld [tilespmem:s0+$0xFFFFFEC0];
	[tilespmem:v46+s5+$0x0] =	vst.idx.msk $0xffff, v58;
	v5 =	vadd.f32 v48, v36  }
0x56e: {  	v52 =	vshll.u32 v57, v1;
	v57 =	vld [tilespmem:$0x1FF50];
	[tilespmem:v3+s5+$0x0] =	vst.idx.msk $0xffff, v6  }
0x56f: {  	v15 =	vld [tilespmem:$0x1FFD0];
	[tilespmem:v40+s5+$0x0] =	vst.idx.msk $0xffff, v5  }
0x570: {  	v5 =	vadd.f32 v14, v36;
	v14 =	vld [tilespmem:$0x1FE10]  }
0x571: {  	v42 =	vshll.u32 v55, v1;
	v55 =	vshll.u32 v59, v1;
	v59 =	vadd.s32 v4, v49;
	v60 =	vld [tilespmem:s0+$0xFFFFFF40]  }
0x572: {  	v41 =	vbroadcast v42, $0x0;
	v61 =	vadd.s32 v11, v47;
	v62 =	vld [tilespmem:s0+$0xFFFFFF80]  }
0x573: {  	v58 =	vld [tilespmem:s0+$0x1D0];
	v39 =	vadd.s32 v57, v44  }
0x574: {  	v48 =	vbroadcast v43, $0x0;
	v3 =	vadd.f32 v56, v36;
	v56 =	vld [tilespmem:s0+$0xFFFFFFC0];
	v6 =	vadd.s32 v15, v41  }
0x575: {  	v38 =	vshll.u32 v38, v1;
	v45 =	vbroadcast v52, $0x0;
	v43 =	vld [tilespmem:s0+$0x0];
	v52 =	vadd.s32 v14, v53  }
0x576: {  	v46 =	vbroadcast v54, $0x0;
	v22 =	vadd.s32 v22, v48;
	[tilespmem:v59+s5+$0x0] =	vst.idx.msk $0xffff, v3;
	v3 =	vadd.f32 v60, v36;
	v59 =	vld [tilespmem:s0+$0x40]  }
0x577: {  	v54 =	vadd.s32 v63, v45;
	[tilespmem:v61+s5+$0x0] =	vst.idx.msk $0xffff, v5;
	v5 =	vadd.f32 v62, v36  }
0x578: {  	v42 =	vbroadcast v55, $0x0;
	v60 =	vld [tilespmem:s0+$0x80];
	v58 =	vadd.f32 v58, v35;
	[tilespmem:v39+s5+$0x0] =	vst.idx.msk $0xffff, v3;
	v3 =	vadd.s32 v0, v46  }
0x579: {  	v55 =	vld [tilespmem:s0+$0xC0];
	v39 =	vbroadcast v38, $0x0;
	[tilespmem:v6+s5+$0x0] =	vst.idx.msk $0xffff, v5;
	v5 =	vadd.f32 v56, v36  }
0x57a: {  	v40 =	vbroadcast v23, $0x0;
	v6 =	vadd.s32 v2, v42;
	v56 =	vld [tilespmem:s0+$0x100];
	v2 =	vadd.f32 v43, v36;
	[tilespmem:v52+s5+$0x0] =	vst.idx.msk $0xffff, v58  }
0x57b: {  	v62 =	vld [tilespmem:s0+$0x140];
	v38 =	vbroadcast v19, $0x0;
	v0 =	vadd.f32 v59, v36;
	v61 =	vadd.s32 v4, v39;
	[tilespmem:v22+s5+$0x0] =	vst.idx.msk $0xffff, v5  }
0x57c: {  	v5 =	vadd.s32 v11, v40;
	[tilespmem:v54+s5+$0x0] =	vst.idx.msk $0xffff, v2  }
0x57d: {  	v4 =	vld [tilespmem:s0+$0xFFFFFE50];
	v2 =	vadd.f32 v60, v36;
	v54 =	vadd.s32 v57, v38;
	[tilespmem:v3+s5+$0x0] =	vst.idx.msk $0xffff, v0  }
0x57e: {  	v0 =	vadd.f32 v55, v36;
	v22 =	vld [tilespmem:$0x1FFE0]  }
0x57f: {  	v52 =	vld [tilespmem:s0+$0x1E0];
	[tilespmem:v6+s5+$0x0] =	vst.idx.msk $0xffff, v2;
	v2 =	vadd.f32 v56, v36  }
0x580: {  	v43 =	vbroadcast v26, $0x0;
	v57 =	vld [tilespmem:s0+$0x180];
	[tilespmem:v61+s5+$0x0] =	vst.idx.msk $0xffff, v0;
	v0 =	vadd.f32 v62, v36  }
0x581: {  	v11 =	vld [tilespmem:$0x1FEB0];
	[tilespmem:v5+s5+$0x0] =	vst.idx.msk $0xffff, v2  }
0x582: {  	v6 =	vadd.s32 v15, v43;
	v15 =	vld [tilespmem:$0x1FEE0];
	[tilespmem:v54+s5+$0x0] =	vst.idx.msk $0xffff, v0  }
0x583: {  	v19 =	vld [tilespmem:$0x1FF20];
	v3 =	vadd.s32 v22, v53  }
0x584: {  	v55 =	vld [tilespmem:s0+$0xFFFFFE90]  }
0x585: {  	v58 =	vld [tilespmem:s0+$0xFFFFFED0];
	v56 =	vadd.s32 v30, v50  }
0x586: {  	v60 =	vld [tilespmem:s0+$0xFFFFFF10];
	v2 =	vadd.f32 v52, v34;
	v59 =	vadd.s32 v11, v51  }
0x587: {  	v61 =	vld [tilespmem:s0+$0xFFFFFF50];
	v0 =	vadd.f32 v57, v36;
	v5 =	vadd.s32 v15, v49  }
0x588: {  	v4 =	vadd.f32 v4, v35;
	v62 =	vld [tilespmem:s0+$0xFFFFFF90];
	v54 =	vadd.s32 v19, v47;
	[tilespmem:v3+s5+$0x0] =	vst.idx.msk $0xffff, v2  }
0x589: {  	[tilespmem:v6+s5+$0x0] =	vst.idx.msk $0xffff, v0;
	v2 =	vadd.f32 v55, v35;
	v3 =	vadd.s32 v27, v44;
	v0 =	vld [tilespmem:s0+$0x1F0]  }
0x58a: {  	[tilespmem:v56+s5+$0x0] =	vst.idx.msk $0xffff, v4;
	v4 =	vadd.f32 v58, v35;
	v6 =	vadd.s32 v31, v41;
	v55 =	vld [tilespmem:s0+$0xFFFFFFD0]  }
0x58b: {  	v56 =	vld [tilespmem:s0+$0x10];
	v53 =	vadd.s32 v18, v53;
	[tilespmem:v59+s5+$0x0] =	vst.idx.msk $0xffff, v2;
	v2 =	vadd.f32 v60, v35  }
0x58c: {  	[tilespmem:v5+s5+$0x0] =	vst.idx.msk $0xffff, v4;
	v4 =	vadd.f32 v61, v35;
	v5 =	vadd.s32 v14, v48;
	v61 =	vld [tilespmem:s0+$0x50]  }
0x58d: {  	v58 =	vadd.s32 v15, v39;
	v60 =	vld [tilespmem:s0+$0x90];
	[tilespmem:v54+s5+$0x0] =	vst.idx.msk $0xffff, v2;
	v2 =	vadd.f32 v62, v35  }
0x58e: {  	v62 =	vadd.s32 v7, v45;
	[tilespmem:v3+s5+$0x0] =	vst.idx.msk $0xffff, v4;
	v0 =	vadd.f32 v0, v33  }
0x58f: {  	v3 =	vadd.s32 v30, v46;
	v4 =	vld [tilespmem:s0+$0xD0];
	[tilespmem:v6+s5+$0x0] =	vst.idx.msk $0xffff, v2;
	v2 =	vadd.f32 v55, v35  }
0x590: {  	v52 =	vld [tilespmem:s0+$0xFFFFFE10];
	v56 =	vadd.f32 v56, v35;
	v54 =	vadd.s32 v32, v43;
	[tilespmem:v53+s5+$0x0] =	vst.idx.msk $0xffff, v0  }
0x591: {  	v6 =	vadd.s32 v11, v42;
	v55 =	vld [tilespmem:s0+$0x110];
	[tilespmem:v5+s5+$0x0] =	vst.idx.msk $0xffff, v2;
	v0 =	vadd.f32 v61, v35  }
0x592: {  	v59 =	vld [tilespmem:s0+$0x150];
	v2 =	vadd.s32 v19, v40;
	v61 =	vadd.f32 v60, v35;
	v53 =	vadd.s32 v12, v50  }
0x593: {  	v5 =	vld [tilespmem:s0+$0x190];
	v50 =	vadd.s32 v13, v50;
	[tilespmem:v62+s5+$0x0] =	vst.idx.msk $0xffff, v56;
	v62 =	vadd.s32 v27, v38  }
0x594: {  	v56 =	vadd.s32 v8, v37;
	[tilespmem:v3+s5+$0x0] =	vst.idx.msk $0xffff, v0;
	v0 =	vadd.f32 v4, v35  }
0x595: {  	v60 =	vld [tilespmem:s0+$0xFFFFFE60];
	v3 =	vadd.s32 v31, v43;
	v4 =	vadd.s32 v7, v37;
	v43 =	vadd.s32 v10, v43  }
0x596: {  	v57 =	vld [tilespmem:s0+$0xFFFFFEA0];
	v37 =	vadd.s32 v9, v37;
	[tilespmem:v6+s5+$0x0] =	vst.idx.msk $0xffff, v61;
	v6 =	vadd.f32 v55, v35  }
0x597: {  	v55 =	vld [tilespmem:s0+$0xFFFFFEE0];
	[tilespmem:v58+s5+$0x0] =	vst.idx.msk $0xffff, v0;
	v0 =	vadd.f32 v59, v35;
	v58 =	vadd.s32 v16, v51  }
0x598: {  	v61 =	vld [tilespmem:s0+$0xFFFFFF60];
	[tilespmem:v2+s5+$0x0] =	vst.idx.msk $0xffff, v6;
	v2 =	vadd.f32 v5, v35;
	v5 =	vadd.f32 v52, v35  }
0x599: {  	v59 =	vld [tilespmem:s0+$0xFFFFFF20];
	v6 =	vadd.s32 v20, v49;
	v49 =	vadd.s32 v21, v49;
	[tilespmem:v62+s5+$0x0] =	vst.idx.msk $0xffff, v0  }
0x59a: {  	v0 =	vadd.f32 v60, v34;
	v62 =	vadd.s32 v24, v47;
	v60 =	vld [tilespmem:s0+$0xFFFFFFA0];
	[tilespmem:v3+s5+$0x0] =	vst.idx.msk $0xffff, v2  }
0x59b: {  	v47 =	vadd.s32 v25, v47;
	[tilespmem:v4+s5+$0x0] =	vst.idx.msk $0xffff, v5;
	v2 =	vadd.f32 v57, v34;
	v4 =	vld [tilespmem:s0+$0xFFFFFFE0]  }
0x59c: {  	v3 =	vadd.s32 v28, v44;
	v5 =	vadd.s32 v32, v41;
	v57 =	vld [tilespmem:s0+$0x60];
	v44 =	vadd.s32 v29, v44  }
0x59d: {  	v41 =	vadd.s32 v10, v41;
	[tilespmem:v53+s5+$0x0] =	vst.idx.msk $0xffff, v0;
	v0 =	vadd.f32 v55, v34;
	v53 =	vld [tilespmem:s0+$0x20]  }
0x59e: {  	v55 =	vadd.s32 v22, v48;
	[tilespmem:v58+s5+$0x0] =	vst.idx.msk $0xffff, v2;
	v2 =	vadd.f32 v59, v34;
	v58 =	vld [tilespmem:s0+$0xFFFFFE20]  }
0x59f: {  	v52 =	vld [tilespmem:s0+$0xFFFFFE70];
	[tilespmem:v6+s5+$0x0] =	vst.idx.msk $0xffff, v0;
	v0 =	vadd.f32 v61, v34;
	v6 =	vadd.s32 v8, v45  }
0x5a0: {  	v61 =	vld [tilespmem:s0+$0xA0];
	[tilespmem:v62+s5+$0x0] =	vst.idx.msk $0xffff, v2;
	v2 =	vadd.f32 v60, v34;
	v62 =	vadd.s32 v12, v46  }
0x5a1: {  	v48 =	vadd.s32 v18, v48;
	v60 =	vld [tilespmem:s0+$0xE0];
	[tilespmem:v3+s5+$0x0] =	vst.idx.msk $0xffff, v0;
	v0 =	vadd.f32 v4, v34  }
0x5a2: {  	v3 =	vld [tilespmem:s0+$0x120];
	[tilespmem:v5+s5+$0x0] =	vst.idx.msk $0xffff, v2;
	v2 =	vadd.f32 v53, v34;
	v5 =	vadd.s32 v16, v42  }
0x5a3: {  	v4 =	vld [tilespmem:s0+$0x160];
	[tilespmem:v55+s5+$0x0] =	vst.idx.msk $0xffff, v0;
	v0 =	vadd.f32 v57, v34;
	v55 =	vadd.s32 v20, v39  }
0x5a4: {  	v53 =	vld [tilespmem:s0+$0x1A0];
	v57 =	vadd.s32 v24, v40;
	v52 =	vadd.f32 v52, v33;
	[tilespmem:v6+s5+$0x0] =	vst.idx.msk $0xffff, v2  }
0x5a5: {  	v59 =	vld [tilespmem:s0+$0xFFFFFEB0];
	v2 =	vadd.f32 v61, v34;
	v6 =	vadd.s32 v28, v38;
	[tilespmem:v62+s5+$0x0] =	vst.idx.msk $0xffff, v0  }
0x5a6: {  	v45 =	vadd.s32 v9, v45;
	v0 =	vadd.f32 v60, v34;
	v60 =	vld [tilespmem:s0+$0xFFFFFEF0];
	[tilespmem:v50+s5+$0x0] =	vst.idx.msk $0xffff, v52  }
0x5a7: {  	v46 =	vadd.s32 v13, v46;
	v62 =	vld [tilespmem:s0+$0x30];
	v3 =	vadd.f32 v3, v34;
	[tilespmem:v5+s5+$0x0] =	vst.idx.msk $0xffff, v2  }
0x5a8: {  	s19 =	simm.s32 $0x10;
	v4 =	vadd.f32 v4, v34;
	v5 =	vadd.s32 v17, v51;
	v51 =	vld [tilespmem:s0+$0xFFFFFF30];
	[tilespmem:v55+s5+$0x0] =	vst.idx.msk $0xffff, v0  }
0x5a9: {  	v42 =	vadd.s32 v17, v42;
	v2 =	vmov s19;
	v53 =	vadd.f32 v53, v34;
	v55 =	vld [tilespmem:s0+$0xFFFFFF70];
	[tilespmem:v57+s5+$0x0] =	vst.idx.msk $0xffff, v3  }
0x5aa: {  	v39 =	vadd.s32 v21, v39;
	v0 =	vshrl.u32 v2, $0x3;
	v2 =	vadd.f32 v58, v34;
	v57 =	vld [tilespmem:s0+$0xFFFFFFB0];
	[tilespmem:v6+s5+$0x0] =	vst.idx.msk $0xffff, v4  }
0x5ab: {  	v40 =	vadd.s32 v25, v40;
	v58 =	vld [tilespmem:s0+$0xFFFFFFF0];
	v6 =	vadd.f32 v59, v33;
	[tilespmem:v54+s5+$0x0] =	vst.idx.msk $0xffff, v53  }
0x5ac: {  	s30 =	simm.s32 $0x11;
	s31 =	simm.s32 $0x12;
	v38 =	vadd.s32 v29, v38;
	v61 =	vadd.f32 v60, v33;
	[tilespmem:v56+s5+$0x0] =	vst.idx.msk $0xffff, v2;
	v56 =	vld [tilespmem:s0+$0x70]  }
0x5ad: {  	s17 =	simm.s32 $0x13;
	v3 =	vmov s30;
	s30 =	simm.s32 $0x15;
	v4 =	vmov s31;
	v59 =	vld [tilespmem:s0+$0x170];
	v51 =	vadd.f32 v51, v33;
	[tilespmem:v5+s5+$0x0] =	vst.idx.msk $0xffff, v6  }
0x5ae: {  	s19 =	simm.s32 $0x14;
	v53 =	vmov s17;
	v52 =	vmov s30;
	v50 =	vld [tilespmem:s0+$0x1B0];
	[tilespmem:v49+s5+$0x0] =	vst.idx.msk $0xffff, v61;
	v60 =	vadd.f32 v55, v33  }
0x5af: {  	s31 =	simm.s32 $0x16;
	s17 =	simm.s32 $0x17;
	v0 =	vshll.u32 v0, v1;
	v2 =	vmov s19;
	v6 =	vadd.f32 v57, v33;
	[tilespmem:v47+s5+$0x0] =	vst.idx.msk $0xffff, v51  }
0x5b0: {  	s30 =	simm.s32 $0x19;
	v54 =	vmov s17;
	s19 =	simm.s32 $0x18;
	v5 =	vmov s31;
	v55 =	vld [tilespmem:s0+$0xB0];
	v49 =	vadd.f32 v58, v33;
	[tilespmem:v44+s5+$0x0] =	vst.idx.msk $0xffff, v60  }
0x5b1: {  	s17 =	simm.s32 $0x1B;
	s31 =	simm.s32 $0x1A;
	v57 =	vld [tilespmem:s0+$0xF0];
	v47 =	vmov s19;
	v51 =	vadd.f32 v62, v33;
	v60 =	vmov s30;
	[tilespmem:v41+s5+$0x0] =	vst.idx.msk $0xffff, v6  }
0x5b2: {  	v58 =	vld [tilespmem:s0+$0x130];
	v61 =	vadd.f32 v56, v33;
	v6 =	vmov s31;
	[tilespmem:v48+s5+$0x0] =	vst.idx.msk $0xffff, v49;
	v56 =	vmov s17  }
0x5b3: {  	v41 =	vld [tilespmem:s0+$0xFFFFFE30];
	v62 =	vadd.f32 v59, v33;
	v44 =	vshrl.u32 v3, $0x3;
	v3 =	vadd.f32 v50, v33;
	[tilespmem:v45+s5+$0x0] =	vst.idx.msk $0xffff, v51  }
0x5b4: {  	s31 =	simm.s32 $0x1E;
	v50 =	vshrl.u32 v4, $0x3;
	v47 =	vshrl.u32 v47, $0x3;
	v45 =	vshrl.u32 v53, $0x3;
	[tilespmem:v46+s5+$0x0] =	vst.idx.msk $0xffff, v61  }
0x5b5: {  	v51 =	vshrl.u32 v2, $0x3;
	v61 =	vmov s31;
	[tilespmem:v38+s5+$0x0] =	vst.idx.msk $0xffff, v62;
	v55 =	vadd.f32 v55, v33  }
0x5b6: {  	s19 =	simm.s32 $0x1C;
	v46 =	vshrl.u32 v54, $0x3;
	v38 =	vshrl.u32 v60, $0x3;
	[tilespmem:v43+s5+$0x0] =	vst.idx.msk $0xffff, v3;
	v48 =	vadd.f32 v57, v33  }
0x5b7: {  	s30 =	simm.s32 $0x1D;
	v43 =	vshrl.u32 v56, $0x3;
	v57 =	vmov s19;
	v49 =	vadd.f32 v58, v33;
	[tilespmem:v42+s5+$0x0] =	vst.idx.msk $0xffff, v55  }
0x5b8: {  	v58 =	vmov s30;
	[tilespmem:v39+s5+$0x0] =	vst.idx.msk $0xffff, v48;
	v4 =	vadd.f32 v41, v33;
	v48 =	vshrl.u32 v52, $0x3  }
0x5b9: {  	[tilespmem:v40+s5+$0x0] =	vst.idx.msk $0xffff, v49;
	v49 =	vshrl.u32 v5, $0x3;
	v42 =	vshrl.u32 v6, $0x3;
	v41 =	vshrl.u32 v57, $0x3  }
0x5ba: {  	s1 =	simm.s32 $0x20;
	s17 =	simm.s32 $0x1F;
	v39 =	vshrl.u32 v58, $0x3;
	v40 =	vshrl.u32 v61, $0x3;
	[tilespmem:v37+s5+$0x0] =	vst.idx.msk $0xffff, v4;
	v37 =	vbroadcast v0, $0x0  }
.LBB2_13:
0x5bb: {  	v26 =	vld [tilespmem:$0x1FFB0]  }
0x5bc: {  	v30 =	vld [tilespmem:$0x1FE60]  }
0x5bd: {  	v11 =	vld [tilespmem:$0x1FEA0]  }
0x5be: {  	v14 =	vld [tilespmem:$0x1FFC0]  }
0x5bf: {  	v15 =	vld [tilespmem:$0x1FF10]  }
0x5c0: {  	v3 =	vmov s17;
	v19 =	vld [tilespmem:$0x1FF50]  }
0x5c1: {  	v23 =	vld [tilespmem:$0x1FFD0];
	v3 =	vshrl.u32 v3, $0x3  }
0x5c2: {  	v0 =	vshll.u32 v44, v1;
	v2 =	vshll.u32 v50, v1;
	s0 =	sadd.s32 $0x400, s0;
	v22 =	vld [tilespmem:$0x1FE10];
	v3 =	vshll.u32 v3, v1  }
0x5c3: {  	v4 =	vshll.u32 v45, v1;
	v5 =	vshll.u32 v51, v1;
	v61 =	vld [tilespmem:s0+$0x1C0];
	v52 =	vbroadcast v3, $0x0  }
0x5c4: {  	v6 =	vshll.u32 v48, v1;
	v44 =	vshll.u32 v49, v1;
	v54 =	vshll.u32 v43, v1;
	v3 =	vld [tilespmem:s0+$0xFFFFFE00]  }
0x5c5: {  	v43 =	vld [tilespmem:s0+$0xFFFFFE40];
	v50 =	vbroadcast v0, $0x0;
	v0 =	vshll.u32 v41, v1;
	v41 =	vadd.s32 v26, v52  }
0x5c6: {  	v45 =	vshll.u32 v46, v1;
	v46 =	vshll.u32 v47, v1;
	v55 =	vadd.s32 v63, v37;
	v56 =	vld [tilespmem:s0+$0xFFFFFE80]  }
0x5c7: {  	v53 =	vshll.u32 v42, v1;
	v51 =	vbroadcast v2, $0x0;
	v58 =	vld [tilespmem:s0+$0xFFFFFEC0];
	v57 =	vadd.s32 v30, v50  }
0x5c8: {  	v49 =	vbroadcast v4, $0x0;
	v59 =	vld [tilespmem:s0+$0xFFFFFF00];
	v47 =	vbroadcast v5, $0x0;
	v5 =	vadd.f32 v61, v36  }
0x5c9: {  	v4 =	vshll.u32 v40, v1;
	v62 =	vld [tilespmem:s0+$0xFFFFFF80];
	v40 =	vadd.s32 v11, v51;
	v3 =	vadd.f32 v3, v36  }
0x5ca: {  	v42 =	vbroadcast v6, $0x0;
	v60 =	vadd.s32 v14, v49;
	v61 =	vld [tilespmem:s0+$0xFFFFFF40];
	v6 =	vadd.f32 v43, v36;
	[tilespmem:v41+s5+$0x0] =	vst.idx.msk $0xffff, v5  }
0x5cb: {  	v43 =	vadd.s32 v15, v47;
	[tilespmem:v55+s5+$0x0] =	vst.idx.msk $0xffff, v3;
	v3 =	vadd.f32 v56, v36;
	v56 =	vld [tilespmem:s0+$0xFFFFFFC0]  }
0x5cc: {  	v5 =	vadd.s32 v19, v42;
	[tilespmem:v57+s5+$0x0] =	vst.idx.msk $0xffff, v6;
	v57 =	vld [tilespmem:s0+$0x0]  }
0x5cd: {  	v2 =	vshll.u32 v39, v1;
	v39 =	vbroadcast v44, $0x0;
	v6 =	vadd.f32 v58, v36;
	v41 =	vld [tilespmem:s0+$0x1D0]  }
0x5ce: {  	v38 =	vshll.u32 v38, v1;
	[tilespmem:v40+s5+$0x0] =	vst.idx.msk $0xffff, v3;
	v3 =	vadd.f32 v59, v36;
	v59 =	vld [tilespmem:s0+$0x40]  }
0x5cf: {  	v48 =	vbroadcast v45, $0x0;
	v55 =	vadd.s32 v23, v39;
	[tilespmem:v60+s5+$0x0] =	vst.idx.msk $0xffff, v6;
	v6 =	vadd.f32 v61, v36;
	v61 =	vld [tilespmem:s0+$0x80]  }
0x5d0: {  	v44 =	vbroadcast v46, $0x0;
	v46 =	vadd.s32 v22, v52;
	[tilespmem:v43+s5+$0x0] =	vst.idx.msk $0xffff, v3;
	v3 =	vadd.f32 v62, v36;
	v62 =	vld [tilespmem:s0+$0x100]  }
0x5d1: {  	v58 =	vadd.s32 v26, v48;
	v40 =	vbroadcast v54, $0x0;
	v43 =	vbroadcast v53, $0x0;
	[tilespmem:v5+s5+$0x0] =	vst.idx.msk $0xffff, v6;
	v6 =	vld [tilespmem:s0+$0xC0]  }
0x5d2: {  	v53 =	vadd.f32 v41, v35;
	v41 =	vbroadcast v0, $0x0;
	v0 =	vadd.f32 v57, v36;
	v57 =	vld [tilespmem:s0+$0x140]  }
0x5d3: {  	v45 =	vbroadcast v38, $0x0;
	v60 =	vadd.s32 v63, v44;
	v54 =	vadd.s32 v11, v43;
	v11 =	vld [tilespmem:$0x1FFE0]  }
0x5d4: {  	[tilespmem:v55+s5+$0x0] =	vst.idx.msk $0xffff, v3;
	v3 =	vadd.f32 v56, v36;
	v56 =	vadd.s32 v14, v40;
	v14 =	vld [tilespmem:$0x1FE70]  }
0x5d5: {  	v38 =	vbroadcast v2, $0x0;
	v5 =	vadd.s32 v30, v45;
	v2 =	vadd.f32 v59, v36;
	v59 =	vld [tilespmem:s0+$0x180]  }
0x5d6: {  	[tilespmem:v46+s5+$0x0] =	vst.idx.msk $0xffff, v53;
	v46 =	vbroadcast v4, $0x0;
	v4 =	vld [tilespmem:s0+$0xFFFFFE50]  }
0x5d7: {  	[tilespmem:v58+s5+$0x0] =	vst.idx.msk $0xffff, v3;
	v3 =	vadd.s32 v15, v41;
	v15 =	vld [tilespmem:$0x1FEB0]  }
0x5d8: {  	v53 =	vld [tilespmem:s0+$0x1E0]  }
0x5d9: {  	[tilespmem:v60+s5+$0x0] =	vst.idx.msk $0xffff, v0;
	v0 =	vadd.f32 v61, v36;
	v58 =	vadd.s32 v19, v38;
	v19 =	vld [tilespmem:$0x1FEE0]  }
0x5da: {  	[tilespmem:v5+s5+$0x0] =	vst.idx.msk $0xffff, v2;
	v2 =	vadd.f32 v6, v36;
	v6 =	vld [tilespmem:s0+$0xFFFFFE90];
	v5 =	vadd.s32 v11, v52  }
0x5db: {  	[tilespmem:v54+s5+$0x0] =	vst.idx.msk $0xffff, v0;
	v0 =	vadd.f32 v62, v36;
	v54 =	vadd.s32 v23, v46;
	v23 =	vld [tilespmem:$0x1FF20]  }
0x5dc: {  	v60 =	vld [tilespmem:s0+$0xFFFFFED0];
	v55 =	vadd.s32 v14, v50;
	[tilespmem:v56+s5+$0x0] =	vst.idx.msk $0xffff, v2;
	v2 =	vadd.f32 v57, v36  }
0x5dd: {  	v56 =	vadd.s32 v15, v51;
	[tilespmem:v3+s5+$0x0] =	vst.idx.msk $0xffff, v0;
	v0 =	vadd.f32 v53, v34  }
0x5de: {  	v57 =	vld [tilespmem:s0+$0xFFFFFF10];
	v3 =	vadd.s32 v19, v49;
	[tilespmem:v58+s5+$0x0] =	vst.idx.msk $0xffff, v2;
	v2 =	vadd.f32 v59, v36  }
0x5df: {  	v4 =	vadd.f32 v4, v35;
	v53 =	vld [tilespmem:s0+$0xFFFFFF50];
	[tilespmem:v5+s5+$0x0] =	vst.idx.msk $0xffff, v0  }
0x5e0: {  	v62 =	vld [tilespmem:s0+$0xFFFFFF90];
	v61 =	vadd.s32 v23, v47;
	v0 =	vadd.f32 v6, v35;
	[tilespmem:v54+s5+$0x0] =	vst.idx.msk $0xffff, v2  }
0x5e1: {  	v5 =	vadd.s32 v27, v42;
	[tilespmem:v55+s5+$0x0] =	vst.idx.msk $0xffff, v4;
	v4 =	vadd.f32 v60, v35;
	v2 =	vld [tilespmem:s0+$0x1F0]  }
0x5e2: {  	v52 =	vadd.s32 v18, v52;
	v6 =	vadd.s32 v31, v39;
	v54 =	vld [tilespmem:s0+$0xFFFFFFD0];
	[tilespmem:v56+s5+$0x0] =	vst.idx.msk $0xffff, v0  }
0x5e3: {  	v58 =	vadd.s32 v19, v40;
	v60 =	vld [tilespmem:s0+$0x10];
	v0 =	vadd.f32 v57, v35;
	[tilespmem:v3+s5+$0x0] =	vst.idx.msk $0xffff, v4  }
0x5e4: {  	v4 =	vadd.s32 v22, v48;
	v56 =	vadd.s32 v8, v37;
	v3 =	vadd.f32 v53, v35;
	v53 =	vld [tilespmem:s0+$0x50]  }
0x5e5: {  	[tilespmem:v61+s5+$0x0] =	vst.idx.msk $0xffff, v0;
	v0 =	vadd.f32 v62, v35;
	v61 =	vadd.s32 v7, v44;
	v62 =	vld [tilespmem:s0+$0x90]  }
0x5e6: {  	[tilespmem:v5+s5+$0x0] =	vst.idx.msk $0xffff, v3;
	v3 =	vadd.s32 v14, v45;
	v5 =	vld [tilespmem:s0+$0xD0];
	v2 =	vadd.f32 v2, v33  }
0x5e7: {  	[tilespmem:v6+s5+$0x0] =	vst.idx.msk $0xffff, v0;
	v0 =	vadd.f32 v54, v35;
	v6 =	vadd.s32 v15, v43;
	v54 =	vld [tilespmem:s0+$0x110]  }
0x5e8: {  	v55 =	vadd.f32 v60, v35;
	v60 =	vld [tilespmem:s0+$0x150];
	[tilespmem:v52+s5+$0x0] =	vst.idx.msk $0xffff, v2;
	v2 =	vadd.s32 v23, v41  }
0x5e9: {  	[tilespmem:v4+s5+$0x0] =	vst.idx.msk $0xffff, v0;
	v0 =	vadd.f32 v53, v35;
	v4 =	vld [tilespmem:s0+$0x190];
	v53 =	vadd.s32 v12, v50  }
0x5ea: {  	v52 =	vld [tilespmem:s0+$0xFFFFFE10];
	[tilespmem:v61+s5+$0x0] =	vst.idx.msk $0xffff, v55;
	v61 =	vadd.f32 v62, v35;
	v55 =	vadd.s32 v27, v38  }
0x5eb: {  	v62 =	vld [tilespmem:s0+$0xFFFFFE60];
	[tilespmem:v3+s5+$0x0] =	vst.idx.msk $0xffff, v0;
	v0 =	vadd.f32 v5, v35;
	v3 =	vadd.s32 v31, v46  }
0x5ec: {  	v5 =	vadd.s32 v7, v37;
	[tilespmem:v6+s5+$0x0] =	vst.idx.msk $0xffff, v61;
	v6 =	vadd.f32 v54, v35  }
0x5ed: {  	v57 =	vld [tilespmem:s0+$0xFFFFFEA0];
	v37 =	vadd.s32 v9, v37;
	[tilespmem:v58+s5+$0x0] =	vst.idx.msk $0xffff, v0;
	v0 =	vadd.f32 v60, v35  }
0x5ee: {  	v54 =	vld [tilespmem:s0+$0xFFFFFEE0];
	v58 =	vadd.s32 v16, v51;
	[tilespmem:v2+s5+$0x0] =	vst.idx.msk $0xffff, v6;
	v2 =	vadd.f32 v4, v35  }
0x5ef: {  	v60 =	vld [tilespmem:s0+$0xFFFFFF20];
	v4 =	vadd.f32 v52, v35;
	v6 =	vadd.s32 v20, v49;
	[tilespmem:v55+s5+$0x0] =	vst.idx.msk $0xffff, v0  }
0x5f0: {  	v61 =	vld [tilespmem:s0+$0xFFFFFF60];
	v49 =	vadd.s32 v21, v49;
	v0 =	vadd.f32 v62, v34;
	[tilespmem:v3+s5+$0x0] =	vst.idx.msk $0xffff, v2  }
0x5f1: {  	v55 =	vadd.s32 v24, v47;
	v47 =	vadd.s32 v25, v47;
	[tilespmem:v5+s5+$0x0] =	vst.idx.msk $0xffff, v4  }
0x5f2: {  	v62 =	vld [tilespmem:s0+$0xFFFFFFA0];
	v2 =	vadd.f32 v57, v34;
	v3 =	vadd.s32 v28, v42;
	v5 =	vadd.s32 v32, v39  }
0x5f3: {  	v4 =	vld [tilespmem:s0+$0xFFFFFFE0];
	v42 =	vadd.s32 v29, v42;
	[tilespmem:v53+s5+$0x0] =	vst.idx.msk $0xffff, v0;
	v0 =	vadd.f32 v54, v34  }
0x5f4: {  	v53 =	vld [tilespmem:s0+$0x20];
	v54 =	vadd.s32 v11, v48;
	[tilespmem:v58+s5+$0x0] =	vst.idx.msk $0xffff, v2;
	v2 =	vadd.f32 v60, v34  }
0x5f5: {  	v48 =	vadd.s32 v18, v48;
	v60 =	vld [tilespmem:s0+$0x60];
	[tilespmem:v6+s5+$0x0] =	vst.idx.msk $0xffff, v0;
	v0 =	vadd.f32 v61, v34  }
0x5f6: {  	v6 =	vadd.s32 v8, v44;
	v61 =	vld [tilespmem:s0+$0xA0];
	v44 =	vadd.s32 v9, v44;
	[tilespmem:v55+s5+$0x0] =	vst.idx.msk $0xffff, v2  }
0x5f7: {  	v2 =	vadd.f32 v62, v34;
	v55 =	vadd.s32 v12, v45;
	v62 =	vld [tilespmem:s0+$0xE0];
	v45 =	vadd.s32 v13, v45  }
0x5f8: {  	[tilespmem:v3+s5+$0x0] =	vst.idx.msk $0xffff, v0;
	v0 =	vadd.f32 v4, v34;
	v3 =	vadd.s32 v16, v43;
	v4 =	vld [tilespmem:s0+$0x120]  }
0x5f9: {  	[tilespmem:v5+s5+$0x0] =	vst.idx.msk $0xffff, v2;
	v2 =	vadd.f32 v53, v34;
	v5 =	vadd.s32 v20, v40;
	v53 =	vld [tilespmem:s0+$0x160]  }
0x5fa: {  	v57 =	vld [tilespmem:s0+$0x1A0];
	[tilespmem:v54+s5+$0x0] =	vst.idx.msk $0xffff, v0;
	v0 =	vadd.f32 v60, v34;
	v54 =	vadd.s32 v24, v41  }
0x5fb: {  	v60 =	vld [tilespmem:s0+$0xFFFFFE20];
	[tilespmem:v6+s5+$0x0] =	vst.idx.msk $0xffff, v2;
	v2 =	vadd.f32 v61, v34;
	v6 =	vadd.s32 v28, v38  }
0x5fc: {  	v61 =	vld [tilespmem:s0+$0xFFFFFE70];
	[tilespmem:v55+s5+$0x0] =	vst.idx.msk $0xffff, v0;
	v0 =	vadd.f32 v62, v34;
	v55 =	vadd.s32 v32, v46  }
0x5fd: {  	v41 =	vadd.s32 v25, v41;
	v62 =	vld [tilespmem:s0+$0xFFFFFEB0];
	[tilespmem:v3+s5+$0x0] =	vst.idx.msk $0xffff, v2;
	v2 =	vadd.f32 v4, v34  }
0x5fe: {  	v3 =	vadd.s32 v13, v50;
	v4 =	vld [tilespmem:s0+$0xFFFFFEF0];
	[tilespmem:v5+s5+$0x0] =	vst.idx.msk $0xffff, v0;
	v0 =	vadd.f32 v53, v34  }
0x5ff: {  	v50 =	vadd.s32 v17, v51;
	v51 =	vld [tilespmem:s0+$0xFFFFFF30];
	[tilespmem:v54+s5+$0x0] =	vst.idx.msk $0xffff, v2;
	v2 =	vadd.f32 v57, v34  }
0x600: {  	v38 =	vadd.s32 v29, v38;
	v5 =	vmov s1;
	v58 =	vadd.f32 v60, v34;
	v60 =	vld [tilespmem:s0+$0xFFFFFF70];
	[tilespmem:v6+s5+$0x0] =	vst.idx.msk $0xffff, v0  }
0x601: {  	v46 =	vadd.s32 v10, v46;
	v5 =	vshrl.u32 v5, $0x3;
	v6 =	vadd.f32 v61, v33;
	v61 =	vld [tilespmem:s0+$0xFFFFFFB0];
	[tilespmem:v55+s5+$0x0] =	vst.idx.msk $0xffff, v2  }
0x602: {  	s31 =	sadd.s32 $0x1, s1;
	v5 =	vshll.u32 v5, v1;
	[tilespmem:v56+s5+$0x0] =	vst.idx.msk $0xffff, v58;
	v62 =	vadd.f32 v62, v33;
	v55 =	vld [tilespmem:s0+$0xFFFFFFF0]  }
0x603: {  	s19 =	sadd.s32 $0x2, s1;
	s30 =	sadd.s32 $0x3, s1;
	v0 =	vmov s31;
	[tilespmem:v3+s5+$0x0] =	vst.idx.msk $0xffff, v6;
	v3 =	vadd.f32 v4, v33;
	v4 =	vadd.s32 v10, v39;
	v6 =	vld [tilespmem:s0+$0x30]  }
0x604: {  	s31 =	sadd.s32 $0x4, s1;
	v2 =	vmov s19;
	v56 =	vmov s30;
	s19 =	sadd.s32 $0x5, s1;
	v59 =	vadd.f32 v51, v33;
	v51 =	vld [tilespmem:s0+$0x70];
	[tilespmem:v50+s5+$0x0] =	vst.idx.msk $0xffff, v62  }
0x605: {  	s30 =	sadd.s32 $0x6, s1;
	v39 =	vmov s31;
	v53 =	vmov s19;
	s31 =	sadd.s32 $0x7, s1;
	[tilespmem:v49+s5+$0x0] =	vst.idx.msk $0xffff, v3;
	v3 =	vadd.f32 v60, v33;
	v60 =	vld [tilespmem:s0+$0xB0]  }
0x606: {  	v54 =	vmov s30;
	s30 =	sadd.s32 $0x9, s1;
	v52 =	vmov s31;
	[tilespmem:v47+s5+$0x0] =	vst.idx.msk $0xffff, v59;
	v47 =	vld [tilespmem:s0+$0x1B0];
	v61 =	vadd.f32 v61, v33  }
0x607: {  	v62 =	vld [tilespmem:s0+$0xF0];
	v57 =	vmov s30;
	s31 =	sadd.s32 $0xA, s1;
	[tilespmem:v42+s5+$0x0] =	vst.idx.msk $0xffff, v3;
	v3 =	vadd.f32 v55, v33;
	v42 =	vadd.s32 v17, v43  }
0x608: {  	s19 =	sadd.s32 $0x8, s1;
	v50 =	vshrl.u32 v2, $0x3;
	v58 =	vmov s31;
	v43 =	vld [tilespmem:s0+$0x130];
	[tilespmem:v4+s5+$0x0] =	vst.idx.msk $0xffff, v61;
	v4 =	vadd.f32 v6, v33  }
0x609: {  	v55 =	vmov s19;
	s19 =	sadd.s32 $0xB, s1;
	v6 =	vadd.s32 v21, v40;
	v40 =	vld [tilespmem:s0+$0x170];
	[tilespmem:v48+s5+$0x0] =	vst.idx.msk $0xffff, v3;
	v3 =	vadd.f32 v51, v33  }
0x60a: {  	s31 =	sadd.s32 $0xD, s1;
	v49 =	vshrl.u32 v54, $0x3;
	v59 =	vmov s19;
	v48 =	vld [tilespmem:s0+$0xFFFFFE30];
	[tilespmem:v44+s5+$0x0] =	vst.idx.msk $0xffff, v4;
	v4 =	vadd.f32 v60, v33  }
0x60b: {  	v61 =	vmov s31;
	v44 =	vshrl.u32 v0, $0x3;
	v0 =	vadd.f32 v47, v33;
	[tilespmem:v45+s5+$0x0] =	vst.idx.msk $0xffff, v3  }
0x60c: {  	p0 =	slt.u32 s1, $0x70;
	s30 =	sadd.s32 $0xC, s1;
	v51 =	vshrl.u32 v39, $0x3;
	v39 =	vshrl.u32 v61, $0x3;
	v3 =	vadd.f32 v62, v33;
	[tilespmem:v42+s5+$0x0] =	vst.idx.msk $0xffff, v4  }
.Ltmp6:
0x60d: {  	s19 =	sadd.s32 $0xE, s1;
	v60 =	vmov s30;
	v47 =	vshrl.u32 v55, $0x3;
	v4 =	vadd.f32 v43, v33;
	[tilespmem:v46+s5+$0x0] =	vst.idx.msk $0xffff, v0;
	(pc) =	sbr.rel @p0 .LBB2_13-.Ltmp6, $4  }
0x60e: {  	v62 =	vmov s19;
	v45 =	vshrl.u32 v56, $0x3;
	[tilespmem:v6+s5+$0x0] =	vst.idx.msk $0xffff, v3;
	v3 =	vadd.f32 v40, v33  }
0x60f: {  	v46 =	vshrl.u32 v52, $0x3;
	v42 =	vshrl.u32 v58, $0x3;
	[tilespmem:v41+s5+$0x0] =	vst.idx.msk $0xffff, v4;
	v2 =	vadd.f32 v48, v33  }
0x610: {  	v43 =	vshrl.u32 v59, $0x3;
	v40 =	vshrl.u32 v62, $0x3;
	v48 =	vshrl.u32 v53, $0x3;
	[tilespmem:v38+s5+$0x0] =	vst.idx.msk $0xffff, v3  }
0x611: {  	s17 =	sadd.s32 $0xF, s1;
	s1 =	sadd.s32 $0x10, s1;
	v41 =	vshrl.u32 v60, $0x3;
	v38 =	vshrl.u32 v57, $0x3;
	[tilespmem:v37+s5+$0x0] =	vst.idx.msk $0xffff, v2;
	v37 =	vbroadcast v5, $0x0  }
0x612: {  	v0 =	vshll.u32 v44, v1;
	v3 =	vmov s17;
	v62 =	vld [tilespmem:$0x1FFB0]  }
0x613: {  	v2 =	vshll.u32 v50, v1;
	v4 =	vshll.u32 v45, v1;
	v11 =	vld [tilespmem:$0x1FE60];
	v3 =	vshrl.u32 v3, $0x3  }
0x614: {  	v5 =	vshll.u32 v51, v1;
	v6 =	vshll.u32 v48, v1;
	s0 =	sadd.s32 $0x400, s0;
	v15 =	vld [tilespmem:$0x1FEA0];
	v3 =	vshll.u32 v3, v1  }
0x615: {  	v45 =	vshll.u32 v46, v1;
	v46 =	vshll.u32 v47, v1;
	v47 =	vld [tilespmem:s0+$0x1C0];
	v3 =	vbroadcast v3, $0x0  }
0x616: {  	v44 =	vshll.u32 v49, v1;
	v49 =	vshll.u32 v38, v1;
	v51 =	vshll.u32 v43, v1;
	v48 =	vld [tilespmem:s0+$0xFFFFFE00]  }
0x617: {  	v43 =	vld [tilespmem:s0+$0xFFFFFE40];
	v38 =	vbroadcast v0, $0x0;
	v0 =	vshll.u32 v41, v1;
	v52 =	vadd.s32 v62, v3  }
0x618: {  	v53 =	vadd.s32 v63, v37;
	v54 =	vld [tilespmem:s0+$0xFFFFFE80];
	v41 =	vbroadcast v2, $0x0;
	v2 =	vshll.u32 v39, v1  }
0x619: {  	v39 =	vbroadcast v4, $0x0;
	v4 =	vshll.u32 v40, v1;
	v55 =	vadd.s32 v11, v38  }
0x61a: {  	v19 =	vld [tilespmem:$0x1FFC0];
	v40 =	vbroadcast v5, $0x0;
	v57 =	vadd.s32 v15, v41;
	v5 =	vadd.f32 v47, v36  }
0x61b: {  	v56 =	vld [tilespmem:s0+$0xFFFFFEC0];
	v60 =	vadd.f32 v48, v36  }
0x61c: {  	v50 =	vshll.u32 v42, v1;
	v58 =	vld [tilespmem:s0+$0xFFFFFF00];
	v42 =	vbroadcast v6, $0x0;
	v6 =	vadd.f32 v43, v36;
	[tilespmem:v52+s5+$0x0] =	vst.idx.msk $0xffff, v5  }
0x61d: {  	v14 =	vld [tilespmem:$0x1FF10];
	[tilespmem:v53+s5+$0x0] =	vst.idx.msk $0xffff, v60;
	v60 =	vadd.f32 v54, v36  }
0x61e: {  	v26 =	vld [tilespmem:$0x1FF50];
	[tilespmem:v55+s5+$0x0] =	vst.idx.msk $0xffff, v6  }
0x61f: {  	v30 =	vld [tilespmem:$0x1FFD0];
	[tilespmem:v57+s5+$0x0] =	vst.idx.msk $0xffff, v60  }
0x620: {  	v22 =	vld [tilespmem:$0x1FE10]  }
0x621: {  	v59 =	vld [tilespmem:s0+$0xFFFFFF40];
	v61 =	vadd.s32 v19, v39  }
0x622: {  	v43 =	vbroadcast v44, $0x0;
	v52 =	vld [tilespmem:s0+$0xFFFFFF80];
	v5 =	vadd.s32 v14, v40  }
0x623: {  	v54 =	vld [tilespmem:s0+$0x1D0];
	v53 =	vadd.s32 v26, v42  }
0x624: {  	v44 =	vbroadcast v45, $0x0;
	v6 =	vadd.f32 v56, v36;
	v56 =	vld [tilespmem:s0+$0xFFFFFFC0];
	v55 =	vadd.s32 v30, v43  }
0x625: {  	v47 =	vadd.f32 v58, v36;
	v45 =	vbroadcast v46, $0x0;
	v57 =	vld [tilespmem:s0+$0x0];
	v58 =	vadd.s32 v22, v3  }
0x626: {  	v46 =	vbroadcast v49, $0x0;
	v60 =	vld [tilespmem:s0+$0x40];
	[tilespmem:v61+s5+$0x0] =	vst.idx.msk $0xffff, v6;
	v6 =	vadd.f32 v59, v36;
	v59 =	vadd.s32 v62, v44  }
0x627: {  	[tilespmem:v5+s5+$0x0] =	vst.idx.msk $0xffff, v47;
	v5 =	vadd.f32 v52, v36;
	v52 =	vadd.s32 v63, v45  }
0x628: {  	v47 =	vbroadcast v50, $0x0;
	v50 =	vadd.f32 v54, v35;
	[tilespmem:v53+s5+$0x0] =	vst.idx.msk $0xffff, v6;
	v6 =	vadd.s32 v11, v46  }
0x629: {  	[tilespmem:v55+s5+$0x0] =	vst.idx.msk $0xffff, v5;
	v5 =	vadd.f32 v56, v36  }
0x62a: {  	v49 =	vbroadcast v0, $0x0;
	v0 =	vadd.f32 v57, v36;
	[tilespmem:v58+s5+$0x0] =	vst.idx.msk $0xffff, v50  }
0x62b: {  	v50 =	vbroadcast v2, $0x0;
	v2 =	vadd.f32 v60, v36;
	[tilespmem:v59+s5+$0x0] =	vst.idx.msk $0xffff, v5  }
0x62c: {  	v61 =	vld [tilespmem:s0+$0x80];
	[tilespmem:v52+s5+$0x0] =	vst.idx.msk $0xffff, v0  }
0x62d: {  	v53 =	vld [tilespmem:s0+$0xC0];
	[tilespmem:v6+s5+$0x0] =	vst.idx.msk $0xffff, v2  }
0x62e: {  	v48 =	vbroadcast v51, $0x0;
	v60 =	vld [tilespmem:$0x1FFE0]  }
0x62f: {  	v54 =	vadd.s32 v15, v47;
	v55 =	vld [tilespmem:s0+$0x100]  }
0x630: {  	v57 =	vld [tilespmem:s0+$0x140];
	v56 =	vadd.s32 v19, v48  }
0x631: {  	v5 =	vadd.s32 v14, v49;
	v58 =	vld [tilespmem:s0+$0x1E0]  }
0x632: {  	v0 =	vadd.f32 v61, v36;
	v52 =	vadd.s32 v26, v50  }
0x633: {  	v51 =	vbroadcast v4, $0x0;
	v4 =	vadd.f32 v53, v36;
	v6 =	vadd.s32 v60, v3  }
0x634: {  	v59 =	vld [tilespmem:s0+$0x180];
	[tilespmem:v54+s5+$0x0] =	vst.idx.msk $0xffff, v0;
	v61 =	vadd.f32 v55, v36  }
0x635: {  	v2 =	vld [tilespmem:s0+$0xFFFFFE50];
	[tilespmem:v56+s5+$0x0] =	vst.idx.msk $0xffff, v4;
	v56 =	vadd.f32 v57, v36  }
0x636: {  	v23 =	vld [tilespmem:$0x1FE70];
	[tilespmem:v5+s5+$0x0] =	vst.idx.msk $0xffff, v61;
	v57 =	vadd.f32 v58, v34  }
0x637: {  	v61 =	vld [tilespmem:$0x1FEB0];
	[tilespmem:v52+s5+$0x0] =	vst.idx.msk $0xffff, v56  }
0x638: {  	v58 =	vld [tilespmem:$0x1FEE0];
	[tilespmem:v6+s5+$0x0] =	vst.idx.msk $0xffff, v57  }
0x639: {  	v36 =	vadd.f32 v59, v36;
	v59 =	vld [tilespmem:$0x1FF20]  }
0x63a: {  	v0 =	vld [tilespmem:s0+$0xFFFFFE90];
	v54 =	vadd.s32 v30, v51  }
0x63b: {  	v55 =	vld [tilespmem:s0+$0xFFFFFED0];
	v4 =	vadd.s32 v23, v38  }
0x63c: {  	v53 =	vld [tilespmem:s0+$0xFFFFFF10];
	v5 =	vadd.s32 v61, v41  }
0x63d: {  	v56 =	vld [tilespmem:s0+$0xFFFFFF50];
	v52 =	vadd.s32 v58, v39  }
0x63e: {  	v2 =	vadd.f32 v2, v35;
	v57 =	vld [tilespmem:s0+$0xFFFFFF90];
	v6 =	vadd.s32 v59, v40  }
0x63f: {  	v0 =	vadd.f32 v0, v35;
	[tilespmem:v54+s5+$0x0] =	vst.idx.msk $0xffff, v36;
	v36 =	vadd.s32 v27, v42;
	v54 =	vld [tilespmem:s0+$0x1F0]  }
0x640: {  	[tilespmem:v4+s5+$0x0] =	vst.idx.msk $0xffff, v2;
	v2 =	vadd.f32 v55, v35;
	v4 =	vadd.s32 v31, v43;
	v55 =	vld [tilespmem:s0+$0xFFFFFFD0]  }
0x641: {  	v3 =	vadd.s32 v18, v3;
	[tilespmem:v5+s5+$0x0] =	vst.idx.msk $0xffff, v0;
	v0 =	vadd.f32 v53, v35;
	v5 =	vld [tilespmem:s0+$0x10]  }
0x642: {  	v53 =	vld [tilespmem:s0+$0x50];
	[tilespmem:v52+s5+$0x0] =	vst.idx.msk $0xffff, v2;
	v2 =	vadd.f32 v56, v35;
	v52 =	vadd.s32 v22, v44  }
0x643: {  	v56 =	vld [tilespmem:s0+$0x90];
	[tilespmem:v6+s5+$0x0] =	vst.idx.msk $0xffff, v0;
	v0 =	vadd.f32 v57, v35;
	v6 =	vadd.s32 v7, v45  }
0x644: {  	[tilespmem:v36+s5+$0x0] =	vst.idx.msk $0xffff, v2;
	v2 =	vadd.s32 v23, v46;
	v36 =	vld [tilespmem:s0+$0xD0];
	v54 =	vadd.f32 v54, v33  }
0x645: {  	[tilespmem:v4+s5+$0x0] =	vst.idx.msk $0xffff, v0;
	v0 =	vadd.f32 v55, v35;
	v4 =	vadd.s32 v61, v47;
	v55 =	vld [tilespmem:s0+$0x110]  }
0x646: {  	v5 =	vadd.f32 v5, v35;
	[tilespmem:v3+s5+$0x0] =	vst.idx.msk $0xffff, v54;
	v3 =	vadd.s32 v58, v48;
	v54 =	vld [tilespmem:s0+$0x150]  }
0x647: {  	[tilespmem:v52+s5+$0x0] =	vst.idx.msk $0xffff, v0;
	v0 =	vadd.f32 v53, v35;
	v52 =	vadd.s32 v59, v49;
	v53 =	vld [tilespmem:s0+$0x190]  }
0x648: {  	[tilespmem:v6+s5+$0x0] =	vst.idx.msk $0xffff, v5;
	v5 =	vld [tilespmem:s0+$0xFFFFFE10];
	v6 =	vadd.f32 v56, v35;
	v56 =	vadd.s32 v27, v50  }
0x649: {  	v57 =	vadd.s32 v31, v51;
	[tilespmem:v2+s5+$0x0] =	vst.idx.msk $0xffff, v0;
	v0 =	vld [tilespmem:s0+$0xFFFFFE60];
	v2 =	vadd.f32 v36, v35  }
0x64a: {  	[tilespmem:v4+s5+$0x0] =	vst.idx.msk $0xffff, v6;
	v4 =	vadd.s32 v7, v37;
	v6 =	vld [tilespmem:s0+$0xFFFFFEA0];
	v55 =	vadd.f32 v55, v35  }
0x64b: {  	v54 =	vadd.f32 v54, v35;
	[tilespmem:v3+s5+$0x0] =	vst.idx.msk $0xffff, v2;
	v2 =	vadd.s32 v12, v38;
	v3 =	vld [tilespmem:s0+$0xFFFFFEE0]  }
0x64c: {  	[tilespmem:v52+s5+$0x0] =	vst.idx.msk $0xffff, v55;
	v52 =	vadd.s32 v16, v41;
	v55 =	vld [tilespmem:s0+$0xFFFFFF20];
	v53 =	vadd.f32 v53, v35  }
0x64d: {  	v5 =	vadd.f32 v5, v35;
	[tilespmem:v56+s5+$0x0] =	vst.idx.msk $0xffff, v54;
	v35 =	vadd.s32 v20, v39;
	v54 =	vld [tilespmem:s0+$0xFFFFFF60]  }
0x64e: {  	v36 =	vadd.s32 v24, v40;
	v0 =	vadd.f32 v0, v34;
	[tilespmem:v57+s5+$0x0] =	vst.idx.msk $0xffff, v53;
	v57 =	vld [tilespmem:s0+$0xFFFFFFA0]  }
0x64f: {  	[tilespmem:v4+s5+$0x0] =	vst.idx.msk $0xffff, v5;
	v4 =	vadd.f32 v6, v34;
	v5 =	vadd.s32 v28, v42;
	v6 =	vld [tilespmem:s0+$0xFFFFFFE0]  }
0x650: {  	[tilespmem:v2+s5+$0x0] =	vst.idx.msk $0xffff, v0;
	v0 =	vadd.f32 v3, v34;
	v2 =	vadd.s32 v32, v43;
	v3 =	vld [tilespmem:s0+$0x20]  }
0x651: {  	[tilespmem:v52+s5+$0x0] =	vst.idx.msk $0xffff, v4;
	v4 =	vadd.f32 v55, v34;
	v52 =	vadd.s32 v60, v44;
	v55 =	vld [tilespmem:s0+$0x60]  }
0x652: {  	[tilespmem:v35+s5+$0x0] =	vst.idx.msk $0xffff, v0;
	v0 =	vadd.f32 v54, v34;
	v35 =	vadd.s32 v8, v45;
	v54 =	vld [tilespmem:s0+$0xA0]  }
0x653: {  	[tilespmem:v36+s5+$0x0] =	vst.idx.msk $0xffff, v4;
	v4 =	vadd.f32 v57, v34;
	v36 =	vadd.s32 v12, v46;
	v57 =	vld [tilespmem:s0+$0xE0]  }
0x654: {  	[tilespmem:v5+s5+$0x0] =	vst.idx.msk $0xffff, v0;
	v0 =	vadd.f32 v6, v34;
	v5 =	vadd.s32 v16, v47;
	v6 =	vld [tilespmem:s0+$0x120]  }
0x655: {  	[tilespmem:v2+s5+$0x0] =	vst.idx.msk $0xffff, v4;
	v2 =	vadd.f32 v3, v34;
	v3 =	vadd.s32 v20, v48;
	v4 =	vld [tilespmem:s0+$0x160]  }
0x656: {  	[tilespmem:v52+s5+$0x0] =	vst.idx.msk $0xffff, v0;
	v0 =	vadd.f32 v55, v34;
	v52 =	vadd.s32 v24, v49;
	v55 =	vld [tilespmem:s0+$0x1A0]  }
0x657: {  	[tilespmem:v35+s5+$0x0] =	vst.idx.msk $0xffff, v2;
	v2 =	vld [tilespmem:s0+$0xFFFFFE20];
	v35 =	vadd.f32 v54, v34;
	v54 =	vadd.s32 v28, v50  }
0x658: {  	v53 =	vadd.s32 v32, v51;
	[tilespmem:v36+s5+$0x0] =	vst.idx.msk $0xffff, v0;
	v0 =	vld [tilespmem:s0+$0xFFFFFE70];
	v57 =	vadd.f32 v57, v34  }
0x659: {  	v56 =	vld [tilespmem:s0+$0xFFFFFEB0];
	[tilespmem:v5+s5+$0x0] =	vst.idx.msk $0xffff, v35;
	v5 =	vadd.s32 v8, v37;
	v6 =	vadd.f32 v6, v34  }
0x65a: {  	v36 =	vld [tilespmem:s0+$0xFFFFFEF0];
	[tilespmem:v3+s5+$0x0] =	vst.idx.msk $0xffff, v57;
	v3 =	vadd.s32 v13, v38;
	v4 =	vadd.f32 v4, v34  }
0x65b: {  	v38 =	vld [tilespmem:s0+$0xFFFFFF30];
	[tilespmem:v52+s5+$0x0] =	vst.idx.msk $0xffff, v6;
	v6 =	vadd.s32 v17, v41;
	v57 =	vadd.f32 v55, v34  }
0x65c: {  	v52 =	vld [tilespmem:s0+$0xFFFFFF70];
	[tilespmem:v54+s5+$0x0] =	vst.idx.msk $0xffff, v4;
	v2 =	vadd.f32 v2, v34;
	v4 =	vadd.s32 v21, v39  }
0x65d: {  	v55 =	vld [tilespmem:s0+$0xFFFFFFB0];
	v54 =	vadd.s32 v25, v40;
	[tilespmem:v53+s5+$0x0] =	vst.idx.msk $0xffff, v57;
	v0 =	vadd.f32 v0, v33  }
0x65e: {  	[tilespmem:v5+s5+$0x0] =	vst.idx.msk $0xffff, v2;
	v2 =	vadd.f32 v56, v33;
	v5 =	vadd.s32 v29, v42;
	v56 =	vld [tilespmem:s0+$0xFFFFFFF0]  }
0x65f: {  	v57 =	vld [tilespmem:s0+$0x30];
	[tilespmem:v3+s5+$0x0] =	vst.idx.msk $0xffff, v0;
	v0 =	vadd.f32 v36, v33;
	v3 =	vadd.s32 v10, v43  }
0x660: {  	[tilespmem:v6+s5+$0x0] =	vst.idx.msk $0xffff, v2;
	v2 =	vadd.f32 v38, v33;
	v6 =	vadd.s32 v18, v44;
	v44 =	vld [tilespmem:s0+$0x70]  }
0x661: {  	[tilespmem:v4+s5+$0x0] =	vst.idx.msk $0xffff, v0;
	v0 =	vadd.f32 v52, v33;
	v4 =	vadd.s32 v9, v45;
	v45 =	vld [tilespmem:s0+$0xB0]  }
0x662: {  	v46 =	vadd.s32 v13, v46;
	v52 =	vld [tilespmem:s0+$0xF0];
	[tilespmem:v54+s5+$0x0] =	vst.idx.msk $0xffff, v2;
	v2 =	vadd.f32 v55, v33  }
0x663: {  	v53 =	vld [tilespmem:s0+$0x130];
	[tilespmem:v5+s5+$0x0] =	vst.idx.msk $0xffff, v0;
	v0 =	vadd.f32 v56, v33;
	v5 =	vadd.s32 v17, v47  }
0x664: {  	v54 =	vld [tilespmem:s0+$0x170];
	[tilespmem:v3+s5+$0x0] =	vst.idx.msk $0xffff, v2;
	v2 =	vadd.f32 v57, v33;
	v3 =	vadd.s32 v21, v48  }
0x665: {  	v55 =	vld [tilespmem:s0+$0x1B0];
	[tilespmem:v6+s5+$0x0] =	vst.idx.msk $0xffff, v0;
	v0 =	vadd.f32 v44, v33;
	v6 =	vadd.s32 v25, v49  }
0x666: {  	v56 =	vadd.s32 v29, v50;
	[tilespmem:v4+s5+$0x0] =	vst.idx.msk $0xffff, v2;
	v2 =	vld [tilespmem:s0+$0xFFFFFE30];
	v4 =	vadd.f32 v45, v33  }
0x667: {  	v57 =	vadd.s32 v10, v51;
	[tilespmem:v46+s5+$0x0] =	vst.idx.msk $0xffff, v0;
	v0 =	vadd.f32 v52, v33  }
0x668: {  	[tilespmem:v5+s5+$0x0] =	vst.idx.msk $0xffff, v4;
	v4 =	vadd.s32 v9, v37;
	v5 =	vadd.f32 v53, v33  }
0x669: {  	[tilespmem:v3+s5+$0x0] =	vst.idx.msk $0xffff, v0;
	v0 =	vadd.f32 v54, v33  }
0x66a: {  	s30 =	sshll.u32 s29, $0x12;
	v3 =	vadd.f32 v55, v33;
	[tilespmem:v6+s5+$0x0] =	vst.idx.msk $0xffff, v5  }
0x66b: {  	s0 =	sor.u32 s7, s30;
	[tilespmem:v56+s5+$0x0] =	vst.idx.msk $0xffff, v0;
	v0 =	vadd.f32 v2, v33  }
0x66c: {  	s0 =	sshrl.u32 s0, $0x3;
	[tilespmem:v57+s5+$0x0] =	vst.idx.msk $0xffff, v3  }
0x66d: {  	s1 =	sadd.s32 s2, s0;
	[tilespmem:v4+s5+$0x0] =	vst.idx.msk $0xffff, v0  }
0x66e: {  	[hbm4b:s1+s3] =	stream.linear.scatter [tilespmem:s5], [sflag:$0x6], $0x80, $0x38;
	[tilespmem:$0x15A00] =	vst v63  }
0x66f: {  	s19 =	simm.s32 $0x13888;
	s31 =	sadd.s32 $0x10, s1  }
0x670: {  	[hbm4b:s31+s3] =	stream.linear.scatter [tilespmem:s19], [sflag:$0x6], $0x80, $0x38;
	[tilespmem:$0x15A00] =	vst v63  }
0x671: {  	s29 =	simm.s32 $0x13910;
	s19 =	sadd.s32 $0x20, s1  }
0x672: {  	[hbm4b:s19+s3] =	stream.linear.scatter [tilespmem:s29], [sflag:$0x6], $0x80, $0x38;
	[tilespmem:$0x15A00] =	vst v63  }
0x673: {  	s30 =	sadd.s32 $0x30, s1;
	s31 =	simm.s32 $0x13998  }
0x674: {  	[hbm4b:s30+s3] =	stream.linear.scatter [tilespmem:s31], [sflag:$0x6], $0x80, $0x38;
	[tilespmem:$0x15A00] =	vst v63  }
0x675: {  	s19 =	sadd.s32 $0x40, s1;
	s29 =	simm.s32 $0x13A20  }
0x676: {  	[hbm4b:s19+s3] =	stream.linear.scatter [tilespmem:s29], [sflag:$0x6], $0x80, $0x38;
	[tilespmem:$0x15A00] =	vst v63  }
0x677: {  	s30 =	sadd.s32 $0x50, s1;
	s31 =	simm.s32 $0x13AA8  }
0x678: {  	[hbm4b:s30+s3] =	stream.linear.scatter [tilespmem:s31], [sflag:$0x6], $0x80, $0x38;
	[tilespmem:$0x15A00] =	vst v63  }
0x679: {  	s19 =	sadd.s32 $0x60, s1;
	s29 =	simm.s32 $0x13B30  }
0x67a: {  	[hbm4b:s19+s3] =	stream.linear.scatter [tilespmem:s29], [sflag:$0x6], $0x80, $0x38;
	[tilespmem:$0x15A00] =	vst v63  }
0x67b: {  	s1 =	sadd.s32 $0x70, s1;
	s30 =	simm.s32 $0x13BB8  }
0x67c: {  	[hbm4b:s1+s3] =	stream.linear.scatter [tilespmem:s30], [sflag:$0x6], $0x80, $0x38;
	[tilespmem:$0x15A00] =	vst v63  }
0x67d: {  	s31 =	simm.s32 $0x13C40;
	s1 =	sadd.s32 s0, s8  }
0x67e: {  	[hbm4b:s1+s3] =	stream.linear.scatter [tilespmem:s31], [sflag:$0x6], $0x80, $0x38;
	[tilespmem:$0x15A00] =	vst v63  }
0x67f: {  	s29 =	simm.s32 $0x13CC8;
	s19 =	sadd.s32 $0x10, s1  }
0x680: {  	[hbm4b:s19+s3] =	stream.linear.scatter [tilespmem:s29], [sflag:$0x6], $0x80, $0x38;
	[tilespmem:$0x15A00] =	vst v63  }
0x681: {  	s30 =	sadd.s32 $0x20, s1;
	s31 =	simm.s32 $0x13D50  }
0x682: {  	[hbm4b:s30+s3] =	stream.linear.scatter [tilespmem:s31], [sflag:$0x6], $0x80, $0x38;
	[tilespmem:$0x15A00] =	vst v63  }
0x683: {  	s19 =	sadd.s32 $0x30, s1;
	s29 =	simm.s32 $0x13DD8  }
0x684: {  	[hbm4b:s19+s3] =	stream.linear.scatter [tilespmem:s29], [sflag:$0x6], $0x80, $0x38;
	[tilespmem:$0x15A00] =	vst v63  }
0x685: {  	s30 =	sadd.s32 $0x40, s1;
	s31 =	simm.s32 $0x13E60  }
0x686: {  	[hbm4b:s30+s3] =	stream.linear.scatter [tilespmem:s31], [sflag:$0x6], $0x80, $0x38;
	[tilespmem:$0x15A00] =	vst v63  }
0x687: {  	s19 =	sadd.s32 $0x50, s1;
	s29 =	simm.s32 $0x13EE8  }
0x688: {  	[hbm4b:s19+s3] =	stream.linear.scatter [tilespmem:s29], [sflag:$0x6], $0x80, $0x38;
	[tilespmem:$0x15A00] =	vst v63  }
0x689: {  	s30 =	sadd.s32 $0x60, s1;
	s31 =	simm.s32 $0x13F70  }
0x68a: {  	[hbm4b:s30+s3] =	stream.linear.scatter [tilespmem:s31], [sflag:$0x6], $0x80, $0x38;
	[tilespmem:$0x15A00] =	vst v63  }
0x68b: {  	s1 =	sadd.s32 $0x70, s1;
	s19 =	simm.s32 $0x13FF8  }
0x68c: {  	[hbm4b:s1+s3] =	stream.linear.scatter [tilespmem:s19], [sflag:$0x6], $0x80, $0x38;
	[tilespmem:$0x15A00] =	vst v63  }
0x68d: {  	s29 =	simm.s32 $0x14080;
	s1 =	sadd.s32 s0, s9  }
0x68e: {  	[hbm4b:s1+s3] =	stream.linear.scatter [tilespmem:s29], [sflag:$0x6], $0x80, $0x38;
	[tilespmem:$0x15A00] =	vst v63  }
0x68f: {  	s31 =	simm.s32 $0x14108;
	s30 =	sadd.s32 $0x10, s1  }
0x690: {  	[hbm4b:s30+s3] =	stream.linear.scatter [tilespmem:s31], [sflag:$0x6], $0x80, $0x38;
	[tilespmem:$0x15A00] =	vst v63  }
0x691: {  	s19 =	sadd.s32 $0x20, s1;
	s29 =	simm.s32 $0x14190  }
0x692: {  	[hbm4b:s19+s3] =	stream.linear.scatter [tilespmem:s29], [sflag:$0x6], $0x80, $0x38;
	[tilespmem:$0x15A00] =	vst v63  }
0x693: {  	s30 =	sadd.s32 $0x30, s1;
	s31 =	simm.s32 $0x14218  }
0x694: {  	[hbm4b:s30+s3] =	stream.linear.scatter [tilespmem:s31], [sflag:$0x6], $0x80, $0x38;
	[tilespmem:$0x15A00] =	vst v63  }
0x695: {  	s19 =	sadd.s32 $0x40, s1;
	s29 =	simm.s32 $0x142A0  }
0x696: {  	[hbm4b:s19+s3] =	stream.linear.scatter [tilespmem:s29], [sflag:$0x6], $0x80, $0x38;
	[tilespmem:$0x15A00] =	vst v63  }
0x697: {  	s30 =	sadd.s32 $0x50, s1;
	s31 =	simm.s32 $0x14328  }
0x698: {  	[hbm4b:s30+s3] =	stream.linear.scatter [tilespmem:s31], [sflag:$0x6], $0x80, $0x38;
	[tilespmem:$0x15A00] =	vst v63  }
0x699: {  	s19 =	sadd.s32 $0x60, s1;
	s29 =	simm.s32 $0x143B0  }
0x69a: {  	[hbm4b:s19+s3] =	stream.linear.scatter [tilespmem:s29], [sflag:$0x6], $0x80, $0x38;
	[tilespmem:$0x15A00] =	vst v63  }
0x69b: {  	s1 =	sadd.s32 $0x70, s1;
	s30 =	simm.s32 $0x14438  }
0x69c: {  	[hbm4b:s1+s3] =	stream.linear.scatter [tilespmem:s30], [sflag:$0x6], $0x80, $0x38;
	[tilespmem:$0x15A00] =	vst v63  }
0x69d: {  	s31 =	simm.s32 $0x144C0;
	s1 =	sadd.s32 s0, s10  }
0x69e: {  	[hbm4b:s1+s3] =	stream.linear.scatter [tilespmem:s31], [sflag:$0x6], $0x80, $0x38;
	[tilespmem:$0x15A00] =	vst v63  }
0x69f: {  	s29 =	simm.s32 $0x14548;
	s19 =	sadd.s32 $0x10, s1  }
0x6a0: {  	[hbm4b:s19+s3] =	stream.linear.scatter [tilespmem:s29], [sflag:$0x6], $0x80, $0x38;
	[tilespmem:$0x15A00] =	vst v63  }
0x6a1: {  	s30 =	sadd.s32 $0x20, s1;
	s31 =	simm.s32 $0x145D0  }
0x6a2: {  	[hbm4b:s30+s3] =	stream.linear.scatter [tilespmem:s31], [sflag:$0x6], $0x80, $0x38;
	[tilespmem:$0x15A00] =	vst v63  }
0x6a3: {  	s19 =	sadd.s32 $0x30, s1;
	s29 =	simm.s32 $0x14658  }
0x6a4: {  	[hbm4b:s19+s3] =	stream.linear.scatter [tilespmem:s29], [sflag:$0x6], $0x80, $0x38;
	[tilespmem:$0x15A00] =	vst v63  }
0x6a5: {  	s30 =	sadd.s32 $0x40, s1;
	s31 =	simm.s32 $0x146E0  }
0x6a6: {  	[hbm4b:s30+s3] =	stream.linear.scatter [tilespmem:s31], [sflag:$0x6], $0x80, $0x38;
	[tilespmem:$0x15A00] =	vst v63  }
0x6a7: {  	s19 =	sadd.s32 $0x50, s1;
	s29 =	simm.s32 $0x14768  }
0x6a8: {  	[hbm4b:s19+s3] =	stream.linear.scatter [tilespmem:s29], [sflag:$0x6], $0x80, $0x38;
	[tilespmem:$0x15A00] =	vst v63  }
0x6a9: {  	s30 =	sadd.s32 $0x60, s1;
	s31 =	simm.s32 $0x147F0  }
0x6aa: {  	[hbm4b:s30+s3] =	stream.linear.scatter [tilespmem:s31], [sflag:$0x6], $0x80, $0x38;
	[tilespmem:$0x15A00] =	vst v63  }
0x6ab: {  	s1 =	sadd.s32 $0x70, s1;
	s19 =	simm.s32 $0x14878  }
0x6ac: {  	[hbm4b:s1+s3] =	stream.linear.scatter [tilespmem:s19], [sflag:$0x6], $0x80, $0x38;
	[tilespmem:$0x15A00] =	vst v63  }
0x6ad: {  	s29 =	simm.s32 $0x14900;
	s1 =	sadd.s32 s0, s11  }
0x6ae: {  	[hbm4b:s1+s3] =	stream.linear.scatter [tilespmem:s29], [sflag:$0x6], $0x80, $0x38;
	[tilespmem:$0x15A00] =	vst v63  }
0x6af: {  	s31 =	simm.s32 $0x14988;
	s30 =	sadd.s32 $0x10, s1  }
0x6b0: {  	[hbm4b:s30+s3] =	stream.linear.scatter [tilespmem:s31], [sflag:$0x6], $0x80, $0x38;
	[tilespmem:$0x15A00] =	vst v63  }
0x6b1: {  	s19 =	sadd.s32 $0x20, s1;
	s29 =	simm.s32 $0x14A10  }
0x6b2: {  	[hbm4b:s19+s3] =	stream.linear.scatter [tilespmem:s29], [sflag:$0x6], $0x80, $0x38;
	[tilespmem:$0x15A00] =	vst v63  }
0x6b3: {  	s30 =	sadd.s32 $0x30, s1;
	s31 =	simm.s32 $0x14A98  }
0x6b4: {  	[hbm4b:s30+s3] =	stream.linear.scatter [tilespmem:s31], [sflag:$0x6], $0x80, $0x38;
	[tilespmem:$0x15A00] =	vst v63  }
0x6b5: {  	s19 =	sadd.s32 $0x40, s1;
	s29 =	simm.s32 $0x14B20  }
0x6b6: {  	[hbm4b:s19+s3] =	stream.linear.scatter [tilespmem:s29], [sflag:$0x6], $0x80, $0x38;
	[tilespmem:$0x15A00] =	vst v63  }
0x6b7: {  	s30 =	sadd.s32 $0x50, s1;
	s31 =	simm.s32 $0x14BA8  }
0x6b8: {  	[hbm4b:s30+s3] =	stream.linear.scatter [tilespmem:s31], [sflag:$0x6], $0x80, $0x38;
	[tilespmem:$0x15A00] =	vst v63  }
0x6b9: {  	s19 =	sadd.s32 $0x60, s1;
	s29 =	simm.s32 $0x14C30  }
0x6ba: {  	[hbm4b:s19+s3] =	stream.linear.scatter [tilespmem:s29], [sflag:$0x6], $0x80, $0x38;
	[tilespmem:$0x15A00] =	vst v63  }
0x6bb: {  	s1 =	sadd.s32 $0x70, s1;
	s30 =	simm.s32 $0x14CB8  }
0x6bc: {  	[hbm4b:s1+s3] =	stream.linear.scatter [tilespmem:s30], [sflag:$0x6], $0x80, $0x38;
	[tilespmem:$0x15A00] =	vst v63  }
0x6bd: {  	s31 =	simm.s32 $0x14D40;
	s1 =	sadd.s32 s0, s12  }
0x6be: {  	[hbm4b:s1+s3] =	stream.linear.scatter [tilespmem:s31], [sflag:$0x6], $0x80, $0x38;
	[tilespmem:$0x15A00] =	vst v63  }
0x6bf: {  	s29 =	simm.s32 $0x14DC8;
	s19 =	sadd.s32 $0x10, s1  }
0x6c0: {  	[hbm4b:s19+s3] =	stream.linear.scatter [tilespmem:s29], [sflag:$0x6], $0x80, $0x38;
	[tilespmem:$0x15A00] =	vst v63  }
0x6c1: {  	s30 =	sadd.s32 $0x20, s1;
	s31 =	simm.s32 $0x14E50  }
0x6c2: {  	[hbm4b:s30+s3] =	stream.linear.scatter [tilespmem:s31], [sflag:$0x6], $0x80, $0x38;
	[tilespmem:$0x15A00] =	vst v63  }
0x6c3: {  	s19 =	sadd.s32 $0x30, s1;
	s29 =	simm.s32 $0x14ED8  }
0x6c4: {  	[hbm4b:s19+s3] =	stream.linear.scatter [tilespmem:s29], [sflag:$0x6], $0x80, $0x38;
	[tilespmem:$0x15A00] =	vst v63  }
0x6c5: {  	s30 =	sadd.s32 $0x40, s1;
	s31 =	simm.s32 $0x14F60  }
0x6c6: {  	[hbm4b:s30+s3] =	stream.linear.scatter [tilespmem:s31], [sflag:$0x6], $0x80, $0x38;
	[tilespmem:$0x15A00] =	vst v63  }
0x6c7: {  	s19 =	sadd.s32 $0x50, s1;
	s29 =	simm.s32 $0x14FE8  }
0x6c8: {  	[hbm4b:s19+s3] =	stream.linear.scatter [tilespmem:s29], [sflag:$0x6], $0x80, $0x38;
	[tilespmem:$0x15A00] =	vst v63  }
0x6c9: {  	s30 =	sadd.s32 $0x60, s1;
	s31 =	simm.s32 $0x15070  }
0x6ca: {  	[hbm4b:s30+s3] =	stream.linear.scatter [tilespmem:s31], [sflag:$0x6], $0x80, $0x38;
	[tilespmem:$0x15A00] =	vst v63  }
0x6cb: {  	s1 =	sadd.s32 $0x70, s1;
	s19 =	simm.s32 $0x150F8  }
0x6cc: {  	[hbm4b:s1+s3] =	stream.linear.scatter [tilespmem:s19], [sflag:$0x6], $0x80, $0x38;
	[tilespmem:$0x15A00] =	vst v63  }
0x6cd: {  	s29 =	simm.s32 $0x15180;
	s1 =	sadd.s32 s0, s13  }
0x6ce: {  	[hbm4b:s1+s3] =	stream.linear.scatter [tilespmem:s29], [sflag:$0x6], $0x80, $0x38;
	[tilespmem:$0x15A00] =	vst v63  }
0x6cf: {  	s31 =	simm.s32 $0x15208;
	s30 =	sadd.s32 $0x10, s1  }
0x6d0: {  	[hbm4b:s30+s3] =	stream.linear.scatter [tilespmem:s31], [sflag:$0x6], $0x80, $0x38;
	[tilespmem:$0x15A00] =	vst v63  }
0x6d1: {  	s19 =	sadd.s32 $0x20, s1;
	s29 =	simm.s32 $0x15290  }
0x6d2: {  	[hbm4b:s19+s3] =	stream.linear.scatter [tilespmem:s29], [sflag:$0x6], $0x80, $0x38;
	[tilespmem:$0x15A00] =	vst v63  }
0x6d3: {  	s30 =	sadd.s32 $0x30, s1;
	s31 =	simm.s32 $0x15318  }
0x6d4: {  	[hbm4b:s30+s3] =	stream.linear.scatter [tilespmem:s31], [sflag:$0x6], $0x80, $0x38;
	[tilespmem:$0x15A00] =	vst v63  }
0x6d5: {  	s19 =	sadd.s32 $0x40, s1;
	s29 =	simm.s32 $0x153A0  }
0x6d6: {  	[hbm4b:s19+s3] =	stream.linear.scatter [tilespmem:s29], [sflag:$0x6], $0x80, $0x38;
	[tilespmem:$0x15A00] =	vst v63  }
0x6d7: {  	s30 =	sadd.s32 $0x50, s1;
	s31 =	simm.s32 $0x15428  }
0x6d8: {  	[hbm4b:s30+s3] =	stream.linear.scatter [tilespmem:s31], [sflag:$0x6], $0x80, $0x38;
	[tilespmem:$0x15A00] =	vst v63  }
0x6d9: {  	s29 =	sadd.s32 $0x60, s1;
	s30 =	simm.s32 $0x154B0  }
0x6da: {  	[hbm4b:s29+s3] =	stream.linear.scatter [tilespmem:s30], [sflag:$0x6], $0x80, $0x38;
	[tilespmem:$0x15A00] =	vst v63  }
0x6db: {  	s1 =	sadd.s32 $0x70, s1;
	s31 =	simm.s32 $0x15538  }
0x6dc: {  	[hbm4b:s1+s3] =	stream.linear.scatter [tilespmem:s31], [sflag:$0x6], $0x80, $0x38;
	[tilespmem:$0x15A00] =	vst v63  }
0x6dd: {  	s17 =	simm.s32 $0x155C0;
	s0 =	sadd.s32 s0, s14  }
0x6de: {  	[hbm4b:s0+s3] =	stream.linear.scatter [tilespmem:s17], [sflag:$0x6], $0x80, $0x38;
	[tilespmem:$0x15A00] =	vst v63  }
0x6df: {  	s19 =	sadd.s32 $0x10, s0;
	s29 =	simm.s32 $0x15648  }
0x6e0: {  	[hbm4b:s19+s3] =	stream.linear.scatter [tilespmem:s29], [sflag:$0x6], $0x80, $0x38;
	[tilespmem:$0x15A00] =	vst v63  }
0x6e1: {  	s30 =	sadd.s32 $0x20, s0;
	s31 =	simm.s32 $0x156D0  }
0x6e2: {  	[hbm4b:s30+s3] =	stream.linear.scatter [tilespmem:s31], [sflag:$0x6], $0x80, $0x38;
	[tilespmem:$0x15A00] =	vst v63  }
0x6e3: {  	s17 =	sadd.s32 $0x30, s0;
	s19 =	simm.s32 $0x15758  }
0x6e4: {  	[hbm4b:s17+s3] =	stream.linear.scatter [tilespmem:s19], [sflag:$0x6], $0x80, $0x38;
	[tilespmem:$0x15A00] =	vst v63  }
0x6e5: {  	s28 =	sadd.s32 $0x1, s28;
	s29 =	sadd.s32 $0x40, s0  }
0x6e6: {  	[hbm4b:s29+s3] =	stream.linear.scatter [tilespmem:s21], [sflag:$0x6], $0x80, $0x38;
	[tilespmem:$0x15A00] =	vst v63  }
0x6e7: {  	p0 =	sne.s32 s28, $0x32;
	s30 =	sadd.s32 $0x50, s0  }
0x6e8: {  	[hbm4b:s30+s3] =	stream.linear.scatter [tilespmem:s6], [sflag:$0x6], $0x80, $0x38;
	[tilespmem:$0x15A00] =	vst v63  }
.Ltmp7:
0x6e9: {  	_ = 	snop;
	(pc) =	sbr.rel @p0 .LBB2_2-.Ltmp7, $4  }
0x6ea: {  	s31 =	sadd.s32 $0x60, s0  }
0x6eb: {  	v22 =	vmovc v14;
	v7 =	vmovc v25;
	v12 =	vmov v13;
	v13 =	vmov v15;
	v15 =	vmov v19;
	[hbm4b:s31+s3] =	stream.linear.scatter [tilespmem:s15], [sflag:$0x6], $0x80, $0x38;
	[tilespmem:$0x15A00] =	vst v63  }
0x6ec: {  	v25 =	vmovc v26;
	v6 =	vmovc v10;
	v2 =	vmov v62;
	v5 =	vmov v61;
	v4 =	vmov v11;
	s0 =	sadd.s32 $0x70, s0  }
0x6ed: {  	v11 =	vmovc v23;
	v23 =	vmovc v58;
	v3 =	vmov v60;
	v0 =	vmov v29;
	v29 =	vmov v18;
	[hbm4b:s0+s3] =	stream.linear.scatter [tilespmem:s18], [sflag:$0x6], $0x80, $0x38;
	[tilespmem:$0x15A00] =	vst v63  }
0x6ee: {  	_ =	swait.ge [sflag:s24], $0x400  }
0x6ef: {  	[sflag:s24] =	ssyncset.done $0x0  }
0x6f0: {  	[sflag:s24] =	ssyncadd.s32 $0xFFFFFC00  }
0x6f1: {  	_ =	swait.ge [sflag:s24], $0x400  }
0x6f2: {  	[sflag:s24] =	ssyncset.done $0x0  }
0x6f3: {  	[sflag:s24] =	ssyncadd.s32 $0xFFFFFC00  }
0x6f4: {  	_ =	swait.ge [sflag:s24], $0x400  }
0x6f5: {  	[sflag:s24] =	ssyncset.done $0x0  }
0x6f6: {  	[sflag:s24] =	ssyncadd.s32 $0xFFFFFC00  }
0x6f7: {  	_ =	swait.ge [sflag:s24], $0x400  }
0x6f8: {  	[sflag:s24] =	ssyncset.done $0x0  }
0x6f9: {  	[sflag:s24] =	ssyncadd.s32 $0xFFFFFC00  }
0x6fa: {  	_ =	swait.ge [sflag:s24], $0x400  }
0x6fb: {  	[sflag:s24] =	ssyncset.done $0x0  }
0x6fc: {  	[sflag:s24] =	ssyncadd.s32 $0xFFFFFC00  }
0x6fd: {  	_ =	swait.ge [sflag:s24], $0x400  }
0x6fe: {  	[sflag:s24] =	ssyncset.done $0x0  }
0x6ff: {  	[sflag:s24] =	ssyncadd.s32 $0xFFFFFC00  }
0x700: {  	_ =	swait.ge [sflag:s24], $0x400  }
0x701: {  	[sflag:s24] =	ssyncset.done $0x0  }
0x702: {  	[sflag:s24] =	ssyncadd.s32 $0xFFFFFC00  }
0x703: {  	_ =	swait.ge [sflag:s24], $0x400  }
0x704: {  	[sflag:s24] =	ssyncset.done $0x0  }
0x705: {  	[sflag:s24] =	ssyncadd.s32 $0xFFFFFC00  }
0x706: {  	_ =	swait.ge [sflag:s23], $0x400  }
0x707: {  	[sflag:s23] =	ssyncset.done $0x0  }
0x708: {  	[sflag:s23] =	ssyncadd.s32 $0xFFFFFC00  }
0x709: {  	_ =	swait.ge [sflag:s23], $0x400  }
0x70a: {  	[sflag:s23] =	ssyncset.done $0x0  }
0x70b: {  	[sflag:s23] =	ssyncadd.s32 $0xFFFFFC00  }
0x70c: {  	_ =	swait.ge [sflag:s23], $0x400  }
0x70d: {  	[sflag:s23] =	ssyncset.done $0x0  }
0x70e: {  	[sflag:s23] =	ssyncadd.s32 $0xFFFFFC00  }
0x70f: {  	_ =	swait.ge [sflag:s23], $0x400  }
0x710: {  	[sflag:s23] =	ssyncset.done $0x0  }
0x711: {  	[sflag:s23] =	ssyncadd.s32 $0xFFFFFC00  }
0x712: {  	_ =	swait.ge [sflag:s23], $0x400  }
0x713: {  	[sflag:s23] =	ssyncset.done $0x0  }
0x714: {  	[sflag:s23] =	ssyncadd.s32 $0xFFFFFC00  }
0x715: {  	_ =	swait.ge [sflag:s23], $0x400  }
0x716: {  	[sflag:s23] =	ssyncset.done $0x0  }
0x717: {  	[sflag:s23] =	ssyncadd.s32 $0xFFFFFC00  }
0x718: {  	_ =	swait.ge [sflag:s23], $0x400  }
0x719: {  	[sflag:s23] =	ssyncset.done $0x0  }
0x71a: {  	[sflag:s23] =	ssyncadd.s32 $0xFFFFFC00  }
0x71b: {  	_ =	swait.ge [sflag:s23], $0x400  }
0x71c: {  	s1 =	rddreg [dreg:$0x6]  }
0x71d: {  	s0 =	rddreg [dreg:$0x5];
	s1 =	sadd.s32 $0x1, s1  }
0x71e: {  	p0 =	sne.s32 s1, s0  }
.Ltmp8:
0x71f: {  	_ = 	snop;
	(pc) =	sbr.rel @p0 .LBB2_1-.Ltmp8, $3  }
0x720: {  	_ =	sdelay $0x1  }
0x721: {  	[sflag:s23] =	ssyncset.done $0x0  }
0x722: {  	[sflag:s23] =	ssyncadd.s32 $0xFFFFFC00  }
0x723: {  	_ =	sfence.sel $0x180000  }
0x724: {  	[bflag:$0x0] =	sbarrier.arrive $0xFFFF  }
0x725: {  	_ =	strace $0x90000047  }
0x726: {  	s0 =	stileid.u32;
	[bflag:$0x2] =	sbarrier.arrive $0xFFFF  }
0x727: {  	p0 =	sne.s32 s0, $0x0;
	s0 =	rddreg [dreg:$0x2]  }
0x728: {  	s0 =	sadd.s32 @!p0 $0x100000, s0  }
0x729: {  	[sflag:s0] =	ssyncadd.tile.s32 @!p0 $0x1;
	_ =	shalt  }
.Lfunc_end2:
_tile_overlayer_lowered:
.L_overlay_start_2:
0x72a: {  	(tag) =	ssettag $0x2  }
0x72b: {  	s0 =	rddreg [dreg:$0x0];
	s2 =	stileid.u32  }
0x72c: {  	s1 =	rddreg [dreg:$0x1];
	p0 =	sne.s32 s2, $0x0  }
0x72d: {  	s3 =	rddreg [dreg:$0x2];
	[bflag:$0x3] =	sbarrier.arrive $0xFFFF;
	s2 =	simm.s32 @!p0 $0x1C07  }
0x72e: {  	[timem:s3], [sflag:s2] =	dma.local @!p0 [hbm:s0], s1  }
0x72f: {  	s0 =	simm.s32 @!p0 $0x7  }
0x730: {  	_ =	swait.ge @!p0 [sflag:s0], s1  }
0x731: {  	s1 =	ssub.s32 @!p0 $0x0, s1;
	[sflag:s0] =	ssyncset.done @!p0 $0x0  }
0x732: {  	[sflag:s0] =	ssyncadd.s32 @!p0 s1  }
0x733: {  	[bflag:$0x3] =	sbarrier.arrive $0xFFFF  }
0x734: {  	_ =	shalt  }

</sc_bundles>
